<compile_context>
chip_gen: v7x
topology: tpu7x:2x2x1
jax: 0.10.2.dev20260603
libtpu: 0.0.44.dev20260713+nightly
codegen_flags: <defaults>
</compile_context>

<pallas_src>
import functools

import jax
import jax.numpy as jnp
from jax import lax
from jax.experimental import pallas as pl
from jax.experimental.pallas import tpu as pltpu
from jax.experimental.pallas import tpu_sc as plsc

VOCAB = 100000
EMB = 32
CTX = 20
BATCH = 1024
FEAT = CTX * EMB

_NC = 2
_NS = 16
_NW = _NC * _NS
_CHUNK = 128

_N_IDX = BATCH * CTX
_ROWS = _N_IDX // _CHUNK
_ROWS_PER_W = _ROWS // _NW


_L = 16
_BC = 256
_NBC = BATCH // _BC


def _sc_gather(table_t, idx_t):
    mesh = plsc.VectorSubcoreMesh(core_axis_name="c", subcore_axis_name="s")

    @functools.partial(
        pl.kernel,
        mesh=mesh,
        out_type=jax.ShapeDtypeStruct((CTX * EMB, BATCH), jnp.float32),
        scratch_types=[
            pltpu.VMEM((VOCAB,), jnp.float32),
            pltpu.VMEM((CTX, _BC), jnp.int32),
            pltpu.VMEM((CTX, BATCH), jnp.float32),
            pltpu.SemaphoreType.DMA,
            pltpu.SemaphoreType.DMA,
        ],
        compiler_params=pltpu.CompilerParams(use_tc_tiling_on_sc=False,
                                             needs_layout_passes=False),
    )
    def k(table_hbm, idx_hbm, out_hbm, feat_v, idx_v, out_v, sem, osem):
        e = lax.axis_index("s") * _NC + lax.axis_index("c")
        pltpu.async_copy(table_hbm.at[e], feat_v, sem).wait()
        for bc in range(_NBC):
            b0 = bc * _BC
            pltpu.sync_copy(idx_hbm.at[:, pl.ds(b0, _BC)], idx_v)

            @plsc.parallel_loop(0, _BC // _L, unroll=2)
            def _(g):
                off = pl.multiple_of(g * _L, _L)
                for c in range(CTX):
                    vec = idx_v[c, pl.ds(off, _L)]
                    val = plsc.load_gather(feat_v, [vec])
                    out_v[c, pl.ds(b0 + off, _L)] = val

        out_copies = [
            pltpu.async_copy(out_v.at[c], out_hbm.at[c * EMB + e], osem)
            for c in range(CTX)
        ]
        for oc in out_copies:
            oc.wait()

    return k(table_t, idx_t)


_VB = 2048
_NFULL = VOCAB // _VB
_TAIL = VOCAB - _NFULL * _VB


def _bf16_dot(w, a16):
    return lax.dot_general(
        w.astype(jnp.bfloat16), a16,
        dimension_numbers=(((1,), (0,)), ((), ())),
        preferred_element_type=jnp.float32,
    )


def _proj_body(xf_ref, b_ref, w_hbm, out_hbm,
               xf16, wbuf0, wbuf1, obuf0, obuf1, wtail, otail,
               lsem, ssem, tlsem, tssem):
    wbufs = (wbuf0, wbuf1)
    obufs = (obuf0, obuf1)

    def w_copy(j, s):
        off = pl.multiple_of(j * _VB, _VB)
        return pltpu.make_async_copy(
            w_hbm.at[pl.ds(off, _VB)], wbufs[s], lsem.at[s])

    def o_copy(j, s):
        off = pl.multiple_of(j * _VB, _VB)
        return pltpu.make_async_copy(
            obufs[s], out_hbm.at[pl.ds(off, _VB)], ssem.at[s])

    tail_load = pltpu.make_async_copy(
        w_hbm.at[pl.ds(_NFULL * _VB, _TAIL)], wtail, tlsem)
    tail_load.start()
    w_copy(0, 0).start()
    w_copy(1, 1).start()

    xf16[...] = xf_ref[...].astype(jnp.bfloat16)
    a16 = xf16[...]

    tail_load.wait()
    otail[...] = _bf16_dot(wtail[...], a16) + lax.broadcast_in_dim(b_ref[_NFULL][:_TAIL], (_TAIL, BATCH), (0,))
    tail_store = pltpu.make_async_copy(
        otail, out_hbm.at[pl.ds(_NFULL * _VB, _TAIL)], tssem)
    tail_store.start()

    def pair(p, carry):
        for s in (0, 1):
            j = 2 * p + s
            w_copy(j, s).wait()

            @pl.when(j >= 2)
            def _():
                o_copy(j - 2, s).wait()

            obufs[s][...] = _bf16_dot(wbufs[s][...], a16) + lax.broadcast_in_dim(b_ref[j], (_VB, BATCH), (0,))
            o_copy(j, s).start()

            @pl.when(j + 2 < _NFULL)
            def _():
                w_copy(j + 2, s).start()
        return carry

    lax.fori_loop(0, _NFULL // 2, pair, 0)

    o_copy(_NFULL - 2, 0).wait()
    o_copy(_NFULL - 1, 1).wait()
    tail_store.wait()


def _tc_project(xf, W, b3d):
    return pl.pallas_call(
        _proj_body,
        in_specs=[
            pl.BlockSpec(memory_space=pltpu.VMEM),
            pl.BlockSpec(memory_space=pltpu.VMEM),
            pl.BlockSpec(memory_space=pltpu.HBM),
        ],
        out_specs=pl.BlockSpec(memory_space=pltpu.HBM),
        out_shape=jax.ShapeDtypeStruct((VOCAB, BATCH), jnp.float32),
        scratch_shapes=[
            pltpu.VMEM((FEAT, BATCH), jnp.bfloat16),
            pltpu.VMEM((_VB, FEAT), jnp.float32),
            pltpu.VMEM((_VB, FEAT), jnp.float32),
            pltpu.VMEM((_VB, BATCH), jnp.float32),
            pltpu.VMEM((_VB, BATCH), jnp.float32),
            pltpu.VMEM((_TAIL, FEAT), jnp.float32),
            pltpu.VMEM((_TAIL, BATCH), jnp.float32),
            pltpu.SemaphoreType.DMA((2,)),
            pltpu.SemaphoreType.DMA((2,)),
            pltpu.SemaphoreType.DMA,
            pltpu.SemaphoreType.DMA,
        ],
        compiler_params=pltpu.CompilerParams(
            vmem_limit_bytes=63 * 1024 * 1024,
        ),
    )(xf, b3d, W)


def kernel(x, emb_table, W, b):
    table_t = emb_table.T
    idx_t = x.T.astype(jnp.int32)
    a = _sc_gather(table_t, idx_t)
    b3d = jnp.pad(b, (0, (_NFULL + 1) * _VB - VOCAB)).reshape(_NFULL + 1, _VB)
    logits_t = _tc_project(a, W, b3d)
    return logits_t.T

# --- scband reference (transcript-rebuilt; emitter-appended) ---
"""Pipeline reference for scband-soremodel-12481174962875 (READ-ONLY COPY).

The authoritative reference and input builder live on the scoring server;
editing this copy changes nothing except your own understanding.
"""

import jax, jax.numpy as jnp
import numpy as np

VOCAB = 100000
EMB = 32
CTX = 20
BATCH = 1024

def setup_inputs(seed: int = 0) -> dict:
    key = jax.random.key(seed)
    k1, k2, k3, k4 = jax.random.split(key, 4)
    x = jax.random.randint(k1, (BATCH, CTX), 0, VOCAB, dtype=jnp.int64 if jax.config.read('jax_enable_x64') else jnp.int32)
    emb_table = jax.random.normal(k2, (VOCAB, EMB), dtype=jnp.float32)
    # nn.Linear(in_features=CTX*EMB, out_features=VOCAB): weight [VOCAB, CTX*EMB], bias [VOCAB]
    lim = 1.0 / np.sqrt(CTX * EMB)
    W = jax.random.uniform(k3, (VOCAB, CTX * EMB), dtype=jnp.float32, minval=-lim, maxval=lim)
    b = jax.random.uniform(k4, (VOCAB,), dtype=jnp.float32, minval=-lim, maxval=lim)
    return {"x": x, "emb_table": emb_table, "W": W, "b": b}

def reference(x, emb_table, W, b):
    # embedding lookup (gather)
    embeddings = jnp.take(emb_table, x, axis=0)            # [B, CTX, EMB]
    embeddings_flat = embeddings.reshape(embeddings.shape[0], -1)  # [B, CTX*EMB]
    logits = embeddings_flat @ W.T + b                     # [B, VOCAB]
    return logits

if __name__ == "__main__":
    import jax
    _d = setup_inputs()
    print(jax.jit(kernel)(*tuple(_d.values())))

</pallas_src>

<mosaic_0001>
#map = affine_map<(d0, d1) -> (0, 0)>
module attributes {stable_mosaic.version = 14 : i64} {
  func.func @k(%arg0: i32, %arg1: i32, %arg2: memref<32x100000xf32, #tpu.memory_space<hbm>>, %arg3: memref<20x1024xi32, #tpu.memory_space<hbm>>, %arg4: memref<640x1024xf32, #tpu.memory_space<hbm>>, %arg5: memref<100000xf32, #tpu.memory_space<vmem>>, %arg6: memref<20x256xi32, #tpu.memory_space<vmem>>, %arg7: memref<20x1024xf32, #tpu.memory_space<vmem>>, %arg8: memref<!tpu.dma_semaphore, #tpu.memory_space<semaphore_mem>>, %arg9: memref<!tpu.dma_semaphore, #tpu.memory_space<semaphore_mem>>) attributes {dimension_semantics = [#tpu.dimension_semantics<core_parallel>, #tpu.dimension_semantics<subcore_parallel>], iteration_bounds = array<i64: 2, 16>, scalar_prefetch = 0 : i64, scratch_operands = 5 : i64, tpu.core_type = #tpu.core_type<sc_vector_subcore>, window_params = [{transform_indices = #map}, {transform_indices = #map}, {transform_indices = #map}]} {
    %mul3A = arith.constant 2 : i32
    %mul3A_0 = arith.muli %arg1, %mul3A : i32
    %add3A = arith.addi %mul3A_0, %arg0 : i32
    %dma_start3A = arith.constant 0 : i32
    %dma_start3A_1 = tpu.memref_slice %arg2[%add3A, %dma_start3A] : memref<32x100000xf32, #tpu.memory_space<hbm>> -> memref<1x100000xf32, #tpu.memory_space<hbm>>
    %dma_start3A_2 = tpu.memref_squeeze %dma_start3A_1 : memref<1x100000xf32, #tpu.memory_space<hbm>> -> memref<100000xf32, #tpu.memory_space<hbm>>
    %dma_start3A_3 = arith.constant 0 : i32
    %dma_start3A_4 = tpu.memref_slice %arg2[%add3A, %dma_start3A_3] : memref<32x100000xf32, #tpu.memory_space<hbm>> -> memref<1x100000xf32, #tpu.memory_space<hbm>>
    %dma_start3A_5 = tpu.memref_squeeze %dma_start3A_4 : memref<1x100000xf32, #tpu.memory_space<hbm>> -> memref<100000xf32, #tpu.memory_space<hbm>>
    tpu.enqueue_dma source(%dma_start3A_5 : memref<100000xf32, #tpu.memory_space<hbm>>) target(%arg5 : memref<100000xf32, #tpu.memory_space<vmem>>) target_semaphore(%arg8 : memref<!tpu.dma_semaphore, #tpu.memory_space<semaphore_mem>>)
    %dma_wait3A = arith.constant 0 : i32
    %dma_wait3A_6 = tpu.memref_slice %arg2[%add3A, %dma_wait3A] : memref<32x100000xf32, #tpu.memory_space<hbm>> -> memref<1x100000xf32, #tpu.memory_space<hbm>>
    %dma_wait3A_7 = tpu.memref_squeeze %dma_wait3A_6 : memref<1x100000xf32, #tpu.memory_space<hbm>> -> memref<100000xf32, #tpu.memory_space<hbm>>
    %dma_wait3A_8 = arith.constant 0 : i32
    %dma_wait3A_9 = tpu.memref_slice %arg2[%add3A, %dma_wait3A_8] : memref<32x100000xf32, #tpu.memory_space<hbm>> -> memref<1x100000xf32, #tpu.memory_space<hbm>>
    %dma_wait3A_10 = tpu.memref_squeeze %dma_wait3A_9 : memref<1x100000xf32, #tpu.memory_space<hbm>> -> memref<100000xf32, #tpu.memory_space<hbm>>
    tpu.wait_dma2 semaphore(%arg8 : memref<!tpu.dma_semaphore, #tpu.memory_space<semaphore_mem>>) src(%dma_wait3A_10 : memref<100000xf32, #tpu.memory_space<hbm>>) dst(%arg5 : memref<100000xf32, #tpu.memory_space<vmem>>)
    "tpu.region"() ({
      %run_scoped3A = tpu.sem_alloc : memref<!tpu.dma_semaphore, #tpu.memory_space<semaphore_mem>>
      %dma_start3A_582 = arith.constant 0 : i32
      %dma_start3A_583 = arith.constant 0 : i32
      %dma_start3A_584 = tpu.memref_slice %arg3[%dma_start3A_582, %dma_start3A_583] : memref<20x1024xi32, #tpu.memory_space<hbm>> -> memref<20x256xi32, #tpu.memory_space<hbm>>
      %dma_start3A_585 = arith.constant 0 : i32
      %dma_start3A_586 = arith.constant 0 : i32
      %dma_start3A_587 = tpu.memref_slice %arg3[%dma_start3A_585, %dma_start3A_586] : memref<20x1024xi32, #tpu.memory_space<hbm>> -> memref<20x256xi32, #tpu.memory_space<hbm>>
      tpu.enqueue_dma source(%dma_start3A_587 : memref<20x256xi32, #tpu.memory_space<hbm>>) target(%arg6 : memref<20x256xi32, #tpu.memory_space<vmem>>) target_semaphore(%run_scoped3A : memref<!tpu.dma_semaphore, #tpu.memory_space<semaphore_mem>>)
      %dma_wait3A_588 = arith.constant 0 : i32
      %dma_wait3A_589 = arith.constant 0 : i32
      %dma_wait3A_590 = tpu.memref_slice %arg3[%dma_wait3A_588, %dma_wait3A_589] : memref<20x1024xi32, #tpu.memory_space<hbm>> -> memref<20x256xi32, #tpu.memory_space<hbm>>
      %dma_wait3A_591 = arith.constant 0 : i32
      %dma_wait3A_592 = arith.constant 0 : i32
      %dma_wait3A_593 = tpu.memref_slice %arg3[%dma_wait3A_591, %dma_wait3A_592] : memref<20x1024xi32, #tpu.memory_space<hbm>> -> memref<20x256xi32, #tpu.memory_space<hbm>>
      tpu.wait_dma2 semaphore(%run_scoped3A : memref<!tpu.dma_semaphore, #tpu.memory_space<semaphore_mem>>) src(%dma_wait3A_593 : memref<20x256xi32, #tpu.memory_space<hbm>>) dst(%arg6 : memref<20x256xi32, #tpu.memory_space<vmem>>)
      tpu.yield
    }) : () -> ()
    %parallel_loop3A = arith.constant 0 : i32
    %parallel_loop3A_11 = arith.constant 16 : i32
    %parallel_loop3A_12 = arith.constant 1 : i32
    scf.for %parallel_loop3A_582 = %parallel_loop3A to %parallel_loop3A_11 step %parallel_loop3A_12  : i32 {
      %parallel_loop3A_583 = arith.constant 16 : i32
      %parallel_loop3A_584 = arith.muli %parallel_loop3A_582, %parallel_loop3A_583 : i32
      %parallel_loop3A_585 = tpu.assume_multiple %parallel_loop3A_584, 16 : i32
      %parallel_loop3A_586 = arith.constant 0 : i32
      %parallel_loop3A_587 = arith.index_cast %parallel_loop3A_586 : i32 to index
      %parallel_loop3A_588 = arith.index_cast %parallel_loop3A_585 : i32 to index
      %parallel_loop3A_589 = tpu.vector_load %arg6[%parallel_loop3A_587, %parallel_loop3A_588] {strides = array<i32>} : memref<20x256xi32, #tpu.memory_space<vmem>>, vector<16xi32>,
      %parallel_loop3A_590 = tpu.vector_load_idx %arg5[%parallel_loop3A_589] : memref<100000xf32, #tpu.memory_space<vmem>>[vector<16xi32>], vector<16xf32>,
      %parallel_loop3A_591 = arith.constant 0 : i32
      %parallel_loop3A_592 = arith.addi %parallel_loop3A_591, %parallel_loop3A_585 : i32
      %parallel_loop3A_593 = arith.constant 0 : i32
      %parallel_loop3A_594 = arith.index_cast %parallel_loop3A_593 : i32 to index
      %parallel_loop3A_595 = arith.index_cast %parallel_loop3A_592 : i32 to index
      %parallel_loop3A_596 = tpu.vector_load %arg7[%parallel_loop3A_594, %parallel_loop3A_595] {strides = array<i32>} : memref<20x1024xf32, #tpu.memory_space<vmem>>, vector<16xf32>,
      tpu.vector_store %arg7[%parallel_loop3A_594, %parallel_loop3A_595], %parallel_loop3A_590 {strides = array<i32>} : memref<20x1024xf32, #tpu.memory_space<vmem>>, vector<16xf32>,
      %parallel_loop3A_597 = arith.constant 1 : i32
      %parallel_loop3A_598 = arith.index_cast %parallel_loop3A_597 : i32 to index
      %parallel_loop3A_599 = arith.index_cast %parallel_loop3A_585 : i32 to index
      %parallel_loop3A_600 = tpu.vector_load %arg6[%parallel_loop3A_598, %parallel_loop3A_599] {strides = array<i32>} : memref<20x256xi32, #tpu.memory_space<vmem>>, vector<16xi32>,
      %parallel_loop3A_601 = tpu.vector_load_idx %arg5[%parallel_loop3A_600] : memref<100000xf32, #tpu.memory_space<vmem>>[vector<16xi32>], vector<16xf32>,
      %parallel_loop3A_602 = arith.constant 0 : i32
      %parallel_loop3A_603 = arith.addi %parallel_loop3A_602, %parallel_loop3A_585 : i32
      %parallel_loop3A_604 = arith.constant 1 : i32
      %parallel_loop3A_605 = arith.index_cast %parallel_loop3A_604 : i32 to index
      %parallel_loop3A_606 = arith.index_cast %parallel_loop3A_603 : i32 to index
      %parallel_loop3A_607 = tpu.vector_load %arg7[%parallel_loop3A_605, %parallel_loop3A_606] {strides = array<i32>} : memref<20x1024xf32, #tpu.memory_space<vmem>>, vector<16xf32>,
      tpu.vector_store %arg7[%parallel_loop3A_605, %parallel_loop3A_606], %parallel_loop3A_601 {strides = array<i32>} : memref<20x1024xf32, #tpu.memory_space<vmem>>, vector<16xf32>,
      %parallel_loop3A_608 = arith.constant 2 : i32
      %parallel_loop3A_609 = arith.index_cast %parallel_loop3A_608 : i32 to index
      %parallel_loop3A_610 = arith.index_cast %parallel_loop3A_585 : i32 to index
      %parallel_loop3A_611 = tpu.vector_load %arg6[%parallel_loop3A_609, %parallel_loop3A_610] {strides = array<i32>} : memref<20x256xi32, #tpu.memory_space<vmem>>, vector<16xi32>,
      %parallel_loop3A_612 = tpu.vector_load_idx %arg5[%parallel_loop3A_611] : memref<100000xf32, #tpu.memory_space<vmem>>[vector<16xi32>], vector<16xf32>,
      %parallel_loop3A_613 = arith.constant 0 : i32
      %parallel_loop3A_614 = arith.addi %parallel_loop3A_613, %parallel_loop3A_585 : i32
      %parallel_loop3A_615 = arith.constant 2 : i32
      %parallel_loop3A_616 = arith.index_cast %parallel_loop3A_615 : i32 to index
      %parallel_loop3A_617 = arith.index_cast %parallel_loop3A_614 : i32 to index
      %parallel_loop3A_618 = tpu.vector_load %arg7[%parallel_loop3A_616, %parallel_loop3A_617] {strides = array<i32>} : memref<20x1024xf32, #tpu.memory_space<vmem>>, vector<16xf32>,
      tpu.vector_store %arg7[%parallel_loop3A_616, %parallel_loop3A_617], %parallel_loop3A_612 {strides = array<i32>} : memref<20x1024xf32, #tpu.memory_space<vmem>>, vector<16xf32>,
      %parallel_loop3A_619 = arith.constant 3 : i32
      %parallel_loop3A_620 = arith.index_cast %parallel_loop3A_619 : i32 to index
      %parallel_loop3A_621 = arith.index_cast %parallel_loop3A_585 : i32 to index
      %parallel_loop3A_622 = tpu.vector_load %arg6[%parallel_loop3A_620, %parallel_loop3A_621] {strides = array<i32>} : memref<20x256xi32, #tpu.memory_space<vmem>>, vector<16xi32>,
      %parallel_loop3A_623 = tpu.vector_load_idx %arg5[%parallel_loop3A_622] : memref<100000xf32, #tpu.memory_space<vmem>>[vector<16xi32>], vector<16xf32>,
      %parallel_loop3A_624 = arith.constant 0 : i32
      %parallel_loop3A_625 = arith.addi %parallel_loop3A_624, %parallel_loop3A_585 : i32
      %parallel_loop3A_626 = arith.constant 3 : i32
      %parallel_loop3A_627 = arith.index_cast %parallel_loop3A_626 : i32 to index
      %parallel_loop3A_628 = arith.index_cast %parallel_loop3A_625 : i32 to index
      %parallel_loop3A_629 = tpu.vector_load %arg7[%parallel_loop3A_627, %parallel_loop3A_628] {strides = array<i32>} : memref<20x1024xf32, #tpu.memory_space<vmem>>, vector<16xf32>,
      tpu.vector_store %arg7[%parallel_loop3A_627, %parallel_loop3A_628], %parallel_loop3A_623 {strides = array<i32>} : memref<20x1024xf32, #tpu.memory_space<vmem>>, vector<16xf32>,
      %parallel_loop3A_630 = arith.constant 4 : i32
      %parallel_loop3A_631 = arith.index_cast %parallel_loop3A_630 : i32 to index
      %parallel_loop3A_632 = arith.index_cast %parallel_loop3A_585 : i32 to index
      %parallel_loop3A_633 = tpu.vector_load %arg6[%parallel_loop3A_631, %parallel_loop3A_632] {strides = array<i32>} : memref<20x256xi32, #tpu.memory_space<vmem>>, vector<16xi32>,
      %parallel_loop3A_634 = tpu.vector_load_idx %arg5[%parallel_loop3A_633] : memref<100000xf32, #tpu.memory_space<vmem>>[vector<16xi32>], vector<16xf32>,
      %parallel_loop3A_635 = arith.constant 0 : i32
      %parallel_loop3A_636 = arith.addi %parallel_loop3A_635, %parallel_loop3A_585 : i32
      %parallel_loop3A_637 = arith.constant 4 : i32
      %parallel_loop3A_638 = arith.index_cast %parallel_loop3A_637 : i32 to index
      %parallel_loop3A_639 = arith.index_cast %parallel_loop3A_636 : i32 to index
      %parallel_loop3A_640 = tpu.vector_load %arg7[%parallel_loop3A_638, %parallel_loop3A_639] {strides = array<i32>} : memref<20x1024xf32, #tpu.memory_space<vmem>>, vector<16xf32>,
      tpu.vector_store %arg7[%parallel_loop3A_638, %parallel_loop3A_639], %parallel_loop3A_634 {strides = array<i32>} : memref<20x1024xf32, #tpu.memory_space<vmem>>, vector<16xf32>,
      %parallel_loop3A_641 = arith.constant 5 : i32
      %parallel_loop3A_642 = arith.index_cast %parallel_loop3A_641 : i32 to index
      %parallel_loop3A_643 = arith.index_cast %parallel_loop3A_585 : i32 to index
      %parallel_loop3A_644 = tpu.vector_load %arg6[%parallel_loop3A_642, %parallel_loop3A_643] {strides = array<i32>} : memref<20x256xi32, #tpu.memory_space<vmem>>, vector<16xi32>,
      %parallel_loop3A_645 = tpu.vector_load_idx %arg5[%parallel_loop3A_644] : memref<100000xf32, #tpu.memory_space<vmem>>[vector<16xi32>], vector<16xf32>,
      %parallel_loop3A_646 = arith.constant 0 : i32
      %parallel_loop3A_647 = arith.addi %parallel_loop3A_646, %parallel_loop3A_585 : i32
      %parallel_loop3A_648 = arith.constant 5 : i32
      %parallel_loop3A_649 = arith.index_cast %parallel_loop3A_648 : i32 to index
      %parallel_loop3A_650 = arith.index_cast %parallel_loop3A_647 : i32 to index
      %parallel_loop3A_651 = tpu.vector_load %arg7[%parallel_loop3A_649, %parallel_loop3A_650] {strides = array<i32>} : memref<20x1024xf32, #tpu.memory_space<vmem>>, vector<16xf32>,
      tpu.vector_store %arg7[%parallel_loop3A_649, %parallel_loop3A_650], %parallel_loop3A_645 {strides = array<i32>} : memref<20x1024xf32, #tpu.memory_space<vmem>>, vector<16xf32>,
      %parallel_loop3A_652 = arith.constant 6 : i32
      %parallel_loop3A_653 = arith.index_cast %parallel_loop3A_652 : i32 to index
      %parallel_loop3A_654 = arith.index_cast %parallel_loop3A_585 : i32 to index
      %parallel_loop3A_655 = tpu.vector_load %arg6[%parallel_loop3A_653, %parallel_loop3A_654] {strides = array<i32>} : memref<20x256xi32, #tpu.memory_space<vmem>>, vector<16xi32>,
      %parallel_loop3A_656 = tpu.vector_load_idx %arg5[%parallel_loop3A_655] : memref<100000xf32, #tpu.memory_space<vmem>>[vector<16xi32>], vector<16xf32>,
      %parallel_loop3A_657 = arith.constant 0 : i32
      %parallel_loop3A_658 = arith.addi %parallel_loop3A_657, %parallel_loop3A_585 : i32
      %parallel_loop3A_659 = arith.constant 6 : i32
      %parallel_loop3A_660 = arith.index_cast %parallel_loop3A_659 : i32 to index
      %parallel_loop3A_661 = arith.index_cast %parallel_loop3A_658 : i32 to index
      %parallel_loop3A_662 = tpu.vector_load %arg7[%parallel_loop3A_660, %parallel_loop3A_661] {strides = array<i32>} : memref<20x1024xf32, #tpu.memory_space<vmem>>, vector<16xf32>,
      tpu.vector_store %arg7[%parallel_loop3A_660, %parallel_loop3A_661], %parallel_loop3A_656 {strides = array<i32>} : memref<20x1024xf32, #tpu.memory_space<vmem>>, vector<16xf32>,
      %parallel_loop3A_663 = arith.constant 7 : i32
      %parallel_loop3A_664 = arith.index_cast %parallel_loop3A_663 : i32 to index
      %parallel_loop3A_665 = arith.index_cast %parallel_loop3A_585 : i32 to index
      %parallel_loop3A_666 = tpu.vector_load %arg6[%parallel_loop3A_664, %parallel_loop3A_665] {strides = array<i32>} : memref<20x256xi32, #tpu.memory_space<vmem>>, vector<16xi32>,
      %parallel_loop3A_667 = tpu.vector_load_idx %arg5[%parallel_loop3A_666] : memref<100000xf32, #tpu.memory_space<vmem>>[vector<16xi32>], vector<16xf32>,
      %parallel_loop3A_668 = arith.constant 0 : i32
      %parallel_loop3A_669 = arith.addi %parallel_loop3A_668, %parallel_loop3A_585 : i32
      %parallel_loop3A_670 = arith.constant 7 : i32
      %parallel_loop3A_671 = arith.index_cast %parallel_loop3A_670 : i32 to index
      %parallel_loop3A_672 = arith.index_cast %parallel_loop3A_669 : i32 to index
      %parallel_loop3A_673 = tpu.vector_load %arg7[%parallel_loop3A_671, %parallel_loop3A_672] {strides = array<i32>} : memref<20x1024xf32, #tpu.memory_space<vmem>>, vector<16xf32>,
      tpu.vector_store %arg7[%parallel_loop3A_671, %parallel_loop3A_672], %parallel_loop3A_667 {strides = array<i32>} : memref<20x1024xf32, #tpu.memory_space<vmem>>, vector<16xf32>,
      %parallel_loop3A_674 = arith.constant 8 : i32
      %parallel_loop3A_675 = arith.index_cast %parallel_loop3A_674 : i32 to index
      %parallel_loop3A_676 = arith.index_cast %parallel_loop3A_585 : i32 to index
      %parallel_loop3A_677 = tpu.vector_load %arg6[%parallel_loop3A_675, %parallel_loop3A_676] {strides = array<i32>} : memref<20x256xi32, #tpu.memory_space<vmem>>, vector<16xi32>,
      %parallel_loop3A_678 = tpu.vector_load_idx %arg5[%parallel_loop3A_677] : memref<100000xf32, #tpu.memory_space<vmem>>[vector<16xi32>], vector<16xf32>,
      %parallel_loop3A_679 = arith.constant 0 : i32
      %parallel_loop3A_680 = arith.addi %parallel_loop3A_679, %parallel_loop3A_585 : i32
      %parallel_loop3A_681 = arith.constant 8 : i32
      %parallel_loop3A_682 = arith.index_cast %parallel_loop3A_681 : i32 to index
      %parallel_loop3A_683 = arith.index_cast %parallel_loop3A_680 : i32 to index
      %parallel_loop3A_684 = tpu.vector_load %arg7[%parallel_loop3A_682, %parallel_loop3A_683] {strides = array<i32>} : memref<20x1024xf32, #tpu.memory_space<vmem>>, vector<16xf32>,
      tpu.vector_store %arg7[%parallel_loop3A_682, %parallel_loop3A_683], %parallel_loop3A_678 {strides = array<i32>} : memref<20x1024xf32, #tpu.memory_space<vmem>>, vector<16xf32>,
      %parallel_loop3A_685 = arith.constant 9 : i32
      %parallel_loop3A_686 = arith.index_cast %parallel_loop3A_685 : i32 to index
      %parallel_loop3A_687 = arith.index_cast %parallel_loop3A_585 : i32 to index
      %parallel_loop3A_688 = tpu.vector_load %arg6[%parallel_loop3A_686, %parallel_loop3A_687] {strides = array<i32>} : memref<20x256xi32, #tpu.memory_space<vmem>>, vector<16xi32>,
      %parallel_loop3A_689 = tpu.vector_load_idx %arg5[%parallel_loop3A_688] : memref<100000xf32, #tpu.memory_space<vmem>>[vector<16xi32>], vector<16xf32>,
      %parallel_loop3A_690 = arith.constant 0 : i32
      %parallel_loop3A_691 = arith.addi %parallel_loop3A_690, %parallel_loop3A_585 : i32
      %parallel_loop3A_692 = arith.constant 9 : i32
      %parallel_loop3A_693 = arith.index_cast %parallel_loop3A_692 : i32 to index
      %parallel_loop3A_694 = arith.index_cast %parallel_loop3A_691 : i32 to index
      %parallel_loop3A_695 = tpu.vector_load %arg7[%parallel_loop3A_693, %parallel_loop3A_694] {strides = array<i32>} : memref<20x1024xf32, #tpu.memory_space<vmem>>, vector<16xf32>,
      tpu.vector_store %arg7[%parallel_loop3A_693, %parallel_loop3A_694], %parallel_loop3A_689 {strides = array<i32>} : memref<20x1024xf32, #tpu.memory_space<vmem>>, vector<16xf32>,
      %parallel_loop3A_696 = arith.constant 10 : i32
      %parallel_loop3A_697 = arith.index_cast %parallel_loop3A_696 : i32 to index
      %parallel_loop3A_698 = arith.index_cast %parallel_loop3A_585 : i32 to index
      %parallel_loop3A_699 = tpu.vector_load %arg6[%parallel_loop3A_697, %parallel_loop3A_698] {strides = array<i32>} : memref<20x256xi32, #tpu.memory_space<vmem>>, vector<16xi32>,
      %parallel_loop3A_700 = tpu.vector_load_idx %arg5[%parallel_loop3A_699] : memref<100000xf32, #tpu.memory_space<vmem>>[vector<16xi32>], vector<16xf32>,
      %parallel_loop3A_701 = arith.constant 0 : i32
      %parallel_loop3A_702 = arith.addi %parallel_loop3A_701, %parallel_loop3A_585 : i32
      %parallel_loop3A_703 = arith.constant 10 : i32
      %parallel_loop3A_704 = arith.index_cast %parallel_loop3A_703 : i32 to index
      %parallel_loop3A_705 = arith.index_cast %parallel_loop3A_702 : i32 to index
      %parallel_loop3A_706 = tpu.vector_load %arg7[%parallel_loop3A_704, %parallel_loop3A_705] {strides = array<i32>} : memref<20x1024xf32, #tpu.memory_space<vmem>>, vector<16xf32>,
      tpu.vector_store %arg7[%parallel_loop3A_704, %parallel_loop3A_705], %parallel_loop3A_700 {strides = array<i32>} : memref<20x1024xf32, #tpu.memory_space<vmem>>, vector<16xf32>,
      %parallel_loop3A_707 = arith.constant 11 : i32
      %parallel_loop3A_708 = arith.index_cast %parallel_loop3A_707 : i32 to index
      %parallel_loop3A_709 = arith.index_cast %parallel_loop3A_585 : i32 to index
      %parallel_loop3A_710 = tpu.vector_load %arg6[%parallel_loop3A_708, %parallel_loop3A_709] {strides = array<i32>} : memref<20x256xi32, #tpu.memory_space<vmem>>, vector<16xi32>,
      %parallel_loop3A_711 = tpu.vector_load_idx %arg5[%parallel_loop3A_710] : memref<100000xf32, #tpu.memory_space<vmem>>[vector<16xi32>], vector<16xf32>,
      %parallel_loop3A_712 = arith.constant 0 : i32
      %parallel_loop3A_713 = arith.addi %parallel_loop3A_712, %parallel_loop3A_585 : i32
      %parallel_loop3A_714 = arith.constant 11 : i32
      %parallel_loop3A_715 = arith.index_cast %parallel_loop3A_714 : i32 to index
      %parallel_loop3A_716 = arith.index_cast %parallel_loop3A_713 : i32 to index
      %parallel_loop3A_717 = tpu.vector_load %arg7[%parallel_loop3A_715, %parallel_loop3A_716] {strides = array<i32>} : memref<20x1024xf32, #tpu.memory_space<vmem>>, vector<16xf32>,
      tpu.vector_store %arg7[%parallel_loop3A_715, %parallel_loop3A_716], %parallel_loop3A_711 {strides = array<i32>} : memref<20x1024xf32, #tpu.memory_space<vmem>>, vector<16xf32>,
      %parallel_loop3A_718 = arith.constant 12 : i32
      %parallel_loop3A_719 = arith.index_cast %parallel_loop3A_718 : i32 to index
      %parallel_loop3A_720 = arith.index_cast %parallel_loop3A_585 : i32 to index
      %parallel_loop3A_721 = tpu.vector_load %arg6[%parallel_loop3A_719, %parallel_loop3A_720] {strides = array<i32>} : memref<20x256xi32, #tpu.memory_space<vmem>>, vector<16xi32>,
      %parallel_loop3A_722 = tpu.vector_load_idx %arg5[%parallel_loop3A_721] : memref<100000xf32, #tpu.memory_space<vmem>>[vector<16xi32>], vector<16xf32>,
      %parallel_loop3A_723 = arith.constant 0 : i32
      %parallel_loop3A_724 = arith.addi %parallel_loop3A_723, %parallel_loop3A_585 : i32
      %parallel_loop3A_725 = arith.constant 12 : i32
      %parallel_loop3A_726 = arith.index_cast %parallel_loop3A_725 : i32 to index
      %parallel_loop3A_727 = arith.index_cast %parallel_loop3A_724 : i32 to index
      %parallel_loop3A_728 = tpu.vector_load %arg7[%parallel_loop3A_726, %parallel_loop3A_727] {strides = array<i32>} : memref<20x1024xf32, #tpu.memory_space<vmem>>, vector<16xf32>,
      tpu.vector_store %arg7[%parallel_loop3A_726, %parallel_loop3A_727], %parallel_loop3A_722 {strides = array<i32>} : memref<20x1024xf32, #tpu.memory_space<vmem>>, vector<16xf32>,
      %parallel_loop3A_729 = arith.constant 13 : i32
      %parallel_loop3A_730 = arith.index_cast %parallel_loop3A_729 : i32 to index
      %parallel_loop3A_731 = arith.index_cast %parallel_loop3A_585 : i32 to index
      %parallel_loop3A_732 = tpu.vector_load %arg6[%parallel_loop3A_730, %parallel_loop3A_731] {strides = array<i32>} : memref<20x256xi32, #tpu.memory_space<vmem>>, vector<16xi32>,
      %parallel_loop3A_733 = tpu.vector_load_idx %arg5[%parallel_loop3A_732] : memref<100000xf32, #tpu.memory_space<vmem>>[vector<16xi32>], vector<16xf32>,
      %parallel_loop3A_734 = arith.constant 0 : i32
      %parallel_loop3A_735 = arith.addi %parallel_loop3A_734, %parallel_loop3A_585 : i32
      %parallel_loop3A_736 = arith.constant 13 : i32
      %parallel_loop3A_737 = arith.index_cast %parallel_loop3A_736 : i32 to index
      %parallel_loop3A_738 = arith.index_cast %parallel_loop3A_735 : i32 to index
      %parallel_loop3A_739 = tpu.vector_load %arg7[%parallel_loop3A_737, %parallel_loop3A_738] {strides = array<i32>} : memref<20x1024xf32, #tpu.memory_space<vmem>>, vector<16xf32>,
      tpu.vector_store %arg7[%parallel_loop3A_737, %parallel_loop3A_738], %parallel_loop3A_733 {strides = array<i32>} : memref<20x1024xf32, #tpu.memory_space<vmem>>, vector<16xf32>,
      %parallel_loop3A_740 = arith.constant 14 : i32
      %parallel_loop3A_741 = arith.index_cast %parallel_loop3A_740 : i32 to index
      %parallel_loop3A_742 = arith.index_cast %parallel_loop3A_585 : i32 to index
      %parallel_loop3A_743 = tpu.vector_load %arg6[%parallel_loop3A_741, %parallel_loop3A_742] {strides = array<i32>} : memref<20x256xi32, #tpu.memory_space<vmem>>, vector<16xi32>,
      %parallel_loop3A_744 = tpu.vector_load_idx %arg5[%parallel_loop3A_743] : memref<100000xf32, #tpu.memory_space<vmem>>[vector<16xi32>], vector<16xf32>,
      %parallel_loop3A_745 = arith.constant 0 : i32
      %parallel_loop3A_746 = arith.addi %parallel_loop3A_745, %parallel_loop3A_585 : i32
      %parallel_loop3A_747 = arith.constant 14 : i32
      %parallel_loop3A_748 = arith.index_cast %parallel_loop3A_747 : i32 to index
      %parallel_loop3A_749 = arith.index_cast %parallel_loop3A_746 : i32 to index
      %parallel_loop3A_750 = tpu.vector_load %arg7[%parallel_loop3A_748, %parallel_loop3A_749] {strides = array<i32>} : memref<20x1024xf32, #tpu.memory_space<vmem>>, vector<16xf32>,
      tpu.vector_store %arg7[%parallel_loop3A_748, %parallel_loop3A_749], %parallel_loop3A_744 {strides = array<i32>} : memref<20x1024xf32, #tpu.memory_space<vmem>>, vector<16xf32>,
      %parallel_loop3A_751 = arith.constant 15 : i32
      %parallel_loop3A_752 = arith.index_cast %parallel_loop3A_751 : i32 to index
      %parallel_loop3A_753 = arith.index_cast %parallel_loop3A_585 : i32 to index
      %parallel_loop3A_754 = tpu.vector_load %arg6[%parallel_loop3A_752, %parallel_loop3A_753] {strides = array<i32>} : memref<20x256xi32, #tpu.memory_space<vmem>>, vector<16xi32>,
      %parallel_loop3A_755 = tpu.vector_load_idx %arg5[%parallel_loop3A_754] : memref<100000xf32, #tpu.memory_space<vmem>>[vector<16xi32>], vector<16xf32>,
      %parallel_loop3A_756 = arith.constant 0 : i32
      %parallel_loop3A_757 = arith.addi %parallel_loop3A_756, %parallel_loop3A_585 : i32
      %parallel_loop3A_758 = arith.constant 15 : i32
      %parallel_loop3A_759 = arith.index_cast %parallel_loop3A_758 : i32 to index
      %parallel_loop3A_760 = arith.index_cast %parallel_loop3A_757 : i32 to index
      %parallel_loop3A_761 = tpu.vector_load %arg7[%parallel_loop3A_759, %parallel_loop3A_760] {strides = array<i32>} : memref<20x1024xf32, #tpu.memory_space<vmem>>, vector<16xf32>,
      tpu.vector_store %arg7[%parallel_loop3A_759, %parallel_loop3A_760], %parallel_loop3A_755 {strides = array<i32>} : memref<20x1024xf32, #tpu.memory_space<vmem>>, vector<16xf32>,
      %parallel_loop3A_762 = arith.constant 16 : i32
      %parallel_loop3A_763 = arith.index_cast %parallel_loop3A_762 : i32 to index
      %parallel_loop3A_764 = arith.index_cast %parallel_loop3A_585 : i32 to index
      %parallel_loop3A_765 = tpu.vector_load %arg6[%parallel_loop3A_763, %parallel_loop3A_764] {strides = array<i32>} : memref<20x256xi32, #tpu.memory_space<vmem>>, vector<16xi32>,
      %parallel_loop3A_766 = tpu.vector_load_idx %arg5[%parallel_loop3A_765] : memref<100000xf32, #tpu.memory_space<vmem>>[vector<16xi32>], vector<16xf32>,
      %parallel_loop3A_767 = arith.constant 0 : i32
      %parallel_loop3A_768 = arith.addi %parallel_loop3A_767, %parallel_loop3A_585 : i32
      %parallel_loop3A_769 = arith.constant 16 : i32
      %parallel_loop3A_770 = arith.index_cast %parallel_loop3A_769 : i32 to index
      %parallel_loop3A_771 = arith.index_cast %parallel_loop3A_768 : i32 to index
      %parallel_loop3A_772 = tpu.vector_load %arg7[%parallel_loop3A_770, %parallel_loop3A_771] {strides = array<i32>} : memref<20x1024xf32, #tpu.memory_space<vmem>>, vector<16xf32>,
      tpu.vector_store %arg7[%parallel_loop3A_770, %parallel_loop3A_771], %parallel_loop3A_766 {strides = array<i32>} : memref<20x1024xf32, #tpu.memory_space<vmem>>, vector<16xf32>,
      %parallel_loop3A_773 = arith.constant 17 : i32
      %parallel_loop3A_774 = arith.index_cast %parallel_loop3A_773 : i32 to index
      %parallel_loop3A_775 = arith.index_cast %parallel_loop3A_585 : i32 to index
      %parallel_loop3A_776 = tpu.vector_load %arg6[%parallel_loop3A_774, %parallel_loop3A_775] {strides = array<i32>} : memref<20x256xi32, #tpu.memory_space<vmem>>, vector<16xi32>,
      %parallel_loop3A_777 = tpu.vector_load_idx %arg5[%parallel_loop3A_776] : memref<100000xf32, #tpu.memory_space<vmem>>[vector<16xi32>], vector<16xf32>,
      %parallel_loop3A_778 = arith.constant 0 : i32
      %parallel_loop3A_779 = arith.addi %parallel_loop3A_778, %parallel_loop3A_585 : i32
      %parallel_loop3A_780 = arith.constant 17 : i32
      %parallel_loop3A_781 = arith.index_cast %parallel_loop3A_780 : i32 to index
      %parallel_loop3A_782 = arith.index_cast %parallel_loop3A_779 : i32 to index
      %parallel_loop3A_783 = tpu.vector_load %arg7[%parallel_loop3A_781, %parallel_loop3A_782] {strides = array<i32>} : memref<20x1024xf32, #tpu.memory_space<vmem>>, vector<16xf32>,
      tpu.vector_store %arg7[%parallel_loop3A_781, %parallel_loop3A_782], %parallel_loop3A_777 {strides = array<i32>} : memref<20x1024xf32, #tpu.memory_space<vmem>>, vector<16xf32>,
      %parallel_loop3A_784 = arith.constant 18 : i32
      %parallel_loop3A_785 = arith.index_cast %parallel_loop3A_784 : i32 to index
      %parallel_loop3A_786 = arith.index_cast %parallel_loop3A_585 : i32 to index
      %parallel_loop3A_787 = tpu.vector_load %arg6[%parallel_loop3A_785, %parallel_loop3A_786] {strides = array<i32>} : memref<20x256xi32, #tpu.memory_space<vmem>>, vector<16xi32>,
      %parallel_loop3A_788 = tpu.vector_load_idx %arg5[%parallel_loop3A_787] : memref<100000xf32, #tpu.memory_space<vmem>>[vector<16xi32>], vector<16xf32>,
      %parallel_loop3A_789 = arith.constant 0 : i32
      %parallel_loop3A_790 = arith.addi %parallel_loop3A_789, %parallel_loop3A_585 : i32
      %parallel_loop3A_791 = arith.constant 18 : i32
      %parallel_loop3A_792 = arith.index_cast %parallel_loop3A_791 : i32 to index
      %parallel_loop3A_793 = arith.index_cast %parallel_loop3A_790 : i32 to index
      %parallel_loop3A_794 = tpu.vector_load %arg7[%parallel_loop3A_792, %parallel_loop3A_793] {strides = array<i32>} : memref<20x1024xf32, #tpu.memory_space<vmem>>, vector<16xf32>,
      tpu.vector_store %arg7[%parallel_loop3A_792, %parallel_loop3A_793], %parallel_loop3A_788 {strides = array<i32>} : memref<20x1024xf32, #tpu.memory_space<vmem>>, vector<16xf32>,
      %parallel_loop3A_795 = arith.constant 19 : i32
      %parallel_loop3A_796 = arith.index_cast %parallel_loop3A_795 : i32 to index
      %parallel_loop3A_797 = arith.index_cast %parallel_loop3A_585 : i32 to index
      %parallel_loop3A_798 = tpu.vector_load %arg6[%parallel_loop3A_796, %parallel_loop3A_797] {strides = array<i32>} : memref<20x256xi32, #tpu.memory_space<vmem>>, vector<16xi32>,
      %parallel_loop3A_799 = tpu.vector_load_idx %arg5[%parallel_loop3A_798] : memref<100000xf32, #tpu.memory_space<vmem>>[vector<16xi32>], vector<16xf32>,
      %parallel_loop3A_800 = arith.constant 0 : i32
      %parallel_loop3A_801 = arith.addi %parallel_loop3A_800, %parallel_loop3A_585 : i32
      %parallel_loop3A_802 = arith.constant 19 : i32
      %parallel_loop3A_803 = arith.index_cast %parallel_loop3A_802 : i32 to index
      %parallel_loop3A_804 = arith.index_cast %parallel_loop3A_801 : i32 to index
      %parallel_loop3A_805 = tpu.vector_load %arg7[%parallel_loop3A_803, %parallel_loop3A_804] {strides = array<i32>} : memref<20x1024xf32, #tpu.memory_space<vmem>>, vector<16xf32>,
      tpu.vector_store %arg7[%parallel_loop3A_803, %parallel_loop3A_804], %parallel_loop3A_799 {strides = array<i32>} : memref<20x1024xf32, #tpu.memory_space<vmem>>, vector<16xf32>,
    } {sc.loop_unroll_factor = 2 : i64, sc.parallel_access}
    "tpu.region"() ({
      %run_scoped3A = tpu.sem_alloc : memref<!tpu.dma_semaphore, #tpu.memory_space<semaphore_mem>>
      %dma_start3A_582 = arith.constant 0 : i32
      %dma_start3A_583 = arith.constant 256 : i32
      %dma_start3A_584 = tpu.memref_slice %arg3[%dma_start3A_582, %dma_start3A_583] : memref<20x1024xi32, #tpu.memory_space<hbm>> -> memref<20x256xi32, #tpu.memory_space<hbm>>
      %dma_start3A_585 = arith.constant 0 : i32
      %dma_start3A_586 = arith.constant 256 : i32
      %dma_start3A_587 = tpu.memref_slice %arg3[%dma_start3A_585, %dma_start3A_586] : memref<20x1024xi32, #tpu.memory_space<hbm>> -> memref<20x256xi32, #tpu.memory_space<hbm>>
      tpu.enqueue_dma source(%dma_start3A_587 : memref<20x256xi32, #tpu.memory_space<hbm>>) target(%arg6 : memref<20x256xi32, #tpu.memory_space<vmem>>) target_semaphore(%run_scoped3A : memref<!tpu.dma_semaphore, #tpu.memory_space<semaphore_mem>>)
      %dma_wait3A_588 = arith.constant 0 : i32
      %dma_wait3A_589 = arith.constant 256 : i32
      %dma_wait3A_590 = tpu.memref_slice %arg3[%dma_wait3A_588, %dma_wait3A_589] : memref<20x1024xi32, #tpu.memory_space<hbm>> -> memref<20x256xi32, #tpu.memory_space<hbm>>
      %dma_wait3A_591 = arith.constant 0 : i32
      %dma_wait3A_592 = arith.constant 256 : i32
      %dma_wait3A_593 = tpu.memref_slice %arg3[%dma_wait3A_591, %dma_wait3A_592] : memref<20x1024xi32, #tpu.memory_space<hbm>> -> memref<20x256xi32, #tpu.memory_space<hbm>>
      tpu.wait_dma2 semaphore(%run_scoped3A : memref<!tpu.dma_semaphore, #tpu.memory_space<semaphore_mem>>) src(%dma_wait3A_593 : memref<20x256xi32, #tpu.memory_space<hbm>>) dst(%arg6 : memref<20x256xi32, #tpu.memory_space<vmem>>)
      tpu.yield
    }) : () -> ()
    %parallel_loop3A_13 = arith.constant 0 : i32
    %parallel_loop3A_14 = arith.constant 16 : i32
    %parallel_loop3A_15 = arith.constant 1 : i32
    scf.for %parallel_loop3A_582 = %parallel_loop3A_13 to %parallel_loop3A_14 step %parallel_loop3A_15  : i32 {
      %parallel_loop3A_583 = arith.constant 16 : i32
      %parallel_loop3A_584 = arith.muli %parallel_loop3A_582, %parallel_loop3A_583 : i32
      %parallel_loop3A_585 = tpu.assume_multiple %parallel_loop3A_584, 16 : i32
      %parallel_loop3A_586 = arith.constant 0 : i32
      %parallel_loop3A_587 = arith.index_cast %parallel_loop3A_586 : i32 to index
      %parallel_loop3A_588 = arith.index_cast %parallel_loop3A_585 : i32 to index
      %parallel_loop3A_589 = tpu.vector_load %arg6[%parallel_loop3A_587, %parallel_loop3A_588] {strides = array<i32>} : memref<20x256xi32, #tpu.memory_space<vmem>>, vector<16xi32>,
      %parallel_loop3A_590 = tpu.vector_load_idx %arg5[%parallel_loop3A_589] : memref<100000xf32, #tpu.memory_space<vmem>>[vector<16xi32>], vector<16xf32>,
      %parallel_loop3A_591 = arith.constant 256 : i32
      %parallel_loop3A_592 = arith.addi %parallel_loop3A_591, %parallel_loop3A_585 : i32
      %parallel_loop3A_593 = arith.constant 0 : i32
      %parallel_loop3A_594 = arith.index_cast %parallel_loop3A_593 : i32 to index
      %parallel_loop3A_595 = arith.index_cast %parallel_loop3A_592 : i32 to index
      %parallel_loop3A_596 = tpu.vector_load %arg7[%parallel_loop3A_594, %parallel_loop3A_595] {strides = array<i32>} : memref<20x1024xf32, #tpu.memory_space<vmem>>, vector<16xf32>,
      tpu.vector_store %arg7[%parallel_loop3A_594, %parallel_loop3A_595], %parallel_loop3A_590 {strides = array<i32>} : memref<20x1024xf32, #tpu.memory_space<vmem>>, vector<16xf32>,
      %parallel_loop3A_597 = arith.constant 1 : i32
      %parallel_loop3A_598 = arith.index_cast %parallel_loop3A_597 : i32 to index
      %parallel_loop3A_599 = arith.index_cast %parallel_loop3A_585 : i32 to index
      %parallel_loop3A_600 = tpu.vector_load %arg6[%parallel_loop3A_598, %parallel_loop3A_599] {strides = array<i32>} : memref<20x256xi32, #tpu.memory_space<vmem>>, vector<16xi32>,
      %parallel_loop3A_601 = tpu.vector_load_idx %arg5[%parallel_loop3A_600] : memref<100000xf32, #tpu.memory_space<vmem>>[vector<16xi32>], vector<16xf32>,
      %parallel_loop3A_602 = arith.constant 256 : i32
      %parallel_loop3A_603 = arith.addi %parallel_loop3A_602, %parallel_loop3A_585 : i32
      %parallel_loop3A_604 = arith.constant 1 : i32
      %parallel_loop3A_605 = arith.index_cast %parallel_loop3A_604 : i32 to index
      %parallel_loop3A_606 = arith.index_cast %parallel_loop3A_603 : i32 to index
      %parallel_loop3A_607 = tpu.vector_load %arg7[%parallel_loop3A_605, %parallel_loop3A_606] {strides = array<i32>} : memref<20x1024xf32, #tpu.memory_space<vmem>>, vector<16xf32>,
      tpu.vector_store %arg7[%parallel_loop3A_605, %parallel_loop3A_606], %parallel_loop3A_601 {strides = array<i32>} : memref<20x1024xf32, #tpu.memory_space<vmem>>, vector<16xf32>,
      %parallel_loop3A_608 = arith.constant 2 : i32
      %parallel_loop3A_609 = arith.index_cast %parallel_loop3A_608 : i32 to index
      %parallel_loop3A_610 = arith.index_cast %parallel_loop3A_585 : i32 to index
      %parallel_loop3A_611 = tpu.vector_load %arg6[%parallel_loop3A_609, %parallel_loop3A_610] {strides = array<i32>} : memref<20x256xi32, #tpu.memory_space<vmem>>, vector<16xi32>,
      %parallel_loop3A_612 = tpu.vector_load_idx %arg5[%parallel_loop3A_611] : memref<100000xf32, #tpu.memory_space<vmem>>[vector<16xi32>], vector<16xf32>,
      %parallel_loop3A_613 = arith.constant 256 : i32
      %parallel_loop3A_614 = arith.addi %parallel_loop3A_613, %parallel_loop3A_585 : i32
      %parallel_loop3A_615 = arith.constant 2 : i32
      %parallel_loop3A_616 = arith.index_cast %parallel_loop3A_615 : i32 to index
      %parallel_loop3A_617 = arith.index_cast %parallel_loop3A_614 : i32 to index
      %parallel_loop3A_618 = tpu.vector_load %arg7[%parallel_loop3A_616, %parallel_loop3A_617] {strides = array<i32>} : memref<20x1024xf32, #tpu.memory_space<vmem>>, vector<16xf32>,
      tpu.vector_store %arg7[%parallel_loop3A_616, %parallel_loop3A_617], %parallel_loop3A_612 {strides = array<i32>} : memref<20x1024xf32, #tpu.memory_space<vmem>>, vector<16xf32>,
      %parallel_loop3A_619 = arith.constant 3 : i32
      %parallel_loop3A_620 = arith.index_cast %parallel_loop3A_619 : i32 to index
      %parallel_loop3A_621 = arith.index_cast %parallel_loop3A_585 : i32 to index
      %parallel_loop3A_622 = tpu.vector_load %arg6[%parallel_loop3A_620, %parallel_loop3A_621] {strides = array<i32>} : memref<20x256xi32, #tpu.memory_space<vmem>>, vector<16xi32>,
      %parallel_loop3A_623 = tpu.vector_load_idx %arg5[%parallel_loop3A_622] : memref<100000xf32, #tpu.memory_space<vmem>>[vector<16xi32>], vector<16xf32>,
      %parallel_loop3A_624 = arith.constant 256 : i32
      %parallel_loop3A_625 = arith.addi %parallel_loop3A_624, %parallel_loop3A_585 : i32
      %parallel_loop3A_626 = arith.constant 3 : i32
      %parallel_loop3A_627 = arith.index_cast %parallel_loop3A_626 : i32 to index
      %parallel_loop3A_628 = arith.index_cast %parallel_loop3A_625 : i32 to index
      %parallel_loop3A_629 = tpu.vector_load %arg7[%parallel_loop3A_627, %parallel_loop3A_628] {strides = array<i32>} : memref<20x1024xf32, #tpu.memory_space<vmem>>, vector<16xf32>,
      tpu.vector_store %arg7[%parallel_loop3A_627, %parallel_loop3A_628], %parallel_loop3A_623 {strides = array<i32>} : memref<20x1024xf32, #tpu.memory_space<vmem>>, vector<16xf32>,
      %parallel_loop3A_630 = arith.constant 4 : i32
      %parallel_loop3A_631 = arith.index_cast %parallel_loop3A_630 : i32 to index
      %parallel_loop3A_632 = arith.index_cast %parallel_loop3A_585 : i32 to index
      %parallel_loop3A_633 = tpu.vector_load %arg6[%parallel_loop3A_631, %parallel_loop3A_632] {strides = array<i32>} : memref<20x256xi32, #tpu.memory_space<vmem>>, vector<16xi32>,
      %parallel_loop3A_634 = tpu.vector_load_idx %arg5[%parallel_loop3A_633] : memref<100000xf32, #tpu.memory_space<vmem>>[vector<16xi32>], vector<16xf32>,
      %parallel_loop3A_635 = arith.constant 256 : i32
      %parallel_loop3A_636 = arith.addi %parallel_loop3A_635, %parallel_loop3A_585 : i32
      %parallel_loop3A_637 = arith.constant 4 : i32
      %parallel_loop3A_638 = arith.index_cast %parallel_loop3A_637 : i32 to index
      %parallel_loop3A_639 = arith.index_cast %parallel_loop3A_636 : i32 to index
      %parallel_loop3A_640 = tpu.vector_load %arg7[%parallel_loop3A_638, %parallel_loop3A_639] {strides = array<i32>} : memref<20x1024xf32, #tpu.memory_space<vmem>>, vector<16xf32>,
      tpu.vector_store %arg7[%parallel_loop3A_638, %parallel_loop3A_639], %parallel_loop3A_634 {strides = array<i32>} : memref<20x1024xf32, #tpu.memory_space<vmem>>, vector<16xf32>,
      %parallel_loop3A_641 = arith.constant 5 : i32
      %parallel_loop3A_642 = arith.index_cast %parallel_loop3A_641 : i32 to index
      %parallel_loop3A_643 = arith.index_cast %parallel_loop3A_585 : i32 to index
      %parallel_loop3A_644 = tpu.vector_load %arg6[%parallel_loop3A_642, %parallel_loop3A_643] {strides = array<i32>} : memref<20x256xi32, #tpu.memory_space<vmem>>, vector<16xi32>,
      %parallel_loop3A_645 = tpu.vector_load_idx %arg5[%parallel_loop3A_644] : memref<100000xf32, #tpu.memory_space<vmem>>[vector<16xi32>], vector<16xf32>,
      %parallel_loop3A_646 = arith.constant 256 : i32
      %parallel_loop3A_647 = arith.addi %parallel_loop3A_646, %parallel_loop3A_585 : i32
      %parallel_loop3A_648 = arith.constant 5 : i32
      %parallel_loop3A_649 = arith.index_cast %parallel_loop3A_648 : i32 to index
      %parallel_loop3A_650 = arith.index_cast %parallel_loop3A_647 : i32 to index
      %parallel_loop3A_651 = tpu.vector_load %arg7[%parallel_loop3A_649, %parallel_loop3A_650] {strides = array<i32>} : memref<20x1024xf32, #tpu.memory_space<vmem>>, vector<16xf32>,
      tpu.vector_store %arg7[%parallel_loop3A_649, %parallel_loop3A_650], %parallel_loop3A_645 {strides = array<i32>} : memref<20x1024xf32, #tpu.memory_space<vmem>>, vector<16xf32>,
      %parallel_loop3A_652 = arith.constant 6 : i32
      %parallel_loop3A_653 = arith.index_cast %parallel_loop3A_652 : i32 to index
      %parallel_loop3A_654 = arith.index_cast %parallel_loop3A_585 : i32 to index
      %parallel_loop3A_655 = tpu.vector_load %arg6[%parallel_loop3A_653, %parallel_loop3A_654] {strides = array<i32>} : memref<20x256xi32, #tpu.memory_space<vmem>>, vector<16xi32>,
      %parallel_loop3A_656 = tpu.vector_load_idx %arg5[%parallel_loop3A_655] : memref<100000xf32, #tpu.memory_space<vmem>>[vector<16xi32>], vector<16xf32>,
      %parallel_loop3A_657 = arith.constant 256 : i32
      %parallel_loop3A_658 = arith.addi %parallel_loop3A_657, %parallel_loop3A_585 : i32
      %parallel_loop3A_659 = arith.constant 6 : i32
      %parallel_loop3A_660 = arith.index_cast %parallel_loop3A_659 : i32 to index
      %parallel_loop3A_661 = arith.index_cast %parallel_loop3A_658 : i32 to index
      %parallel_loop3A_662 = tpu.vector_load %arg7[%parallel_loop3A_660, %parallel_loop3A_661] {strides = array<i32>} : memref<20x1024xf32, #tpu.memory_space<vmem>>, vector<16xf32>,
      tpu.vector_store %arg7[%parallel_loop3A_660, %parallel_loop3A_661], %parallel_loop3A_656 {strides = array<i32>} : memref<20x1024xf32, #tpu.memory_space<vmem>>, vector<16xf32>,
      %parallel_loop3A_663 = arith.constant 7 : i32
      %parallel_loop3A_664 = arith.index_cast %parallel_loop3A_663 : i32 to index
      %parallel_loop3A_665 = arith.index_cast %parallel_loop3A_585 : i32 to index
      %parallel_loop3A_666 = tpu.vector_load %arg6[%parallel_loop3A_664, %parallel_loop3A_665] {strides = array<i32>} : memref<20x256xi32, #tpu.memory_space<vmem>>, vector<16xi32>,
      %parallel_loop3A_667 = tpu.vector_load_idx %arg5[%parallel_loop3A_666] : memref<100000xf32, #tpu.memory_space<vmem>>[vector<16xi32>], vector<16xf32>,
      %parallel_loop3A_668 = arith.constant 256 : i32
      %parallel_loop3A_669 = arith.addi %parallel_loop3A_668, %parallel_loop3A_585 : i32
      %parallel_loop3A_670 = arith.constant 7 : i32
      %parallel_loop3A_671 = arith.index_cast %parallel_loop3A_670 : i32 to index
      %parallel_loop3A_672 = arith.index_cast %parallel_loop3A_669 : i32 to index
      %parallel_loop3A_673 = tpu.vector_load %arg7[%parallel_loop3A_671, %parallel_loop3A_672] {strides = array<i32>} : memref<20x1024xf32, #tpu.memory_space<vmem>>, vector<16xf32>,
      tpu.vector_store %arg7[%parallel_loop3A_671, %parallel_loop3A_672], %parallel_loop3A_667 {strides = array<i32>} : memref<20x1024xf32, #tpu.memory_space<vmem>>, vector<16xf32>,
      %parallel_loop3A_674 = arith.constant 8 : i32
      %parallel_loop3A_675 = arith.index_cast %parallel_loop3A_674 : i32 to index
      %parallel_loop3A_676 = arith.index_cast %parallel_loop3A_585 : i32 to index
      %parallel_loop3A_677 = tpu.vector_load %arg6[%parallel_loop3A_675, %parallel_loop3A_676] {strides = array<i32>} : memref<20x256xi32, #tpu.memory_space<vmem>>, vector<16xi32>,
      %parallel_loop3A_678 = tpu.vector_load_idx %arg5[%parallel_loop3A_677] : memref<100000xf32, #tpu.memory_space<vmem>>[vector<16xi32>], vector<16xf32>,
      %parallel_loop3A_679 = arith.constant 256 : i32
      %parallel_loop3A_680 = arith.addi %parallel_loop3A_679, %parallel_loop3A_585 : i32
      %parallel_loop3A_681 = arith.constant 8 : i32
      %parallel_loop3A_682 = arith.index_cast %parallel_loop3A_681 : i32 to index
      %parallel_loop3A_683 = arith.index_cast %parallel_loop3A_680 : i32 to index
      %parallel_loop3A_684 = tpu.vector_load %arg7[%parallel_loop3A_682, %parallel_loop3A_683] {strides = array<i32>} : memref<20x1024xf32, #tpu.memory_space<vmem>>, vector<16xf32>,
      tpu.vector_store %arg7[%parallel_loop3A_682, %parallel_loop3A_683], %parallel_loop3A_678 {strides = array<i32>} : memref<20x1024xf32, #tpu.memory_space<vmem>>, vector<16xf32>,
      %parallel_loop3A_685 = arith.constant 9 : i32
      %parallel_loop3A_686 = arith.index_cast %parallel_loop3A_685 : i32 to index
      %parallel_loop3A_687 = arith.index_cast %parallel_loop3A_585 : i32 to index
      %parallel_loop3A_688 = tpu.vector_load %arg6[%parallel_loop3A_686, %parallel_loop3A_687] {strides = array<i32>} : memref<20x256xi32, #tpu.memory_space<vmem>>, vector<16xi32>,
      %parallel_loop3A_689 = tpu.vector_load_idx %arg5[%parallel_loop3A_688] : memref<100000xf32, #tpu.memory_space<vmem>>[vector<16xi32>], vector<16xf32>,
      %parallel_loop3A_690 = arith.constant 256 : i32
      %parallel_loop3A_691 = arith.addi %parallel_loop3A_690, %parallel_loop3A_585 : i32
      %parallel_loop3A_692 = arith.constant 9 : i32
      %parallel_loop3A_693 = arith.index_cast %parallel_loop3A_692 : i32 to index
      %parallel_loop3A_694 = arith.index_cast %parallel_loop3A_691 : i32 to index
      %parallel_loop3A_695 = tpu.vector_load %arg7[%parallel_loop3A_693, %parallel_loop3A_694] {strides = array<i32>} : memref<20x1024xf32, #tpu.memory_space<vmem>>, vector<16xf32>,
      tpu.vector_store %arg7[%parallel_loop3A_693, %parallel_loop3A_694], %parallel_loop3A_689 {strides = array<i32>} : memref<20x1024xf32, #tpu.memory_space<vmem>>, vector<16xf32>,
      %parallel_loop3A_696 = arith.constant 10 : i32
      %parallel_loop3A_697 = arith.index_cast %parallel_loop3A_696 : i32 to index
      %parallel_loop3A_698 = arith.index_cast %parallel_loop3A_585 : i32 to index
      %parallel_loop3A_699 = tpu.vector_load %arg6[%parallel_loop3A_697, %parallel_loop3A_698] {strides = array<i32>} : memref<20x256xi32, #tpu.memory_space<vmem>>, vector<16xi32>,
      %parallel_loop3A_700 = tpu.vector_load_idx %arg5[%parallel_loop3A_699] : memref<100000xf32, #tpu.memory_space<vmem>>[vector<16xi32>], vector<16xf32>,
      %parallel_loop3A_701 = arith.constant 256 : i32
      %parallel_loop3A_702 = arith.addi %parallel_loop3A_701, %parallel_loop3A_585 : i32
      %parallel_loop3A_703 = arith.constant 10 : i32
      %parallel_loop3A_704 = arith.index_cast %parallel_loop3A_703 : i32 to index
      %parallel_loop3A_705 = arith.index_cast %parallel_loop3A_702 : i32 to index
      %parallel_loop3A_706 = tpu.vector_load %arg7[%parallel_loop3A_704, %parallel_loop3A_705] {strides = array<i32>} : memref<20x1024xf32, #tpu.memory_space<vmem>>, vector<16xf32>,
      tpu.vector_store %arg7[%parallel_loop3A_704, %parallel_loop3A_705], %parallel_loop3A_700 {strides = array<i32>} : memref<20x1024xf32, #tpu.memory_space<vmem>>, vector<16xf32>,
      %parallel_loop3A_707 = arith.constant 11 : i32
      %parallel_loop3A_708 = arith.index_cast %parallel_loop3A_707 : i32 to index
      %parallel_loop3A_709 = arith.index_cast %parallel_loop3A_585 : i32 to index
      %parallel_loop3A_710 = tpu.vector_load %arg6[%parallel_loop3A_708, %parallel_loop3A_709] {strides = array<i32>} : memref<20x256xi32, #tpu.memory_space<vmem>>, vector<16xi32>,
      %parallel_loop3A_711 = tpu.vector_load_idx %arg5[%parallel_loop3A_710] : memref<100000xf32, #tpu.memory_space<vmem>>[vector<16xi32>], vector<16xf32>,
      %parallel_loop3A_712 = arith.constant 256 : i32
      %parallel_loop3A_713 = arith.addi %parallel_loop3A_712, %parallel_loop3A_585 : i32
      %parallel_loop3A_714 = arith.constant 11 : i32
      %parallel_loop3A_715 = arith.index_cast %parallel_loop3A_714 : i32 to index
      %parallel_loop3A_716 = arith.index_cast %parallel_loop3A_713 : i32 to index
      %parallel_loop3A_717 = tpu.vector_load %arg7[%parallel_loop3A_715, %parallel_loop3A_716] {strides = array<i32>} : memref<20x1024xf32, #tpu.memory_space<vmem>>, vector<16xf32>,
      tpu.vector_store %arg7[%parallel_loop3A_715, %parallel_loop3A_716], %parallel_loop3A_711 {strides = array<i32>} : memref<20x1024xf32, #tpu.memory_space<vmem>>, vector<16xf32>,
      %parallel_loop3A_718 = arith.constant 12 : i32
      %parallel_loop3A_719 = arith.index_cast %parallel_loop3A_718 : i32 to index
      %parallel_loop3A_720 = arith.index_cast %parallel_loop3A_585 : i32 to index
      %parallel_loop3A_721 = tpu.vector_load %arg6[%parallel_loop3A_719, %parallel_loop3A_720] {strides = array<i32>} : memref<20x256xi32, #tpu.memory_space<vmem>>, vector<16xi32>,
      %parallel_loop3A_722 = tpu.vector_load_idx %arg5[%parallel_loop3A_721] : memref<100000xf32, #tpu.memory_space<vmem>>[vector<16xi32>], vector<16xf32>,
      %parallel_loop3A_723 = arith.constant 256 : i32
      %parallel_loop3A_724 = arith.addi %parallel_loop3A_723, %parallel_loop3A_585 : i32
      %parallel_loop3A_725 = arith.constant 12 : i32
      %parallel_loop3A_726 = arith.index_cast %parallel_loop3A_725 : i32 to index
      %parallel_loop3A_727 = arith.index_cast %parallel_loop3A_724 : i32 to index
      %parallel_loop3A_728 = tpu.vector_load %arg7[%parallel_loop3A_726, %parallel_loop3A_727] {strides = array<i32>} : memref<20x1024xf32, #tpu.memory_space<vmem>>, vector<16xf32>,
      tpu.vector_store %arg7[%parallel_loop3A_726, %parallel_loop3A_727], %parallel_loop3A_722 {strides = array<i32>} : memref<20x1024xf32, #tpu.memory_space<vmem>>, vector<16xf32>,
      %parallel_loop3A_729 = arith.constant 13 : i32
      %parallel_loop3A_730 = arith.index_cast %parallel_loop3A_729 : i32 to index
      %parallel_loop3A_731 = arith.index_cast %parallel_loop3A_585 : i32 to index
      %parallel_loop3A_732 = tpu.vector_load %arg6[%parallel_loop3A_730, %parallel_loop3A_731] {strides = array<i32>} : memref<20x256xi32, #tpu.memory_space<vmem>>, vector<16xi32>,
      %parallel_loop3A_733 = tpu.vector_load_idx %arg5[%parallel_loop3A_732] : memref<100000xf32, #tpu.memory_space<vmem>>[vector<16xi32>], vector<16xf32>,
      %parallel_loop3A_734 = arith.constant 256 : i32
      %parallel_loop3A_735 = arith.addi %parallel_loop3A_734, %parallel_loop3A_585 : i32
      %parallel_loop3A_736 = arith.constant 13 : i32
      %parallel_loop3A_737 = arith.index_cast %parallel_loop3A_736 : i32 to index
      %parallel_loop3A_738 = arith.index_cast %parallel_loop3A_735 : i32 to index
      %parallel_loop3A_739 = tpu.vector_load %arg7[%parallel_loop3A_737, %parallel_loop3A_738] {strides = array<i32>} : memref<20x1024xf32, #tpu.memory_space<vmem>>, vector<16xf32>,
      tpu.vector_store %arg7[%parallel_loop3A_737, %parallel_loop3A_738], %parallel_loop3A_733 {strides = array<i32>} : memref<20x1024xf32, #tpu.memory_space<vmem>>, vector<16xf32>,
      %parallel_loop3A_740 = arith.constant 14 : i32
      %parallel_loop3A_741 = arith.index_cast %parallel_loop3A_740 : i32 to index
      %parallel_loop3A_742 = arith.index_cast %parallel_loop3A_585 : i32 to index
      %parallel_loop3A_743 = tpu.vector_load %arg6[%parallel_loop3A_741, %parallel_loop3A_742] {strides = array<i32>} : memref<20x256xi32, #tpu.memory_space<vmem>>, vector<16xi32>,
      %parallel_loop3A_744 = tpu.vector_load_idx %arg5[%parallel_loop3A_743] : memref<100000xf32, #tpu.memory_space<vmem>>[vector<16xi32>], vector<16xf32>,
      %parallel_loop3A_745 = arith.constant 256 : i32
      %parallel_loop3A_746 = arith.addi %parallel_loop3A_745, %parallel_loop3A_585 : i32
      %parallel_loop3A_747 = arith.constant 14 : i32
      %parallel_loop3A_748 = arith.index_cast %parallel_loop3A_747 : i32 to index
      %parallel_loop3A_749 = arith.index_cast %parallel_loop3A_746 : i32 to index
      %parallel_loop3A_750 = tpu.vector_load %arg7[%parallel_loop3A_748, %parallel_loop3A_749] {strides = array<i32>} : memref<20x1024xf32, #tpu.memory_space<vmem>>, vector<16xf32>,
      tpu.vector_store %arg7[%parallel_loop3A_748, %parallel_loop3A_749], %parallel_loop3A_744 {strides = array<i32>} : memref<20x1024xf32, #tpu.memory_space<vmem>>, vector<16xf32>,
      %parallel_loop3A_751 = arith.constant 15 : i32
      %parallel_loop3A_752 = arith.index_cast %parallel_loop3A_751 : i32 to index
      %parallel_loop3A_753 = arith.index_cast %parallel_loop3A_585 : i32 to index
      %parallel_loop3A_754 = tpu.vector_load %arg6[%parallel_loop3A_752, %parallel_loop3A_753] {strides = array<i32>} : memref<20x256xi32, #tpu.memory_space<vmem>>, vector<16xi32>,
      %parallel_loop3A_755 = tpu.vector_load_idx %arg5[%parallel_loop3A_754] : memref<100000xf32, #tpu.memory_space<vmem>>[vector<16xi32>], vector<16xf32>,
      %parallel_loop3A_756 = arith.constant 256 : i32
      %parallel_loop3A_757 = arith.addi %parallel_loop3A_756, %parallel_loop3A_585 : i32
      %parallel_loop3A_758 = arith.constant 15 : i32
      %parallel_loop3A_759 = arith.index_cast %parallel_loop3A_758 : i32 to index
      %parallel_loop3A_760 = arith.index_cast %parallel_loop3A_757 : i32 to index
      %parallel_loop3A_761 = tpu.vector_load %arg7[%parallel_loop3A_759, %parallel_loop3A_760] {strides = array<i32>} : memref<20x1024xf32, #tpu.memory_space<vmem>>, vector<16xf32>,
      tpu.vector_store %arg7[%parallel_loop3A_759, %parallel_loop3A_760], %parallel_loop3A_755 {strides = array<i32>} : memref<20x1024xf32, #tpu.memory_space<vmem>>, vector<16xf32>,
      %parallel_loop3A_762 = arith.constant 16 : i32
      %parallel_loop3A_763 = arith.index_cast %parallel_loop3A_762 : i32 to index
      %parallel_loop3A_764 = arith.index_cast %parallel_loop3A_585 : i32 to index
      %parallel_loop3A_765 = tpu.vector_load %arg6[%parallel_loop3A_763, %parallel_loop3A_764] {strides = array<i32>} : memref<20x256xi32, #tpu.memory_space<vmem>>, vector<16xi32>,
      %parallel_loop3A_766 = tpu.vector_load_idx %arg5[%parallel_loop3A_765] : memref<100000xf32, #tpu.memory_space<vmem>>[vector<16xi32>], vector<16xf32>,
      %parallel_loop3A_767 = arith.constant 256 : i32
      %parallel_loop3A_768 = arith.addi %parallel_loop3A_767, %parallel_loop3A_585 : i32
      %parallel_loop3A_769 = arith.constant 16 : i32
      %parallel_loop3A_770 = arith.index_cast %parallel_loop3A_769 : i32 to index
      %parallel_loop3A_771 = arith.index_cast %parallel_loop3A_768 : i32 to index
      %parallel_loop3A_772 = tpu.vector_load %arg7[%parallel_loop3A_770, %parallel_loop3A_771] {strides = array<i32>} : memref<20x1024xf32, #tpu.memory_space<vmem>>, vector<16xf32>,
      tpu.vector_store %arg7[%parallel_loop3A_770, %parallel_loop3A_771], %parallel_loop3A_766 {strides = array<i32>} : memref<20x1024xf32, #tpu.memory_space<vmem>>, vector<16xf32>,
      %parallel_loop3A_773 = arith.constant 17 : i32
      %parallel_loop3A_774 = arith.index_cast %parallel_loop3A_773 : i32 to index
      %parallel_loop3A_775 = arith.index_cast %parallel_loop3A_585 : i32 to index
      %parallel_loop3A_776 = tpu.vector_load %arg6[%parallel_loop3A_774, %parallel_loop3A_775] {strides = array<i32>} : memref<20x256xi32, #tpu.memory_space<vmem>>, vector<16xi32>,
      %parallel_loop3A_777 = tpu.vector_load_idx %arg5[%parallel_loop3A_776] : memref<100000xf32, #tpu.memory_space<vmem>>[vector<16xi32>], vector<16xf32>,
      %parallel_loop3A_778 = arith.constant 256 : i32
      %parallel_loop3A_779 = arith.addi %parallel_loop3A_778, %parallel_loop3A_585 : i32
      %parallel_loop3A_780 = arith.constant 17 : i32
      %parallel_loop3A_781 = arith.index_cast %parallel_loop3A_780 : i32 to index
      %parallel_loop3A_782 = arith.index_cast %parallel_loop3A_779 : i32 to index
      %parallel_loop3A_783 = tpu.vector_load %arg7[%parallel_loop3A_781, %parallel_loop3A_782] {strides = array<i32>} : memref<20x1024xf32, #tpu.memory_space<vmem>>, vector<16xf32>,
      tpu.vector_store %arg7[%parallel_loop3A_781, %parallel_loop3A_782], %parallel_loop3A_777 {strides = array<i32>} : memref<20x1024xf32, #tpu.memory_space<vmem>>, vector<16xf32>,
      %parallel_loop3A_784 = arith.constant 18 : i32
      %parallel_loop3A_785 = arith.index_cast %parallel_loop3A_784 : i32 to index
      %parallel_loop3A_786 = arith.index_cast %parallel_loop3A_585 : i32 to index
      %parallel_loop3A_787 = tpu.vector_load %arg6[%parallel_loop3A_785, %parallel_loop3A_786] {strides = array<i32>} : memref<20x256xi32, #tpu.memory_space<vmem>>, vector<16xi32>,
      %parallel_loop3A_788 = tpu.vector_load_idx %arg5[%parallel_loop3A_787] : memref<100000xf32, #tpu.memory_space<vmem>>[vector<16xi32>], vector<16xf32>,
      %parallel_loop3A_789 = arith.constant 256 : i32
      %parallel_loop3A_790 = arith.addi %parallel_loop3A_789, %parallel_loop3A_585 : i32
      %parallel_loop3A_791 = arith.constant 18 : i32
      %parallel_loop3A_792 = arith.index_cast %parallel_loop3A_791 : i32 to index
      %parallel_loop3A_793 = arith.index_cast %parallel_loop3A_790 : i32 to index
      %parallel_loop3A_794 = tpu.vector_load %arg7[%parallel_loop3A_792, %parallel_loop3A_793] {strides = array<i32>} : memref<20x1024xf32, #tpu.memory_space<vmem>>, vector<16xf32>,
      tpu.vector_store %arg7[%parallel_loop3A_792, %parallel_loop3A_793], %parallel_loop3A_788 {strides = array<i32>} : memref<20x1024xf32, #tpu.memory_space<vmem>>, vector<16xf32>,
      %parallel_loop3A_795 = arith.constant 19 : i32
      %parallel_loop3A_796 = arith.index_cast %parallel_loop3A_795 : i32 to index
      %parallel_loop3A_797 = arith.index_cast %parallel_loop3A_585 : i32 to index
      %parallel_loop3A_798 = tpu.vector_load %arg6[%parallel_loop3A_796, %parallel_loop3A_797] {strides = array<i32>} : memref<20x256xi32, #tpu.memory_space<vmem>>, vector<16xi32>,
      %parallel_loop3A_799 = tpu.vector_load_idx %arg5[%parallel_loop3A_798] : memref<100000xf32, #tpu.memory_space<vmem>>[vector<16xi32>], vector<16xf32>,
      %parallel_loop3A_800 = arith.constant 256 : i32
      %parallel_loop3A_801 = arith.addi %parallel_loop3A_800, %parallel_loop3A_585 : i32
      %parallel_loop3A_802 = arith.constant 19 : i32
      %parallel_loop3A_803 = arith.index_cast %parallel_loop3A_802 : i32 to index
      %parallel_loop3A_804 = arith.index_cast %parallel_loop3A_801 : i32 to index
      %parallel_loop3A_805 = tpu.vector_load %arg7[%parallel_loop3A_803, %parallel_loop3A_804] {strides = array<i32>} : memref<20x1024xf32, #tpu.memory_space<vmem>>, vector<16xf32>,
      tpu.vector_store %arg7[%parallel_loop3A_803, %parallel_loop3A_804], %parallel_loop3A_799 {strides = array<i32>} : memref<20x1024xf32, #tpu.memory_space<vmem>>, vector<16xf32>,
    } {sc.loop_unroll_factor = 2 : i64, sc.parallel_access}
    "tpu.region"() ({
      %run_scoped3A = tpu.sem_alloc : memref<!tpu.dma_semaphore, #tpu.memory_space<semaphore_mem>>
      %dma_start3A_582 = arith.constant 0 : i32
      %dma_start3A_583 = arith.constant 512 : i32
      %dma_start3A_584 = tpu.memref_slice %arg3[%dma_start3A_582, %dma_start3A_583] : memref<20x1024xi32, #tpu.memory_space<hbm>> -> memref<20x256xi32, #tpu.memory_space<hbm>>
      %dma_start3A_585 = arith.constant 0 : i32
      %dma_start3A_586 = arith.constant 512 : i32
      %dma_start3A_587 = tpu.memref_slice %arg3[%dma_start3A_585, %dma_start3A_586] : memref<20x1024xi32, #tpu.memory_space<hbm>> -> memref<20x256xi32, #tpu.memory_space<hbm>>
      tpu.enqueue_dma source(%dma_start3A_587 : memref<20x256xi32, #tpu.memory_space<hbm>>) target(%arg6 : memref<20x256xi32, #tpu.memory_space<vmem>>) target_semaphore(%run_scoped3A : memref<!tpu.dma_semaphore, #tpu.memory_space<semaphore_mem>>)
      %dma_wait3A_588 = arith.constant 0 : i32
      %dma_wait3A_589 = arith.constant 512 : i32
      %dma_wait3A_590 = tpu.memref_slice %arg3[%dma_wait3A_588, %dma_wait3A_589] : memref<20x1024xi32, #tpu.memory_space<hbm>> -> memref<20x256xi32, #tpu.memory_space<hbm>>
      %dma_wait3A_591 = arith.constant 0 : i32
      %dma_wait3A_592 = arith.constant 512 : i32
      %dma_wait3A_593 = tpu.memref_slice %arg3[%dma_wait3A_591, %dma_wait3A_592] : memref<20x1024xi32, #tpu.memory_space<hbm>> -> memref<20x256xi32, #tpu.memory_space<hbm>>
      tpu.wait_dma2 semaphore(%run_scoped3A : memref<!tpu.dma_semaphore, #tpu.memory_space<semaphore_mem>>) src(%dma_wait3A_593 : memref<20x256xi32, #tpu.memory_space<hbm>>) dst(%arg6 : memref<20x256xi32, #tpu.memory_space<vmem>>)
      tpu.yield
    }) : () -> ()
    %parallel_loop3A_16 = arith.constant 0 : i32
    %parallel_loop3A_17 = arith.constant 16 : i32
    %parallel_loop3A_18 = arith.constant 1 : i32
    scf.for %parallel_loop3A_582 = %parallel_loop3A_16 to %parallel_loop3A_17 step %parallel_loop3A_18  : i32 {
      %parallel_loop3A_583 = arith.constant 16 : i32
      %parallel_loop3A_584 = arith.muli %parallel_loop3A_582, %parallel_loop3A_583 : i32
      %parallel_loop3A_585 = tpu.assume_multiple %parallel_loop3A_584, 16 : i32
      %parallel_loop3A_586 = arith.constant 0 : i32
      %parallel_loop3A_587 = arith.index_cast %parallel_loop3A_586 : i32 to index
      %parallel_loop3A_588 = arith.index_cast %parallel_loop3A_585 : i32 to index
      %parallel_loop3A_589 = tpu.vector_load %arg6[%parallel_loop3A_587, %parallel_loop3A_588] {strides = array<i32>} : memref<20x256xi32, #tpu.memory_space<vmem>>, vector<16xi32>,
      %parallel_loop3A_590 = tpu.vector_load_idx %arg5[%parallel_loop3A_589] : memref<100000xf32, #tpu.memory_space<vmem>>[vector<16xi32>], vector<16xf32>,
      %parallel_loop3A_591 = arith.constant 512 : i32
      %parallel_loop3A_592 = arith.addi %parallel_loop3A_591, %parallel_loop3A_585 : i32
      %parallel_loop3A_593 = arith.constant 0 : i32
      %parallel_loop3A_594 = arith.index_cast %parallel_loop3A_593 : i32 to index
      %parallel_loop3A_595 = arith.index_cast %parallel_loop3A_592 : i32 to index
      %parallel_loop3A_596 = tpu.vector_load %arg7[%parallel_loop3A_594, %parallel_loop3A_595] {strides = array<i32>} : memref<20x1024xf32, #tpu.memory_space<vmem>>, vector<16xf32>,
      tpu.vector_store %arg7[%parallel_loop3A_594, %parallel_loop3A_595], %parallel_loop3A_590 {strides = array<i32>} : memref<20x1024xf32, #tpu.memory_space<vmem>>, vector<16xf32>,
      %parallel_loop3A_597 = arith.constant 1 : i32
      %parallel_loop3A_598 = arith.index_cast %parallel_loop3A_597 : i32 to index
      %parallel_loop3A_599 = arith.index_cast %parallel_loop3A_585 : i32 to index
      %parallel_loop3A_600 = tpu.vector_load %arg6[%parallel_loop3A_598, %parallel_loop3A_599] {strides = array<i32>} : memref<20x256xi32, #tpu.memory_space<vmem>>, vector<16xi32>,
      %parallel_loop3A_601 = tpu.vector_load_idx %arg5[%parallel_loop3A_600] : memref<100000xf32, #tpu.memory_space<vmem>>[vector<16xi32>], vector<16xf32>,
      %parallel_loop3A_602 = arith.constant 512 : i32
      %parallel_loop3A_603 = arith.addi %parallel_loop3A_602, %parallel_loop3A_585 : i32
      %parallel_loop3A_604 = arith.constant 1 : i32
      %parallel_loop3A_605 = arith.index_cast %parallel_loop3A_604 : i32 to index
      %parallel_loop3A_606 = arith.index_cast %parallel_loop3A_603 : i32 to index
      %parallel_loop3A_607 = tpu.vector_load %arg7[%parallel_loop3A_605, %parallel_loop3A_606] {strides = array<i32>} : memref<20x1024xf32, #tpu.memory_space<vmem>>, vector<16xf32>,
      tpu.vector_store %arg7[%parallel_loop3A_605, %parallel_loop3A_606], %parallel_loop3A_601 {strides = array<i32>} : memref<20x1024xf32, #tpu.memory_space<vmem>>, vector<16xf32>,
      %parallel_loop3A_608 = arith.constant 2 : i32
      %parallel_loop3A_609 = arith.index_cast %parallel_loop3A_608 : i32 to index
      %parallel_loop3A_610 = arith.index_cast %parallel_loop3A_585 : i32 to index
      %parallel_loop3A_611 = tpu.vector_load %arg6[%parallel_loop3A_609, %parallel_loop3A_610] {strides = array<i32>} : memref<20x256xi32, #tpu.memory_space<vmem>>, vector<16xi32>,
      %parallel_loop3A_612 = tpu.vector_load_idx %arg5[%parallel_loop3A_611] : memref<100000xf32, #tpu.memory_space<vmem>>[vector<16xi32>], vector<16xf32>,
      %parallel_loop3A_613 = arith.constant 512 : i32
      %parallel_loop3A_614 = arith.addi %parallel_loop3A_613, %parallel_loop3A_585 : i32
      %parallel_loop3A_615 = arith.constant 2 : i32
      %parallel_loop3A_616 = arith.index_cast %parallel_loop3A_615 : i32 to index
      %parallel_loop3A_617 = arith.index_cast %parallel_loop3A_614 : i32 to index
      %parallel_loop3A_618 = tpu.vector_load %arg7[%parallel_loop3A_616, %parallel_loop3A_617] {strides = array<i32>} : memref<20x1024xf32, #tpu.memory_space<vmem>>, vector<16xf32>,
      tpu.vector_store %arg7[%parallel_loop3A_616, %parallel_loop3A_617], %parallel_loop3A_612 {strides = array<i32>} : memref<20x1024xf32, #tpu.memory_space<vmem>>, vector<16xf32>,
      %parallel_loop3A_619 = arith.constant 3 : i32
      %parallel_loop3A_620 = arith.index_cast %parallel_loop3A_619 : i32 to index
      %parallel_loop3A_621 = arith.index_cast %parallel_loop3A_585 : i32 to index
      %parallel_loop3A_622 = tpu.vector_load %arg6[%parallel_loop3A_620, %parallel_loop3A_621] {strides = array<i32>} : memref<20x256xi32, #tpu.memory_space<vmem>>, vector<16xi32>,
      %parallel_loop3A_623 = tpu.vector_load_idx %arg5[%parallel_loop3A_622] : memref<100000xf32, #tpu.memory_space<vmem>>[vector<16xi32>], vector<16xf32>,
      %parallel_loop3A_624 = arith.constant 512 : i32
      %parallel_loop3A_625 = arith.addi %parallel_loop3A_624, %parallel_loop3A_585 : i32
      %parallel_loop3A_626 = arith.constant 3 : i32
      %parallel_loop3A_627 = arith.index_cast %parallel_loop3A_626 : i32 to index
      %parallel_loop3A_628 = arith.index_cast %parallel_loop3A_625 : i32 to index
      %parallel_loop3A_629 = tpu.vector_load %arg7[%parallel_loop3A_627, %parallel_loop3A_628] {strides = array<i32>} : memref<20x1024xf32, #tpu.memory_space<vmem>>, vector<16xf32>,
      tpu.vector_store %arg7[%parallel_loop3A_627, %parallel_loop3A_628], %parallel_loop3A_623 {strides = array<i32>} : memref<20x1024xf32, #tpu.memory_space<vmem>>, vector<16xf32>,
      %parallel_loop3A_630 = arith.constant 4 : i32
      %parallel_loop3A_631 = arith.index_cast %parallel_loop3A_630 : i32 to index
      %parallel_loop3A_632 = arith.index_cast %parallel_loop3A_585 : i32 to index
      %parallel_loop3A_633 = tpu.vector_load %arg6[%parallel_loop3A_631, %parallel_loop3A_632] {strides = array<i32>} : memref<20x256xi32, #tpu.memory_space<vmem>>, vector<16xi32>,
      %parallel_loop3A_634 = tpu.vector_load_idx %arg5[%parallel_loop3A_633] : memref<100000xf32, #tpu.memory_space<vmem>>[vector<16xi32>], vector<16xf32>,
      %parallel_loop3A_635 = arith.constant 512 : i32
      %parallel_loop3A_636 = arith.addi %parallel_loop3A_635, %parallel_loop3A_585 : i32
      %parallel_loop3A_637 = arith.constant 4 : i32
      %parallel_loop3A_638 = arith.index_cast %parallel_loop3A_637 : i32 to index
      %parallel_loop3A_639 = arith.index_cast %parallel_loop3A_636 : i32 to index
      %parallel_loop3A_640 = tpu.vector_load %arg7[%parallel_loop3A_638, %parallel_loop3A_639] {strides = array<i32>} : memref<20x1024xf32, #tpu.memory_space<vmem>>, vector<16xf32>,
      tpu.vector_store %arg7[%parallel_loop3A_638, %parallel_loop3A_639], %parallel_loop3A_634 {strides = array<i32>} : memref<20x1024xf32, #tpu.memory_space<vmem>>, vector<16xf32>,
      %parallel_loop3A_641 = arith.constant 5 : i32
      %parallel_loop3A_642 = arith.index_cast %parallel_loop3A_641 : i32 to index
      %parallel_loop3A_643 = arith.index_cast %parallel_loop3A_585 : i32 to index
      %parallel_loop3A_644 = tpu.vector_load %arg6[%parallel_loop3A_642, %parallel_loop3A_643] {strides = array<i32>} : memref<20x256xi32, #tpu.memory_space<vmem>>, vector<16xi32>,
      %parallel_loop3A_645 = tpu.vector_load_idx %arg5[%parallel_loop3A_644] : memref<100000xf32, #tpu.memory_space<vmem>>[vector<16xi32>], vector<16xf32>,
      %parallel_loop3A_646 = arith.constant 512 : i32
      %parallel_loop3A_647 = arith.addi %parallel_loop3A_646, %parallel_loop3A_585 : i32
      %parallel_loop3A_648 = arith.constant 5 : i32
      %parallel_loop3A_649 = arith.index_cast %parallel_loop3A_648 : i32 to index
      %parallel_loop3A_650 = arith.index_cast %parallel_loop3A_647 : i32 to index
      %parallel_loop3A_651 = tpu.vector_load %arg7[%parallel_loop3A_649, %parallel_loop3A_650] {strides = array<i32>} : memref<20x1024xf32, #tpu.memory_space<vmem>>, vector<16xf32>,
      tpu.vector_store %arg7[%parallel_loop3A_649, %parallel_loop3A_650], %parallel_loop3A_645 {strides = array<i32>} : memref<20x1024xf32, #tpu.memory_space<vmem>>, vector<16xf32>,
      %parallel_loop3A_652 = arith.constant 6 : i32
      %parallel_loop3A_653 = arith.index_cast %parallel_loop3A_652 : i32 to index
      %parallel_loop3A_654 = arith.index_cast %parallel_loop3A_585 : i32 to index
      %parallel_loop3A_655 = tpu.vector_load %arg6[%parallel_loop3A_653, %parallel_loop3A_654] {strides = array<i32>} : memref<20x256xi32, #tpu.memory_space<vmem>>, vector<16xi32>,
      %parallel_loop3A_656 = tpu.vector_load_idx %arg5[%parallel_loop3A_655] : memref<100000xf32, #tpu.memory_space<vmem>>[vector<16xi32>], vector<16xf32>,
      %parallel_loop3A_657 = arith.constant 512 : i32
      %parallel_loop3A_658 = arith.addi %parallel_loop3A_657, %parallel_loop3A_585 : i32
      %parallel_loop3A_659 = arith.constant 6 : i32
      %parallel_loop3A_660 = arith.index_cast %parallel_loop3A_659 : i32 to index
      %parallel_loop3A_661 = arith.index_cast %parallel_loop3A_658 : i32 to index
      %parallel_loop3A_662 = tpu.vector_load %arg7[%parallel_loop3A_660, %parallel_loop3A_661] {strides = array<i32>} : memref<20x1024xf32, #tpu.memory_space<vmem>>, vector<16xf32>,
      tpu.vector_store %arg7[%parallel_loop3A_660, %parallel_loop3A_661], %parallel_loop3A_656 {strides = array<i32>} : memref<20x1024xf32, #tpu.memory_space<vmem>>, vector<16xf32>,
      %parallel_loop3A_663 = arith.constant 7 : i32
      %parallel_loop3A_664 = arith.index_cast %parallel_loop3A_663 : i32 to index
      %parallel_loop3A_665 = arith.index_cast %parallel_loop3A_585 : i32 to index
      %parallel_loop3A_666 = tpu.vector_load %arg6[%parallel_loop3A_664, %parallel_loop3A_665] {strides = array<i32>} : memref<20x256xi32, #tpu.memory_space<vmem>>, vector<16xi32>,
      %parallel_loop3A_667 = tpu.vector_load_idx %arg5[%parallel_loop3A_666] : memref<100000xf32, #tpu.memory_space<vmem>>[vector<16xi32>], vector<16xf32>,
      %parallel_loop3A_668 = arith.constant 512 : i32
      %parallel_loop3A_669 = arith.addi %parallel_loop3A_668, %parallel_loop3A_585 : i32
      %parallel_loop3A_670 = arith.constant 7 : i32
      %parallel_loop3A_671 = arith.index_cast %parallel_loop3A_670 : i32 to index
      %parallel_loop3A_672 = arith.index_cast %parallel_loop3A_669 : i32 to index
      %parallel_loop3A_673 = tpu.vector_load %arg7[%parallel_loop3A_671, %parallel_loop3A_672] {strides = array<i32>} : memref<20x1024xf32, #tpu.memory_space<vmem>>, vector<16xf32>,
      tpu.vector_store %arg7[%parallel_loop3A_671, %parallel_loop3A_672], %parallel_loop3A_667 {strides = array<i32>} : memref<20x1024xf32, #tpu.memory_space<vmem>>, vector<16xf32>,
      %parallel_loop3A_674 = arith.constant 8 : i32
      %parallel_loop3A_675 = arith.index_cast %parallel_loop3A_674 : i32 to index
      %parallel_loop3A_676 = arith.index_cast %parallel_loop3A_585 : i32 to index
      %parallel_loop3A_677 = tpu.vector_load %arg6[%parallel_loop3A_675, %parallel_loop3A_676] {strides = array<i32>} : memref<20x256xi32, #tpu.memory_space<vmem>>, vector<16xi32>,
      %parallel_loop3A_678 = tpu.vector_load_idx %arg5[%parallel_loop3A_677] : memref<100000xf32, #tpu.memory_space<vmem>>[vector<16xi32>], vector<16xf32>,
      %parallel_loop3A_679 = arith.constant 512 : i32
      %parallel_loop3A_680 = arith.addi %parallel_loop3A_679, %parallel_loop3A_585 : i32
      %parallel_loop3A_681 = arith.constant 8 : i32
      %parallel_loop3A_682 = arith.index_cast %parallel_loop3A_681 : i32 to index
      %parallel_loop3A_683 = arith.index_cast %parallel_loop3A_680 : i32 to index
      %parallel_loop3A_684 = tpu.vector_load %arg7[%parallel_loop3A_682, %parallel_loop3A_683] {strides = array<i32>} : memref<20x1024xf32, #tpu.memory_space<vmem>>, vector<16xf32>,
      tpu.vector_store %arg7[%parallel_loop3A_682, %parallel_loop3A_683], %parallel_loop3A_678 {strides = array<i32>} : memref<20x1024xf32, #tpu.memory_space<vmem>>, vector<16xf32>,
      %parallel_loop3A_685 = arith.constant 9 : i32
      %parallel_loop3A_686 = arith.index_cast %parallel_loop3A_685 : i32 to index
      %parallel_loop3A_687 = arith.index_cast %parallel_loop3A_585 : i32 to index
      %parallel_loop3A_688 = tpu.vector_load %arg6[%parallel_loop3A_686, %parallel_loop3A_687] {strides = array<i32>} : memref<20x256xi32, #tpu.memory_space<vmem>>, vector<16xi32>,
      %parallel_loop3A_689 = tpu.vector_load_idx %arg5[%parallel_loop3A_688] : memref<100000xf32, #tpu.memory_space<vmem>>[vector<16xi32>], vector<16xf32>,
      %parallel_loop3A_690 = arith.constant 512 : i32
      %parallel_loop3A_691 = arith.addi %parallel_loop3A_690, %parallel_loop3A_585 : i32
      %parallel_loop3A_692 = arith.constant 9 : i32
      %parallel_loop3A_693 = arith.index_cast %parallel_loop3A_692 : i32 to index
      %parallel_loop3A_694 = arith.index_cast %parallel_loop3A_691 : i32 to index
      %parallel_loop3A_695 = tpu.vector_load %arg7[%parallel_loop3A_693, %parallel_loop3A_694] {strides = array<i32>} : memref<20x1024xf32, #tpu.memory_space<vmem>>, vector<16xf32>,
      tpu.vector_store %arg7[%parallel_loop3A_693, %parallel_loop3A_694], %parallel_loop3A_689 {strides = array<i32>} : memref<20x1024xf32, #tpu.memory_space<vmem>>, vector<16xf32>,
      %parallel_loop3A_696 = arith.constant 10 : i32
      %parallel_loop3A_697 = arith.index_cast %parallel_loop3A_696 : i32 to index
      %parallel_loop3A_698 = arith.index_cast %parallel_loop3A_585 : i32 to index
      %parallel_loop3A_699 = tpu.vector_load %arg6[%parallel_loop3A_697, %parallel_loop3A_698] {strides = array<i32>} : memref<20x256xi32, #tpu.memory_space<vmem>>, vector<16xi32>,
      %parallel_loop3A_700 = tpu.vector_load_idx %arg5[%parallel_loop3A_699] : memref<100000xf32, #tpu.memory_space<vmem>>[vector<16xi32>], vector<16xf32>,
      %parallel_loop3A_701 = arith.constant 512 : i32
      %parallel_loop3A_702 = arith.addi %parallel_loop3A_701, %parallel_loop3A_585 : i32
      %parallel_loop3A_703 = arith.constant 10 : i32
      %parallel_loop3A_704 = arith.index_cast %parallel_loop3A_703 : i32 to index
      %parallel_loop3A_705 = arith.index_cast %parallel_loop3A_702 : i32 to index
      %parallel_loop3A_706 = tpu.vector_load %arg7[%parallel_loop3A_704, %parallel_loop3A_705] {strides = array<i32>} : memref<20x1024xf32, #tpu.memory_space<vmem>>, vector<16xf32>,
      tpu.vector_store %arg7[%parallel_loop3A_704, %parallel_loop3A_705], %parallel_loop3A_700 {strides = array<i32>} : memref<20x1024xf32, #tpu.memory_space<vmem>>, vector<16xf32>,
      %parallel_loop3A_707 = arith.constant 11 : i32
      %parallel_loop3A_708 = arith.index_cast %parallel_loop3A_707 : i32 to index
      %parallel_loop3A_709 = arith.index_cast %parallel_loop3A_585 : i32 to index
      %parallel_loop3A_710 = tpu.vector_load %arg6[%parallel_loop3A_708, %parallel_loop3A_709] {strides = array<i32>} : memref<20x256xi32, #tpu.memory_space<vmem>>, vector<16xi32>,
      %parallel_loop3A_711 = tpu.vector_load_idx %arg5[%parallel_loop3A_710] : memref<100000xf32, #tpu.memory_space<vmem>>[vector<16xi32>], vector<16xf32>,
      %parallel_loop3A_712 = arith.constant 512 : i32
      %parallel_loop3A_713 = arith.addi %parallel_loop3A_712, %parallel_loop3A_585 : i32
      %parallel_loop3A_714 = arith.constant 11 : i32
      %parallel_loop3A_715 = arith.index_cast %parallel_loop3A_714 : i32 to index
      %parallel_loop3A_716 = arith.index_cast %parallel_loop3A_713 : i32 to index
      %parallel_loop3A_717 = tpu.vector_load %arg7[%parallel_loop3A_715, %parallel_loop3A_716] {strides = array<i32>} : memref<20x1024xf32, #tpu.memory_space<vmem>>, vector<16xf32>,
      tpu.vector_store %arg7[%parallel_loop3A_715, %parallel_loop3A_716], %parallel_loop3A_711 {strides = array<i32>} : memref<20x1024xf32, #tpu.memory_space<vmem>>, vector<16xf32>,
      %parallel_loop3A_718 = arith.constant 12 : i32
      %parallel_loop3A_719 = arith.index_cast %parallel_loop3A_718 : i32 to index
      %parallel_loop3A_720 = arith.index_cast %parallel_loop3A_585 : i32 to index
      %parallel_loop3A_721 = tpu.vector_load %arg6[%parallel_loop3A_719, %parallel_loop3A_720] {strides = array<i32>} : memref<20x256xi32, #tpu.memory_space<vmem>>, vector<16xi32>,
      %parallel_loop3A_722 = tpu.vector_load_idx %arg5[%parallel_loop3A_721] : memref<100000xf32, #tpu.memory_space<vmem>>[vector<16xi32>], vector<16xf32>,
      %parallel_loop3A_723 = arith.constant 512 : i32
      %parallel_loop3A_724 = arith.addi %parallel_loop3A_723, %parallel_loop3A_585 : i32
      %parallel_loop3A_725 = arith.constant 12 : i32
      %parallel_loop3A_726 = arith.index_cast %parallel_loop3A_725 : i32 to index
      %parallel_loop3A_727 = arith.index_cast %parallel_loop3A_724 : i32 to index
      %parallel_loop3A_728 = tpu.vector_load %arg7[%parallel_loop3A_726, %parallel_loop3A_727] {strides = array<i32>} : memref<20x1024xf32, #tpu.memory_space<vmem>>, vector<16xf32>,
      tpu.vector_store %arg7[%parallel_loop3A_726, %parallel_loop3A_727], %parallel_loop3A_722 {strides = array<i32>} : memref<20x1024xf32, #tpu.memory_space<vmem>>, vector<16xf32>,
      %parallel_loop3A_729 = arith.constant 13 : i32
      %parallel_loop3A_730 = arith.index_cast %parallel_loop3A_729 : i32 to index
      %parallel_loop3A_731 = arith.index_cast %parallel_loop3A_585 : i32 to index
      %parallel_loop3A_732 = tpu.vector_load %arg6[%parallel_loop3A_730, %parallel_loop3A_731] {strides = array<i32>} : memref<20x256xi32, #tpu.memory_space<vmem>>, vector<16xi32>,
      %parallel_loop3A_733 = tpu.vector_load_idx %arg5[%parallel_loop3A_732] : memref<100000xf32, #tpu.memory_space<vmem>>[vector<16xi32>], vector<16xf32>,
      %parallel_loop3A_734 = arith.constant 512 : i32
      %parallel_loop3A_735 = arith.addi %parallel_loop3A_734, %parallel_loop3A_585 : i32
      %parallel_loop3A_736 = arith.constant 13 : i32
      %parallel_loop3A_737 = arith.index_cast %parallel_loop3A_736 : i32 to index
      %parallel_loop3A_738 = arith.index_cast %parallel_loop3A_735 : i32 to index
      %parallel_loop3A_739 = tpu.vector_load %arg7[%parallel_loop3A_737, %parallel_loop3A_738] {strides = array<i32>} : memref<20x1024xf32, #tpu.memory_space<vmem>>, vector<16xf32>,
      tpu.vector_store %arg7[%parallel_loop3A_737, %parallel_loop3A_738], %parallel_loop3A_733 {strides = array<i32>} : memref<20x1024xf32, #tpu.memory_space<vmem>>, vector<16xf32>,
      %parallel_loop3A_740 = arith.constant 14 : i32
      %parallel_loop3A_741 = arith.index_cast %parallel_loop3A_740 : i32 to index
      %parallel_loop3A_742 = arith.index_cast %parallel_loop3A_585 : i32 to index
      %parallel_loop3A_743 = tpu.vector_load %arg6[%parallel_loop3A_741, %parallel_loop3A_742] {strides = array<i32>} : memref<20x256xi32, #tpu.memory_space<vmem>>, vector<16xi32>,
      %parallel_loop3A_744 = tpu.vector_load_idx %arg5[%parallel_loop3A_743] : memref<100000xf32, #tpu.memory_space<vmem>>[vector<16xi32>], vector<16xf32>,
      %parallel_loop3A_745 = arith.constant 512 : i32
      %parallel_loop3A_746 = arith.addi %parallel_loop3A_745, %parallel_loop3A_585 : i32
      %parallel_loop3A_747 = arith.constant 14 : i32
      %parallel_loop3A_748 = arith.index_cast %parallel_loop3A_747 : i32 to index
      %parallel_loop3A_749 = arith.index_cast %parallel_loop3A_746 : i32 to index
      %parallel_loop3A_750 = tpu.vector_load %arg7[%parallel_loop3A_748, %parallel_loop3A_749] {strides = array<i32>} : memref<20x1024xf32, #tpu.memory_space<vmem>>, vector<16xf32>,
      tpu.vector_store %arg7[%parallel_loop3A_748, %parallel_loop3A_749], %parallel_loop3A_744 {strides = array<i32>} : memref<20x1024xf32, #tpu.memory_space<vmem>>, vector<16xf32>,
      %parallel_loop3A_751 = arith.constant 15 : i32
      %parallel_loop3A_752 = arith.index_cast %parallel_loop3A_751 : i32 to index
      %parallel_loop3A_753 = arith.index_cast %parallel_loop3A_585 : i32 to index
      %parallel_loop3A_754 = tpu.vector_load %arg6[%parallel_loop3A_752, %parallel_loop3A_753] {strides = array<i32>} : memref<20x256xi32, #tpu.memory_space<vmem>>, vector<16xi32>,
      %parallel_loop3A_755 = tpu.vector_load_idx %arg5[%parallel_loop3A_754] : memref<100000xf32, #tpu.memory_space<vmem>>[vector<16xi32>], vector<16xf32>,
      %parallel_loop3A_756 = arith.constant 512 : i32
      %parallel_loop3A_757 = arith.addi %parallel_loop3A_756, %parallel_loop3A_585 : i32
      %parallel_loop3A_758 = arith.constant 15 : i32
      %parallel_loop3A_759 = arith.index_cast %parallel_loop3A_758 : i32 to index
      %parallel_loop3A_760 = arith.index_cast %parallel_loop3A_757 : i32 to index
      %parallel_loop3A_761 = tpu.vector_load %arg7[%parallel_loop3A_759, %parallel_loop3A_760] {strides = array<i32>} : memref<20x1024xf32, #tpu.memory_space<vmem>>, vector<16xf32>,
      tpu.vector_store %arg7[%parallel_loop3A_759, %parallel_loop3A_760], %parallel_loop3A_755 {strides = array<i32>} : memref<20x1024xf32, #tpu.memory_space<vmem>>, vector<16xf32>,
      %parallel_loop3A_762 = arith.constant 16 : i32
      %parallel_loop3A_763 = arith.index_cast %parallel_loop3A_762 : i32 to index
      %parallel_loop3A_764 = arith.index_cast %parallel_loop3A_585 : i32 to index
      %parallel_loop3A_765 = tpu.vector_load %arg6[%parallel_loop3A_763, %parallel_loop3A_764] {strides = array<i32>} : memref<20x256xi32, #tpu.memory_space<vmem>>, vector<16xi32>,
      %parallel_loop3A_766 = tpu.vector_load_idx %arg5[%parallel_loop3A_765] : memref<100000xf32, #tpu.memory_space<vmem>>[vector<16xi32>], vector<16xf32>,
      %parallel_loop3A_767 = arith.constant 512 : i32
      %parallel_loop3A_768 = arith.addi %parallel_loop3A_767, %parallel_loop3A_585 : i32
      %parallel_loop3A_769 = arith.constant 16 : i32
      %parallel_loop3A_770 = arith.index_cast %parallel_loop3A_769 : i32 to index
      %parallel_loop3A_771 = arith.index_cast %parallel_loop3A_768 : i32 to index
      %parallel_loop3A_772 = tpu.vector_load %arg7[%parallel_loop3A_770, %parallel_loop3A_771] {strides = array<i32>} : memref<20x1024xf32, #tpu.memory_space<vmem>>, vector<16xf32>,
      tpu.vector_store %arg7[%parallel_loop3A_770, %parallel_loop3A_771], %parallel_loop3A_766 {strides = array<i32>} : memref<20x1024xf32, #tpu.memory_space<vmem>>, vector<16xf32>,
      %parallel_loop3A_773 = arith.constant 17 : i32
      %parallel_loop3A_774 = arith.index_cast %parallel_loop3A_773 : i32 to index
      %parallel_loop3A_775 = arith.index_cast %parallel_loop3A_585 : i32 to index
      %parallel_loop3A_776 = tpu.vector_load %arg6[%parallel_loop3A_774, %parallel_loop3A_775] {strides = array<i32>} : memref<20x256xi32, #tpu.memory_space<vmem>>, vector<16xi32>,
      %parallel_loop3A_777 = tpu.vector_load_idx %arg5[%parallel_loop3A_776] : memref<100000xf32, #tpu.memory_space<vmem>>[vector<16xi32>], vector<16xf32>,
      %parallel_loop3A_778 = arith.constant 512 : i32
      %parallel_loop3A_779 = arith.addi %parallel_loop3A_778, %parallel_loop3A_585 : i32
      %parallel_loop3A_780 = arith.constant 17 : i32
      %parallel_loop3A_781 = arith.index_cast %parallel_loop3A_780 : i32 to index
      %parallel_loop3A_782 = arith.index_cast %parallel_loop3A_779 : i32 to index
      %parallel_loop3A_783 = tpu.vector_load %arg7[%parallel_loop3A_781, %parallel_loop3A_782] {strides = array<i32>} : memref<20x1024xf32, #tpu.memory_space<vmem>>, vector<16xf32>,
      tpu.vector_store %arg7[%parallel_loop3A_781, %parallel_loop3A_782], %parallel_loop3A_777 {strides = array<i32>} : memref<20x1024xf32, #tpu.memory_space<vmem>>, vector<16xf32>,
      %parallel_loop3A_784 = arith.constant 18 : i32
      %parallel_loop3A_785 = arith.index_cast %parallel_loop3A_784 : i32 to index
      %parallel_loop3A_786 = arith.index_cast %parallel_loop3A_585 : i32 to index
      %parallel_loop3A_787 = tpu.vector_load %arg6[%parallel_loop3A_785, %parallel_loop3A_786] {strides = array<i32>} : memref<20x256xi32, #tpu.memory_space<vmem>>, vector<16xi32>,
      %parallel_loop3A_788 = tpu.vector_load_idx %arg5[%parallel_loop3A_787] : memref<100000xf32, #tpu.memory_space<vmem>>[vector<16xi32>], vector<16xf32>,
      %parallel_loop3A_789 = arith.constant 512 : i32
      %parallel_loop3A_790 = arith.addi %parallel_loop3A_789, %parallel_loop3A_585 : i32
      %parallel_loop3A_791 = arith.constant 18 : i32
      %parallel_loop3A_792 = arith.index_cast %parallel_loop3A_791 : i32 to index
      %parallel_loop3A_793 = arith.index_cast %parallel_loop3A_790 : i32 to index
      %parallel_loop3A_794 = tpu.vector_load %arg7[%parallel_loop3A_792, %parallel_loop3A_793] {strides = array<i32>} : memref<20x1024xf32, #tpu.memory_space<vmem>>, vector<16xf32>,
      tpu.vector_store %arg7[%parallel_loop3A_792, %parallel_loop3A_793], %parallel_loop3A_788 {strides = array<i32>} : memref<20x1024xf32, #tpu.memory_space<vmem>>, vector<16xf32>,
      %parallel_loop3A_795 = arith.constant 19 : i32
      %parallel_loop3A_796 = arith.index_cast %parallel_loop3A_795 : i32 to index
      %parallel_loop3A_797 = arith.index_cast %parallel_loop3A_585 : i32 to index
      %parallel_loop3A_798 = tpu.vector_load %arg6[%parallel_loop3A_796, %parallel_loop3A_797] {strides = array<i32>} : memref<20x256xi32, #tpu.memory_space<vmem>>, vector<16xi32>,
      %parallel_loop3A_799 = tpu.vector_load_idx %arg5[%parallel_loop3A_798] : memref<100000xf32, #tpu.memory_space<vmem>>[vector<16xi32>], vector<16xf32>,
      %parallel_loop3A_800 = arith.constant 512 : i32
      %parallel_loop3A_801 = arith.addi %parallel_loop3A_800, %parallel_loop3A_585 : i32
      %parallel_loop3A_802 = arith.constant 19 : i32
      %parallel_loop3A_803 = arith.index_cast %parallel_loop3A_802 : i32 to index
      %parallel_loop3A_804 = arith.index_cast %parallel_loop3A_801 : i32 to index
      %parallel_loop3A_805 = tpu.vector_load %arg7[%parallel_loop3A_803, %parallel_loop3A_804] {strides = array<i32>} : memref<20x1024xf32, #tpu.memory_space<vmem>>, vector<16xf32>,
      tpu.vector_store %arg7[%parallel_loop3A_803, %parallel_loop3A_804], %parallel_loop3A_799 {strides = array<i32>} : memref<20x1024xf32, #tpu.memory_space<vmem>>, vector<16xf32>,
    } {sc.loop_unroll_factor = 2 : i64, sc.parallel_access}
    "tpu.region"() ({
      %run_scoped3A = tpu.sem_alloc : memref<!tpu.dma_semaphore, #tpu.memory_space<semaphore_mem>>
      %dma_start3A_582 = arith.constant 0 : i32
      %dma_start3A_583 = arith.constant 768 : i32
      %dma_start3A_584 = tpu.memref_slice %arg3[%dma_start3A_582, %dma_start3A_583] : memref<20x1024xi32, #tpu.memory_space<hbm>> -> memref<20x256xi32, #tpu.memory_space<hbm>>
      %dma_start3A_585 = arith.constant 0 : i32
      %dma_start3A_586 = arith.constant 768 : i32
      %dma_start3A_587 = tpu.memref_slice %arg3[%dma_start3A_585, %dma_start3A_586] : memref<20x1024xi32, #tpu.memory_space<hbm>> -> memref<20x256xi32, #tpu.memory_space<hbm>>
      tpu.enqueue_dma source(%dma_start3A_587 : memref<20x256xi32, #tpu.memory_space<hbm>>) target(%arg6 : memref<20x256xi32, #tpu.memory_space<vmem>>) target_semaphore(%run_scoped3A : memref<!tpu.dma_semaphore, #tpu.memory_space<semaphore_mem>>)
      %dma_wait3A_588 = arith.constant 0 : i32
      %dma_wait3A_589 = arith.constant 768 : i32
      %dma_wait3A_590 = tpu.memref_slice %arg3[%dma_wait3A_588, %dma_wait3A_589] : memref<20x1024xi32, #tpu.memory_space<hbm>> -> memref<20x256xi32, #tpu.memory_space<hbm>>
      %dma_wait3A_591 = arith.constant 0 : i32
      %dma_wait3A_592 = arith.constant 768 : i32
      %dma_wait3A_593 = tpu.memref_slice %arg3[%dma_wait3A_591, %dma_wait3A_592] : memref<20x1024xi32, #tpu.memory_space<hbm>> -> memref<20x256xi32, #tpu.memory_space<hbm>>
      tpu.wait_dma2 semaphore(%run_scoped3A : memref<!tpu.dma_semaphore, #tpu.memory_space<semaphore_mem>>) src(%dma_wait3A_593 : memref<20x256xi32, #tpu.memory_space<hbm>>) dst(%arg6 : memref<20x256xi32, #tpu.memory_space<vmem>>)
      tpu.yield
    }) : () -> ()
    %parallel_loop3A_19 = arith.constant 0 : i32
    %parallel_loop3A_20 = arith.constant 16 : i32
    %parallel_loop3A_21 = arith.constant 1 : i32
    scf.for %parallel_loop3A_582 = %parallel_loop3A_19 to %parallel_loop3A_20 step %parallel_loop3A_21  : i32 {
      %parallel_loop3A_583 = arith.constant 16 : i32
      %parallel_loop3A_584 = arith.muli %parallel_loop3A_582, %parallel_loop3A_583 : i32
      %parallel_loop3A_585 = tpu.assume_multiple %parallel_loop3A_584, 16 : i32
      %parallel_loop3A_586 = arith.constant 0 : i32
      %parallel_loop3A_587 = arith.index_cast %parallel_loop3A_586 : i32 to index
      %parallel_loop3A_588 = arith.index_cast %parallel_loop3A_585 : i32 to index
      %parallel_loop3A_589 = tpu.vector_load %arg6[%parallel_loop3A_587, %parallel_loop3A_588] {strides = array<i32>} : memref<20x256xi32, #tpu.memory_space<vmem>>, vector<16xi32>,
      %parallel_loop3A_590 = tpu.vector_load_idx %arg5[%parallel_loop3A_589] : memref<100000xf32, #tpu.memory_space<vmem>>[vector<16xi32>], vector<16xf32>,
      %parallel_loop3A_591 = arith.constant 768 : i32
      %parallel_loop3A_592 = arith.addi %parallel_loop3A_591, %parallel_loop3A_585 : i32
      %parallel_loop3A_593 = arith.constant 0 : i32
      %parallel_loop3A_594 = arith.index_cast %parallel_loop3A_593 : i32 to index
      %parallel_loop3A_595 = arith.index_cast %parallel_loop3A_592 : i32 to index
      %parallel_loop3A_596 = tpu.vector_load %arg7[%parallel_loop3A_594, %parallel_loop3A_595] {strides = array<i32>} : memref<20x1024xf32, #tpu.memory_space<vmem>>, vector<16xf32>,
      tpu.vector_store %arg7[%parallel_loop3A_594, %parallel_loop3A_595], %parallel_loop3A_590 {strides = array<i32>} : memref<20x1024xf32, #tpu.memory_space<vmem>>, vector<16xf32>,
      %parallel_loop3A_597 = arith.constant 1 : i32
      %parallel_loop3A_598 = arith.index_cast %parallel_loop3A_597 : i32 to index
      %parallel_loop3A_599 = arith.index_cast %parallel_loop3A_585 : i32 to index
      %parallel_loop3A_600 = tpu.vector_load %arg6[%parallel_loop3A_598, %parallel_loop3A_599] {strides = array<i32>} : memref<20x256xi32, #tpu.memory_space<vmem>>, vector<16xi32>,
      %parallel_loop3A_601 = tpu.vector_load_idx %arg5[%parallel_loop3A_600] : memref<100000xf32, #tpu.memory_space<vmem>>[vector<16xi32>], vector<16xf32>,
      %parallel_loop3A_602 = arith.constant 768 : i32
      %parallel_loop3A_603 = arith.addi %parallel_loop3A_602, %parallel_loop3A_585 : i32
      %parallel_loop3A_604 = arith.constant 1 : i32
      %parallel_loop3A_605 = arith.index_cast %parallel_loop3A_604 : i32 to index
      %parallel_loop3A_606 = arith.index_cast %parallel_loop3A_603 : i32 to index
      %parallel_loop3A_607 = tpu.vector_load %arg7[%parallel_loop3A_605, %parallel_loop3A_606] {strides = array<i32>} : memref<20x1024xf32, #tpu.memory_space<vmem>>, vector<16xf32>,
      tpu.vector_store %arg7[%parallel_loop3A_605, %parallel_loop3A_606], %parallel_loop3A_601 {strides = array<i32>} : memref<20x1024xf32, #tpu.memory_space<vmem>>, vector<16xf32>,
      %parallel_loop3A_608 = arith.constant 2 : i32
      %parallel_loop3A_609 = arith.index_cast %parallel_loop3A_608 : i32 to index
      %parallel_loop3A_610 = arith.index_cast %parallel_loop3A_585 : i32 to index
      %parallel_loop3A_611 = tpu.vector_load %arg6[%parallel_loop3A_609, %parallel_loop3A_610] {strides = array<i32>} : memref<20x256xi32, #tpu.memory_space<vmem>>, vector<16xi32>,
      %parallel_loop3A_612 = tpu.vector_load_idx %arg5[%parallel_loop3A_611] : memref<100000xf32, #tpu.memory_space<vmem>>[vector<16xi32>], vector<16xf32>,
      %parallel_loop3A_613 = arith.constant 768 : i32
      %parallel_loop3A_614 = arith.addi %parallel_loop3A_613, %parallel_loop3A_585 : i32
      %parallel_loop3A_615 = arith.constant 2 : i32
      %parallel_loop3A_616 = arith.index_cast %parallel_loop3A_615 : i32 to index
      %parallel_loop3A_617 = arith.index_cast %parallel_loop3A_614 : i32 to index
      %parallel_loop3A_618 = tpu.vector_load %arg7[%parallel_loop3A_616, %parallel_loop3A_617] {strides = array<i32>} : memref<20x1024xf32, #tpu.memory_space<vmem>>, vector<16xf32>,
      tpu.vector_store %arg7[%parallel_loop3A_616, %parallel_loop3A_617], %parallel_loop3A_612 {strides = array<i32>} : memref<20x1024xf32, #tpu.memory_space<vmem>>, vector<16xf32>,
      %parallel_loop3A_619 = arith.constant 3 : i32
      %parallel_loop3A_620 = arith.index_cast %parallel_loop3A_619 : i32 to index
      %parallel_loop3A_621 = arith.index_cast %parallel_loop3A_585 : i32 to index
      %parallel_loop3A_622 = tpu.vector_load %arg6[%parallel_loop3A_620, %parallel_loop3A_621] {strides = array<i32>} : memref<20x256xi32, #tpu.memory_space<vmem>>, vector<16xi32>,
      %parallel_loop3A_623 = tpu.vector_load_idx %arg5[%parallel_loop3A_622] : memref<100000xf32, #tpu.memory_space<vmem>>[vector<16xi32>], vector<16xf32>,
      %parallel_loop3A_624 = arith.constant 768 : i32
      %parallel_loop3A_625 = arith.addi %parallel_loop3A_624, %parallel_loop3A_585 : i32
      %parallel_loop3A_626 = arith.constant 3 : i32
      %parallel_loop3A_627 = arith.index_cast %parallel_loop3A_626 : i32 to index
      %parallel_loop3A_628 = arith.index_cast %parallel_loop3A_625 : i32 to index
      %parallel_loop3A_629 = tpu.vector_load %arg7[%parallel_loop3A_627, %parallel_loop3A_628] {strides = array<i32>} : memref<20x1024xf32, #tpu.memory_space<vmem>>, vector<16xf32>,
      tpu.vector_store %arg7[%parallel_loop3A_627, %parallel_loop3A_628], %parallel_loop3A_623 {strides = array<i32>} : memref<20x1024xf32, #tpu.memory_space<vmem>>, vector<16xf32>,
      %parallel_loop3A_630 = arith.constant 4 : i32
      %parallel_loop3A_631 = arith.index_cast %parallel_loop3A_630 : i32 to index
      %parallel_loop3A_632 = arith.index_cast %parallel_loop3A_585 : i32 to index
      %parallel_loop3A_633 = tpu.vector_load %arg6[%parallel_loop3A_631, %parallel_loop3A_632] {strides = array<i32>} : memref<20x256xi32, #tpu.memory_space<vmem>>, vector<16xi32>,
      %parallel_loop3A_634 = tpu.vector_load_idx %arg5[%parallel_loop3A_633] : memref<100000xf32, #tpu.memory_space<vmem>>[vector<16xi32>], vector<16xf32>,
      %parallel_loop3A_635 = arith.constant 768 : i32
      %parallel_loop3A_636 = arith.addi %parallel_loop3A_635, %parallel_loop3A_585 : i32
      %parallel_loop3A_637 = arith.constant 4 : i32
      %parallel_loop3A_638 = arith.index_cast %parallel_loop3A_637 : i32 to index
      %parallel_loop3A_639 = arith.index_cast %parallel_loop3A_636 : i32 to index
      %parallel_loop3A_640 = tpu.vector_load %arg7[%parallel_loop3A_638, %parallel_loop3A_639] {strides = array<i32>} : memref<20x1024xf32, #tpu.memory_space<vmem>>, vector<16xf32>,
      tpu.vector_store %arg7[%parallel_loop3A_638, %parallel_loop3A_639], %parallel_loop3A_634 {strides = array<i32>} : memref<20x1024xf32, #tpu.memory_space<vmem>>, vector<16xf32>,
      %parallel_loop3A_641 = arith.constant 5 : i32
      %parallel_loop3A_642 = arith.index_cast %parallel_loop3A_641 : i32 to index
      %parallel_loop3A_643 = arith.index_cast %parallel_loop3A_585 : i32 to index
      %parallel_loop3A_644 = tpu.vector_load %arg6[%parallel_loop3A_642, %parallel_loop3A_643] {strides = array<i32>} : memref<20x256xi32, #tpu.memory_space<vmem>>, vector<16xi32>,
      %parallel_loop3A_645 = tpu.vector_load_idx %arg5[%parallel_loop3A_644] : memref<100000xf32, #tpu.memory_space<vmem>>[vector<16xi32>], vector<16xf32>,
      %parallel_loop3A_646 = arith.constant 768 : i32
      %parallel_loop3A_647 = arith.addi %parallel_loop3A_646, %parallel_loop3A_585 : i32
      %parallel_loop3A_648 = arith.constant 5 : i32
      %parallel_loop3A_649 = arith.index_cast %parallel_loop3A_648 : i32 to index
      %parallel_loop3A_650 = arith.index_cast %parallel_loop3A_647 : i32 to index
      %parallel_loop3A_651 = tpu.vector_load %arg7[%parallel_loop3A_649, %parallel_loop3A_650] {strides = array<i32>} : memref<20x1024xf32, #tpu.memory_space<vmem>>, vector<16xf32>,
      tpu.vector_store %arg7[%parallel_loop3A_649, %parallel_loop3A_650], %parallel_loop3A_645 {strides = array<i32>} : memref<20x1024xf32, #tpu.memory_space<vmem>>, vector<16xf32>,
      %parallel_loop3A_652 = arith.constant 6 : i32
      %parallel_loop3A_653 = arith.index_cast %parallel_loop3A_652 : i32 to index
      %parallel_loop3A_654 = arith.index_cast %parallel_loop3A_585 : i32 to index
      %parallel_loop3A_655 = tpu.vector_load %arg6[%parallel_loop3A_653, %parallel_loop3A_654] {strides = array<i32>} : memref<20x256xi32, #tpu.memory_space<vmem>>, vector<16xi32>,
      %parallel_loop3A_656 = tpu.vector_load_idx %arg5[%parallel_loop3A_655] : memref<100000xf32, #tpu.memory_space<vmem>>[vector<16xi32>], vector<16xf32>,
      %parallel_loop3A_657 = arith.constant 768 : i32
      %parallel_loop3A_658 = arith.addi %parallel_loop3A_657, %parallel_loop3A_585 : i32
      %parallel_loop3A_659 = arith.constant 6 : i32
      %parallel_loop3A_660 = arith.index_cast %parallel_loop3A_659 : i32 to index
      %parallel_loop3A_661 = arith.index_cast %parallel_loop3A_658 : i32 to index
      %parallel_loop3A_662 = tpu.vector_load %arg7[%parallel_loop3A_660, %parallel_loop3A_661] {strides = array<i32>} : memref<20x1024xf32, #tpu.memory_space<vmem>>, vector<16xf32>,
      tpu.vector_store %arg7[%parallel_loop3A_660, %parallel_loop3A_661], %parallel_loop3A_656 {strides = array<i32>} : memref<20x1024xf32, #tpu.memory_space<vmem>>, vector<16xf32>,
      %parallel_loop3A_663 = arith.constant 7 : i32
      %parallel_loop3A_664 = arith.index_cast %parallel_loop3A_663 : i32 to index
      %parallel_loop3A_665 = arith.index_cast %parallel_loop3A_585 : i32 to index
      %parallel_loop3A_666 = tpu.vector_load %arg6[%parallel_loop3A_664, %parallel_loop3A_665] {strides = array<i32>} : memref<20x256xi32, #tpu.memory_space<vmem>>, vector<16xi32>,
      %parallel_loop3A_667 = tpu.vector_load_idx %arg5[%parallel_loop3A_666] : memref<100000xf32, #tpu.memory_space<vmem>>[vector<16xi32>], vector<16xf32>,
      %parallel_loop3A_668 = arith.constant 768 : i32
      %parallel_loop3A_669 = arith.addi %parallel_loop3A_668, %parallel_loop3A_585 : i32
      %parallel_loop3A_670 = arith.constant 7 : i32
      %parallel_loop3A_671 = arith.index_cast %parallel_loop3A_670 : i32 to index
      %parallel_loop3A_672 = arith.index_cast %parallel_loop3A_669 : i32 to index
      %parallel_loop3A_673 = tpu.vector_load %arg7[%parallel_loop3A_671, %parallel_loop3A_672] {strides = array<i32>} : memref<20x1024xf32, #tpu.memory_space<vmem>>, vector<16xf32>,
      tpu.vector_store %arg7[%parallel_loop3A_671, %parallel_loop3A_672], %parallel_loop3A_667 {strides = array<i32>} : memref<20x1024xf32, #tpu.memory_space<vmem>>, vector<16xf32>,
      %parallel_loop3A_674 = arith.constant 8 : i32
      %parallel_loop3A_675 = arith.index_cast %parallel_loop3A_674 : i32 to index
      %parallel_loop3A_676 = arith.index_cast %parallel_loop3A_585 : i32 to index
      %parallel_loop3A_677 = tpu.vector_load %arg6[%parallel_loop3A_675, %parallel_loop3A_676] {strides = array<i32>} : memref<20x256xi32, #tpu.memory_space<vmem>>, vector<16xi32>,
      %parallel_loop3A_678 = tpu.vector_load_idx %arg5[%parallel_loop3A_677] : memref<100000xf32, #tpu.memory_space<vmem>>[vector<16xi32>], vector<16xf32>,
      %parallel_loop3A_679 = arith.constant 768 : i32
      %parallel_loop3A_680 = arith.addi %parallel_loop3A_679, %parallel_loop3A_585 : i32
      %parallel_loop3A_681 = arith.constant 8 : i32
      %parallel_loop3A_682 = arith.index_cast %parallel_loop3A_681 : i32 to index
      %parallel_loop3A_683 = arith.index_cast %parallel_loop3A_680 : i32 to index
      %parallel_loop3A_684 = tpu.vector_load %arg7[%parallel_loop3A_682, %parallel_loop3A_683] {strides = array<i32>} : memref<20x1024xf32, #tpu.memory_space<vmem>>, vector<16xf32>,
      tpu.vector_store %arg7[%parallel_loop3A_682, %parallel_loop3A_683], %parallel_loop3A_678 {strides = array<i32>} : memref<20x1024xf32, #tpu.memory_space<vmem>>, vector<16xf32>,
      %parallel_loop3A_685 = arith.constant 9 : i32
      %parallel_loop3A_686 = arith.index_cast %parallel_loop3A_685 : i32 to index
      %parallel_loop3A_687 = arith.index_cast %parallel_loop3A_585 : i32 to index
      %parallel_loop3A_688 = tpu.vector_load %arg6[%parallel_loop3A_686, %parallel_loop3A_687] {strides = array<i32>} : memref<20x256xi32, #tpu.memory_space<vmem>>, vector<16xi32>,
      %parallel_loop3A_689 = tpu.vector_load_idx %arg5[%parallel_loop3A_688] : memref<100000xf32, #tpu.memory_space<vmem>>[vector<16xi32>], vector<16xf32>,
      %parallel_loop3A_690 = arith.constant 768 : i32
      %parallel_loop3A_691 = arith.addi %parallel_loop3A_690, %parallel_loop3A_585 : i32
      %parallel_loop3A_692 = arith.constant 9 : i32
      %parallel_loop3A_693 = arith.index_cast %parallel_loop3A_692 : i32 to index
      %parallel_loop3A_694 = arith.index_cast %parallel_loop3A_691 : i32 to index
      %parallel_loop3A_695 = tpu.vector_load %arg7[%parallel_loop3A_693, %parallel_loop3A_694] {strides = array<i32>} : memref<20x1024xf32, #tpu.memory_space<vmem>>, vector<16xf32>,
      tpu.vector_store %arg7[%parallel_loop3A_693, %parallel_loop3A_694], %parallel_loop3A_689 {strides = array<i32>} : memref<20x1024xf32, #tpu.memory_space<vmem>>, vector<16xf32>,
      %parallel_loop3A_696 = arith.constant 10 : i32
      %parallel_loop3A_697 = arith.index_cast %parallel_loop3A_696 : i32 to index
      %parallel_loop3A_698 = arith.index_cast %parallel_loop3A_585 : i32 to index
      %parallel_loop3A_699 = tpu.vector_load %arg6[%parallel_loop3A_697, %parallel_loop3A_698] {strides = array<i32>} : memref<20x256xi32, #tpu.memory_space<vmem>>, vector<16xi32>,
      %parallel_loop3A_700 = tpu.vector_load_idx %arg5[%parallel_loop3A_699] : memref<100000xf32, #tpu.memory_space<vmem>>[vector<16xi32>], vector<16xf32>,
      %parallel_loop3A_701 = arith.constant 768 : i32
      %parallel_loop3A_702 = arith.addi %parallel_loop3A_701, %parallel_loop3A_585 : i32
      %parallel_loop3A_703 = arith.constant 10 : i32
      %parallel_loop3A_704 = arith.index_cast %parallel_loop3A_703 : i32 to index
      %parallel_loop3A_705 = arith.index_cast %parallel_loop3A_702 : i32 to index
      %parallel_loop3A_706 = tpu.vector_load %arg7[%parallel_loop3A_704, %parallel_loop3A_705] {strides = array<i32>} : memref<20x1024xf32, #tpu.memory_space<vmem>>, vector<16xf32>,
      tpu.vector_store %arg7[%parallel_loop3A_704, %parallel_loop3A_705], %parallel_loop3A_700 {strides = array<i32>} : memref<20x1024xf32, #tpu.memory_space<vmem>>, vector<16xf32>,
      %parallel_loop3A_707 = arith.constant 11 : i32
      %parallel_loop3A_708 = arith.index_cast %parallel_loop3A_707 : i32 to index
      %parallel_loop3A_709 = arith.index_cast %parallel_loop3A_585 : i32 to index
      %parallel_loop3A_710 = tpu.vector_load %arg6[%parallel_loop3A_708, %parallel_loop3A_709] {strides = array<i32>} : memref<20x256xi32, #tpu.memory_space<vmem>>, vector<16xi32>,
      %parallel_loop3A_711 = tpu.vector_load_idx %arg5[%parallel_loop3A_710] : memref<100000xf32, #tpu.memory_space<vmem>>[vector<16xi32>], vector<16xf32>,
      %parallel_loop3A_712 = arith.constant 768 : i32
      %parallel_loop3A_713 = arith.addi %parallel_loop3A_712, %parallel_loop3A_585 : i32
      %parallel_loop3A_714 = arith.constant 11 : i32
      %parallel_loop3A_715 = arith.index_cast %parallel_loop3A_714 : i32 to index
      %parallel_loop3A_716 = arith.index_cast %parallel_loop3A_713 : i32 to index
      %parallel_loop3A_717 = tpu.vector_load %arg7[%parallel_loop3A_715, %parallel_loop3A_716] {strides = array<i32>} : memref<20x1024xf32, #tpu.memory_space<vmem>>, vector<16xf32>,
      tpu.vector_store %arg7[%parallel_loop3A_715, %parallel_loop3A_716], %parallel_loop3A_711 {strides = array<i32>} : memref<20x1024xf32, #tpu.memory_space<vmem>>, vector<16xf32>,
      %parallel_loop3A_718 = arith.constant 12 : i32
      %parallel_loop3A_719 = arith.index_cast %parallel_loop3A_718 : i32 to index
      %parallel_loop3A_720 = arith.index_cast %parallel_loop3A_585 : i32 to index
      %parallel_loop3A_721 = tpu.vector_load %arg6[%parallel_loop3A_719, %parallel_loop3A_720] {strides = array<i32>} : memref<20x256xi32, #tpu.memory_space<vmem>>, vector<16xi32>,
      %parallel_loop3A_722 = tpu.vector_load_idx %arg5[%parallel_loop3A_721] : memref<100000xf32, #tpu.memory_space<vmem>>[vector<16xi32>], vector<16xf32>,
      %parallel_loop3A_723 = arith.constant 768 : i32
      %parallel_loop3A_724 = arith.addi %parallel_loop3A_723, %parallel_loop3A_585 : i32
      %parallel_loop3A_725 = arith.constant 12 : i32
      %parallel_loop3A_726 = arith.index_cast %parallel_loop3A_725 : i32 to index
      %parallel_loop3A_727 = arith.index_cast %parallel_loop3A_724 : i32 to index
      %parallel_loop3A_728 = tpu.vector_load %arg7[%parallel_loop3A_726, %parallel_loop3A_727] {strides = array<i32>} : memref<20x1024xf32, #tpu.memory_space<vmem>>, vector<16xf32>,
      tpu.vector_store %arg7[%parallel_loop3A_726, %parallel_loop3A_727], %parallel_loop3A_722 {strides = array<i32>} : memref<20x1024xf32, #tpu.memory_space<vmem>>, vector<16xf32>,
      %parallel_loop3A_729 = arith.constant 13 : i32
      %parallel_loop3A_730 = arith.index_cast %parallel_loop3A_729 : i32 to index
      %parallel_loop3A_731 = arith.index_cast %parallel_loop3A_585 : i32 to index
      %parallel_loop3A_732 = tpu.vector_load %arg6[%parallel_loop3A_730, %parallel_loop3A_731] {strides = array<i32>} : memref<20x256xi32, #tpu.memory_space<vmem>>, vector<16xi32>,
      %parallel_loop3A_733 = tpu.vector_load_idx %arg5[%parallel_loop3A_732] : memref<100000xf32, #tpu.memory_space<vmem>>[vector<16xi32>], vector<16xf32>,
      %parallel_loop3A_734 = arith.constant 768 : i32
      %parallel_loop3A_735 = arith.addi %parallel_loop3A_734, %parallel_loop3A_585 : i32
      %parallel_loop3A_736 = arith.constant 13 : i32
      %parallel_loop3A_737 = arith.index_cast %parallel_loop3A_736 : i32 to index
      %parallel_loop3A_738 = arith.index_cast %parallel_loop3A_735 : i32 to index
      %parallel_loop3A_739 = tpu.vector_load %arg7[%parallel_loop3A_737, %parallel_loop3A_738] {strides = array<i32>} : memref<20x1024xf32, #tpu.memory_space<vmem>>, vector<16xf32>,
      tpu.vector_store %arg7[%parallel_loop3A_737, %parallel_loop3A_738], %parallel_loop3A_733 {strides = array<i32>} : memref<20x1024xf32, #tpu.memory_space<vmem>>, vector<16xf32>,
      %parallel_loop3A_740 = arith.constant 14 : i32
      %parallel_loop3A_741 = arith.index_cast %parallel_loop3A_740 : i32 to index
      %parallel_loop3A_742 = arith.index_cast %parallel_loop3A_585 : i32 to index
      %parallel_loop3A_743 = tpu.vector_load %arg6[%parallel_loop3A_741, %parallel_loop3A_742] {strides = array<i32>} : memref<20x256xi32, #tpu.memory_space<vmem>>, vector<16xi32>,
      %parallel_loop3A_744 = tpu.vector_load_idx %arg5[%parallel_loop3A_743] : memref<100000xf32, #tpu.memory_space<vmem>>[vector<16xi32>], vector<16xf32>,
      %parallel_loop3A_745 = arith.constant 768 : i32
      %parallel_loop3A_746 = arith.addi %parallel_loop3A_745, %parallel_loop3A_585 : i32
      %parallel_loop3A_747 = arith.constant 14 : i32
      %parallel_loop3A_748 = arith.index_cast %parallel_loop3A_747 : i32 to index
      %parallel_loop3A_749 = arith.index_cast %parallel_loop3A_746 : i32 to index
      %parallel_loop3A_750 = tpu.vector_load %arg7[%parallel_loop3A_748, %parallel_loop3A_749] {strides = array<i32>} : memref<20x1024xf32, #tpu.memory_space<vmem>>, vector<16xf32>,
      tpu.vector_store %arg7[%parallel_loop3A_748, %parallel_loop3A_749], %parallel_loop3A_744 {strides = array<i32>} : memref<20x1024xf32, #tpu.memory_space<vmem>>, vector<16xf32>,
      %parallel_loop3A_751 = arith.constant 15 : i32
      %parallel_loop3A_752 = arith.index_cast %parallel_loop3A_751 : i32 to index
      %parallel_loop3A_753 = arith.index_cast %parallel_loop3A_585 : i32 to index
      %parallel_loop3A_754 = tpu.vector_load %arg6[%parallel_loop3A_752, %parallel_loop3A_753] {strides = array<i32>} : memref<20x256xi32, #tpu.memory_space<vmem>>, vector<16xi32>,
      %parallel_loop3A_755 = tpu.vector_load_idx %arg5[%parallel_loop3A_754] : memref<100000xf32, #tpu.memory_space<vmem>>[vector<16xi32>], vector<16xf32>,
      %parallel_loop3A_756 = arith.constant 768 : i32
      %parallel_loop3A_757 = arith.addi %parallel_loop3A_756, %parallel_loop3A_585 : i32
      %parallel_loop3A_758 = arith.constant 15 : i32
      %parallel_loop3A_759 = arith.index_cast %parallel_loop3A_758 : i32 to index
      %parallel_loop3A_760 = arith.index_cast %parallel_loop3A_757 : i32 to index
      %parallel_loop3A_761 = tpu.vector_load %arg7[%parallel_loop3A_759, %parallel_loop3A_760] {strides = array<i32>} : memref<20x1024xf32, #tpu.memory_space<vmem>>, vector<16xf32>,
      tpu.vector_store %arg7[%parallel_loop3A_759, %parallel_loop3A_760], %parallel_loop3A_755 {strides = array<i32>} : memref<20x1024xf32, #tpu.memory_space<vmem>>, vector<16xf32>,
      %parallel_loop3A_762 = arith.constant 16 : i32
      %parallel_loop3A_763 = arith.index_cast %parallel_loop3A_762 : i32 to index
      %parallel_loop3A_764 = arith.index_cast %parallel_loop3A_585 : i32 to index
      %parallel_loop3A_765 = tpu.vector_load %arg6[%parallel_loop3A_763, %parallel_loop3A_764] {strides = array<i32>} : memref<20x256xi32, #tpu.memory_space<vmem>>, vector<16xi32>,
      %parallel_loop3A_766 = tpu.vector_load_idx %arg5[%parallel_loop3A_765] : memref<100000xf32, #tpu.memory_space<vmem>>[vector<16xi32>], vector<16xf32>,
      %parallel_loop3A_767 = arith.constant 768 : i32
      %parallel_loop3A_768 = arith.addi %parallel_loop3A_767, %parallel_loop3A_585 : i32
      %parallel_loop3A_769 = arith.constant 16 : i32
      %parallel_loop3A_770 = arith.index_cast %parallel_loop3A_769 : i32 to index
      %parallel_loop3A_771 = arith.index_cast %parallel_loop3A_768 : i32 to index
      %parallel_loop3A_772 = tpu.vector_load %arg7[%parallel_loop3A_770, %parallel_loop3A_771] {strides = array<i32>} : memref<20x1024xf32, #tpu.memory_space<vmem>>, vector<16xf32>,
      tpu.vector_store %arg7[%parallel_loop3A_770, %parallel_loop3A_771], %parallel_loop3A_766 {strides = array<i32>} : memref<20x1024xf32, #tpu.memory_space<vmem>>, vector<16xf32>,
      %parallel_loop3A_773 = arith.constant 17 : i32
      %parallel_loop3A_774 = arith.index_cast %parallel_loop3A_773 : i32 to index
      %parallel_loop3A_775 = arith.index_cast %parallel_loop3A_585 : i32 to index
      %parallel_loop3A_776 = tpu.vector_load %arg6[%parallel_loop3A_774, %parallel_loop3A_775] {strides = array<i32>} : memref<20x256xi32, #tpu.memory_space<vmem>>, vector<16xi32>,
      %parallel_loop3A_777 = tpu.vector_load_idx %arg5[%parallel_loop3A_776] : memref<100000xf32, #tpu.memory_space<vmem>>[vector<16xi32>], vector<16xf32>,
      %parallel_loop3A_778 = arith.constant 768 : i32
      %parallel_loop3A_779 = arith.addi %parallel_loop3A_778, %parallel_loop3A_585 : i32
      %parallel_loop3A_780 = arith.constant 17 : i32
      %parallel_loop3A_781 = arith.index_cast %parallel_loop3A_780 : i32 to index
      %parallel_loop3A_782 = arith.index_cast %parallel_loop3A_779 : i32 to index
      %parallel_loop3A_783 = tpu.vector_load %arg7[%parallel_loop3A_781, %parallel_loop3A_782] {strides = array<i32>} : memref<20x1024xf32, #tpu.memory_space<vmem>>, vector<16xf32>,
      tpu.vector_store %arg7[%parallel_loop3A_781, %parallel_loop3A_782], %parallel_loop3A_777 {strides = array<i32>} : memref<20x1024xf32, #tpu.memory_space<vmem>>, vector<16xf32>,
      %parallel_loop3A_784 = arith.constant 18 : i32
      %parallel_loop3A_785 = arith.index_cast %parallel_loop3A_784 : i32 to index
      %parallel_loop3A_786 = arith.index_cast %parallel_loop3A_585 : i32 to index
      %parallel_loop3A_787 = tpu.vector_load %arg6[%parallel_loop3A_785, %parallel_loop3A_786] {strides = array<i32>} : memref<20x256xi32, #tpu.memory_space<vmem>>, vector<16xi32>,
      %parallel_loop3A_788 = tpu.vector_load_idx %arg5[%parallel_loop3A_787] : memref<100000xf32, #tpu.memory_space<vmem>>[vector<16xi32>], vector<16xf32>,
      %parallel_loop3A_789 = arith.constant 768 : i32
      %parallel_loop3A_790 = arith.addi %parallel_loop3A_789, %parallel_loop3A_585 : i32
      %parallel_loop3A_791 = arith.constant 18 : i32
      %parallel_loop3A_792 = arith.index_cast %parallel_loop3A_791 : i32 to index
      %parallel_loop3A_793 = arith.index_cast %parallel_loop3A_790 : i32 to index
      %parallel_loop3A_794 = tpu.vector_load %arg7[%parallel_loop3A_792, %parallel_loop3A_793] {strides = array<i32>} : memref<20x1024xf32, #tpu.memory_space<vmem>>, vector<16xf32>,
      tpu.vector_store %arg7[%parallel_loop3A_792, %parallel_loop3A_793], %parallel_loop3A_788 {strides = array<i32>} : memref<20x1024xf32, #tpu.memory_space<vmem>>, vector<16xf32>,
      %parallel_loop3A_795 = arith.constant 19 : i32
      %parallel_loop3A_796 = arith.index_cast %parallel_loop3A_795 : i32 to index
      %parallel_loop3A_797 = arith.index_cast %parallel_loop3A_585 : i32 to index
      %parallel_loop3A_798 = tpu.vector_load %arg6[%parallel_loop3A_796, %parallel_loop3A_797] {strides = array<i32>} : memref<20x256xi32, #tpu.memory_space<vmem>>, vector<16xi32>,
      %parallel_loop3A_799 = tpu.vector_load_idx %arg5[%parallel_loop3A_798] : memref<100000xf32, #tpu.memory_space<vmem>>[vector<16xi32>], vector<16xf32>,
      %parallel_loop3A_800 = arith.constant 768 : i32
      %parallel_loop3A_801 = arith.addi %parallel_loop3A_800, %parallel_loop3A_585 : i32
      %parallel_loop3A_802 = arith.constant 19 : i32
      %parallel_loop3A_803 = arith.index_cast %parallel_loop3A_802 : i32 to index
      %parallel_loop3A_804 = arith.index_cast %parallel_loop3A_801 : i32 to index
      %parallel_loop3A_805 = tpu.vector_load %arg7[%parallel_loop3A_803, %parallel_loop3A_804] {strides = array<i32>} : memref<20x1024xf32, #tpu.memory_space<vmem>>, vector<16xf32>,
      tpu.vector_store %arg7[%parallel_loop3A_803, %parallel_loop3A_804], %parallel_loop3A_799 {strides = array<i32>} : memref<20x1024xf32, #tpu.memory_space<vmem>>, vector<16xf32>,
    } {sc.loop_unroll_factor = 2 : i64, sc.parallel_access}
    %add3A_22 = arith.constant 0 : i32
    %add3A_23 = arith.addi %add3A_22, %add3A : i32
    %dma_start3A_24 = arith.constant 0 : i32
    %dma_start3A_25 = arith.constant 0 : i32
    %dma_start3A_26 = tpu.memref_slice %arg7[%dma_start3A_24, %dma_start3A_25] : memref<20x1024xf32, #tpu.memory_space<vmem>> -> memref<1x1024xf32, #tpu.memory_space<vmem>>
    %dma_start3A_27 = tpu.memref_squeeze %dma_start3A_26 : memref<1x1024xf32, #tpu.memory_space<vmem>> -> memref<1024xf32, #tpu.memory_space<vmem>>
    %dma_start3A_28 = arith.constant 0 : i32
    %dma_start3A_29 = tpu.memref_slice %arg4[%add3A_23, %dma_start3A_28] : memref<640x1024xf32, #tpu.memory_space<hbm>> -> memref<1x1024xf32, #tpu.memory_space<hbm>>
    %dma_start3A_30 = tpu.memref_squeeze %dma_start3A_29 : memref<1x1024xf32, #tpu.memory_space<hbm>> -> memref<1024xf32, #tpu.memory_space<hbm>>
    %dma_start3A_31 = arith.constant 0 : i32
    %dma_start3A_32 = tpu.memref_slice %arg4[%add3A_23, %dma_start3A_31] : memref<640x1024xf32, #tpu.memory_space<hbm>> -> memref<1x1024xf32, #tpu.memory_space<hbm>>
    %dma_start3A_33 = tpu.memref_squeeze %dma_start3A_32 : memref<1x1024xf32, #tpu.memory_space<hbm>> -> memref<1024xf32, #tpu.memory_space<hbm>>
    %dma_start3A_34 = arith.constant 0 : i32
    %dma_start3A_35 = tpu.memref_slice %arg7[%dma_start3A_24, %dma_start3A_34] : memref<20x1024xf32, #tpu.memory_space<vmem>> -> memref<1x1024xf32, #tpu.memory_space<vmem>>
    %dma_start3A_36 = tpu.memref_squeeze %dma_start3A_35 : memref<1x1024xf32, #tpu.memory_space<vmem>> -> memref<1024xf32, #tpu.memory_space<vmem>>
    tpu.enqueue_dma source(%dma_start3A_36 : memref<1024xf32, #tpu.memory_space<vmem>>) target(%dma_start3A_33 : memref<1024xf32, #tpu.memory_space<hbm>>) target_semaphore(%arg9 : memref<!tpu.dma_semaphore, #tpu.memory_space<semaphore_mem>>)
    %add3A_37 = arith.constant 32 : i32
    %add3A_38 = arith.addi %add3A_37, %add3A : i32
    %dma_start3A_39 = arith.constant 1 : i32
    %dma_start3A_40 = arith.constant 0 : i32
    %dma_start3A_41 = tpu.memref_slice %arg7[%dma_start3A_39, %dma_start3A_40] : memref<20x1024xf32, #tpu.memory_space<vmem>> -> memref<1x1024xf32, #tpu.memory_space<vmem>>
    %dma_start3A_42 = tpu.memref_squeeze %dma_start3A_41 : memref<1x1024xf32, #tpu.memory_space<vmem>> -> memref<1024xf32, #tpu.memory_space<vmem>>
    %dma_start3A_43 = arith.constant 0 : i32
    %dma_start3A_44 = tpu.memref_slice %arg4[%add3A_38, %dma_start3A_43] : memref<640x1024xf32, #tpu.memory_space<hbm>> -> memref<1x1024xf32, #tpu.memory_space<hbm>>
    %dma_start3A_45 = tpu.memref_squeeze %dma_start3A_44 : memref<1x1024xf32, #tpu.memory_space<hbm>> -> memref<1024xf32, #tpu.memory_space<hbm>>
    %dma_start3A_46 = arith.constant 0 : i32
    %dma_start3A_47 = tpu.memref_slice %arg4[%add3A_38, %dma_start3A_46] : memref<640x1024xf32, #tpu.memory_space<hbm>> -> memref<1x1024xf32, #tpu.memory_space<hbm>>
    %dma_start3A_48 = tpu.memref_squeeze %dma_start3A_47 : memref<1x1024xf32, #tpu.memory_space<hbm>> -> memref<1024xf32, #tpu.memory_space<hbm>>
    %dma_start3A_49 = arith.constant 0 : i32
    %dma_start3A_50 = tpu.memref_slice %arg7[%dma_start3A_39, %dma_start3A_49] : memref<20x1024xf32, #tpu.memory_space<vmem>> -> memref<1x1024xf32, #tpu.memory_space<vmem>>
    %dma_start3A_51 = tpu.memref_squeeze %dma_start3A_50 : memref<1x1024xf32, #tpu.memory_space<vmem>> -> memref<1024xf32, #tpu.memory_space<vmem>>
    tpu.enqueue_dma source(%dma_start3A_51 : memref<1024xf32, #tpu.memory_space<vmem>>) target(%dma_start3A_48 : memref<1024xf32, #tpu.memory_space<hbm>>) target_semaphore(%arg9 : memref<!tpu.dma_semaphore, #tpu.memory_space<semaphore_mem>>)
    %add3A_52 = arith.constant 64 : i32
    %add3A_53 = arith.addi %add3A_52, %add3A : i32
    %dma_start3A_54 = arith.constant 2 : i32
    %dma_start3A_55 = arith.constant 0 : i32
    %dma_start3A_56 = tpu.memref_slice %arg7[%dma_start3A_54, %dma_start3A_55] : memref<20x1024xf32, #tpu.memory_space<vmem>> -> memref<1x1024xf32, #tpu.memory_space<vmem>>
    %dma_start3A_57 = tpu.memref_squeeze %dma_start3A_56 : memref<1x1024xf32, #tpu.memory_space<vmem>> -> memref<1024xf32, #tpu.memory_space<vmem>>
    %dma_start3A_58 = arith.constant 0 : i32
    %dma_start3A_59 = tpu.memref_slice %arg4[%add3A_53, %dma_start3A_58] : memref<640x1024xf32, #tpu.memory_space<hbm>> -> memref<1x1024xf32, #tpu.memory_space<hbm>>
    %dma_start3A_60 = tpu.memref_squeeze %dma_start3A_59 : memref<1x1024xf32, #tpu.memory_space<hbm>> -> memref<1024xf32, #tpu.memory_space<hbm>>
    %dma_start3A_61 = arith.constant 0 : i32
    %dma_start3A_62 = tpu.memref_slice %arg4[%add3A_53, %dma_start3A_61] : memref<640x1024xf32, #tpu.memory_space<hbm>> -> memref<1x1024xf32, #tpu.memory_space<hbm>>
    %dma_start3A_63 = tpu.memref_squeeze %dma_start3A_62 : memref<1x1024xf32, #tpu.memory_space<hbm>> -> memref<1024xf32, #tpu.memory_space<hbm>>
    %dma_start3A_64 = arith.constant 0 : i32
    %dma_start3A_65 = tpu.memref_slice %arg7[%dma_start3A_54, %dma_start3A_64] : memref<20x1024xf32, #tpu.memory_space<vmem>> -> memref<1x1024xf32, #tpu.memory_space<vmem>>
    %dma_start3A_66 = tpu.memref_squeeze %dma_start3A_65 : memref<1x1024xf32, #tpu.memory_space<vmem>> -> memref<1024xf32, #tpu.memory_space<vmem>>
    tpu.enqueue_dma source(%dma_start3A_66 : memref<1024xf32, #tpu.memory_space<vmem>>) target(%dma_start3A_63 : memref<1024xf32, #tpu.memory_space<hbm>>) target_semaphore(%arg9 : memref<!tpu.dma_semaphore, #tpu.memory_space<semaphore_mem>>)
    %add3A_67 = arith.constant 96 : i32
    %add3A_68 = arith.addi %add3A_67, %add3A : i32
    %dma_start3A_69 = arith.constant 3 : i32
    %dma_start3A_70 = arith.constant 0 : i32
    %dma_start3A_71 = tpu.memref_slice %arg7[%dma_start3A_69, %dma_start3A_70] : memref<20x1024xf32, #tpu.memory_space<vmem>> -> memref<1x1024xf32, #tpu.memory_space<vmem>>
    %dma_start3A_72 = tpu.memref_squeeze %dma_start3A_71 : memref<1x1024xf32, #tpu.memory_space<vmem>> -> memref<1024xf32, #tpu.memory_space<vmem>>
    %dma_start3A_73 = arith.constant 0 : i32
    %dma_start3A_74 = tpu.memref_slice %arg4[%add3A_68, %dma_start3A_73] : memref<640x1024xf32, #tpu.memory_space<hbm>> -> memref<1x1024xf32, #tpu.memory_space<hbm>>
    %dma_start3A_75 = tpu.memref_squeeze %dma_start3A_74 : memref<1x1024xf32, #tpu.memory_space<hbm>> -> memref<1024xf32, #tpu.memory_space<hbm>>
    %dma_start3A_76 = arith.constant 0 : i32
    %dma_start3A_77 = tpu.memref_slice %arg4[%add3A_68, %dma_start3A_76] : memref<640x1024xf32, #tpu.memory_space<hbm>> -> memref<1x1024xf32, #tpu.memory_space<hbm>>
    %dma_start3A_78 = tpu.memref_squeeze %dma_start3A_77 : memref<1x1024xf32, #tpu.memory_space<hbm>> -> memref<1024xf32, #tpu.memory_space<hbm>>
    %dma_start3A_79 = arith.constant 0 : i32
    %dma_start3A_80 = tpu.memref_slice %arg7[%dma_start3A_69, %dma_start3A_79] : memref<20x1024xf32, #tpu.memory_space<vmem>> -> memref<1x1024xf32, #tpu.memory_space<vmem>>
    %dma_start3A_81 = tpu.memref_squeeze %dma_start3A_80 : memref<1x1024xf32, #tpu.memory_space<vmem>> -> memref<1024xf32, #tpu.memory_space<vmem>>
    tpu.enqueue_dma source(%dma_start3A_81 : memref<1024xf32, #tpu.memory_space<vmem>>) target(%dma_start3A_78 : memref<1024xf32, #tpu.memory_space<hbm>>) target_semaphore(%arg9 : memref<!tpu.dma_semaphore, #tpu.memory_space<semaphore_mem>>)
    %add3A_82 = arith.constant 128 : i32
    %add3A_83 = arith.addi %add3A_82, %add3A : i32
    %dma_start3A_84 = arith.constant 4 : i32
    %dma_start3A_85 = arith.constant 0 : i32
    %dma_start3A_86 = tpu.memref_slice %arg7[%dma_start3A_84, %dma_start3A_85] : memref<20x1024xf32, #tpu.memory_space<vmem>> -> memref<1x1024xf32, #tpu.memory_space<vmem>>
    %dma_start3A_87 = tpu.memref_squeeze %dma_start3A_86 : memref<1x1024xf32, #tpu.memory_space<vmem>> -> memref<1024xf32, #tpu.memory_space<vmem>>
    %dma_start3A_88 = arith.constant 0 : i32
    %dma_start3A_89 = tpu.memref_slice %arg4[%add3A_83, %dma_start3A_88] : memref<640x1024xf32, #tpu.memory_space<hbm>> -> memref<1x1024xf32, #tpu.memory_space<hbm>>
    %dma_start3A_90 = tpu.memref_squeeze %dma_start3A_89 : memref<1x1024xf32, #tpu.memory_space<hbm>> -> memref<1024xf32, #tpu.memory_space<hbm>>
    %dma_start3A_91 = arith.constant 0 : i32
    %dma_start3A_92 = tpu.memref_slice %arg4[%add3A_83, %dma_start3A_91] : memref<640x1024xf32, #tpu.memory_space<hbm>> -> memref<1x1024xf32, #tpu.memory_space<hbm>>
    %dma_start3A_93 = tpu.memref_squeeze %dma_start3A_92 : memref<1x1024xf32, #tpu.memory_space<hbm>> -> memref<1024xf32, #tpu.memory_space<hbm>>
    %dma_start3A_94 = arith.constant 0 : i32
    %dma_start3A_95 = tpu.memref_slice %arg7[%dma_start3A_84, %dma_start3A_94] : memref<20x1024xf32, #tpu.memory_space<vmem>> -> memref<1x1024xf32, #tpu.memory_space<vmem>>
    %dma_start3A_96 = tpu.memref_squeeze %dma_start3A_95 : memref<1x1024xf32, #tpu.memory_space<vmem>> -> memref<1024xf32, #tpu.memory_space<vmem>>
    tpu.enqueue_dma source(%dma_start3A_96 : memref<1024xf32, #tpu.memory_space<vmem>>) target(%dma_start3A_93 : memref<1024xf32, #tpu.memory_space<hbm>>) target_semaphore(%arg9 : memref<!tpu.dma_semaphore, #tpu.memory_space<semaphore_mem>>)
    %add3A_97 = arith.constant 160 : i32
    %add3A_98 = arith.addi %add3A_97, %add3A : i32
    %dma_start3A_99 = arith.constant 5 : i32
    %dma_start3A_100 = arith.constant 0 : i32
    %dma_start3A_101 = tpu.memref_slice %arg7[%dma_start3A_99, %dma_start3A_100] : memref<20x1024xf32, #tpu.memory_space<vmem>> -> memref<1x1024xf32, #tpu.memory_space<vmem>>
    %dma_start3A_102 = tpu.memref_squeeze %dma_start3A_101 : memref<1x1024xf32, #tpu.memory_space<vmem>> -> memref<1024xf32, #tpu.memory_space<vmem>>
    %dma_start3A_103 = arith.constant 0 : i32
    %dma_start3A_104 = tpu.memref_slice %arg4[%add3A_98, %dma_start3A_103] : memref<640x1024xf32, #tpu.memory_space<hbm>> -> memref<1x1024xf32, #tpu.memory_space<hbm>>
    %dma_start3A_105 = tpu.memref_squeeze %dma_start3A_104 : memref<1x1024xf32, #tpu.memory_space<hbm>> -> memref<1024xf32, #tpu.memory_space<hbm>>
    %dma_start3A_106 = arith.constant 0 : i32
    %dma_start3A_107 = tpu.memref_slice %arg4[%add3A_98, %dma_start3A_106] : memref<640x1024xf32, #tpu.memory_space<hbm>> -> memref<1x1024xf32, #tpu.memory_space<hbm>>
    %dma_start3A_108 = tpu.memref_squeeze %dma_start3A_107 : memref<1x1024xf32, #tpu.memory_space<hbm>> -> memref<1024xf32, #tpu.memory_space<hbm>>
    %dma_start3A_109 = arith.constant 0 : i32
    %dma_start3A_110 = tpu.memref_slice %arg7[%dma_start3A_99, %dma_start3A_109] : memref<20x1024xf32, #tpu.memory_space<vmem>> -> memref<1x1024xf32, #tpu.memory_space<vmem>>
    %dma_start3A_111 = tpu.memref_squeeze %dma_start3A_110 : memref<1x1024xf32, #tpu.memory_space<vmem>> -> memref<1024xf32, #tpu.memory_space<vmem>>
    tpu.enqueue_dma source(%dma_start3A_111 : memref<1024xf32, #tpu.memory_space<vmem>>) target(%dma_start3A_108 : memref<1024xf32, #tpu.memory_space<hbm>>) target_semaphore(%arg9 : memref<!tpu.dma_semaphore, #tpu.memory_space<semaphore_mem>>)
    %add3A_112 = arith.constant 192 : i32
    %add3A_113 = arith.addi %add3A_112, %add3A : i32
    %dma_start3A_114 = arith.constant 6 : i32
    %dma_start3A_115 = arith.constant 0 : i32
    %dma_start3A_116 = tpu.memref_slice %arg7[%dma_start3A_114, %dma_start3A_115] : memref<20x1024xf32, #tpu.memory_space<vmem>> -> memref<1x1024xf32, #tpu.memory_space<vmem>>
    %dma_start3A_117 = tpu.memref_squeeze %dma_start3A_116 : memref<1x1024xf32, #tpu.memory_space<vmem>> -> memref<1024xf32, #tpu.memory_space<vmem>>
    %dma_start3A_118 = arith.constant 0 : i32
    %dma_start3A_119 = tpu.memref_slice %arg4[%add3A_113, %dma_start3A_118] : memref<640x1024xf32, #tpu.memory_space<hbm>> -> memref<1x1024xf32, #tpu.memory_space<hbm>>
    %dma_start3A_120 = tpu.memref_squeeze %dma_start3A_119 : memref<1x1024xf32, #tpu.memory_space<hbm>> -> memref<1024xf32, #tpu.memory_space<hbm>>
    %dma_start3A_121 = arith.constant 0 : i32
    %dma_start3A_122 = tpu.memref_slice %arg4[%add3A_113, %dma_start3A_121] : memref<640x1024xf32, #tpu.memory_space<hbm>> -> memref<1x1024xf32, #tpu.memory_space<hbm>>
    %dma_start3A_123 = tpu.memref_squeeze %dma_start3A_122 : memref<1x1024xf32, #tpu.memory_space<hbm>> -> memref<1024xf32, #tpu.memory_space<hbm>>
    %dma_start3A_124 = arith.constant 0 : i32
    %dma_start3A_125 = tpu.memref_slice %arg7[%dma_start3A_114, %dma_start3A_124] : memref<20x1024xf32, #tpu.memory_space<vmem>> -> memref<1x1024xf32, #tpu.memory_space<vmem>>
    %dma_start3A_126 = tpu.memref_squeeze %dma_start3A_125 : memref<1x1024xf32, #tpu.memory_space<vmem>> -> memref<1024xf32, #tpu.memory_space<vmem>>
    tpu.enqueue_dma source(%dma_start3A_126 : memref<1024xf32, #tpu.memory_space<vmem>>) target(%dma_start3A_123 : memref<1024xf32, #tpu.memory_space<hbm>>) target_semaphore(%arg9 : memref<!tpu.dma_semaphore, #tpu.memory_space<semaphore_mem>>)
    %add3A_127 = arith.constant 224 : i32
    %add3A_128 = arith.addi %add3A_127, %add3A : i32
    %dma_start3A_129 = arith.constant 7 : i32
    %dma_start3A_130 = arith.constant 0 : i32
    %dma_start3A_131 = tpu.memref_slice %arg7[%dma_start3A_129, %dma_start3A_130] : memref<20x1024xf32, #tpu.memory_space<vmem>> -> memref<1x1024xf32, #tpu.memory_space<vmem>>
    %dma_start3A_132 = tpu.memref_squeeze %dma_start3A_131 : memref<1x1024xf32, #tpu.memory_space<vmem>> -> memref<1024xf32, #tpu.memory_space<vmem>>
    %dma_start3A_133 = arith.constant 0 : i32
    %dma_start3A_134 = tpu.memref_slice %arg4[%add3A_128, %dma_start3A_133] : memref<640x1024xf32, #tpu.memory_space<hbm>> -> memref<1x1024xf32, #tpu.memory_space<hbm>>
    %dma_start3A_135 = tpu.memref_squeeze %dma_start3A_134 : memref<1x1024xf32, #tpu.memory_space<hbm>> -> memref<1024xf32, #tpu.memory_space<hbm>>
    %dma_start3A_136 = arith.constant 0 : i32
    %dma_start3A_137 = tpu.memref_slice %arg4[%add3A_128, %dma_start3A_136] : memref<640x1024xf32, #tpu.memory_space<hbm>> -> memref<1x1024xf32, #tpu.memory_space<hbm>>
    %dma_start3A_138 = tpu.memref_squeeze %dma_start3A_137 : memref<1x1024xf32, #tpu.memory_space<hbm>> -> memref<1024xf32, #tpu.memory_space<hbm>>
    %dma_start3A_139 = arith.constant 0 : i32
    %dma_start3A_140 = tpu.memref_slice %arg7[%dma_start3A_129, %dma_start3A_139] : memref<20x1024xf32, #tpu.memory_space<vmem>> -> memref<1x1024xf32, #tpu.memory_space<vmem>>
    %dma_start3A_141 = tpu.memref_squeeze %dma_start3A_140 : memref<1x1024xf32, #tpu.memory_space<vmem>> -> memref<1024xf32, #tpu.memory_space<vmem>>
    tpu.enqueue_dma source(%dma_start3A_141 : memref<1024xf32, #tpu.memory_space<vmem>>) target(%dma_start3A_138 : memref<1024xf32, #tpu.memory_space<hbm>>) target_semaphore(%arg9 : memref<!tpu.dma_semaphore, #tpu.memory_space<semaphore_mem>>)
    %add3A_142 = arith.constant 256 : i32
    %add3A_143 = arith.addi %add3A_142, %add3A : i32
    %dma_start3A_144 = arith.constant 8 : i32
    %dma_start3A_145 = arith.constant 0 : i32
    %dma_start3A_146 = tpu.memref_slice %arg7[%dma_start3A_144, %dma_start3A_145] : memref<20x1024xf32, #tpu.memory_space<vmem>> -> memref<1x1024xf32, #tpu.memory_space<vmem>>
    %dma_start3A_147 = tpu.memref_squeeze %dma_start3A_146 : memref<1x1024xf32, #tpu.memory_space<vmem>> -> memref<1024xf32, #tpu.memory_space<vmem>>
    %dma_start3A_148 = arith.constant 0 : i32
    %dma_start3A_149 = tpu.memref_slice %arg4[%add3A_143, %dma_start3A_148] : memref<640x1024xf32, #tpu.memory_space<hbm>> -> memref<1x1024xf32, #tpu.memory_space<hbm>>
    %dma_start3A_150 = tpu.memref_squeeze %dma_start3A_149 : memref<1x1024xf32, #tpu.memory_space<hbm>> -> memref<1024xf32, #tpu.memory_space<hbm>>
    %dma_start3A_151 = arith.constant 0 : i32
    %dma_start3A_152 = tpu.memref_slice %arg4[%add3A_143, %dma_start3A_151] : memref<640x1024xf32, #tpu.memory_space<hbm>> -> memref<1x1024xf32, #tpu.memory_space<hbm>>
    %dma_start3A_153 = tpu.memref_squeeze %dma_start3A_152 : memref<1x1024xf32, #tpu.memory_space<hbm>> -> memref<1024xf32, #tpu.memory_space<hbm>>
    %dma_start3A_154 = arith.constant 0 : i32
    %dma_start3A_155 = tpu.memref_slice %arg7[%dma_start3A_144, %dma_start3A_154] : memref<20x1024xf32, #tpu.memory_space<vmem>> -> memref<1x1024xf32, #tpu.memory_space<vmem>>
    %dma_start3A_156 = tpu.memref_squeeze %dma_start3A_155 : memref<1x1024xf32, #tpu.memory_space<vmem>> -> memref<1024xf32, #tpu.memory_space<vmem>>
    tpu.enqueue_dma source(%dma_start3A_156 : memref<1024xf32, #tpu.memory_space<vmem>>) target(%dma_start3A_153 : memref<1024xf32, #tpu.memory_space<hbm>>) target_semaphore(%arg9 : memref<!tpu.dma_semaphore, #tpu.memory_space<semaphore_mem>>)
    %add3A_157 = arith.constant 288 : i32
    %add3A_158 = arith.addi %add3A_157, %add3A : i32
    %dma_start3A_159 = arith.constant 9 : i32
    %dma_start3A_160 = arith.constant 0 : i32
    %dma_start3A_161 = tpu.memref_slice %arg7[%dma_start3A_159, %dma_start3A_160] : memref<20x1024xf32, #tpu.memory_space<vmem>> -> memref<1x1024xf32, #tpu.memory_space<vmem>>
    %dma_start3A_162 = tpu.memref_squeeze %dma_start3A_161 : memref<1x1024xf32, #tpu.memory_space<vmem>> -> memref<1024xf32, #tpu.memory_space<vmem>>
    %dma_start3A_163 = arith.constant 0 : i32
    %dma_start3A_164 = tpu.memref_slice %arg4[%add3A_158, %dma_start3A_163] : memref<640x1024xf32, #tpu.memory_space<hbm>> -> memref<1x1024xf32, #tpu.memory_space<hbm>>
    %dma_start3A_165 = tpu.memref_squeeze %dma_start3A_164 : memref<1x1024xf32, #tpu.memory_space<hbm>> -> memref<1024xf32, #tpu.memory_space<hbm>>
    %dma_start3A_166 = arith.constant 0 : i32
    %dma_start3A_167 = tpu.memref_slice %arg4[%add3A_158, %dma_start3A_166] : memref<640x1024xf32, #tpu.memory_space<hbm>> -> memref<1x1024xf32, #tpu.memory_space<hbm>>
    %dma_start3A_168 = tpu.memref_squeeze %dma_start3A_167 : memref<1x1024xf32, #tpu.memory_space<hbm>> -> memref<1024xf32, #tpu.memory_space<hbm>>
    %dma_start3A_169 = arith.constant 0 : i32
    %dma_start3A_170 = tpu.memref_slice %arg7[%dma_start3A_159, %dma_start3A_169] : memref<20x1024xf32, #tpu.memory_space<vmem>> -> memref<1x1024xf32, #tpu.memory_space<vmem>>
    %dma_start3A_171 = tpu.memref_squeeze %dma_start3A_170 : memref<1x1024xf32, #tpu.memory_space<vmem>> -> memref<1024xf32, #tpu.memory_space<vmem>>
    tpu.enqueue_dma source(%dma_start3A_171 : memref<1024xf32, #tpu.memory_space<vmem>>) target(%dma_start3A_168 : memref<1024xf32, #tpu.memory_space<hbm>>) target_semaphore(%arg9 : memref<!tpu.dma_semaphore, #tpu.memory_space<semaphore_mem>>)
    %add3A_172 = arith.constant 320 : i32
    %add3A_173 = arith.addi %add3A_172, %add3A : i32
    %dma_start3A_174 = arith.constant 10 : i32
    %dma_start3A_175 = arith.constant 0 : i32
    %dma_start3A_176 = tpu.memref_slice %arg7[%dma_start3A_174, %dma_start3A_175] : memref<20x1024xf32, #tpu.memory_space<vmem>> -> memref<1x1024xf32, #tpu.memory_space<vmem>>
    %dma_start3A_177 = tpu.memref_squeeze %dma_start3A_176 : memref<1x1024xf32, #tpu.memory_space<vmem>> -> memref<1024xf32, #tpu.memory_space<vmem>>
    %dma_start3A_178 = arith.constant 0 : i32
    %dma_start3A_179 = tpu.memref_slice %arg4[%add3A_173, %dma_start3A_178] : memref<640x1024xf32, #tpu.memory_space<hbm>> -> memref<1x1024xf32, #tpu.memory_space<hbm>>
    %dma_start3A_180 = tpu.memref_squeeze %dma_start3A_179 : memref<1x1024xf32, #tpu.memory_space<hbm>> -> memref<1024xf32, #tpu.memory_space<hbm>>
    %dma_start3A_181 = arith.constant 0 : i32
    %dma_start3A_182 = tpu.memref_slice %arg4[%add3A_173, %dma_start3A_181] : memref<640x1024xf32, #tpu.memory_space<hbm>> -> memref<1x1024xf32, #tpu.memory_space<hbm>>
    %dma_start3A_183 = tpu.memref_squeeze %dma_start3A_182 : memref<1x1024xf32, #tpu.memory_space<hbm>> -> memref<1024xf32, #tpu.memory_space<hbm>>
    %dma_start3A_184 = arith.constant 0 : i32
    %dma_start3A_185 = tpu.memref_slice %arg7[%dma_start3A_174, %dma_start3A_184] : memref<20x1024xf32, #tpu.memory_space<vmem>> -> memref<1x1024xf32, #tpu.memory_space<vmem>>
    %dma_start3A_186 = tpu.memref_squeeze %dma_start3A_185 : memref<1x1024xf32, #tpu.memory_space<vmem>> -> memref<1024xf32, #tpu.memory_space<vmem>>
    tpu.enqueue_dma source(%dma_start3A_186 : memref<1024xf32, #tpu.memory_space<vmem>>) target(%dma_start3A_183 : memref<1024xf32, #tpu.memory_space<hbm>>) target_semaphore(%arg9 : memref<!tpu.dma_semaphore, #tpu.memory_space<semaphore_mem>>)
    %add3A_187 = arith.constant 352 : i32
    %add3A_188 = arith.addi %add3A_187, %add3A : i32
    %dma_start3A_189 = arith.constant 11 : i32
    %dma_start3A_190 = arith.constant 0 : i32
    %dma_start3A_191 = tpu.memref_slice %arg7[%dma_start3A_189, %dma_start3A_190] : memref<20x1024xf32, #tpu.memory_space<vmem>> -> memref<1x1024xf32, #tpu.memory_space<vmem>>
    %dma_start3A_192 = tpu.memref_squeeze %dma_start3A_191 : memref<1x1024xf32, #tpu.memory_space<vmem>> -> memref<1024xf32, #tpu.memory_space<vmem>>
    %dma_start3A_193 = arith.constant 0 : i32
    %dma_start3A_194 = tpu.memref_slice %arg4[%add3A_188, %dma_start3A_193] : memref<640x1024xf32, #tpu.memory_space<hbm>> -> memref<1x1024xf32, #tpu.memory_space<hbm>>
    %dma_start3A_195 = tpu.memref_squeeze %dma_start3A_194 : memref<1x1024xf32, #tpu.memory_space<hbm>> -> memref<1024xf32, #tpu.memory_space<hbm>>
    %dma_start3A_196 = arith.constant 0 : i32
    %dma_start3A_197 = tpu.memref_slice %arg4[%add3A_188, %dma_start3A_196] : memref<640x1024xf32, #tpu.memory_space<hbm>> -> memref<1x1024xf32, #tpu.memory_space<hbm>>
    %dma_start3A_198 = tpu.memref_squeeze %dma_start3A_197 : memref<1x1024xf32, #tpu.memory_space<hbm>> -> memref<1024xf32, #tpu.memory_space<hbm>>
    %dma_start3A_199 = arith.constant 0 : i32
    %dma_start3A_200 = tpu.memref_slice %arg7[%dma_start3A_189, %dma_start3A_199] : memref<20x1024xf32, #tpu.memory_space<vmem>> -> memref<1x1024xf32, #tpu.memory_space<vmem>>
    %dma_start3A_201 = tpu.memref_squeeze %dma_start3A_200 : memref<1x1024xf32, #tpu.memory_space<vmem>> -> memref<1024xf32, #tpu.memory_space<vmem>>
    tpu.enqueue_dma source(%dma_start3A_201 : memref<1024xf32, #tpu.memory_space<vmem>>) target(%dma_start3A_198 : memref<1024xf32, #tpu.memory_space<hbm>>) target_semaphore(%arg9 : memref<!tpu.dma_semaphore, #tpu.memory_space<semaphore_mem>>)
    %add3A_202 = arith.constant 384 : i32
    %add3A_203 = arith.addi %add3A_202, %add3A : i32
    %dma_start3A_204 = arith.constant 12 : i32
    %dma_start3A_205 = arith.constant 0 : i32
    %dma_start3A_206 = tpu.memref_slice %arg7[%dma_start3A_204, %dma_start3A_205] : memref<20x1024xf32, #tpu.memory_space<vmem>> -> memref<1x1024xf32, #tpu.memory_space<vmem>>
    %dma_start3A_207 = tpu.memref_squeeze %dma_start3A_206 : memref<1x1024xf32, #tpu.memory_space<vmem>> -> memref<1024xf32, #tpu.memory_space<vmem>>
    %dma_start3A_208 = arith.constant 0 : i32
    %dma_start3A_209 = tpu.memref_slice %arg4[%add3A_203, %dma_start3A_208] : memref<640x1024xf32, #tpu.memory_space<hbm>> -> memref<1x1024xf32, #tpu.memory_space<hbm>>
    %dma_start3A_210 = tpu.memref_squeeze %dma_start3A_209 : memref<1x1024xf32, #tpu.memory_space<hbm>> -> memref<1024xf32, #tpu.memory_space<hbm>>
    %dma_start3A_211 = arith.constant 0 : i32
    %dma_start3A_212 = tpu.memref_slice %arg4[%add3A_203, %dma_start3A_211] : memref<640x1024xf32, #tpu.memory_space<hbm>> -> memref<1x1024xf32, #tpu.memory_space<hbm>>
    %dma_start3A_213 = tpu.memref_squeeze %dma_start3A_212 : memref<1x1024xf32, #tpu.memory_space<hbm>> -> memref<1024xf32, #tpu.memory_space<hbm>>
    %dma_start3A_214 = arith.constant 0 : i32
    %dma_start3A_215 = tpu.memref_slice %arg7[%dma_start3A_204, %dma_start3A_214] : memref<20x1024xf32, #tpu.memory_space<vmem>> -> memref<1x1024xf32, #tpu.memory_space<vmem>>
    %dma_start3A_216 = tpu.memref_squeeze %dma_start3A_215 : memref<1x1024xf32, #tpu.memory_space<vmem>> -> memref<1024xf32, #tpu.memory_space<vmem>>
    tpu.enqueue_dma source(%dma_start3A_216 : memref<1024xf32, #tpu.memory_space<vmem>>) target(%dma_start3A_213 : memref<1024xf32, #tpu.memory_space<hbm>>) target_semaphore(%arg9 : memref<!tpu.dma_semaphore, #tpu.memory_space<semaphore_mem>>)
    %add3A_217 = arith.constant 416 : i32
    %add3A_218 = arith.addi %add3A_217, %add3A : i32
    %dma_start3A_219 = arith.constant 13 : i32
    %dma_start3A_220 = arith.constant 0 : i32
    %dma_start3A_221 = tpu.memref_slice %arg7[%dma_start3A_219, %dma_start3A_220] : memref<20x1024xf32, #tpu.memory_space<vmem>> -> memref<1x1024xf32, #tpu.memory_space<vmem>>
    %dma_start3A_222 = tpu.memref_squeeze %dma_start3A_221 : memref<1x1024xf32, #tpu.memory_space<vmem>> -> memref<1024xf32, #tpu.memory_space<vmem>>
    %dma_start3A_223 = arith.constant 0 : i32
    %dma_start3A_224 = tpu.memref_slice %arg4[%add3A_218, %dma_start3A_223] : memref<640x1024xf32, #tpu.memory_space<hbm>> -> memref<1x1024xf32, #tpu.memory_space<hbm>>
    %dma_start3A_225 = tpu.memref_squeeze %dma_start3A_224 : memref<1x1024xf32, #tpu.memory_space<hbm>> -> memref<1024xf32, #tpu.memory_space<hbm>>
    %dma_start3A_226 = arith.constant 0 : i32
    %dma_start3A_227 = tpu.memref_slice %arg4[%add3A_218, %dma_start3A_226] : memref<640x1024xf32, #tpu.memory_space<hbm>> -> memref<1x1024xf32, #tpu.memory_space<hbm>>
    %dma_start3A_228 = tpu.memref_squeeze %dma_start3A_227 : memref<1x1024xf32, #tpu.memory_space<hbm>> -> memref<1024xf32, #tpu.memory_space<hbm>>
    %dma_start3A_229 = arith.constant 0 : i32
    %dma_start3A_230 = tpu.memref_slice %arg7[%dma_start3A_219, %dma_start3A_229] : memref<20x1024xf32, #tpu.memory_space<vmem>> -> memref<1x1024xf32, #tpu.memory_space<vmem>>
    %dma_start3A_231 = tpu.memref_squeeze %dma_start3A_230 : memref<1x1024xf32, #tpu.memory_space<vmem>> -> memref<1024xf32, #tpu.memory_space<vmem>>
    tpu.enqueue_dma source(%dma_start3A_231 : memref<1024xf32, #tpu.memory_space<vmem>>) target(%dma_start3A_228 : memref<1024xf32, #tpu.memory_space<hbm>>) target_semaphore(%arg9 : memref<!tpu.dma_semaphore, #tpu.memory_space<semaphore_mem>>)
    %add3A_232 = arith.constant 448 : i32
    %add3A_233 = arith.addi %add3A_232, %add3A : i32
    %dma_start3A_234 = arith.constant 14 : i32
    %dma_start3A_235 = arith.constant 0 : i32
    %dma_start3A_236 = tpu.memref_slice %arg7[%dma_start3A_234, %dma_start3A_235] : memref<20x1024xf32, #tpu.memory_space<vmem>> -> memref<1x1024xf32, #tpu.memory_space<vmem>>
    %dma_start3A_237 = tpu.memref_squeeze %dma_start3A_236 : memref<1x1024xf32, #tpu.memory_space<vmem>> -> memref<1024xf32, #tpu.memory_space<vmem>>
    %dma_start3A_238 = arith.constant 0 : i32
    %dma_start3A_239 = tpu.memref_slice %arg4[%add3A_233, %dma_start3A_238] : memref<640x1024xf32, #tpu.memory_space<hbm>> -> memref<1x1024xf32, #tpu.memory_space<hbm>>
    %dma_start3A_240 = tpu.memref_squeeze %dma_start3A_239 : memref<1x1024xf32, #tpu.memory_space<hbm>> -> memref<1024xf32, #tpu.memory_space<hbm>>
    %dma_start3A_241 = arith.constant 0 : i32
    %dma_start3A_242 = tpu.memref_slice %arg4[%add3A_233, %dma_start3A_241] : memref<640x1024xf32, #tpu.memory_space<hbm>> -> memref<1x1024xf32, #tpu.memory_space<hbm>>
    %dma_start3A_243 = tpu.memref_squeeze %dma_start3A_242 : memref<1x1024xf32, #tpu.memory_space<hbm>> -> memref<1024xf32, #tpu.memory_space<hbm>>
    %dma_start3A_244 = arith.constant 0 : i32
    %dma_start3A_245 = tpu.memref_slice %arg7[%dma_start3A_234, %dma_start3A_244] : memref<20x1024xf32, #tpu.memory_space<vmem>> -> memref<1x1024xf32, #tpu.memory_space<vmem>>
    %dma_start3A_246 = tpu.memref_squeeze %dma_start3A_245 : memref<1x1024xf32, #tpu.memory_space<vmem>> -> memref<1024xf32, #tpu.memory_space<vmem>>
    tpu.enqueue_dma source(%dma_start3A_246 : memref<1024xf32, #tpu.memory_space<vmem>>) target(%dma_start3A_243 : memref<1024xf32, #tpu.memory_space<hbm>>) target_semaphore(%arg9 : memref<!tpu.dma_semaphore, #tpu.memory_space<semaphore_mem>>)
    %add3A_247 = arith.constant 480 : i32
    %add3A_248 = arith.addi %add3A_247, %add3A : i32
    %dma_start3A_249 = arith.constant 15 : i32
    %dma_start3A_250 = arith.constant 0 : i32
    %dma_start3A_251 = tpu.memref_slice %arg7[%dma_start3A_249, %dma_start3A_250] : memref<20x1024xf32, #tpu.memory_space<vmem>> -> memref<1x1024xf32, #tpu.memory_space<vmem>>
    %dma_start3A_252 = tpu.memref_squeeze %dma_start3A_251 : memref<1x1024xf32, #tpu.memory_space<vmem>> -> memref<1024xf32, #tpu.memory_space<vmem>>
    %dma_start3A_253 = arith.constant 0 : i32
    %dma_start3A_254 = tpu.memref_slice %arg4[%add3A_248, %dma_start3A_253] : memref<640x1024xf32, #tpu.memory_space<hbm>> -> memref<1x1024xf32, #tpu.memory_space<hbm>>
    %dma_start3A_255 = tpu.memref_squeeze %dma_start3A_254 : memref<1x1024xf32, #tpu.memory_space<hbm>> -> memref<1024xf32, #tpu.memory_space<hbm>>
    %dma_start3A_256 = arith.constant 0 : i32
    %dma_start3A_257 = tpu.memref_slice %arg4[%add3A_248, %dma_start3A_256] : memref<640x1024xf32, #tpu.memory_space<hbm>> -> memref<1x1024xf32, #tpu.memory_space<hbm>>
    %dma_start3A_258 = tpu.memref_squeeze %dma_start3A_257 : memref<1x1024xf32, #tpu.memory_space<hbm>> -> memref<1024xf32, #tpu.memory_space<hbm>>
    %dma_start3A_259 = arith.constant 0 : i32
    %dma_start3A_260 = tpu.memref_slice %arg7[%dma_start3A_249, %dma_start3A_259] : memref<20x1024xf32, #tpu.memory_space<vmem>> -> memref<1x1024xf32, #tpu.memory_space<vmem>>
    %dma_start3A_261 = tpu.memref_squeeze %dma_start3A_260 : memref<1x1024xf32, #tpu.memory_space<vmem>> -> memref<1024xf32, #tpu.memory_space<vmem>>
    tpu.enqueue_dma source(%dma_start3A_261 : memref<1024xf32, #tpu.memory_space<vmem>>) target(%dma_start3A_258 : memref<1024xf32, #tpu.memory_space<hbm>>) target_semaphore(%arg9 : memref<!tpu.dma_semaphore, #tpu.memory_space<semaphore_mem>>)
    %add3A_262 = arith.constant 512 : i32
    %add3A_263 = arith.addi %add3A_262, %add3A : i32
    %dma_start3A_264 = arith.constant 16 : i32
    %dma_start3A_265 = arith.constant 0 : i32
    %dma_start3A_266 = tpu.memref_slice %arg7[%dma_start3A_264, %dma_start3A_265] : memref<20x1024xf32, #tpu.memory_space<vmem>> -> memref<1x1024xf32, #tpu.memory_space<vmem>>
    %dma_start3A_267 = tpu.memref_squeeze %dma_start3A_266 : memref<1x1024xf32, #tpu.memory_space<vmem>> -> memref<1024xf32, #tpu.memory_space<vmem>>
    %dma_start3A_268 = arith.constant 0 : i32
    %dma_start3A_269 = tpu.memref_slice %arg4[%add3A_263, %dma_start3A_268] : memref<640x1024xf32, #tpu.memory_space<hbm>> -> memref<1x1024xf32, #tpu.memory_space<hbm>>
    %dma_start3A_270 = tpu.memref_squeeze %dma_start3A_269 : memref<1x1024xf32, #tpu.memory_space<hbm>> -> memref<1024xf32, #tpu.memory_space<hbm>>
    %dma_start3A_271 = arith.constant 0 : i32
    %dma_start3A_272 = tpu.memref_slice %arg4[%add3A_263, %dma_start3A_271] : memref<640x1024xf32, #tpu.memory_space<hbm>> -> memref<1x1024xf32, #tpu.memory_space<hbm>>
    %dma_start3A_273 = tpu.memref_squeeze %dma_start3A_272 : memref<1x1024xf32, #tpu.memory_space<hbm>> -> memref<1024xf32, #tpu.memory_space<hbm>>
    %dma_start3A_274 = arith.constant 0 : i32
    %dma_start3A_275 = tpu.memref_slice %arg7[%dma_start3A_264, %dma_start3A_274] : memref<20x1024xf32, #tpu.memory_space<vmem>> -> memref<1x1024xf32, #tpu.memory_space<vmem>>
    %dma_start3A_276 = tpu.memref_squeeze %dma_start3A_275 : memref<1x1024xf32, #tpu.memory_space<vmem>> -> memref<1024xf32, #tpu.memory_space<vmem>>
    tpu.enqueue_dma source(%dma_start3A_276 : memref<1024xf32, #tpu.memory_space<vmem>>) target(%dma_start3A_273 : memref<1024xf32, #tpu.memory_space<hbm>>) target_semaphore(%arg9 : memref<!tpu.dma_semaphore, #tpu.memory_space<semaphore_mem>>)
    %add3A_277 = arith.constant 544 : i32
    %add3A_278 = arith.addi %add3A_277, %add3A : i32
    %dma_start3A_279 = arith.constant 17 : i32
    %dma_start3A_280 = arith.constant 0 : i32
    %dma_start3A_281 = tpu.memref_slice %arg7[%dma_start3A_279, %dma_start3A_280] : memref<20x1024xf32, #tpu.memory_space<vmem>> -> memref<1x1024xf32, #tpu.memory_space<vmem>>
    %dma_start3A_282 = tpu.memref_squeeze %dma_start3A_281 : memref<1x1024xf32, #tpu.memory_space<vmem>> -> memref<1024xf32, #tpu.memory_space<vmem>>
    %dma_start3A_283 = arith.constant 0 : i32
    %dma_start3A_284 = tpu.memref_slice %arg4[%add3A_278, %dma_start3A_283] : memref<640x1024xf32, #tpu.memory_space<hbm>> -> memref<1x1024xf32, #tpu.memory_space<hbm>>
    %dma_start3A_285 = tpu.memref_squeeze %dma_start3A_284 : memref<1x1024xf32, #tpu.memory_space<hbm>> -> memref<1024xf32, #tpu.memory_space<hbm>>
    %dma_start3A_286 = arith.constant 0 : i32
    %dma_start3A_287 = tpu.memref_slice %arg4[%add3A_278, %dma_start3A_286] : memref<640x1024xf32, #tpu.memory_space<hbm>> -> memref<1x1024xf32, #tpu.memory_space<hbm>>
    %dma_start3A_288 = tpu.memref_squeeze %dma_start3A_287 : memref<1x1024xf32, #tpu.memory_space<hbm>> -> memref<1024xf32, #tpu.memory_space<hbm>>
    %dma_start3A_289 = arith.constant 0 : i32
    %dma_start3A_290 = tpu.memref_slice %arg7[%dma_start3A_279, %dma_start3A_289] : memref<20x1024xf32, #tpu.memory_space<vmem>> -> memref<1x1024xf32, #tpu.memory_space<vmem>>
    %dma_start3A_291 = tpu.memref_squeeze %dma_start3A_290 : memref<1x1024xf32, #tpu.memory_space<vmem>> -> memref<1024xf32, #tpu.memory_space<vmem>>
    tpu.enqueue_dma source(%dma_start3A_291 : memref<1024xf32, #tpu.memory_space<vmem>>) target(%dma_start3A_288 : memref<1024xf32, #tpu.memory_space<hbm>>) target_semaphore(%arg9 : memref<!tpu.dma_semaphore, #tpu.memory_space<semaphore_mem>>)
    %add3A_292 = arith.constant 576 : i32
    %add3A_293 = arith.addi %add3A_292, %add3A : i32
    %dma_start3A_294 = arith.constant 18 : i32
    %dma_start3A_295 = arith.constant 0 : i32
    %dma_start3A_296 = tpu.memref_slice %arg7[%dma_start3A_294, %dma_start3A_295] : memref<20x1024xf32, #tpu.memory_space<vmem>> -> memref<1x1024xf32, #tpu.memory_space<vmem>>
    %dma_start3A_297 = tpu.memref_squeeze %dma_start3A_296 : memref<1x1024xf32, #tpu.memory_space<vmem>> -> memref<1024xf32, #tpu.memory_space<vmem>>
    %dma_start3A_298 = arith.constant 0 : i32
    %dma_start3A_299 = tpu.memref_slice %arg4[%add3A_293, %dma_start3A_298] : memref<640x1024xf32, #tpu.memory_space<hbm>> -> memref<1x1024xf32, #tpu.memory_space<hbm>>
    %dma_start3A_300 = tpu.memref_squeeze %dma_start3A_299 : memref<1x1024xf32, #tpu.memory_space<hbm>> -> memref<1024xf32, #tpu.memory_space<hbm>>
    %dma_start3A_301 = arith.constant 0 : i32
    %dma_start3A_302 = tpu.memref_slice %arg4[%add3A_293, %dma_start3A_301] : memref<640x1024xf32, #tpu.memory_space<hbm>> -> memref<1x1024xf32, #tpu.memory_space<hbm>>
    %dma_start3A_303 = tpu.memref_squeeze %dma_start3A_302 : memref<1x1024xf32, #tpu.memory_space<hbm>> -> memref<1024xf32, #tpu.memory_space<hbm>>
    %dma_start3A_304 = arith.constant 0 : i32
    %dma_start3A_305 = tpu.memref_slice %arg7[%dma_start3A_294, %dma_start3A_304] : memref<20x1024xf32, #tpu.memory_space<vmem>> -> memref<1x1024xf32, #tpu.memory_space<vmem>>
    %dma_start3A_306 = tpu.memref_squeeze %dma_start3A_305 : memref<1x1024xf32, #tpu.memory_space<vmem>> -> memref<1024xf32, #tpu.memory_space<vmem>>
    tpu.enqueue_dma source(%dma_start3A_306 : memref<1024xf32, #tpu.memory_space<vmem>>) target(%dma_start3A_303 : memref<1024xf32, #tpu.memory_space<hbm>>) target_semaphore(%arg9 : memref<!tpu.dma_semaphore, #tpu.memory_space<semaphore_mem>>)
    %add3A_307 = arith.constant 608 : i32
    %add3A_308 = arith.addi %add3A_307, %add3A : i32
    %dma_start3A_309 = arith.constant 19 : i32
    %dma_start3A_310 = arith.constant 0 : i32
    %dma_start3A_311 = tpu.memref_slice %arg7[%dma_start3A_309, %dma_start3A_310] : memref<20x1024xf32, #tpu.memory_space<vmem>> -> memref<1x1024xf32, #tpu.memory_space<vmem>>
    %dma_start3A_312 = tpu.memref_squeeze %dma_start3A_311 : memref<1x1024xf32, #tpu.memory_space<vmem>> -> memref<1024xf32, #tpu.memory_space<vmem>>
    %dma_start3A_313 = arith.constant 0 : i32
    %dma_start3A_314 = tpu.memref_slice %arg4[%add3A_308, %dma_start3A_313] : memref<640x1024xf32, #tpu.memory_space<hbm>> -> memref<1x1024xf32, #tpu.memory_space<hbm>>
    %dma_start3A_315 = tpu.memref_squeeze %dma_start3A_314 : memref<1x1024xf32, #tpu.memory_space<hbm>> -> memref<1024xf32, #tpu.memory_space<hbm>>
    %dma_start3A_316 = arith.constant 0 : i32
    %dma_start3A_317 = tpu.memref_slice %arg4[%add3A_308, %dma_start3A_316] : memref<640x1024xf32, #tpu.memory_space<hbm>> -> memref<1x1024xf32, #tpu.memory_space<hbm>>
    %dma_start3A_318 = tpu.memref_squeeze %dma_start3A_317 : memref<1x1024xf32, #tpu.memory_space<hbm>> -> memref<1024xf32, #tpu.memory_space<hbm>>
    %dma_start3A_319 = arith.constant 0 : i32
    %dma_start3A_320 = tpu.memref_slice %arg7[%dma_start3A_309, %dma_start3A_319] : memref<20x1024xf32, #tpu.memory_space<vmem>> -> memref<1x1024xf32, #tpu.memory_space<vmem>>
    %dma_start3A_321 = tpu.memref_squeeze %dma_start3A_320 : memref<1x1024xf32, #tpu.memory_space<vmem>> -> memref<1024xf32, #tpu.memory_space<vmem>>
    tpu.enqueue_dma source(%dma_start3A_321 : memref<1024xf32, #tpu.memory_space<vmem>>) target(%dma_start3A_318 : memref<1024xf32, #tpu.memory_space<hbm>>) target_semaphore(%arg9 : memref<!tpu.dma_semaphore, #tpu.memory_space<semaphore_mem>>)
    %dma_wait3A_322 = arith.constant 0 : i32
    %dma_wait3A_323 = arith.constant 0 : i32
    %dma_wait3A_324 = tpu.memref_slice %arg7[%dma_wait3A_322, %dma_wait3A_323] : memref<20x1024xf32, #tpu.memory_space<vmem>> -> memref<1x1024xf32, #tpu.memory_space<vmem>>
    %dma_wait3A_325 = tpu.memref_squeeze %dma_wait3A_324 : memref<1x1024xf32, #tpu.memory_space<vmem>> -> memref<1024xf32, #tpu.memory_space<vmem>>
    %dma_wait3A_326 = arith.constant 0 : i32
    %dma_wait3A_327 = tpu.memref_slice %arg4[%add3A_23, %dma_wait3A_326] : memref<640x1024xf32, #tpu.memory_space<hbm>> -> memref<1x1024xf32, #tpu.memory_space<hbm>>
    %dma_wait3A_328 = tpu.memref_squeeze %dma_wait3A_327 : memref<1x1024xf32, #tpu.memory_space<hbm>> -> memref<1024xf32, #tpu.memory_space<hbm>>
    %dma_wait3A_329 = arith.constant 0 : i32
    %dma_wait3A_330 = tpu.memref_slice %arg4[%add3A_23, %dma_wait3A_329] : memref<640x1024xf32, #tpu.memory_space<hbm>> -> memref<1x1024xf32, #tpu.memory_space<hbm>>
    %dma_wait3A_331 = tpu.memref_squeeze %dma_wait3A_330 : memref<1x1024xf32, #tpu.memory_space<hbm>> -> memref<1024xf32, #tpu.memory_space<hbm>>
    %dma_wait3A_332 = arith.constant 0 : i32
    %dma_wait3A_333 = tpu.memref_slice %arg7[%dma_wait3A_322, %dma_wait3A_332] : memref<20x1024xf32, #tpu.memory_space<vmem>> -> memref<1x1024xf32, #tpu.memory_space<vmem>>
    %dma_wait3A_334 = tpu.memref_squeeze %dma_wait3A_333 : memref<1x1024xf32, #tpu.memory_space<vmem>> -> memref<1024xf32, #tpu.memory_space<vmem>>
    tpu.wait_dma2 semaphore(%arg9 : memref<!tpu.dma_semaphore, #tpu.memory_space<semaphore_mem>>) src(%dma_wait3A_334 : memref<1024xf32, #tpu.memory_space<vmem>>) dst(%dma_wait3A_331 : memref<1024xf32, #tpu.memory_space<hbm>>)
    %dma_wait3A_335 = arith.constant 1 : i32
    %dma_wait3A_336 = arith.constant 0 : i32
    %dma_wait3A_337 = tpu.memref_slice %arg7[%dma_wait3A_335, %dma_wait3A_336] : memref<20x1024xf32, #tpu.memory_space<vmem>> -> memref<1x1024xf32, #tpu.memory_space<vmem>>
    %dma_wait3A_338 = tpu.memref_squeeze %dma_wait3A_337 : memref<1x1024xf32, #tpu.memory_space<vmem>> -> memref<1024xf32, #tpu.memory_space<vmem>>
    %dma_wait3A_339 = arith.constant 0 : i32
    %dma_wait3A_340 = tpu.memref_slice %arg4[%add3A_38, %dma_wait3A_339] : memref<640x1024xf32, #tpu.memory_space<hbm>> -> memref<1x1024xf32, #tpu.memory_space<hbm>>
    %dma_wait3A_341 = tpu.memref_squeeze %dma_wait3A_340 : memref<1x1024xf32, #tpu.memory_space<hbm>> -> memref<1024xf32, #tpu.memory_space<hbm>>
    %dma_wait3A_342 = arith.constant 0 : i32
    %dma_wait3A_343 = tpu.memref_slice %arg4[%add3A_38, %dma_wait3A_342] : memref<640x1024xf32, #tpu.memory_space<hbm>> -> memref<1x1024xf32, #tpu.memory_space<hbm>>
    %dma_wait3A_344 = tpu.memref_squeeze %dma_wait3A_343 : memref<1x1024xf32, #tpu.memory_space<hbm>> -> memref<1024xf32, #tpu.memory_space<hbm>>
    %dma_wait3A_345 = arith.constant 0 : i32
    %dma_wait3A_346 = tpu.memref_slice %arg7[%dma_wait3A_335, %dma_wait3A_345] : memref<20x1024xf32, #tpu.memory_space<vmem>> -> memref<1x1024xf32, #tpu.memory_space<vmem>>
    %dma_wait3A_347 = tpu.memref_squeeze %dma_wait3A_346 : memref<1x1024xf32, #tpu.memory_space<vmem>> -> memref<1024xf32, #tpu.memory_space<vmem>>
    tpu.wait_dma2 semaphore(%arg9 : memref<!tpu.dma_semaphore, #tpu.memory_space<semaphore_mem>>) src(%dma_wait3A_347 : memref<1024xf32, #tpu.memory_space<vmem>>) dst(%dma_wait3A_344 : memref<1024xf32, #tpu.memory_space<hbm>>)
    %dma_wait3A_348 = arith.constant 2 : i32
    %dma_wait3A_349 = arith.constant 0 : i32
    %dma_wait3A_350 = tpu.memref_slice %arg7[%dma_wait3A_348, %dma_wait3A_349] : memref<20x1024xf32, #tpu.memory_space<vmem>> -> memref<1x1024xf32, #tpu.memory_space<vmem>>
    %dma_wait3A_351 = tpu.memref_squeeze %dma_wait3A_350 : memref<1x1024xf32, #tpu.memory_space<vmem>> -> memref<1024xf32, #tpu.memory_space<vmem>>
    %dma_wait3A_352 = arith.constant 0 : i32
    %dma_wait3A_353 = tpu.memref_slice %arg4[%add3A_53, %dma_wait3A_352] : memref<640x1024xf32, #tpu.memory_space<hbm>> -> memref<1x1024xf32, #tpu.memory_space<hbm>>
    %dma_wait3A_354 = tpu.memref_squeeze %dma_wait3A_353 : memref<1x1024xf32, #tpu.memory_space<hbm>> -> memref<1024xf32, #tpu.memory_space<hbm>>
    %dma_wait3A_355 = arith.constant 0 : i32
    %dma_wait3A_356 = tpu.memref_slice %arg4[%add3A_53, %dma_wait3A_355] : memref<640x1024xf32, #tpu.memory_space<hbm>> -> memref<1x1024xf32, #tpu.memory_space<hbm>>
    %dma_wait3A_357 = tpu.memref_squeeze %dma_wait3A_356 : memref<1x1024xf32, #tpu.memory_space<hbm>> -> memref<1024xf32, #tpu.memory_space<hbm>>
    %dma_wait3A_358 = arith.constant 0 : i32
    %dma_wait3A_359 = tpu.memref_slice %arg7[%dma_wait3A_348, %dma_wait3A_358] : memref<20x1024xf32, #tpu.memory_space<vmem>> -> memref<1x1024xf32, #tpu.memory_space<vmem>>
    %dma_wait3A_360 = tpu.memref_squeeze %dma_wait3A_359 : memref<1x1024xf32, #tpu.memory_space<vmem>> -> memref<1024xf32, #tpu.memory_space<vmem>>
    tpu.wait_dma2 semaphore(%arg9 : memref<!tpu.dma_semaphore, #tpu.memory_space<semaphore_mem>>) src(%dma_wait3A_360 : memref<1024xf32, #tpu.memory_space<vmem>>) dst(%dma_wait3A_357 : memref<1024xf32, #tpu.memory_space<hbm>>)
    %dma_wait3A_361 = arith.constant 3 : i32
    %dma_wait3A_362 = arith.constant 0 : i32
    %dma_wait3A_363 = tpu.memref_slice %arg7[%dma_wait3A_361, %dma_wait3A_362] : memref<20x1024xf32, #tpu.memory_space<vmem>> -> memref<1x1024xf32, #tpu.memory_space<vmem>>
    %dma_wait3A_364 = tpu.memref_squeeze %dma_wait3A_363 : memref<1x1024xf32, #tpu.memory_space<vmem>> -> memref<1024xf32, #tpu.memory_space<vmem>>
    %dma_wait3A_365 = arith.constant 0 : i32
    %dma_wait3A_366 = tpu.memref_slice %arg4[%add3A_68, %dma_wait3A_365] : memref<640x1024xf32, #tpu.memory_space<hbm>> -> memref<1x1024xf32, #tpu.memory_space<hbm>>
    %dma_wait3A_367 = tpu.memref_squeeze %dma_wait3A_366 : memref<1x1024xf32, #tpu.memory_space<hbm>> -> memref<1024xf32, #tpu.memory_space<hbm>>
    %dma_wait3A_368 = arith.constant 0 : i32
    %dma_wait3A_369 = tpu.memref_slice %arg4[%add3A_68, %dma_wait3A_368] : memref<640x1024xf32, #tpu.memory_space<hbm>> -> memref<1x1024xf32, #tpu.memory_space<hbm>>
    %dma_wait3A_370 = tpu.memref_squeeze %dma_wait3A_369 : memref<1x1024xf32, #tpu.memory_space<hbm>> -> memref<1024xf32, #tpu.memory_space<hbm>>
    %dma_wait3A_371 = arith.constant 0 : i32
    %dma_wait3A_372 = tpu.memref_slice %arg7[%dma_wait3A_361, %dma_wait3A_371] : memref<20x1024xf32, #tpu.memory_space<vmem>> -> memref<1x1024xf32, #tpu.memory_space<vmem>>
    %dma_wait3A_373 = tpu.memref_squeeze %dma_wait3A_372 : memref<1x1024xf32, #tpu.memory_space<vmem>> -> memref<1024xf32, #tpu.memory_space<vmem>>
    tpu.wait_dma2 semaphore(%arg9 : memref<!tpu.dma_semaphore, #tpu.memory_space<semaphore_mem>>) src(%dma_wait3A_373 : memref<1024xf32, #tpu.memory_space<vmem>>) dst(%dma_wait3A_370 : memref<1024xf32, #tpu.memory_space<hbm>>)
    %dma_wait3A_374 = arith.constant 4 : i32
    %dma_wait3A_375 = arith.constant 0 : i32
    %dma_wait3A_376 = tpu.memref_slice %arg7[%dma_wait3A_374, %dma_wait3A_375] : memref<20x1024xf32, #tpu.memory_space<vmem>> -> memref<1x1024xf32, #tpu.memory_space<vmem>>
    %dma_wait3A_377 = tpu.memref_squeeze %dma_wait3A_376 : memref<1x1024xf32, #tpu.memory_space<vmem>> -> memref<1024xf32, #tpu.memory_space<vmem>>
    %dma_wait3A_378 = arith.constant 0 : i32
    %dma_wait3A_379 = tpu.memref_slice %arg4[%add3A_83, %dma_wait3A_378] : memref<640x1024xf32, #tpu.memory_space<hbm>> -> memref<1x1024xf32, #tpu.memory_space<hbm>>
    %dma_wait3A_380 = tpu.memref_squeeze %dma_wait3A_379 : memref<1x1024xf32, #tpu.memory_space<hbm>> -> memref<1024xf32, #tpu.memory_space<hbm>>
    %dma_wait3A_381 = arith.constant 0 : i32
    %dma_wait3A_382 = tpu.memref_slice %arg4[%add3A_83, %dma_wait3A_381] : memref<640x1024xf32, #tpu.memory_space<hbm>> -> memref<1x1024xf32, #tpu.memory_space<hbm>>
    %dma_wait3A_383 = tpu.memref_squeeze %dma_wait3A_382 : memref<1x1024xf32, #tpu.memory_space<hbm>> -> memref<1024xf32, #tpu.memory_space<hbm>>
    %dma_wait3A_384 = arith.constant 0 : i32
    %dma_wait3A_385 = tpu.memref_slice %arg7[%dma_wait3A_374, %dma_wait3A_384] : memref<20x1024xf32, #tpu.memory_space<vmem>> -> memref<1x1024xf32, #tpu.memory_space<vmem>>
    %dma_wait3A_386 = tpu.memref_squeeze %dma_wait3A_385 : memref<1x1024xf32, #tpu.memory_space<vmem>> -> memref<1024xf32, #tpu.memory_space<vmem>>
    tpu.wait_dma2 semaphore(%arg9 : memref<!tpu.dma_semaphore, #tpu.memory_space<semaphore_mem>>) src(%dma_wait3A_386 : memref<1024xf32, #tpu.memory_space<vmem>>) dst(%dma_wait3A_383 : memref<1024xf32, #tpu.memory_space<hbm>>)
    %dma_wait3A_387 = arith.constant 5 : i32
    %dma_wait3A_388 = arith.constant 0 : i32
    %dma_wait3A_389 = tpu.memref_slice %arg7[%dma_wait3A_387, %dma_wait3A_388] : memref<20x1024xf32, #tpu.memory_space<vmem>> -> memref<1x1024xf32, #tpu.memory_space<vmem>>
    %dma_wait3A_390 = tpu.memref_squeeze %dma_wait3A_389 : memref<1x1024xf32, #tpu.memory_space<vmem>> -> memref<1024xf32, #tpu.memory_space<vmem>>
    %dma_wait3A_391 = arith.constant 0 : i32
    %dma_wait3A_392 = tpu.memref_slice %arg4[%add3A_98, %dma_wait3A_391] : memref<640x1024xf32, #tpu.memory_space<hbm>> -> memref<1x1024xf32, #tpu.memory_space<hbm>>
    %dma_wait3A_393 = tpu.memref_squeeze %dma_wait3A_392 : memref<1x1024xf32, #tpu.memory_space<hbm>> -> memref<1024xf32, #tpu.memory_space<hbm>>
    %dma_wait3A_394 = arith.constant 0 : i32
    %dma_wait3A_395 = tpu.memref_slice %arg4[%add3A_98, %dma_wait3A_394] : memref<640x1024xf32, #tpu.memory_space<hbm>> -> memref<1x1024xf32, #tpu.memory_space<hbm>>
    %dma_wait3A_396 = tpu.memref_squeeze %dma_wait3A_395 : memref<1x1024xf32, #tpu.memory_space<hbm>> -> memref<1024xf32, #tpu.memory_space<hbm>>
    %dma_wait3A_397 = arith.constant 0 : i32
    %dma_wait3A_398 = tpu.memref_slice %arg7[%dma_wait3A_387, %dma_wait3A_397] : memref<20x1024xf32, #tpu.memory_space<vmem>> -> memref<1x1024xf32, #tpu.memory_space<vmem>>
    %dma_wait3A_399 = tpu.memref_squeeze %dma_wait3A_398 : memref<1x1024xf32, #tpu.memory_space<vmem>> -> memref<1024xf32, #tpu.memory_space<vmem>>
    tpu.wait_dma2 semaphore(%arg9 : memref<!tpu.dma_semaphore, #tpu.memory_space<semaphore_mem>>) src(%dma_wait3A_399 : memref<1024xf32, #tpu.memory_space<vmem>>) dst(%dma_wait3A_396 : memref<1024xf32, #tpu.memory_space<hbm>>)
    %dma_wait3A_400 = arith.constant 6 : i32
    %dma_wait3A_401 = arith.constant 0 : i32
    %dma_wait3A_402 = tpu.memref_slice %arg7[%dma_wait3A_400, %dma_wait3A_401] : memref<20x1024xf32, #tpu.memory_space<vmem>> -> memref<1x1024xf32, #tpu.memory_space<vmem>>
    %dma_wait3A_403 = tpu.memref_squeeze %dma_wait3A_402 : memref<1x1024xf32, #tpu.memory_space<vmem>> -> memref<1024xf32, #tpu.memory_space<vmem>>
    %dma_wait3A_404 = arith.constant 0 : i32
    %dma_wait3A_405 = tpu.memref_slice %arg4[%add3A_113, %dma_wait3A_404] : memref<640x1024xf32, #tpu.memory_space<hbm>> -> memref<1x1024xf32, #tpu.memory_space<hbm>>
    %dma_wait3A_406 = tpu.memref_squeeze %dma_wait3A_405 : memref<1x1024xf32, #tpu.memory_space<hbm>> -> memref<1024xf32, #tpu.memory_space<hbm>>
    %dma_wait3A_407 = arith.constant 0 : i32
    %dma_wait3A_408 = tpu.memref_slice %arg4[%add3A_113, %dma_wait3A_407] : memref<640x1024xf32, #tpu.memory_space<hbm>> -> memref<1x1024xf32, #tpu.memory_space<hbm>>
    %dma_wait3A_409 = tpu.memref_squeeze %dma_wait3A_408 : memref<1x1024xf32, #tpu.memory_space<hbm>> -> memref<1024xf32, #tpu.memory_space<hbm>>
    %dma_wait3A_410 = arith.constant 0 : i32
    %dma_wait3A_411 = tpu.memref_slice %arg7[%dma_wait3A_400, %dma_wait3A_410] : memref<20x1024xf32, #tpu.memory_space<vmem>> -> memref<1x1024xf32, #tpu.memory_space<vmem>>
    %dma_wait3A_412 = tpu.memref_squeeze %dma_wait3A_411 : memref<1x1024xf32, #tpu.memory_space<vmem>> -> memref<1024xf32, #tpu.memory_space<vmem>>
    tpu.wait_dma2 semaphore(%arg9 : memref<!tpu.dma_semaphore, #tpu.memory_space<semaphore_mem>>) src(%dma_wait3A_412 : memref<1024xf32, #tpu.memory_space<vmem>>) dst(%dma_wait3A_409 : memref<1024xf32, #tpu.memory_space<hbm>>)
    %dma_wait3A_413 = arith.constant 7 : i32
    %dma_wait3A_414 = arith.constant 0 : i32
    %dma_wait3A_415 = tpu.memref_slice %arg7[%dma_wait3A_413, %dma_wait3A_414] : memref<20x1024xf32, #tpu.memory_space<vmem>> -> memref<1x1024xf32, #tpu.memory_space<vmem>>
    %dma_wait3A_416 = tpu.memref_squeeze %dma_wait3A_415 : memref<1x1024xf32, #tpu.memory_space<vmem>> -> memref<1024xf32, #tpu.memory_space<vmem>>
    %dma_wait3A_417 = arith.constant 0 : i32
    %dma_wait3A_418 = tpu.memref_slice %arg4[%add3A_128, %dma_wait3A_417] : memref<640x1024xf32, #tpu.memory_space<hbm>> -> memref<1x1024xf32, #tpu.memory_space<hbm>>
    %dma_wait3A_419 = tpu.memref_squeeze %dma_wait3A_418 : memref<1x1024xf32, #tpu.memory_space<hbm>> -> memref<1024xf32, #tpu.memory_space<hbm>>
    %dma_wait3A_420 = arith.constant 0 : i32
    %dma_wait3A_421 = tpu.memref_slice %arg4[%add3A_128, %dma_wait3A_420] : memref<640x1024xf32, #tpu.memory_space<hbm>> -> memref<1x1024xf32, #tpu.memory_space<hbm>>
    %dma_wait3A_422 = tpu.memref_squeeze %dma_wait3A_421 : memref<1x1024xf32, #tpu.memory_space<hbm>> -> memref<1024xf32, #tpu.memory_space<hbm>>
    %dma_wait3A_423 = arith.constant 0 : i32
    %dma_wait3A_424 = tpu.memref_slice %arg7[%dma_wait3A_413, %dma_wait3A_423] : memref<20x1024xf32, #tpu.memory_space<vmem>> -> memref<1x1024xf32, #tpu.memory_space<vmem>>
    %dma_wait3A_425 = tpu.memref_squeeze %dma_wait3A_424 : memref<1x1024xf32, #tpu.memory_space<vmem>> -> memref<1024xf32, #tpu.memory_space<vmem>>
    tpu.wait_dma2 semaphore(%arg9 : memref<!tpu.dma_semaphore, #tpu.memory_space<semaphore_mem>>) src(%dma_wait3A_425 : memref<1024xf32, #tpu.memory_space<vmem>>) dst(%dma_wait3A_422 : memref<1024xf32, #tpu.memory_space<hbm>>)
    %dma_wait3A_426 = arith.constant 8 : i32
    %dma_wait3A_427 = arith.constant 0 : i32
    %dma_wait3A_428 = tpu.memref_slice %arg7[%dma_wait3A_426, %dma_wait3A_427] : memref<20x1024xf32, #tpu.memory_space<vmem>> -> memref<1x1024xf32, #tpu.memory_space<vmem>>
    %dma_wait3A_429 = tpu.memref_squeeze %dma_wait3A_428 : memref<1x1024xf32, #tpu.memory_space<vmem>> -> memref<1024xf32, #tpu.memory_space<vmem>>
    %dma_wait3A_430 = arith.constant 0 : i32
    %dma_wait3A_431 = tpu.memref_slice %arg4[%add3A_143, %dma_wait3A_430] : memref<640x1024xf32, #tpu.memory_space<hbm>> -> memref<1x1024xf32, #tpu.memory_space<hbm>>
    %dma_wait3A_432 = tpu.memref_squeeze %dma_wait3A_431 : memref<1x1024xf32, #tpu.memory_space<hbm>> -> memref<1024xf32, #tpu.memory_space<hbm>>
    %dma_wait3A_433 = arith.constant 0 : i32
    %dma_wait3A_434 = tpu.memref_slice %arg4[%add3A_143, %dma_wait3A_433] : memref<640x1024xf32, #tpu.memory_space<hbm>> -> memref<1x1024xf32, #tpu.memory_space<hbm>>
    %dma_wait3A_435 = tpu.memref_squeeze %dma_wait3A_434 : memref<1x1024xf32, #tpu.memory_space<hbm>> -> memref<1024xf32, #tpu.memory_space<hbm>>
    %dma_wait3A_436 = arith.constant 0 : i32
    %dma_wait3A_437 = tpu.memref_slice %arg7[%dma_wait3A_426, %dma_wait3A_436] : memref<20x1024xf32, #tpu.memory_space<vmem>> -> memref<1x1024xf32, #tpu.memory_space<vmem>>
    %dma_wait3A_438 = tpu.memref_squeeze %dma_wait3A_437 : memref<1x1024xf32, #tpu.memory_space<vmem>> -> memref<1024xf32, #tpu.memory_space<vmem>>
    tpu.wait_dma2 semaphore(%arg9 : memref<!tpu.dma_semaphore, #tpu.memory_space<semaphore_mem>>) src(%dma_wait3A_438 : memref<1024xf32, #tpu.memory_space<vmem>>) dst(%dma_wait3A_435 : memref<1024xf32, #tpu.memory_space<hbm>>)
    %dma_wait3A_439 = arith.constant 9 : i32
    %dma_wait3A_440 = arith.constant 0 : i32
    %dma_wait3A_441 = tpu.memref_slice %arg7[%dma_wait3A_439, %dma_wait3A_440] : memref<20x1024xf32, #tpu.memory_space<vmem>> -> memref<1x1024xf32, #tpu.memory_space<vmem>>
    %dma_wait3A_442 = tpu.memref_squeeze %dma_wait3A_441 : memref<1x1024xf32, #tpu.memory_space<vmem>> -> memref<1024xf32, #tpu.memory_space<vmem>>
    %dma_wait3A_443 = arith.constant 0 : i32
    %dma_wait3A_444 = tpu.memref_slice %arg4[%add3A_158, %dma_wait3A_443] : memref<640x1024xf32, #tpu.memory_space<hbm>> -> memref<1x1024xf32, #tpu.memory_space<hbm>>
    %dma_wait3A_445 = tpu.memref_squeeze %dma_wait3A_444 : memref<1x1024xf32, #tpu.memory_space<hbm>> -> memref<1024xf32, #tpu.memory_space<hbm>>
    %dma_wait3A_446 = arith.constant 0 : i32
    %dma_wait3A_447 = tpu.memref_slice %arg4[%add3A_158, %dma_wait3A_446] : memref<640x1024xf32, #tpu.memory_space<hbm>> -> memref<1x1024xf32, #tpu.memory_space<hbm>>
    %dma_wait3A_448 = tpu.memref_squeeze %dma_wait3A_447 : memref<1x1024xf32, #tpu.memory_space<hbm>> -> memref<1024xf32, #tpu.memory_space<hbm>>
    %dma_wait3A_449 = arith.constant 0 : i32
    %dma_wait3A_450 = tpu.memref_slice %arg7[%dma_wait3A_439, %dma_wait3A_449] : memref<20x1024xf32, #tpu.memory_space<vmem>> -> memref<1x1024xf32, #tpu.memory_space<vmem>>
    %dma_wait3A_451 = tpu.memref_squeeze %dma_wait3A_450 : memref<1x1024xf32, #tpu.memory_space<vmem>> -> memref<1024xf32, #tpu.memory_space<vmem>>
    tpu.wait_dma2 semaphore(%arg9 : memref<!tpu.dma_semaphore, #tpu.memory_space<semaphore_mem>>) src(%dma_wait3A_451 : memref<1024xf32, #tpu.memory_space<vmem>>) dst(%dma_wait3A_448 : memref<1024xf32, #tpu.memory_space<hbm>>)
    %dma_wait3A_452 = arith.constant 10 : i32
    %dma_wait3A_453 = arith.constant 0 : i32
    %dma_wait3A_454 = tpu.memref_slice %arg7[%dma_wait3A_452, %dma_wait3A_453] : memref<20x1024xf32, #tpu.memory_space<vmem>> -> memref<1x1024xf32, #tpu.memory_space<vmem>>
    %dma_wait3A_455 = tpu.memref_squeeze %dma_wait3A_454 : memref<1x1024xf32, #tpu.memory_space<vmem>> -> memref<1024xf32, #tpu.memory_space<vmem>>
    %dma_wait3A_456 = arith.constant 0 : i32
    %dma_wait3A_457 = tpu.memref_slice %arg4[%add3A_173, %dma_wait3A_456] : memref<640x1024xf32, #tpu.memory_space<hbm>> -> memref<1x1024xf32, #tpu.memory_space<hbm>>
    %dma_wait3A_458 = tpu.memref_squeeze %dma_wait3A_457 : memref<1x1024xf32, #tpu.memory_space<hbm>> -> memref<1024xf32, #tpu.memory_space<hbm>>
    %dma_wait3A_459 = arith.constant 0 : i32
    %dma_wait3A_460 = tpu.memref_slice %arg4[%add3A_173, %dma_wait3A_459] : memref<640x1024xf32, #tpu.memory_space<hbm>> -> memref<1x1024xf32, #tpu.memory_space<hbm>>
    %dma_wait3A_461 = tpu.memref_squeeze %dma_wait3A_460 : memref<1x1024xf32, #tpu.memory_space<hbm>> -> memref<1024xf32, #tpu.memory_space<hbm>>
    %dma_wait3A_462 = arith.constant 0 : i32
    %dma_wait3A_463 = tpu.memref_slice %arg7[%dma_wait3A_452, %dma_wait3A_462] : memref<20x1024xf32, #tpu.memory_space<vmem>> -> memref<1x1024xf32, #tpu.memory_space<vmem>>
    %dma_wait3A_464 = tpu.memref_squeeze %dma_wait3A_463 : memref<1x1024xf32, #tpu.memory_space<vmem>> -> memref<1024xf32, #tpu.memory_space<vmem>>
    tpu.wait_dma2 semaphore(%arg9 : memref<!tpu.dma_semaphore, #tpu.memory_space<semaphore_mem>>) src(%dma_wait3A_464 : memref<1024xf32, #tpu.memory_space<vmem>>) dst(%dma_wait3A_461 : memref<1024xf32, #tpu.memory_space<hbm>>)
    %dma_wait3A_465 = arith.constant 11 : i32
    %dma_wait3A_466 = arith.constant 0 : i32
    %dma_wait3A_467 = tpu.memref_slice %arg7[%dma_wait3A_465, %dma_wait3A_466] : memref<20x1024xf32, #tpu.memory_space<vmem>> -> memref<1x1024xf32, #tpu.memory_space<vmem>>
    %dma_wait3A_468 = tpu.memref_squeeze %dma_wait3A_467 : memref<1x1024xf32, #tpu.memory_space<vmem>> -> memref<1024xf32, #tpu.memory_space<vmem>>
    %dma_wait3A_469 = arith.constant 0 : i32
    %dma_wait3A_470 = tpu.memref_slice %arg4[%add3A_188, %dma_wait3A_469] : memref<640x1024xf32, #tpu.memory_space<hbm>> -> memref<1x1024xf32, #tpu.memory_space<hbm>>
    %dma_wait3A_471 = tpu.memref_squeeze %dma_wait3A_470 : memref<1x1024xf32, #tpu.memory_space<hbm>> -> memref<1024xf32, #tpu.memory_space<hbm>>
    %dma_wait3A_472 = arith.constant 0 : i32
    %dma_wait3A_473 = tpu.memref_slice %arg4[%add3A_188, %dma_wait3A_472] : memref<640x1024xf32, #tpu.memory_space<hbm>> -> memref<1x1024xf32, #tpu.memory_space<hbm>>
    %dma_wait3A_474 = tpu.memref_squeeze %dma_wait3A_473 : memref<1x1024xf32, #tpu.memory_space<hbm>> -> memref<1024xf32, #tpu.memory_space<hbm>>
    %dma_wait3A_475 = arith.constant 0 : i32
    %dma_wait3A_476 = tpu.memref_slice %arg7[%dma_wait3A_465, %dma_wait3A_475] : memref<20x1024xf32, #tpu.memory_space<vmem>> -> memref<1x1024xf32, #tpu.memory_space<vmem>>
    %dma_wait3A_477 = tpu.memref_squeeze %dma_wait3A_476 : memref<1x1024xf32, #tpu.memory_space<vmem>> -> memref<1024xf32, #tpu.memory_space<vmem>>
    tpu.wait_dma2 semaphore(%arg9 : memref<!tpu.dma_semaphore, #tpu.memory_space<semaphore_mem>>) src(%dma_wait3A_477 : memref<1024xf32, #tpu.memory_space<vmem>>) dst(%dma_wait3A_474 : memref<1024xf32, #tpu.memory_space<hbm>>)
    %dma_wait3A_478 = arith.constant 12 : i32
    %dma_wait3A_479 = arith.constant 0 : i32
    %dma_wait3A_480 = tpu.memref_slice %arg7[%dma_wait3A_478, %dma_wait3A_479] : memref<20x1024xf32, #tpu.memory_space<vmem>> -> memref<1x1024xf32, #tpu.memory_space<vmem>>
    %dma_wait3A_481 = tpu.memref_squeeze %dma_wait3A_480 : memref<1x1024xf32, #tpu.memory_space<vmem>> -> memref<1024xf32, #tpu.memory_space<vmem>>
    %dma_wait3A_482 = arith.constant 0 : i32
    %dma_wait3A_483 = tpu.memref_slice %arg4[%add3A_203, %dma_wait3A_482] : memref<640x1024xf32, #tpu.memory_space<hbm>> -> memref<1x1024xf32, #tpu.memory_space<hbm>>
    %dma_wait3A_484 = tpu.memref_squeeze %dma_wait3A_483 : memref<1x1024xf32, #tpu.memory_space<hbm>> -> memref<1024xf32, #tpu.memory_space<hbm>>
    %dma_wait3A_485 = arith.constant 0 : i32
    %dma_wait3A_486 = tpu.memref_slice %arg4[%add3A_203, %dma_wait3A_485] : memref<640x1024xf32, #tpu.memory_space<hbm>> -> memref<1x1024xf32, #tpu.memory_space<hbm>>
    %dma_wait3A_487 = tpu.memref_squeeze %dma_wait3A_486 : memref<1x1024xf32, #tpu.memory_space<hbm>> -> memref<1024xf32, #tpu.memory_space<hbm>>
    %dma_wait3A_488 = arith.constant 0 : i32
    %dma_wait3A_489 = tpu.memref_slice %arg7[%dma_wait3A_478, %dma_wait3A_488] : memref<20x1024xf32, #tpu.memory_space<vmem>> -> memref<1x1024xf32, #tpu.memory_space<vmem>>
    %dma_wait3A_490 = tpu.memref_squeeze %dma_wait3A_489 : memref<1x1024xf32, #tpu.memory_space<vmem>> -> memref<1024xf32, #tpu.memory_space<vmem>>
    tpu.wait_dma2 semaphore(%arg9 : memref<!tpu.dma_semaphore, #tpu.memory_space<semaphore_mem>>) src(%dma_wait3A_490 : memref<1024xf32, #tpu.memory_space<vmem>>) dst(%dma_wait3A_487 : memref<1024xf32, #tpu.memory_space<hbm>>)
    %dma_wait3A_491 = arith.constant 13 : i32
    %dma_wait3A_492 = arith.constant 0 : i32
    %dma_wait3A_493 = tpu.memref_slice %arg7[%dma_wait3A_491, %dma_wait3A_492] : memref<20x1024xf32, #tpu.memory_space<vmem>> -> memref<1x1024xf32, #tpu.memory_space<vmem>>
    %dma_wait3A_494 = tpu.memref_squeeze %dma_wait3A_493 : memref<1x1024xf32, #tpu.memory_space<vmem>> -> memref<1024xf32, #tpu.memory_space<vmem>>
    %dma_wait3A_495 = arith.constant 0 : i32
    %dma_wait3A_496 = tpu.memref_slice %arg4[%add3A_218, %dma_wait3A_495] : memref<640x1024xf32, #tpu.memory_space<hbm>> -> memref<1x1024xf32, #tpu.memory_space<hbm>>
    %dma_wait3A_497 = tpu.memref_squeeze %dma_wait3A_496 : memref<1x1024xf32, #tpu.memory_space<hbm>> -> memref<1024xf32, #tpu.memory_space<hbm>>
    %dma_wait3A_498 = arith.constant 0 : i32
    %dma_wait3A_499 = tpu.memref_slice %arg4[%add3A_218, %dma_wait3A_498] : memref<640x1024xf32, #tpu.memory_space<hbm>> -> memref<1x1024xf32, #tpu.memory_space<hbm>>
    %dma_wait3A_500 = tpu.memref_squeeze %dma_wait3A_499 : memref<1x1024xf32, #tpu.memory_space<hbm>> -> memref<1024xf32, #tpu.memory_space<hbm>>
    %dma_wait3A_501 = arith.constant 0 : i32
    %dma_wait3A_502 = tpu.memref_slice %arg7[%dma_wait3A_491, %dma_wait3A_501] : memref<20x1024xf32, #tpu.memory_space<vmem>> -> memref<1x1024xf32, #tpu.memory_space<vmem>>
    %dma_wait3A_503 = tpu.memref_squeeze %dma_wait3A_502 : memref<1x1024xf32, #tpu.memory_space<vmem>> -> memref<1024xf32, #tpu.memory_space<vmem>>
    tpu.wait_dma2 semaphore(%arg9 : memref<!tpu.dma_semaphore, #tpu.memory_space<semaphore_mem>>) src(%dma_wait3A_503 : memref<1024xf32, #tpu.memory_space<vmem>>) dst(%dma_wait3A_500 : memref<1024xf32, #tpu.memory_space<hbm>>)
    %dma_wait3A_504 = arith.constant 14 : i32
    %dma_wait3A_505 = arith.constant 0 : i32
    %dma_wait3A_506 = tpu.memref_slice %arg7[%dma_wait3A_504, %dma_wait3A_505] : memref<20x1024xf32, #tpu.memory_space<vmem>> -> memref<1x1024xf32, #tpu.memory_space<vmem>>
    %dma_wait3A_507 = tpu.memref_squeeze %dma_wait3A_506 : memref<1x1024xf32, #tpu.memory_space<vmem>> -> memref<1024xf32, #tpu.memory_space<vmem>>
    %dma_wait3A_508 = arith.constant 0 : i32
    %dma_wait3A_509 = tpu.memref_slice %arg4[%add3A_233, %dma_wait3A_508] : memref<640x1024xf32, #tpu.memory_space<hbm>> -> memref<1x1024xf32, #tpu.memory_space<hbm>>
    %dma_wait3A_510 = tpu.memref_squeeze %dma_wait3A_509 : memref<1x1024xf32, #tpu.memory_space<hbm>> -> memref<1024xf32, #tpu.memory_space<hbm>>
    %dma_wait3A_511 = arith.constant 0 : i32
    %dma_wait3A_512 = tpu.memref_slice %arg4[%add3A_233, %dma_wait3A_511] : memref<640x1024xf32, #tpu.memory_space<hbm>> -> memref<1x1024xf32, #tpu.memory_space<hbm>>
    %dma_wait3A_513 = tpu.memref_squeeze %dma_wait3A_512 : memref<1x1024xf32, #tpu.memory_space<hbm>> -> memref<1024xf32, #tpu.memory_space<hbm>>
    %dma_wait3A_514 = arith.constant 0 : i32
    %dma_wait3A_515 = tpu.memref_slice %arg7[%dma_wait3A_504, %dma_wait3A_514] : memref<20x1024xf32, #tpu.memory_space<vmem>> -> memref<1x1024xf32, #tpu.memory_space<vmem>>
    %dma_wait3A_516 = tpu.memref_squeeze %dma_wait3A_515 : memref<1x1024xf32, #tpu.memory_space<vmem>> -> memref<1024xf32, #tpu.memory_space<vmem>>
    tpu.wait_dma2 semaphore(%arg9 : memref<!tpu.dma_semaphore, #tpu.memory_space<semaphore_mem>>) src(%dma_wait3A_516 : memref<1024xf32, #tpu.memory_space<vmem>>) dst(%dma_wait3A_513 : memref<1024xf32, #tpu.memory_space<hbm>>)
    %dma_wait3A_517 = arith.constant 15 : i32
    %dma_wait3A_518 = arith.constant 0 : i32
    %dma_wait3A_519 = tpu.memref_slice %arg7[%dma_wait3A_517, %dma_wait3A_518] : memref<20x1024xf32, #tpu.memory_space<vmem>> -> memref<1x1024xf32, #tpu.memory_space<vmem>>
    %dma_wait3A_520 = tpu.memref_squeeze %dma_wait3A_519 : memref<1x1024xf32, #tpu.memory_space<vmem>> -> memref<1024xf32, #tpu.memory_space<vmem>>
    %dma_wait3A_521 = arith.constant 0 : i32
    %dma_wait3A_522 = tpu.memref_slice %arg4[%add3A_248, %dma_wait3A_521] : memref<640x1024xf32, #tpu.memory_space<hbm>> -> memref<1x1024xf32, #tpu.memory_space<hbm>>
    %dma_wait3A_523 = tpu.memref_squeeze %dma_wait3A_522 : memref<1x1024xf32, #tpu.memory_space<hbm>> -> memref<1024xf32, #tpu.memory_space<hbm>>
    %dma_wait3A_524 = arith.constant 0 : i32
    %dma_wait3A_525 = tpu.memref_slice %arg4[%add3A_248, %dma_wait3A_524] : memref<640x1024xf32, #tpu.memory_space<hbm>> -> memref<1x1024xf32, #tpu.memory_space<hbm>>
    %dma_wait3A_526 = tpu.memref_squeeze %dma_wait3A_525 : memref<1x1024xf32, #tpu.memory_space<hbm>> -> memref<1024xf32, #tpu.memory_space<hbm>>
    %dma_wait3A_527 = arith.constant 0 : i32
    %dma_wait3A_528 = tpu.memref_slice %arg7[%dma_wait3A_517, %dma_wait3A_527] : memref<20x1024xf32, #tpu.memory_space<vmem>> -> memref<1x1024xf32, #tpu.memory_space<vmem>>
    %dma_wait3A_529 = tpu.memref_squeeze %dma_wait3A_528 : memref<1x1024xf32, #tpu.memory_space<vmem>> -> memref<1024xf32, #tpu.memory_space<vmem>>
    tpu.wait_dma2 semaphore(%arg9 : memref<!tpu.dma_semaphore, #tpu.memory_space<semaphore_mem>>) src(%dma_wait3A_529 : memref<1024xf32, #tpu.memory_space<vmem>>) dst(%dma_wait3A_526 : memref<1024xf32, #tpu.memory_space<hbm>>)
    %dma_wait3A_530 = arith.constant 16 : i32
    %dma_wait3A_531 = arith.constant 0 : i32
    %dma_wait3A_532 = tpu.memref_slice %arg7[%dma_wait3A_530, %dma_wait3A_531] : memref<20x1024xf32, #tpu.memory_space<vmem>> -> memref<1x1024xf32, #tpu.memory_space<vmem>>
    %dma_wait3A_533 = tpu.memref_squeeze %dma_wait3A_532 : memref<1x1024xf32, #tpu.memory_space<vmem>> -> memref<1024xf32, #tpu.memory_space<vmem>>
    %dma_wait3A_534 = arith.constant 0 : i32
    %dma_wait3A_535 = tpu.memref_slice %arg4[%add3A_263, %dma_wait3A_534] : memref<640x1024xf32, #tpu.memory_space<hbm>> -> memref<1x1024xf32, #tpu.memory_space<hbm>>
    %dma_wait3A_536 = tpu.memref_squeeze %dma_wait3A_535 : memref<1x1024xf32, #tpu.memory_space<hbm>> -> memref<1024xf32, #tpu.memory_space<hbm>>
    %dma_wait3A_537 = arith.constant 0 : i32
    %dma_wait3A_538 = tpu.memref_slice %arg4[%add3A_263, %dma_wait3A_537] : memref<640x1024xf32, #tpu.memory_space<hbm>> -> memref<1x1024xf32, #tpu.memory_space<hbm>>
    %dma_wait3A_539 = tpu.memref_squeeze %dma_wait3A_538 : memref<1x1024xf32, #tpu.memory_space<hbm>> -> memref<1024xf32, #tpu.memory_space<hbm>>
    %dma_wait3A_540 = arith.constant 0 : i32
    %dma_wait3A_541 = tpu.memref_slice %arg7[%dma_wait3A_530, %dma_wait3A_540] : memref<20x1024xf32, #tpu.memory_space<vmem>> -> memref<1x1024xf32, #tpu.memory_space<vmem>>
    %dma_wait3A_542 = tpu.memref_squeeze %dma_wait3A_541 : memref<1x1024xf32, #tpu.memory_space<vmem>> -> memref<1024xf32, #tpu.memory_space<vmem>>
    tpu.wait_dma2 semaphore(%arg9 : memref<!tpu.dma_semaphore, #tpu.memory_space<semaphore_mem>>) src(%dma_wait3A_542 : memref<1024xf32, #tpu.memory_space<vmem>>) dst(%dma_wait3A_539 : memref<1024xf32, #tpu.memory_space<hbm>>)
    %dma_wait3A_543 = arith.constant 17 : i32
    %dma_wait3A_544 = arith.constant 0 : i32
    %dma_wait3A_545 = tpu.memref_slice %arg7[%dma_wait3A_543, %dma_wait3A_544] : memref<20x1024xf32, #tpu.memory_space<vmem>> -> memref<1x1024xf32, #tpu.memory_space<vmem>>
    %dma_wait3A_546 = tpu.memref_squeeze %dma_wait3A_545 : memref<1x1024xf32, #tpu.memory_space<vmem>> -> memref<1024xf32, #tpu.memory_space<vmem>>
    %dma_wait3A_547 = arith.constant 0 : i32
    %dma_wait3A_548 = tpu.memref_slice %arg4[%add3A_278, %dma_wait3A_547] : memref<640x1024xf32, #tpu.memory_space<hbm>> -> memref<1x1024xf32, #tpu.memory_space<hbm>>
    %dma_wait3A_549 = tpu.memref_squeeze %dma_wait3A_548 : memref<1x1024xf32, #tpu.memory_space<hbm>> -> memref<1024xf32, #tpu.memory_space<hbm>>
    %dma_wait3A_550 = arith.constant 0 : i32
    %dma_wait3A_551 = tpu.memref_slice %arg4[%add3A_278, %dma_wait3A_550] : memref<640x1024xf32, #tpu.memory_space<hbm>> -> memref<1x1024xf32, #tpu.memory_space<hbm>>
    %dma_wait3A_552 = tpu.memref_squeeze %dma_wait3A_551 : memref<1x1024xf32, #tpu.memory_space<hbm>> -> memref<1024xf32, #tpu.memory_space<hbm>>
    %dma_wait3A_553 = arith.constant 0 : i32
    %dma_wait3A_554 = tpu.memref_slice %arg7[%dma_wait3A_543, %dma_wait3A_553] : memref<20x1024xf32, #tpu.memory_space<vmem>> -> memref<1x1024xf32, #tpu.memory_space<vmem>>
    %dma_wait3A_555 = tpu.memref_squeeze %dma_wait3A_554 : memref<1x1024xf32, #tpu.memory_space<vmem>> -> memref<1024xf32, #tpu.memory_space<vmem>>
    tpu.wait_dma2 semaphore(%arg9 : memref<!tpu.dma_semaphore, #tpu.memory_space<semaphore_mem>>) src(%dma_wait3A_555 : memref<1024xf32, #tpu.memory_space<vmem>>) dst(%dma_wait3A_552 : memref<1024xf32, #tpu.memory_space<hbm>>)
    %dma_wait3A_556 = arith.constant 18 : i32
    %dma_wait3A_557 = arith.constant 0 : i32
    %dma_wait3A_558 = tpu.memref_slice %arg7[%dma_wait3A_556, %dma_wait3A_557] : memref<20x1024xf32, #tpu.memory_space<vmem>> -> memref<1x1024xf32, #tpu.memory_space<vmem>>
    %dma_wait3A_559 = tpu.memref_squeeze %dma_wait3A_558 : memref<1x1024xf32, #tpu.memory_space<vmem>> -> memref<1024xf32, #tpu.memory_space<vmem>>
    %dma_wait3A_560 = arith.constant 0 : i32
    %dma_wait3A_561 = tpu.memref_slice %arg4[%add3A_293, %dma_wait3A_560] : memref<640x1024xf32, #tpu.memory_space<hbm>> -> memref<1x1024xf32, #tpu.memory_space<hbm>>
    %dma_wait3A_562 = tpu.memref_squeeze %dma_wait3A_561 : memref<1x1024xf32, #tpu.memory_space<hbm>> -> memref<1024xf32, #tpu.memory_space<hbm>>
    %dma_wait3A_563 = arith.constant 0 : i32
    %dma_wait3A_564 = tpu.memref_slice %arg4[%add3A_293, %dma_wait3A_563] : memref<640x1024xf32, #tpu.memory_space<hbm>> -> memref<1x1024xf32, #tpu.memory_space<hbm>>
    %dma_wait3A_565 = tpu.memref_squeeze %dma_wait3A_564 : memref<1x1024xf32, #tpu.memory_space<hbm>> -> memref<1024xf32, #tpu.memory_space<hbm>>
    %dma_wait3A_566 = arith.constant 0 : i32
    %dma_wait3A_567 = tpu.memref_slice %arg7[%dma_wait3A_556, %dma_wait3A_566] : memref<20x1024xf32, #tpu.memory_space<vmem>> -> memref<1x1024xf32, #tpu.memory_space<vmem>>
    %dma_wait3A_568 = tpu.memref_squeeze %dma_wait3A_567 : memref<1x1024xf32, #tpu.memory_space<vmem>> -> memref<1024xf32, #tpu.memory_space<vmem>>
    tpu.wait_dma2 semaphore(%arg9 : memref<!tpu.dma_semaphore, #tpu.memory_space<semaphore_mem>>) src(%dma_wait3A_568 : memref<1024xf32, #tpu.memory_space<vmem>>) dst(%dma_wait3A_565 : memref<1024xf32, #tpu.memory_space<hbm>>)
    %dma_wait3A_569 = arith.constant 19 : i32
    %dma_wait3A_570 = arith.constant 0 : i32
    %dma_wait3A_571 = tpu.memref_slice %arg7[%dma_wait3A_569, %dma_wait3A_570] : memref<20x1024xf32, #tpu.memory_space<vmem>> -> memref<1x1024xf32, #tpu.memory_space<vmem>>
    %dma_wait3A_572 = tpu.memref_squeeze %dma_wait3A_571 : memref<1x1024xf32, #tpu.memory_space<vmem>> -> memref<1024xf32, #tpu.memory_space<vmem>>
    %dma_wait3A_573 = arith.constant 0 : i32
    %dma_wait3A_574 = tpu.memref_slice %arg4[%add3A_308, %dma_wait3A_573] : memref<640x1024xf32, #tpu.memory_space<hbm>> -> memref<1x1024xf32, #tpu.memory_space<hbm>>
    %dma_wait3A_575 = tpu.memref_squeeze %dma_wait3A_574 : memref<1x1024xf32, #tpu.memory_space<hbm>> -> memref<1024xf32, #tpu.memory_space<hbm>>
    %dma_wait3A_576 = arith.constant 0 : i32
    %dma_wait3A_577 = tpu.memref_slice %arg4[%add3A_308, %dma_wait3A_576] : memref<640x1024xf32, #tpu.memory_space<hbm>> -> memref<1x1024xf32, #tpu.memory_space<hbm>>
    %dma_wait3A_578 = tpu.memref_squeeze %dma_wait3A_577 : memref<1x1024xf32, #tpu.memory_space<hbm>> -> memref<1024xf32, #tpu.memory_space<hbm>>
    %dma_wait3A_579 = arith.constant 0 : i32
    %dma_wait3A_580 = tpu.memref_slice %arg7[%dma_wait3A_569, %dma_wait3A_579] : memref<20x1024xf32, #tpu.memory_space<vmem>> -> memref<1x1024xf32, #tpu.memory_space<vmem>>
    %dma_wait3A_581 = tpu.memref_squeeze %dma_wait3A_580 : memref<1x1024xf32, #tpu.memory_space<vmem>> -> memref<1024xf32, #tpu.memory_space<vmem>>
    tpu.wait_dma2 semaphore(%arg9 : memref<!tpu.dma_semaphore, #tpu.memory_space<semaphore_mem>>) src(%dma_wait3A_581 : memref<1024xf32, #tpu.memory_space<vmem>>) dst(%dma_wait3A_578 : memref<1024xf32, #tpu.memory_space<hbm>>)
    return
  }
}

module attributes {stable_mosaic.version = 14 : i64} {
  func.func @_proj_body(%arg0: memref<640x1024xf32, #tpu.memory_space<vmem>>, %arg1: memref<49x2048xf32, #tpu.memory_space<vmem>>, %arg2: memref<100000x640xf32, #tpu.memory_space<hbm>>, %arg3: memref<100000x1024xf32, #tpu.memory_space<hbm>>, %arg4: memref<640x1024xbf16, #tpu.memory_space<vmem>>, %arg5: memref<2048x640xf32, #tpu.memory_space<vmem>>, %arg6: memref<2048x640xf32, #tpu.memory_space<vmem>>, %arg7: memref<2048x1024xf32, #tpu.memory_space<vmem>>, %arg8: memref<2048x1024xf32, #tpu.memory_space<vmem>>, %arg9: memref<1696x640xf32, #tpu.memory_space<vmem>>, %arg10: memref<1696x1024xf32, #tpu.memory_space<vmem>>, %arg11: memref<2x!tpu.dma_semaphore, #tpu.memory_space<semaphore_mem>>, %arg12: memref<2x!tpu.dma_semaphore, #tpu.memory_space<semaphore_mem>>, %arg13: memref<!tpu.dma_semaphore, #tpu.memory_space<semaphore_mem>>, %arg14: memref<!tpu.dma_semaphore, #tpu.memory_space<semaphore_mem>>) attributes {dimension_semantics = [], scalar_prefetch = 0 : i64, scratch_operands = 11 : i64, tpu.core_type = #tpu.core_type<tc>} {
    %dma_start3A = arith.constant 98304 : i32
    %dma_start3A_0 = arith.constant 0 : i32
    %dma_start3A_1 = tpu.memref_slice %arg2[%dma_start3A, %dma_start3A_0] : memref<100000x640xf32, #tpu.memory_space<hbm>> -> memref<1696x640xf32, #tpu.memory_space<hbm>>
    tpu.enqueue_dma source(%dma_start3A_1 : memref<1696x640xf32, #tpu.memory_space<hbm>>) target(%arg9 : memref<1696x640xf32, #tpu.memory_space<vmem>>) target_semaphore(%arg13 : memref<!tpu.dma_semaphore, #tpu.memory_space<semaphore_mem>>)
    %multiple_of3A = arith.constant 0 : i32
    %multiple_of3A_2 = tpu.assume_multiple %multiple_of3A, 2048 : i32
    %dma_start3A_3 = arith.constant 0 : i32
    %dma_start3A_4 = tpu.memref_slice %arg11[%dma_start3A_3] : memref<2x!tpu.dma_semaphore, #tpu.memory_space<semaphore_mem>> -> memref<1x!tpu.dma_semaphore, #tpu.memory_space<semaphore_mem>>
    %dma_start3A_5 = tpu.memref_squeeze %dma_start3A_4 : memref<1x!tpu.dma_semaphore, #tpu.memory_space<semaphore_mem>> -> memref<!tpu.dma_semaphore, #tpu.memory_space<semaphore_mem>>
    %dma_start3A_6 = arith.constant 0 : i32
    %dma_start3A_7 = tpu.memref_slice %arg2[%multiple_of3A_2, %dma_start3A_6] : memref<100000x640xf32, #tpu.memory_space<hbm>> -> memref<2048x640xf32, #tpu.memory_space<hbm>>
    tpu.enqueue_dma source(%dma_start3A_7 : memref<2048x640xf32, #tpu.memory_space<hbm>>) target(%arg5 : memref<2048x640xf32, #tpu.memory_space<vmem>>) target_semaphore(%dma_start3A_5 : memref<!tpu.dma_semaphore, #tpu.memory_space<semaphore_mem>>)
    %multiple_of3A_8 = arith.constant 2048 : i32
    %multiple_of3A_9 = tpu.assume_multiple %multiple_of3A_8, 2048 : i32
    %dma_start3A_10 = arith.constant 1 : i32
    %dma_start3A_11 = tpu.memref_slice %arg11[%dma_start3A_10] : memref<2x!tpu.dma_semaphore, #tpu.memory_space<semaphore_mem>> -> memref<1x!tpu.dma_semaphore, #tpu.memory_space<semaphore_mem>>
    %dma_start3A_12 = tpu.memref_squeeze %dma_start3A_11 : memref<1x!tpu.dma_semaphore, #tpu.memory_space<semaphore_mem>> -> memref<!tpu.dma_semaphore, #tpu.memory_space<semaphore_mem>>
    %dma_start3A_13 = arith.constant 0 : i32
    %dma_start3A_14 = tpu.memref_slice %arg2[%multiple_of3A_9, %dma_start3A_13] : memref<100000x640xf32, #tpu.memory_space<hbm>> -> memref<2048x640xf32, #tpu.memory_space<hbm>>
    tpu.enqueue_dma source(%dma_start3A_14 : memref<2048x640xf32, #tpu.memory_space<hbm>>) target(%arg6 : memref<2048x640xf32, #tpu.memory_space<vmem>>) target_semaphore(%dma_start3A_12 : memref<!tpu.dma_semaphore, #tpu.memory_space<semaphore_mem>>)
    %get3A = arith.constant 0 : index
    %get3A_15 = arith.constant 0 : index
    %get3A_16 = vector.load %arg0[%get3A, %get3A_15] : memref<640x1024xf32, #tpu.memory_space<vmem>>, vector<640x1024xf32>
    %convert_element_type3A = arith.truncf %get3A_16 : vector<640x1024xf32> to vector<640x1024xbf16>
    %swap3A = arith.constant 0 : index
    %swap3A_17 = arith.constant 0 : index
    %swap3A_18 = vector.load %arg4[%swap3A, %swap3A_17] : memref<640x1024xbf16, #tpu.memory_space<vmem>>, vector<640x1024xbf16>
    tpu.vector_store %arg4[%swap3A, %swap3A_17], %convert_element_type3A {strides = array<i32>} : memref<640x1024xbf16, #tpu.memory_space<vmem>>, vector<640x1024xbf16>,
    %get3A_19 = arith.constant 0 : index
    %get3A_20 = arith.constant 0 : index
    %get3A_21 = vector.load %arg4[%get3A_19, %get3A_20] : memref<640x1024xbf16, #tpu.memory_space<vmem>>, vector<640x1024xbf16>
    %dma_wait3A = arith.constant 98304 : i32
    %dma_wait3A_22 = arith.constant 0 : i32
    %dma_wait3A_23 = tpu.memref_slice %arg2[%dma_wait3A, %dma_wait3A_22] : memref<100000x640xf32, #tpu.memory_space<hbm>> -> memref<1696x640xf32, #tpu.memory_space<hbm>>
    tpu.wait_dma2 semaphore(%arg13 : memref<!tpu.dma_semaphore, #tpu.memory_space<semaphore_mem>>) src(%dma_wait3A_23 : memref<1696x640xf32, #tpu.memory_space<hbm>>) dst(%arg9 : memref<1696x640xf32, #tpu.memory_space<vmem>>)
    %get3A_24 = arith.constant 0 : index
    %get3A_25 = arith.constant 0 : index
    %get3A_26 = vector.load %arg9[%get3A_24, %get3A_25] : memref<1696x640xf32, #tpu.memory_space<vmem>>, vector<1696x640xf32>
    %convert_element_type3A_27 = arith.truncf %get3A_26 : vector<1696x640xf32> to vector<1696x640xbf16>
    %dot_general3A = arith.constant dense<0.000000e+00> : vector<1696x1024xf32>
    %dot_general3A_28 = tpu.matmul %convert_element_type3A_27, %get3A_21, %dot_general3A {dimension_numbers = #tpu.dot_dimension_numbers<[1], [0], [0], [1], [0, 0, 1, 1], [], []>, transpose_lhs_hint = false} : vector<1696x640xbf16>, vector<640x1024xbf16>, vector<1696x1024xf32> -> vector<1696x1024xf32>
    %get3A_29 = arith.constant 48 : index
    %get3A_30 = arith.constant 0 : index
    %get3A_31 = vector.load %arg1[%get3A_29, %get3A_30] : memref<49x2048xf32, #tpu.memory_space<vmem>>, vector<1x2048xf32>
    %get3A_32 = vector.shape_cast %get3A_31 : vector<1x2048xf32> to vector<2048xf32>
    %slice3A = vector.extract_strided_slice %get3A_32 {offsets = [0], sizes = [1696], strides = [1]} : vector<2048xf32> to vector<1696xf32>
    %broadcast_in_dim3A = vector.shape_cast %slice3A : vector<1696xf32> to vector<1696x1xf32>
    %broadcast_in_dim3A_33 = vector.broadcast %broadcast_in_dim3A : vector<1696x1xf32> to vector<1696x1024xf32>
    %add3A = arith.addf %dot_general3A_28, %broadcast_in_dim3A_33 : vector<1696x1024xf32>
    %swap3A_34 = arith.constant 0 : index
    %swap3A_35 = arith.constant 0 : index
    %swap3A_36 = vector.load %arg10[%swap3A_34, %swap3A_35] : memref<1696x1024xf32, #tpu.memory_space<vmem>>, vector<1696x1024xf32>
    tpu.vector_store %arg10[%swap3A_34, %swap3A_35], %add3A {strides = array<i32>} : memref<1696x1024xf32, #tpu.memory_space<vmem>>, vector<1696x1024xf32>,
    %dma_start3A_37 = arith.constant 98304 : i32
    %dma_start3A_38 = arith.constant 0 : i32
    %dma_start3A_39 = tpu.memref_slice %arg3[%dma_start3A_37, %dma_start3A_38] : memref<100000x1024xf32, #tpu.memory_space<hbm>> -> memref<1696x1024xf32, #tpu.memory_space<hbm>>
    tpu.enqueue_dma source(%arg10 : memref<1696x1024xf32, #tpu.memory_space<vmem>>) target(%dma_start3A_39 : memref<1696x1024xf32, #tpu.memory_space<hbm>>) target_semaphore(%arg14 : memref<!tpu.dma_semaphore, #tpu.memory_space<semaphore_mem>>)
    %scan3A = arith.constant 0 : i32
    %scan3A_40 = arith.constant 24 : i32
    %scan3A_41 = arith.addi %scan3A, %scan3A_40 : i32
    %scan3A_42 = arith.constant 1 : i32
    scf.for %scan3A_61 = %scan3A to %scan3A_41 step %scan3A_42  : i32 {
      %mul3A = arith.constant 2 : i32
      %mul3A_62 = arith.muli %mul3A, %scan3A_61 : i32
      %add3A_63 = arith.constant 0 : i32
      %add3A_64 = arith.addi %mul3A_62, %add3A_63 : i32
      %mul3A_65 = arith.constant 2048 : i32
      %mul3A_66 = arith.muli %add3A_64, %mul3A_65 : i32
      %multiple_of3A_67 = tpu.assume_multiple %mul3A_66, 2048 : i32
      %dma_wait3A_68 = arith.constant 0 : i32
      %dma_wait3A_69 = tpu.memref_slice %arg11[%dma_wait3A_68] : memref<2x!tpu.dma_semaphore, #tpu.memory_space<semaphore_mem>> -> memref<1x!tpu.dma_semaphore, #tpu.memory_space<semaphore_mem>>
      %dma_wait3A_70 = tpu.memref_squeeze %dma_wait3A_69 : memref<1x!tpu.dma_semaphore, #tpu.memory_space<semaphore_mem>> -> memref<!tpu.dma_semaphore, #tpu.memory_space<semaphore_mem>>
      %dma_wait3A_71 = arith.constant 0 : i32
      %dma_wait3A_72 = tpu.memref_slice %arg2[%multiple_of3A_67, %dma_wait3A_71] : memref<100000x640xf32, #tpu.memory_space<hbm>> -> memref<2048x640xf32, #tpu.memory_space<hbm>>
      tpu.wait_dma2 semaphore(%dma_wait3A_70 : memref<!tpu.dma_semaphore, #tpu.memory_space<semaphore_mem>>) src(%dma_wait3A_72 : memref<2048x640xf32, #tpu.memory_space<hbm>>) dst(%arg5 : memref<2048x640xf32, #tpu.memory_space<vmem>>)
      %ge3A = arith.constant 2 : i32
      %ge3A_73 = arith.cmpi sge, %add3A_64, %ge3A : i32
      %convert_element_type3A_74 = arith.extui %ge3A_73 : i1 to i32
      %cond3A = arith.constant 0 : i32
      %cond3A_75 = arith.cmpi ne, %convert_element_type3A_74, %cond3A : i32
      scf.if %cond3A_75 {
        %sub3A = arith.constant 2 : i32
        %sub3A_154 = arith.subi %add3A_64, %sub3A : i32
        %mul3A_155 = arith.constant 2048 : i32
        %mul3A_156 = arith.muli %sub3A_154, %mul3A_155 : i32
        %multiple_of3A_157 = tpu.assume_multiple %mul3A_156, 2048 : i32
        %dma_wait3A_158 = arith.constant 0 : i32
        %dma_wait3A_159 = tpu.memref_slice %arg12[%dma_wait3A_158] : memref<2x!tpu.dma_semaphore, #tpu.memory_space<semaphore_mem>> -> memref<1x!tpu.dma_semaphore, #tpu.memory_space<semaphore_mem>>
        %dma_wait3A_160 = tpu.memref_squeeze %dma_wait3A_159 : memref<1x!tpu.dma_semaphore, #tpu.memory_space<semaphore_mem>> -> memref<!tpu.dma_semaphore, #tpu.memory_space<semaphore_mem>>
        %dma_wait3A_161 = arith.constant 0 : i32
        %dma_wait3A_162 = tpu.memref_slice %arg3[%multiple_of3A_157, %dma_wait3A_161] : memref<100000x1024xf32, #tpu.memory_space<hbm>> -> memref<2048x1024xf32, #tpu.memory_space<hbm>>
        tpu.wait_dma2 semaphore(%dma_wait3A_160 : memref<!tpu.dma_semaphore, #tpu.memory_space<semaphore_mem>>) src(%arg7 : memref<2048x1024xf32, #tpu.memory_space<vmem>>) dst(%dma_wait3A_162 : memref<2048x1024xf32, #tpu.memory_space<hbm>>)
      } else {
      }
      %get3A_76 = arith.constant 0 : index
      %get3A_77 = arith.constant 0 : index
      %get3A_78 = vector.load %arg5[%get3A_76, %get3A_77] : memref<2048x640xf32, #tpu.memory_space<vmem>>, vector<2048x640xf32>
      %convert_element_type3A_79 = arith.truncf %get3A_78 : vector<2048x640xf32> to vector<2048x640xbf16>
      %dot_general3A_80 = arith.constant dense<0.000000e+00> : vector<2048x1024xf32>
      %dot_general3A_81 = tpu.matmul %convert_element_type3A_79, %get3A_21, %dot_general3A_80 {dimension_numbers = #tpu.dot_dimension_numbers<[1], [0], [0], [1], [0, 0, 1, 1], [], []>, transpose_lhs_hint = false} : vector<2048x640xbf16>, vector<640x1024xbf16>, vector<2048x1024xf32> -> vector<2048x1024xf32>
      %get3A_82 = arith.index_cast %add3A_64 : i32 to index
      %get3A_83 = arith.constant 0 : index
      %get3A_84 = vector.load %arg1[%get3A_82, %get3A_83] : memref<49x2048xf32, #tpu.memory_space<vmem>>, vector<1x2048xf32>
      %get3A_85 = vector.shape_cast %get3A_84 : vector<1x2048xf32> to vector<2048xf32>
      %broadcast_in_dim3A_86 = vector.shape_cast %get3A_85 : vector<2048xf32> to vector<2048x1xf32>
      %broadcast_in_dim3A_87 = vector.broadcast %broadcast_in_dim3A_86 : vector<2048x1xf32> to vector<2048x1024xf32>
      %add3A_88 = arith.addf %dot_general3A_81, %broadcast_in_dim3A_87 : vector<2048x1024xf32>
      %swap3A_89 = arith.constant 0 : index
      %swap3A_90 = arith.constant 0 : index
      %swap3A_91 = vector.load %arg7[%swap3A_89, %swap3A_90] : memref<2048x1024xf32, #tpu.memory_space<vmem>>, vector<2048x1024xf32>
      tpu.vector_store %arg7[%swap3A_89, %swap3A_90], %add3A_88 {strides = array<i32>} : memref<2048x1024xf32, #tpu.memory_space<vmem>>, vector<2048x1024xf32>,
      %mul3A_92 = arith.constant 2048 : i32
      %mul3A_93 = arith.muli %add3A_64, %mul3A_92 : i32
      %multiple_of3A_94 = tpu.assume_multiple %mul3A_93, 2048 : i32
      %dma_start3A_95 = arith.constant 0 : i32
      %dma_start3A_96 = tpu.memref_slice %arg12[%dma_start3A_95] : memref<2x!tpu.dma_semaphore, #tpu.memory_space<semaphore_mem>> -> memref<1x!tpu.dma_semaphore, #tpu.memory_space<semaphore_mem>>
      %dma_start3A_97 = tpu.memref_squeeze %dma_start3A_96 : memref<1x!tpu.dma_semaphore, #tpu.memory_space<semaphore_mem>> -> memref<!tpu.dma_semaphore, #tpu.memory_space<semaphore_mem>>
      %dma_start3A_98 = arith.constant 0 : i32
      %dma_start3A_99 = tpu.memref_slice %arg3[%multiple_of3A_94, %dma_start3A_98] : memref<100000x1024xf32, #tpu.memory_space<hbm>> -> memref<2048x1024xf32, #tpu.memory_space<hbm>>
      tpu.enqueue_dma source(%arg7 : memref<2048x1024xf32, #tpu.memory_space<vmem>>) target(%dma_start3A_99 : memref<2048x1024xf32, #tpu.memory_space<hbm>>) target_semaphore(%dma_start3A_97 : memref<!tpu.dma_semaphore, #tpu.memory_space<semaphore_mem>>)
      %add3A_100 = arith.constant 2 : i32
      %add3A_101 = arith.addi %add3A_64, %add3A_100 : i32
      %lt3A = arith.constant 48 : i32
      %lt3A_102 = arith.cmpi slt, %add3A_101, %lt3A : i32
      %convert_element_type3A_103 = arith.extui %lt3A_102 : i1 to i32
      %cond3A_104 = arith.constant 0 : i32
      %cond3A_105 = arith.cmpi ne, %convert_element_type3A_103, %cond3A_104 : i32
      scf.if %cond3A_105 {
        %add3A_154 = arith.constant 2 : i32
        %add3A_155 = arith.addi %add3A_64, %add3A_154 : i32
        %mul3A_156 = arith.constant 2048 : i32
        %mul3A_157 = arith.muli %add3A_155, %mul3A_156 : i32
        %multiple_of3A_158 = tpu.assume_multiple %mul3A_157, 2048 : i32
        %dma_start3A_159 = arith.constant 0 : i32
        %dma_start3A_160 = tpu.memref_slice %arg11[%dma_start3A_159] : memref<2x!tpu.dma_semaphore, #tpu.memory_space<semaphore_mem>> -> memref<1x!tpu.dma_semaphore, #tpu.memory_space<semaphore_mem>>
        %dma_start3A_161 = tpu.memref_squeeze %dma_start3A_160 : memref<1x!tpu.dma_semaphore, #tpu.memory_space<semaphore_mem>> -> memref<!tpu.dma_semaphore, #tpu.memory_space<semaphore_mem>>
        %dma_start3A_162 = arith.constant 0 : i32
        %dma_start3A_163 = tpu.memref_slice %arg2[%multiple_of3A_158, %dma_start3A_162] : memref<100000x640xf32, #tpu.memory_space<hbm>> -> memref<2048x640xf32, #tpu.memory_space<hbm>>
        tpu.enqueue_dma source(%dma_start3A_163 : memref<2048x640xf32, #tpu.memory_space<hbm>>) target(%arg5 : memref<2048x640xf32, #tpu.memory_space<vmem>>) target_semaphore(%dma_start3A_161 : memref<!tpu.dma_semaphore, #tpu.memory_space<semaphore_mem>>)
      } else {
      }
      %mul3A_106 = arith.constant 2 : i32
      %mul3A_107 = arith.muli %mul3A_106, %scan3A_61 : i32
      %add3A_108 = arith.constant 1 : i32
      %add3A_109 = arith.addi %mul3A_107, %add3A_108 : i32
      %mul3A_110 = arith.constant 2048 : i32
      %mul3A_111 = arith.muli %add3A_109, %mul3A_110 : i32
      %multiple_of3A_112 = tpu.assume_multiple %mul3A_111, 2048 : i32
      %dma_wait3A_113 = arith.constant 1 : i32
      %dma_wait3A_114 = tpu.memref_slice %arg11[%dma_wait3A_113] : memref<2x!tpu.dma_semaphore, #tpu.memory_space<semaphore_mem>> -> memref<1x!tpu.dma_semaphore, #tpu.memory_space<semaphore_mem>>
      %dma_wait3A_115 = tpu.memref_squeeze %dma_wait3A_114 : memref<1x!tpu.dma_semaphore, #tpu.memory_space<semaphore_mem>> -> memref<!tpu.dma_semaphore, #tpu.memory_space<semaphore_mem>>
      %dma_wait3A_116 = arith.constant 0 : i32
      %dma_wait3A_117 = tpu.memref_slice %arg2[%multiple_of3A_112, %dma_wait3A_116] : memref<100000x640xf32, #tpu.memory_space<hbm>> -> memref<2048x640xf32, #tpu.memory_space<hbm>>
      tpu.wait_dma2 semaphore(%dma_wait3A_115 : memref<!tpu.dma_semaphore, #tpu.memory_space<semaphore_mem>>) src(%dma_wait3A_117 : memref<2048x640xf32, #tpu.memory_space<hbm>>) dst(%arg6 : memref<2048x640xf32, #tpu.memory_space<vmem>>)
      %ge3A_118 = arith.constant 2 : i32
      %ge3A_119 = arith.cmpi sge, %add3A_109, %ge3A_118 : i32
      %convert_element_type3A_120 = arith.extui %ge3A_119 : i1 to i32
      %cond3A_121 = arith.constant 0 : i32
      %cond3A_122 = arith.cmpi ne, %convert_element_type3A_120, %cond3A_121 : i32
      scf.if %cond3A_122 {
        %sub3A = arith.constant 2 : i32
        %sub3A_154 = arith.subi %add3A_109, %sub3A : i32
        %mul3A_155 = arith.constant 2048 : i32
        %mul3A_156 = arith.muli %sub3A_154, %mul3A_155 : i32
        %multiple_of3A_157 = tpu.assume_multiple %mul3A_156, 2048 : i32
        %dma_wait3A_158 = arith.constant 1 : i32
        %dma_wait3A_159 = tpu.memref_slice %arg12[%dma_wait3A_158] : memref<2x!tpu.dma_semaphore, #tpu.memory_space<semaphore_mem>> -> memref<1x!tpu.dma_semaphore, #tpu.memory_space<semaphore_mem>>
        %dma_wait3A_160 = tpu.memref_squeeze %dma_wait3A_159 : memref<1x!tpu.dma_semaphore, #tpu.memory_space<semaphore_mem>> -> memref<!tpu.dma_semaphore, #tpu.memory_space<semaphore_mem>>
        %dma_wait3A_161 = arith.constant 0 : i32
        %dma_wait3A_162 = tpu.memref_slice %arg3[%multiple_of3A_157, %dma_wait3A_161] : memref<100000x1024xf32, #tpu.memory_space<hbm>> -> memref<2048x1024xf32, #tpu.memory_space<hbm>>
        tpu.wait_dma2 semaphore(%dma_wait3A_160 : memref<!tpu.dma_semaphore, #tpu.memory_space<semaphore_mem>>) src(%arg8 : memref<2048x1024xf32, #tpu.memory_space<vmem>>) dst(%dma_wait3A_162 : memref<2048x1024xf32, #tpu.memory_space<hbm>>)
      } else {
      }
      %get3A_123 = arith.constant 0 : index
      %get3A_124 = arith.constant 0 : index
      %get3A_125 = vector.load %arg6[%get3A_123, %get3A_124] : memref<2048x640xf32, #tpu.memory_space<vmem>>, vector<2048x640xf32>
      %convert_element_type3A_126 = arith.truncf %get3A_125 : vector<2048x640xf32> to vector<2048x640xbf16>
      %dot_general3A_127 = arith.constant dense<0.000000e+00> : vector<2048x1024xf32>
      %dot_general3A_128 = tpu.matmul %convert_element_type3A_126, %get3A_21, %dot_general3A_127 {dimension_numbers = #tpu.dot_dimension_numbers<[1], [0], [0], [1], [0, 0, 1, 1], [], []>, transpose_lhs_hint = false} : vector<2048x640xbf16>, vector<640x1024xbf16>, vector<2048x1024xf32> -> vector<2048x1024xf32>
      %get3A_129 = arith.index_cast %add3A_109 : i32 to index
      %get3A_130 = arith.constant 0 : index
      %get3A_131 = vector.load %arg1[%get3A_129, %get3A_130] : memref<49x2048xf32, #tpu.memory_space<vmem>>, vector<1x2048xf32>
      %get3A_132 = vector.shape_cast %get3A_131 : vector<1x2048xf32> to vector<2048xf32>
      %broadcast_in_dim3A_133 = vector.shape_cast %get3A_132 : vector<2048xf32> to vector<2048x1xf32>
      %broadcast_in_dim3A_134 = vector.broadcast %broadcast_in_dim3A_133 : vector<2048x1xf32> to vector<2048x1024xf32>
      %add3A_135 = arith.addf %dot_general3A_128, %broadcast_in_dim3A_134 : vector<2048x1024xf32>
      %swap3A_136 = arith.constant 0 : index
      %swap3A_137 = arith.constant 0 : index
      %swap3A_138 = vector.load %arg8[%swap3A_136, %swap3A_137] : memref<2048x1024xf32, #tpu.memory_space<vmem>>, vector<2048x1024xf32>
      tpu.vector_store %arg8[%swap3A_136, %swap3A_137], %add3A_135 {strides = array<i32>} : memref<2048x1024xf32, #tpu.memory_space<vmem>>, vector<2048x1024xf32>,
      %mul3A_139 = arith.constant 2048 : i32
      %mul3A_140 = arith.muli %add3A_109, %mul3A_139 : i32
      %multiple_of3A_141 = tpu.assume_multiple %mul3A_140, 2048 : i32
      %dma_start3A_142 = arith.constant 1 : i32
      %dma_start3A_143 = tpu.memref_slice %arg12[%dma_start3A_142] : memref<2x!tpu.dma_semaphore, #tpu.memory_space<semaphore_mem>> -> memref<1x!tpu.dma_semaphore, #tpu.memory_space<semaphore_mem>>
      %dma_start3A_144 = tpu.memref_squeeze %dma_start3A_143 : memref<1x!tpu.dma_semaphore, #tpu.memory_space<semaphore_mem>> -> memref<!tpu.dma_semaphore, #tpu.memory_space<semaphore_mem>>
      %dma_start3A_145 = arith.constant 0 : i32
      %dma_start3A_146 = tpu.memref_slice %arg3[%multiple_of3A_141, %dma_start3A_145] : memref<100000x1024xf32, #tpu.memory_space<hbm>> -> memref<2048x1024xf32, #tpu.memory_space<hbm>>
      tpu.enqueue_dma source(%arg8 : memref<2048x1024xf32, #tpu.memory_space<vmem>>) target(%dma_start3A_146 : memref<2048x1024xf32, #tpu.memory_space<hbm>>) target_semaphore(%dma_start3A_144 : memref<!tpu.dma_semaphore, #tpu.memory_space<semaphore_mem>>)
      %add3A_147 = arith.constant 2 : i32
      %add3A_148 = arith.addi %add3A_109, %add3A_147 : i32
      %lt3A_149 = arith.constant 48 : i32
      %lt3A_150 = arith.cmpi slt, %add3A_148, %lt3A_149 : i32
      %convert_element_type3A_151 = arith.extui %lt3A_150 : i1 to i32
      %cond3A_152 = arith.constant 0 : i32
      %cond3A_153 = arith.cmpi ne, %convert_element_type3A_151, %cond3A_152 : i32
      scf.if %cond3A_153 {
        %add3A_154 = arith.constant 2 : i32
        %add3A_155 = arith.addi %add3A_109, %add3A_154 : i32
        %mul3A_156 = arith.constant 2048 : i32
        %mul3A_157 = arith.muli %add3A_155, %mul3A_156 : i32
        %multiple_of3A_158 = tpu.assume_multiple %mul3A_157, 2048 : i32
        %dma_start3A_159 = arith.constant 1 : i32
        %dma_start3A_160 = tpu.memref_slice %arg11[%dma_start3A_159] : memref<2x!tpu.dma_semaphore, #tpu.memory_space<semaphore_mem>> -> memref<1x!tpu.dma_semaphore, #tpu.memory_space<semaphore_mem>>
        %dma_start3A_161 = tpu.memref_squeeze %dma_start3A_160 : memref<1x!tpu.dma_semaphore, #tpu.memory_space<semaphore_mem>> -> memref<!tpu.dma_semaphore, #tpu.memory_space<semaphore_mem>>
        %dma_start3A_162 = arith.constant 0 : i32
        %dma_start3A_163 = tpu.memref_slice %arg2[%multiple_of3A_158, %dma_start3A_162] : memref<100000x640xf32, #tpu.memory_space<hbm>> -> memref<2048x640xf32, #tpu.memory_space<hbm>>
        tpu.enqueue_dma source(%dma_start3A_163 : memref<2048x640xf32, #tpu.memory_space<hbm>>) target(%arg6 : memref<2048x640xf32, #tpu.memory_space<vmem>>) target_semaphore(%dma_start3A_161 : memref<!tpu.dma_semaphore, #tpu.memory_space<semaphore_mem>>)
      } else {
      }
    }
    %scan3A_43 = arith.constant 24 : i32
    %multiple_of3A_44 = arith.constant 94208 : i32
    %multiple_of3A_45 = tpu.assume_multiple %multiple_of3A_44, 2048 : i32
    %dma_wait3A_46 = arith.constant 0 : i32
    %dma_wait3A_47 = tpu.memref_slice %arg12[%dma_wait3A_46] : memref<2x!tpu.dma_semaphore, #tpu.memory_space<semaphore_mem>> -> memref<1x!tpu.dma_semaphore, #tpu.memory_space<semaphore_mem>>
    %dma_wait3A_48 = tpu.memref_squeeze %dma_wait3A_47 : memref<1x!tpu.dma_semaphore, #tpu.memory_space<semaphore_mem>> -> memref<!tpu.dma_semaphore, #tpu.memory_space<semaphore_mem>>
    %dma_wait3A_49 = arith.constant 0 : i32
    %dma_wait3A_50 = tpu.memref_slice %arg3[%multiple_of3A_45, %dma_wait3A_49] : memref<100000x1024xf32, #tpu.memory_space<hbm>> -> memref<2048x1024xf32, #tpu.memory_space<hbm>>
    tpu.wait_dma2 semaphore(%dma_wait3A_48 : memref<!tpu.dma_semaphore, #tpu.memory_space<semaphore_mem>>) src(%arg7 : memref<2048x1024xf32, #tpu.memory_space<vmem>>) dst(%dma_wait3A_50 : memref<2048x1024xf32, #tpu.memory_space<hbm>>)
    %multiple_of3A_51 = arith.constant 96256 : i32
    %multiple_of3A_52 = tpu.assume_multiple %multiple_of3A_51, 2048 : i32
    %dma_wait3A_53 = arith.constant 1 : i32
    %dma_wait3A_54 = tpu.memref_slice %arg12[%dma_wait3A_53] : memref<2x!tpu.dma_semaphore, #tpu.memory_space<semaphore_mem>> -> memref<1x!tpu.dma_semaphore, #tpu.memory_space<semaphore_mem>>
    %dma_wait3A_55 = tpu.memref_squeeze %dma_wait3A_54 : memref<1x!tpu.dma_semaphore, #tpu.memory_space<semaphore_mem>> -> memref<!tpu.dma_semaphore, #tpu.memory_space<semaphore_mem>>
    %dma_wait3A_56 = arith.constant 0 : i32
    %dma_wait3A_57 = tpu.memref_slice %arg3[%multiple_of3A_52, %dma_wait3A_56] : memref<100000x1024xf32, #tpu.memory_space<hbm>> -> memref<2048x1024xf32, #tpu.memory_space<hbm>>
    tpu.wait_dma2 semaphore(%dma_wait3A_55 : memref<!tpu.dma_semaphore, #tpu.memory_space<semaphore_mem>>) src(%arg8 : memref<2048x1024xf32, #tpu.memory_space<vmem>>) dst(%dma_wait3A_57 : memref<2048x1024xf32, #tpu.memory_space<hbm>>)
    %dma_wait3A_58 = arith.constant 98304 : i32
    %dma_wait3A_59 = arith.constant 0 : i32
    %dma_wait3A_60 = tpu.memref_slice %arg3[%dma_wait3A_58, %dma_wait3A_59] : memref<100000x1024xf32, #tpu.memory_space<hbm>> -> memref<1696x1024xf32, #tpu.memory_space<hbm>>
    tpu.wait_dma2 semaphore(%arg14 : memref<!tpu.dma_semaphore, #tpu.memory_space<semaphore_mem>>) src(%arg10 : memref<1696x1024xf32, #tpu.memory_space<vmem>>) dst(%dma_wait3A_60 : memref<1696x1024xf32, #tpu.memory_space<hbm>>)
    return
  }
}

</mosaic_0001>

<sc_bundles>
// kernel: kernel.4.cloned.1.call-start
scs
__scs_entry_jumppad:
0x0: {  	(pc) =	sbr.rel $0x88, $3  }
0x1: {  	(tag) =	ssettag $0x0;
	lr =	simm.s32 $0x1  }
0x2: {  	[smem:$0x3F9D] =	sst lr;
	_ =	strace $0xD0000000  }
0x3: {  	_ = 	snop  }
0x4: {  	_ = 	snop  }
0x5: {  	_ = 	snop  }
0x6: {  	_ = 	snop  }
0x7: {  	_ = 	snop  }
__scs_overlays_trampoline_lowered:
0x8: {  	[smem:$0x3FAC] =	sst s0  }
0x9: {  	[smem:$0x3FAD] =	sst s1  }
0xa: {  	[smem:$0x3FAE] =	sst s2  }
0xb: {  	[smem:$0x3FAF] =	sst s3  }
0xc: {  	[smem:$0x3FB0] =	sst s4  }
0xd: {  	[smem:$0x3FB1] =	sst s5  }
0xe: {  	[smem:$0x3FB2] =	sst s6  }
0xf: {  	[smem:$0x3FB3] =	sst s7  }
0x10: {  	[smem:$0x3FB4] =	sst s8  }
0x11: {  	[smem:$0x3FB5] =	sst s9;
	s0 =	simm.s32 @!p0 $0x0  }
0x12: {  	s1 =	sld [smem:$0x3F9B];
	s0 =	simm.s32 @p0 $0x1  }
0x13: {  	[smem:$0x3FB6] =	sst s0;
	s0 =	simm.s32 @!p1 $0x0  }
0x14: {  	s2 =	sld [smem:$0x3F9A];
	s0 =	simm.s32 @p1 $0x1  }
0x15: {  	[smem:$0x3FB7] =	sst s0;
	s0 =	simm.s32 @!p2 $0x0  }
0x16: {  	s3 =	sld [smem:$0x3FDB];
	s0 =	simm.s32 @p2 $0x1  }
0x17: {  	s4 =	simm.s32 $0x1BF5;
	[smem:$0x3FB9] =	sst s0  }
0x18: {  	s0 =	sld [smem:$0x3F9C];
	_ =	swait.ge [sflag:s4], $0x0  }
0x19: {  	s7 =	sld [smem:$0x3F9D]  }
0x1a: {  	s8 =	sadd.s32 $0xFFFFE003, lr  }
0x1b: {  	s9 =	sadd.s32 $0xFFFFFEF7, lr;
	s5 =	simm.s32 $0xFFFFFFFF;
	p2 =	slt.u32 s8, $0xFFFFF086  }
0x1c: {  	p1 =	slt.u32 s9, $0xF7A;
	s5 =	simm.s32 @!p2 $0x0  }
0x1d: {  	s5 =	simm.s32 @p1 $0x1;
	p0 =	seq.s32 s7, s2  }
0x1e: {  	s7 =	smul.u32 @!p0 $0xF7A, s2;
	p2 =	seq.s32 @!p0 s5, $0x0  }
0x1f: {  	s9 =	smul.u32 $0xF7A, s1;
	s8 =	simm.s32 @!p0 $0x1BF5;
	p2 =	por !p2, p0  }
0x20: {  	[sflag:s8] =	ssyncset.s32 @!p0 $0xFFFFF086;
	s6 =	sadd.s32 @!p0 s3, s7;
	s7 =	simm.s32 @!p0 $0x108  }
0x21: {  	s3 =	sadd.s32 s3, s9;
	s6 =	sadd.s32 @!p0 $0x88, s6;
	s7 =	simm.s32 @p2 $0x1082  }
0x22: {  	[simem:s7], [sflag:s8] =	dma.local @!p0 [hbm:s6], $0xF7A  }
0x23: {  	s9 =	sor.u32 $0xD0000000, s2;
	s6 =	simm.s32 $0x108;
	_ =	swait.ge @!p0 [sflag:s8], $0x0  }
0x24: {  	s3 =	sadd.s32 $0x88, s3;
	s6 =	simm.s32 @!p1 $0x1082;
	[sflag:s4] =	ssyncset.s32 $0xFFFFF086  }
0x25: {  	[simem:s6], [sflag:s4] =	dma.local [hbm:s3], $0xF7A  }
0x26: {  	[smem:$0x3F9D] =	sst s1;
	(tag) =	ssettag s2;
	_ =	strace s9  }
0x27: {  	s1 =	sld [smem:$0x3FAD]  }
0x28: {  	s2 =	sld [smem:$0x3FAE]  }
0x29: {  	s4 =	sld [smem:$0x3FB0]  }
0x2a: {  	p0 =	seq.s32 s5, $0x0;
	s5 =	sld [smem:$0x3FB1]  }
0x2b: {  	s6 =	sld [smem:$0x3FB2]  }
0x2c: {  	s7 =	sld [smem:$0x3FB3]  }
0x2d: {  	s3 =	simm.s32 $0x108;
	s8 =	sld [smem:$0x3FB4]  }
0x2e: {  	s3 =	simm.s32 @!p0 $0x1082;
	s9 =	sld [smem:$0x3FB5]  }
0x2f: {  	lr =	sadd.s32 s0, s3;
	s0 =	sld [smem:$0x3FAC]  }
0x30: {  	s3 =	sld [smem:$0x3FAF]  }
0x31: {  	[smem:$0x3FB8] =	sst s10  }
0x32: {  	s10 =	sld [smem:$0x3FB6];
	_ =	sdelay $0x3  }
0x33: {  	p0 =	seq.s32 s10, $0x1;
	s10 =	sld [smem:$0x3FB8];
	_ =	sdelay $0x3  }
0x34: {  	[smem:$0x3FB8] =	sst s10  }
0x35: {  	s10 =	sld [smem:$0x3FB7];
	_ =	sdelay $0x3  }
0x36: {  	p1 =	seq.s32 s10, $0x1;
	s10 =	sld [smem:$0x3FB8];
	_ =	sdelay $0x3  }
0x37: {  	[smem:$0x3FB8] =	sst s10  }
0x38: {  	s10 =	sld [smem:$0x3FB9]  }
0x39: {  	_ = 	snop;
	(pc) =	sbr.ind lr, $3  }
0x3a: {  	_ = 	snop  }
0x3b: {  	_ = 	snop  }
0x3c: {  	p2 =	seq.s32 s10, $0x1;
	s10 =	sld [smem:$0x3FB8]  }
0x3d: {  	_ =	shalt  }
0x3e: {  	_ =	shalt  }
0x3f: {  	_ =	shalt  }
0x40: {  	_ =	shalt  }
0x41: {  	_ =	shalt  }
0x42: {  	_ =	shalt  }
0x43: {  	_ =	shalt  }
0x44: {  	_ =	shalt  }
0x45: {  	_ =	shalt  }
0x46: {  	_ =	shalt  }
0x47: {  	_ =	shalt  }
0x48: {  	_ =	shalt  }
0x49: {  	_ =	shalt  }
0x4a: {  	_ =	shalt  }
0x4b: {  	_ =	shalt  }
0x4c: {  	_ =	shalt  }
0x4d: {  	_ =	shalt  }
0x4e: {  	_ =	shalt  }
0x4f: {  	_ =	shalt  }
0x50: {  	_ =	shalt  }
0x51: {  	_ =	shalt  }
0x52: {  	_ =	shalt  }
0x53: {  	_ =	shalt  }
0x54: {  	_ =	shalt  }
0x55: {  	_ =	shalt  }
0x56: {  	_ =	shalt  }
0x57: {  	_ =	shalt  }
0x58: {  	_ =	shalt  }
0x59: {  	_ =	shalt  }
0x5a: {  	_ =	shalt  }
0x5b: {  	_ =	shalt  }
0x5c: {  	_ =	shalt  }
0x5d: {  	_ =	shalt  }
0x5e: {  	_ =	shalt  }
0x5f: {  	_ =	shalt  }
0x60: {  	_ =	shalt  }
0x61: {  	_ =	shalt  }
0x62: {  	_ =	shalt  }
0x63: {  	_ =	shalt  }
0x64: {  	_ =	shalt  }
0x65: {  	_ =	shalt  }
0x66: {  	_ =	shalt  }
0x67: {  	_ =	shalt  }
0x68: {  	_ =	shalt  }
0x69: {  	_ =	shalt  }
0x6a: {  	_ =	shalt  }
0x6b: {  	_ =	shalt  }
0x6c: {  	_ =	shalt  }
0x6d: {  	_ =	shalt  }
0x6e: {  	_ =	shalt  }
0x6f: {  	_ =	shalt  }
0x70: {  	_ =	shalt  }
0x71: {  	_ =	shalt  }
0x72: {  	_ =	shalt  }
0x73: {  	_ =	shalt  }
0x74: {  	_ =	shalt  }
0x75: {  	_ =	shalt  }
0x76: {  	_ =	shalt  }
0x77: {  	_ =	shalt  }
0x78: {  	_ =	shalt  }
0x79: {  	_ =	shalt  }
0x7a: {  	_ =	shalt  }
0x7b: {  	_ =	shalt  }
0x7c: {  	_ =	shalt  }
0x7d: {  	_ =	shalt  }
0x7e: {  	_ =	shalt  }
0x7f: {  	_ =	shalt  }
0x80: {  	_ =	shalt  }
0x81: {  	_ =	shalt  }
0x82: {  	_ =	shalt  }
0x83: {  	_ =	shalt  }
0x84: {  	_ =	shalt  }
0x85: {  	_ =	shalt  }
0x86: {  	_ =	shalt  }
0x87: {  	_ =	shalt  }
.Lfunc_end0:
.L_simem_size_0:
called_computation_lowered:
.L_overlay_start_0:
0x88: {  	s2 =	sld [smem:$0x3FD9]  }
0x89: {  	s3 =	sld [smem:$0x3FFE];
	_ =	sdelay $0x1  }
0x8a: {  	s1 =	srdreg.scid  }
0x8b: {  	s0 =	sand.u32 $0x1, s1  }
0x8c: {  	s17 =	sshll.u32 s0, $0xA;
	s2 =	sadd.s32 s3, s2  }
0x8d: {  	s2 =	sadd.s32 s2, s17  }
0x8e: {  	[smem:$0x3FC4] =	sst s2  }
0x8f: {  	_ = 	snop  }
0x90: {  	s2 =	sld [smem:$0x3FD0];
	(tm) =	ssettm $0x1  }
0x91: {  	s18 =	sld [smem:$0x3FFB];
	_ =	sdelay $0x3  }
0x92: {  	_ =	strace s18  }
0x93: {  	s3 =	sld [smem:$0x3FFC];
	_ =	sdelay $0x3  }
0x94: {  	_ =	strace s3  }
0x95: {  	s3 =	sld [smem:$0x3FFD];
	_ =	sdelay $0x3  }
0x96: {  	_ =	strace s3  }
0x97: {  	_ =	strace $0x8FFFFFFF  }
0x98: {  	s19 =	sld [smem:$0x3FDB];
	_ =	sdelay $0x1  }
0x99: {  	s4 =	simm.s32 $_scs_section_size  }
0x9a: {  	s5 =	simm.s32 $_size__tile_overlayer_lowered;
	s6 =	simm.s32 $_tile_overlayer_lowered  }
0x9b: {  	s22 =	simm.s32 $0x1BFF;
	s21 =	sshll.u32 s6, $0x1;
	s3 =	sadd.s32 s4, s19  }
0x9c: {  	s7 =	simm.s32 $0x0;
	s20 =	sshll.u32 s5, $0x1;
	s5 =	sadd.s32 s21, s3  }
0x9d: {  	[timem:s7], [sflag:s22] =	dma.local [hbm:s5], s20  }
0x9e: {  	_ =	swait.ge [sflag:s22], s20  }
0x9f: {  	s4 =	ssub.s32 $0x0, s20;
	[sflag:s22] =	ssyncset.done $0x0  }
0xa0: {  	[sflag:s22] =	ssyncadd.s32 s4;
	_ =	sdelay $0x1  }
0xa1: {  	s23 =	simm.s32 $0x1B8B  }
0xa2: {  	_ =	swait.ge [sflag:s23], $0x1  }
0xa3: {  	[sflag:s23] =	ssyncset.done $0x0  }
0xa4: {  	s25 =	simm.s32 $0x1B8E;
	s24 =	sld [smem:$0x3FFE];
	[sflag:s23] =	ssyncadd.s32 $0xFFFFFFFF  }
0xa5: {  	s26 =	simm.s32 $execute0_lowered;
	[smem:$0x3FD2] =	sst s25  }
0xa6: {  	s5 =	sshll.u32 s26, $0x1;
	_ =	strace $0x80000046;
	[dreg:$0x1] =	wrdreg $0xFFFFFFFF  }
0xa7: {  	s28 =	simm.s32 $_size_execute0_lowered;
	s3 =	sadd.s32 s3, s5;
	[dreg:$0x0] =	wrdreg $0x0  }
0xa8: {  	s5 =	sshll.u32 s28, $0x1;
	[dreg:$0x2] =	wrdreg s3  }
0xa9: {  	[dreg:$0x3] =	wrdreg s5  }
0xaa: {  	[dreg:$0x4] =	wrdreg $0xC0  }
0xab: {  	_ =	task [dreg:s7], $0x5FFFF  }
0xac: {  	[dreg:$0x1] =	wrdreg $0xFFFFFFFF  }
0xad: {  	[dreg:$0x0] =	wrdreg $0x60  }
0xae: {  	[dreg:$0x2] =	wrdreg s2  }
0xaf: {  	[dreg:$0x3] =	wrdreg s24  }
0xb0: {  	[dreg:$0x4] =	wrdreg $0x9  }
0xb1: {  	_ =	task.clear_ibuf [dreg:s7], $0x5FFFF;
	_ =	strace $0x90000046  }
0xb2: {  	s29 =	simm.s32 $0x9;
	_ =	strace $0x80000048  }
0xb3: {  	_ =	swait.ge [sflag:s29], $0x1  }
0xb4: {  	[sflag:s29] =	ssyncadd.s32 $0xFFFFFFFF  }
0xb5: {  	_ =	strace $0x90000048  }
0xb6: {  	_ =	sfence  }
0xb7: {  	s30 =	sld [smem:$0x0];
	_ =	sdelay $0x2  }
0xb8: {  	s31 =	sshll.u32 s1, $0xD;
	s1 =	sshrl.u32 s1, $0x2  }
0xb9: {  	s3 =	sand.u32 $0x4000, s31;
	s1 =	sadd.s32 s1, s30  }
0xba: {  	s0 =	sor.u32 s3, s0;
	s1 =	sshll.u32 s1, $0x11  }
0xbb: {  	s0 =	sor.u32 s1, s0  }
0xbc: {  	s0 =	sadd.s32 $0x8F2B, s0  }
0xbd: {  	[sflag:s0] =	ssyncadd.remote.s32 $0x1  }
0xbe: {  	_ =	sfence.sel $0xFFFF  }
0xbf: {  	[dreg:$0x0] =	wrdreg $0xFFFFFFFF;
	(pc) =	sbr.abs _section_cstart, $3  }
0xc0: {  	[dreg:$0x1] =	wrdreg $0xFFFFFFFF  }
0xc1: {  	_ =	task.clear_ibuf [dreg:s7], $0x2FFFF;
	_ =	strace $0x9FFFFFFF  }
0xc2: {  	(tm) =	ssettm $0x7FFFFFFF  }
0xc3: {  	_ =	shalt  }
tec
execute0_lowered:
.L_overlay_start_1:
0x0: {  	(tag) =	ssettag $0x1  }
0x1: {  	s0 =	rddreg [dreg:$0x0]  }
0x2: {  	s1 =	rddreg [dreg:$0x1]  }
0x3: {  	s3 =	srdreg.scid;
	s4 =	stileid.u32;
	s2 =	simm.s32 $0x0  }
0x4: {  	s30 =	simm.s32 $0x1;
	s31 =	simm.s32 $0x100;
	s3 =	sand.u32 $0x1, s3  }
0x5: {  	s4 =	sshll.u32 s4, $0x1;
	[smem:$0x7FF] =	sst s2;
	s6 =	sadd.s32 $0x600, s1  }
0x6: {  	s19 =	sadd.s32 $0x620, s1;
	_ =	strace $0x80000047;
	[dreg:$0x3] =	wrdreg s6  }
0x7: {  	s20 =	sadd.s32 $0x640, s1;
	s21 =	sadd.s32 $0x660, s1;
	[dreg:$0x5] =	wrdreg s19  }
0x8: {  	s4 =	sor.u32 s3, s4;
	s3 =	ssub.s32 $0x2, s3;
	[dreg:$0x6] =	wrdreg s20  }
0x9: {  	s5 =	smul.u32 $0x30D4, s4;
	s4 =	sshll.u32 s4, $0x7;
	s18 =	sshrl.u32 s3, $0x1  }
0xa: {  	[dreg:$0x7] =	wrdreg s21;
	s4 =	sadd.s32 s4, s1;
	s3 =	ssub.s32 s3, s18  }
0xb: {  	s1 =	simm.s32 $0x186A0;
	s0 =	sadd.s32 s0, s5;
	s22 =	sadd.s32 $0x1000, s4  }
0xc: {  	s23 =	sadd.s32 $0x2000, s4;
	s24 =	sadd.s32 $0x3000, s4;
	s25 =	sadd.s32 $0x4000, s4  }
0xd: {  	s26 =	sadd.s32 $0x5000, s4;
	s13 =	sadd.s32 $0x6000, s4;
	s14 =	sadd.s32 $0x7000, s4  }
0xe: {  	s15 =	sadd.s32 $0x8000, s4;
	s16 =	sadd.s32 $0x9000, s4;
	[dreg:$0x4] =	wrdreg s0  }
0xf: {  	s17 =	sadd.s32 $0xA000, s4;
	s18 =	sadd.s32 $0xB000, s4;
	[dreg:$0x8] =	wrdreg s22  }
0x10: {  	s19 =	sadd.s32 $0xC000, s4;
	s20 =	sadd.s32 $0xD000, s4;
	[dreg:$0x9] =	wrdreg s23  }
0x11: {  	s21 =	sadd.s32 $0xE000, s4;
	s28 =	sadd.s32 $0x14000, s4;
	[dreg:$0xa] =	wrdreg s24  }
0x12: {  	s29 =	smax.u32 s3, $0x1;
	s3 =	simm.s32 $0x3;
	[dreg:$0xb] =	wrdreg s25  }
0x13: {  	s5 =	simm.s32 $0x0;
	[dreg:$0xc] =	wrdreg s26;
	s22 =	sadd.s32 $0xF000, s4  }
0x14: {  	s23 =	sadd.s32 $0x10000, s4;
	s24 =	sadd.s32 $0x11000, s4;
	s25 =	sadd.s32 $0x12000, s4  }
0x15: {  	s26 =	sadd.s32 $0x13000, s4;
	s0 =	simm.s32 $0x400;
	s4 =	simm.s32 $0x2  }
.LBB2_1:
0x16: {  	s6 =	rddreg [dreg:$0x4]  }
0x17: {  	[tilespmem:s2], [sflag:$0x1] =	stream.linear.gather [hbm4b:s6+s2], $0x186A0, $0x38;
	[tilespmem:$0x1EAA0] =	vst v63  }
0x18: {  	_ =	swait.ge [sflag:s30], $0x186A0  }
0x19: {  	[sflag:s30] =	ssyncset.done $0x0  }
0x1a: {  	s12 =	rddreg [dreg:$0x3];
	[sflag:s30] =	ssyncadd.s32 $0xFFFE7960  }
0x1b: {  	[tilespmem:s1], [sflag:$0x3] =	stream.strided.gather [hbm4b:s12+s31], $0x1400, s0, s31, $0x38;
	[tilespmem:$0x1EAA0] =	vst v63  }
0x1c: {  	_ =	swait.ge [sflag:s3], $0x1400  }
0x1d: {  	[sflag:s3] =	ssyncset.done $0x0  }
0x1e: {  	s6 =	simm.s32 $0x0;
	[sflag:s3] =	ssyncadd.s32 $0xFFFFEC00  }
0x1f: {  	v0 =	vld [tilespmem:s6+$0x186B0]  }
0x20: {  	v1 =	vld [tilespmem:s6+$0x186A0]  }
0x21: {  	v2 =	vld [tilespmem:s6+$0x187B0]  }
0x22: {  	v3 =	vld [tilespmem:s6+$0x187A0]  }
0x23: {  	v4 =	vld [tilespmem:s6+$0x188A0]  }
0x24: {  	v5 =	vld [tilespmem:s6+$0x189A0]  }
0x25: {  	v6 =	vld [tilespmem:s6+$0x18AA0]  }
0x26: {  	v7 =	vld [tilespmem:s6+$0x18BA0]  }
0x27: {  	v8 =	vld [tilespmem:s6+$0x18DA0]  }
0x28: {  	v9 =	vld [tilespmem:s6+$0x18FA0]  }
0x29: {  	v10 =	vld [tilespmem:s6+$0x190A0]  }
0x2a: {  	v0 =	vld.idx.msk [tilespmem:v0+s2+$0x0], $0xffff  }
0x2b: {  	v1 =	vld.idx.msk [tilespmem:v1+s2+$0x0], $0xffff  }
0x2c: {  	v11 =	vld [tilespmem:s6+$0x191A0]  }
0x2d: {  	s7 =	simm.s32 $0x20;
	v12 =	vld [tilespmem:s6+$0x195A0]  }
0x2e: {  	v13 =	vld [tilespmem:s7+$0x186A0]  }
0x2f: {  	[tilespmem:s6+$0x19AB0] =	vst v0;
	v0 =	vld [tilespmem:s6+$0x188B0]  }
0x30: {  	[tilespmem:s6+$0x19AA0] =	vst v1;
	v2 =	vld.idx.msk [tilespmem:v2+s2+$0x0], $0xffff  }
0x31: {  	v1 =	vld.idx.msk [tilespmem:v3+s2+$0x0], $0xffff  }
0x32: {  	v14 =	vld [tilespmem:s7+$0x187A0]  }
0x33: {  	v15 =	vld [tilespmem:s7+$0x188A0]  }
0x34: {  	v16 =	vld [tilespmem:s7+$0x189A0]  }
0x35: {  	v17 =	vld [tilespmem:s7+$0x187B0];
	[tilespmem:s6+$0x19EB0] =	vst v2  }
0x36: {  	v2 =	vld [tilespmem:s6+$0x189B0];
	[tilespmem:s6+$0x19EA0] =	vst v1  }
0x37: {  	v1 =	vld.idx.msk [tilespmem:v4+s2+$0x0], $0xffff  }
0x38: {  	v0 =	vld.idx.msk [tilespmem:v0+s2+$0x0], $0xffff  }
0x39: {  	v18 =	vld [tilespmem:s7+$0x18AA0]  }
0x3a: {  	v19 =	vld [tilespmem:s7+$0x18BA0]  }
0x3b: {  	v20 =	vld [tilespmem:s7+$0x18DA0]  }
0x3c: {  	v21 =	vld [tilespmem:s7+$0x18FA0];
	[tilespmem:s6+$0x1A2A0] =	vst v1  }
0x3d: {  	[tilespmem:s6+$0x1A2B0] =	vst v0;
	v0 =	vld [tilespmem:s6+$0x18AB0]  }
0x3e: {  	v1 =	vld.idx.msk [tilespmem:v5+s2+$0x0], $0xffff  }
0x3f: {  	v22 =	vld [tilespmem:s7+$0x191A0]  }
0x40: {  	s8 =	simm.s32 $0x40;
	v2 =	vld.idx.msk [tilespmem:v2+s2+$0x0], $0xffff  }
0x41: {  	v43 =	vld [tilespmem:s8+$0x189A0]  }
0x42: {  	v23 =	vld [tilespmem:s8+$0x187B0]  }
0x43: {  	v24 =	vld [tilespmem:s8+$0x18AA0];
	[tilespmem:s6+$0x1A6A0] =	vst v1  }
0x44: {  	v1 =	vld.idx.msk [tilespmem:v6+s2+$0x0], $0xffff  }
0x45: {  	[tilespmem:s6+$0x1A6B0] =	vst v2;
	v2 =	vld [tilespmem:s6+$0x18BB0]  }
0x46: {  	v0 =	vld.idx.msk [tilespmem:v0+s2+$0x0], $0xffff  }
0x47: {  	v25 =	vld [tilespmem:s8+$0x18BA0]  }
0x48: {  	v3 =	vld [tilespmem:s6+$0x18CA0]  }
0x49: {  	v44 =	vld [tilespmem:s8+$0x18CA0];
	[tilespmem:s6+$0x1AAA0] =	vst v1  }
0x4a: {  	v1 =	vld.idx.msk [tilespmem:v7+s2+$0x0], $0xffff  }
0x4b: {  	[tilespmem:s6+$0x1AAB0] =	vst v0;
	v0 =	vld [tilespmem:s6+$0x18CB0]  }
0x4c: {  	v26 =	vld [tilespmem:s8+$0x18DA0]  }
0x4d: {  	v2 =	vld.idx.msk [tilespmem:v2+s2+$0x0], $0xffff  }
0x4e: {  	v27 =	vld [tilespmem:s8+$0x18FA0]  }
0x4f: {  	v45 =	vld [tilespmem:s8+$0x190A0];
	[tilespmem:s6+$0x1AEA0] =	vst v1  }
0x50: {  	v1 =	vld.idx.msk [tilespmem:v3+s2+$0x0], $0xffff  }
0x51: {  	v28 =	vld [tilespmem:s8+$0x191A0]  }
0x52: {  	[tilespmem:s6+$0x1AEB0] =	vst v2;
	v2 =	vld [tilespmem:s6+$0x18DB0]  }
0x53: {  	v0 =	vld.idx.msk [tilespmem:v0+s2+$0x0], $0xffff  }
0x54: {  	v4 =	vld [tilespmem:s6+$0x18EA0]  }
0x55: {  	v46 =	vld [tilespmem:s8+$0x192A0];
	[tilespmem:s6+$0x1B2A0] =	vst v1  }
0x56: {  	v1 =	vld.idx.msk [tilespmem:v8+s2+$0x0], $0xffff  }
0x57: {  	v47 =	vld [tilespmem:s8+$0x195A0]  }
0x58: {  	s9 =	simm.s32 $0x60;
	[tilespmem:s6+$0x1B2B0] =	vst v0;
	v0 =	vld [tilespmem:s6+$0x18EB0]  }
0x59: {  	v50 =	vld [tilespmem:s9+$0x18AA0]  }
0x5a: {  	v2 =	vld.idx.msk [tilespmem:v2+s2+$0x0], $0xffff  }
0x5b: {  	v51 =	vld [tilespmem:s9+$0x18BA0];
	[tilespmem:s6+$0x1B6A0] =	vst v1  }
0x5c: {  	v4 =	vld.idx.msk [tilespmem:v4+s2+$0x0], $0xffff  }
0x5d: {  	v52 =	vld [tilespmem:s9+$0x18DA0]  }
0x5e: {  	v8 =	vld [tilespmem:s6+$0x18FB0]  }
0x5f: {  	v29 =	vld [tilespmem:s9+$0x18FA0];
	[tilespmem:s6+$0x1B6B0] =	vst v2  }
0x60: {  	v0 =	vld.idx.msk [tilespmem:v0+s2+$0x0], $0xffff  }
0x61: {  	v13 =	vld.idx.msk [tilespmem:v13+s2+$0x0], $0xffff;
	[tilespmem:s6+$0x1BAA0] =	vst v4  }
0x62: {  	v9 =	vld.idx.msk [tilespmem:v9+s2+$0x0], $0xffff  }
0x63: {  	v53 =	vld [tilespmem:s8+$0x197B0]  }
0x64: {  	v55 =	vld [tilespmem:s8+$0x198B0]  }
0x65: {  	[tilespmem:s6+$0x1BAB0] =	vst v0;
	v0 =	vld [tilespmem:s6+$0x190B0]  }
0x66: {  	[tilespmem:s7+$0x19AA0] =	vst v13;
	v8 =	vld.idx.msk [tilespmem:v8+s2+$0x0], $0xffff  }
0x67: {  	v14 =	vld.idx.msk [tilespmem:v14+s2+$0x0], $0xffff;
	[tilespmem:s6+$0x1BEA0] =	vst v9  }
0x68: {  	v9 =	vld.idx.msk [tilespmem:v10+s2+$0x0], $0xffff  }
0x69: {  	v10 =	vld [tilespmem:s7+$0x186B0]  }
0x6a: {  	v56 =	vld [tilespmem:s9+$0x18DB0]  }
0x6b: {  	[tilespmem:s6+$0x1BEB0] =	vst v8;
	v8 =	vld [tilespmem:s6+$0x191B0]  }
0x6c: {  	v57 =	vld [tilespmem:s9+$0x18EB0]  }
0x6d: {  	v0 =	vld.idx.msk [tilespmem:v0+s2+$0x0], $0xffff  }
0x6e: {  	v61 =	vld [tilespmem:s9+$0x190B0];
	[tilespmem:s7+$0x19EA0] =	vst v14  }
0x6f: {  	v14 =	vld.idx.msk [tilespmem:v15+s2+$0x0], $0xffff  }
0x70: {  	v15 =	vld [tilespmem:s7+$0x18EA0]  }
0x71: {  	v10 =	vld.idx.msk [tilespmem:v10+s2+$0x0], $0xffff  }
0x72: {  	[tilespmem:s6+$0x1C2B0] =	vst v0;
	v0 =	vld [tilespmem:s6+$0x192B0]  }
0x73: {  	v8 =	vld.idx.msk [tilespmem:v8+s2+$0x0], $0xffff  }
0x74: {  	[tilespmem:s7+$0x1A2A0] =	vst v14;
	v5 =	vld [tilespmem:s6+$0x198A0]  }
0x75: {  	v14 =	vld.idx.msk [tilespmem:v16+s2+$0x0], $0xffff  }
0x76: {  	[tilespmem:s7+$0x19AB0] =	vst v10;
	v10 =	vld [tilespmem:s7+$0x188B0]  }
0x77: {  	v13 =	vld.idx.msk [tilespmem:v17+s2+$0x0], $0xffff  }
0x78: {  	[tilespmem:s6+$0x1C6B0] =	vst v8;
	v8 =	vld [tilespmem:s6+$0x193B0]  }
0x79: {  	v16 =	vld [tilespmem:s7+$0x190A0]  }
0x7a: {  	v0 =	vld.idx.msk [tilespmem:v0+s2+$0x0], $0xffff  }
0x7b: {  	[tilespmem:s7+$0x1A6A0] =	vst v14;
	v14 =	vld [tilespmem:s7+$0x18FB0]  }
0x7c: {  	[tilespmem:s7+$0x19EB0] =	vst v13;
	v13 =	vld [tilespmem:s7+$0x189B0]  }
0x7d: {  	v6 =	vld [tilespmem:s6+$0x192A0]  }
0x7e: {  	v10 =	vld.idx.msk [tilespmem:v10+s2+$0x0], $0xffff  }
0x7f: {  	[tilespmem:s6+$0x1CAB0] =	vst v0;
	v0 =	vld [tilespmem:s6+$0x194B0]  }
0x80: {  	v8 =	vld.idx.msk [tilespmem:v8+s2+$0x0], $0xffff  }
0x81: {  	v7 =	vld [tilespmem:s6+$0x193A0]  }
0x82: {  	v3 =	vld [tilespmem:s6+$0x194A0]  }
0x83: {  	[tilespmem:s7+$0x1A2B0] =	vst v10;
	v10 =	vld [tilespmem:s7+$0x18AB0]  }
0x84: {  	v13 =	vld.idx.msk [tilespmem:v13+s2+$0x0], $0xffff  }
0x85: {  	[tilespmem:s6+$0x1CEB0] =	vst v8;
	v8 =	vld [tilespmem:s6+$0x195B0]  }
0x86: {  	v1 =	vld [tilespmem:s6+$0x197A0]  }
0x87: {  	v0 =	vld.idx.msk [tilespmem:v0+s2+$0x0], $0xffff  }
0x88: {  	v2 =	vld [tilespmem:s6+$0x196A0];
	[tilespmem:s6+$0x1C2A0] =	vst v9  }
0x89: {  	v11 =	vld.idx.msk [tilespmem:v11+s2+$0x0], $0xffff  }
0x8a: {  	[tilespmem:s7+$0x1A6B0] =	vst v13;
	v13 =	vld [tilespmem:s7+$0x18BB0]  }
0x8b: {  	v10 =	vld.idx.msk [tilespmem:v10+s2+$0x0], $0xffff  }
0x8c: {  	[tilespmem:s6+$0x1D2B0] =	vst v0;
	v0 =	vld [tilespmem:s6+$0x196B0]  }
0x8d: {  	v8 =	vld.idx.msk [tilespmem:v8+s2+$0x0], $0xffff  }
0x8e: {  	v9 =	vld.idx.msk [tilespmem:v18+s2+$0x0], $0xffff;
	[tilespmem:s6+$0x1C6A0] =	vst v11  }
0x8f: {  	v6 =	vld.idx.msk [tilespmem:v6+s2+$0x0], $0xffff  }
0x90: {  	v17 =	vld [tilespmem:s7+$0x18CA0]  }
0x91: {  	[tilespmem:s7+$0x1AAB0] =	vst v10;
	v10 =	vld [tilespmem:s7+$0x18CB0]  }
0x92: {  	[tilespmem:s6+$0x1D6B0] =	vst v8;
	v8 =	vld [tilespmem:s6+$0x197B0]  }
0x93: {  	v13 =	vld.idx.msk [tilespmem:v13+s2+$0x0], $0xffff  }
0x94: {  	v0 =	vld.idx.msk [tilespmem:v0+s2+$0x0], $0xffff  }
0x95: {  	v4 =	vld [tilespmem:s6+$0x199A0];
	[tilespmem:s7+$0x1AAA0] =	vst v9  }
0x96: {  	v9 =	vld.idx.msk [tilespmem:v19+s2+$0x0], $0xffff  }
0x97: {  	v11 =	vld [tilespmem:s7+$0x18DB0];
	[tilespmem:s6+$0x1CAA0] =	vst v6  }
0x98: {  	v6 =	vld.idx.msk [tilespmem:v7+s2+$0x0], $0xffff;
	[tilespmem:s7+$0x1AEB0] =	vst v13  }
0x99: {  	v10 =	vld.idx.msk [tilespmem:v10+s2+$0x0], $0xffff;
	[tilespmem:s6+$0x1DAB0] =	vst v0  }
0x9a: {  	v8 =	vld.idx.msk [tilespmem:v8+s2+$0x0], $0xffff  }
0x9b: {  	v18 =	vld [tilespmem:s7+$0x192A0];
	[tilespmem:s7+$0x1AEA0] =	vst v9  }
0x9c: {  	v9 =	vld.idx.msk [tilespmem:v17+s2+$0x0], $0xffff  }
0x9d: {  	v7 =	vld [tilespmem:s7+$0x18EB0];
	[tilespmem:s6+$0x1CEA0] =	vst v6  }
0x9e: {  	v19 =	vld [tilespmem:s7+$0x193A0];
	[tilespmem:s7+$0x1B2B0] =	vst v10  }
0x9f: {  	[tilespmem:s6+$0x1DEB0] =	vst v8;
	v8 =	vld.idx.msk [tilespmem:v11+s2+$0x0], $0xffff  }
0xa0: {  	v3 =	vld.idx.msk [tilespmem:v3+s2+$0x0], $0xffff  }
0xa1: {  	[tilespmem:s7+$0x1B2A0] =	vst v9;
	v0 =	vld [tilespmem:s6+$0x198B0]  }
0xa2: {  	v9 =	vld.idx.msk [tilespmem:v20+s2+$0x0], $0xffff  }
0xa3: {  	v17 =	vld [tilespmem:s7+$0x195A0]  }
0xa4: {  	v6 =	vld [tilespmem:s7+$0x196A0];
	[tilespmem:s7+$0x1B6B0] =	vst v8  }
0xa5: {  	[tilespmem:s6+$0x1D2A0] =	vst v3;
	v7 =	vld.idx.msk [tilespmem:v7+s2+$0x0], $0xffff  }
0xa6: {  	v3 =	vld.idx.msk [tilespmem:v12+s2+$0x0], $0xffff  }
0xa7: {  	[tilespmem:s7+$0x1B6A0] =	vst v9;
	v10 =	vld [tilespmem:s6+$0x199B0]  }
0xa8: {  	v9 =	vld.idx.msk [tilespmem:v15+s2+$0x0], $0xffff  }
0xa9: {  	v0 =	vld.idx.msk [tilespmem:v0+s2+$0x0], $0xffff  }
0xaa: {  	[tilespmem:s7+$0x1BAB0] =	vst v7;
	v7 =	vld [tilespmem:s7+$0x190B0]  }
0xab: {  	v15 =	vld.idx.msk [tilespmem:v14+s2+$0x0], $0xffff  }
0xac: {  	v12 =	vld [tilespmem:s8+$0x186B0]  }
0xad: {  	v20 =	vld [tilespmem:s8+$0x188A0];
	[tilespmem:s7+$0x1BAA0] =	vst v9  }
0xae: {  	v9 =	vld.idx.msk [tilespmem:v21+s2+$0x0], $0xffff;
	[tilespmem:s6+$0x1E2B0] =	vst v0  }
0xaf: {  	v14 =	vld.idx.msk [tilespmem:v10+s2+$0x0], $0xffff  }
0xb0: {  	[tilespmem:s7+$0x1BEB0] =	vst v15;
	v15 =	vld [tilespmem:s8+$0x186A0]  }
0xb1: {  	v10 =	vld [tilespmem:s7+$0x191B0]  }
0xb2: {  	[tilespmem:s6+$0x1D6A0] =	vst v3;
	v7 =	vld.idx.msk [tilespmem:v7+s2+$0x0], $0xffff  }
0xb3: {  	v2 =	vld.idx.msk [tilespmem:v2+s2+$0x0], $0xffff  }
0xb4: {  	v12 =	vld.idx.msk [tilespmem:v12+s2+$0x0], $0xffff;
	[tilespmem:s7+$0x1BEA0] =	vst v9  }
0xb5: {  	v9 =	vld.idx.msk [tilespmem:v16+s2+$0x0], $0xffff  }
0xb6: {  	v16 =	vld [tilespmem:s8+$0x187A0]  }
0xb7: {  	[tilespmem:s7+$0x1C2B0] =	vst v7;
	v7 =	vld [tilespmem:s7+$0x192B0]  }
0xb8: {  	v15 =	vld.idx.msk [tilespmem:v15+s2+$0x0], $0xffff  }
0xb9: {  	v10 =	vld.idx.msk [tilespmem:v10+s2+$0x0], $0xffff  }
0xba: {  	[tilespmem:s6+$0x1DAA0] =	vst v2;
	v2 =	vld [tilespmem:s8+$0x199A0]  }
0xbb: {  	[tilespmem:s8+$0x19AB0] =	vst v12;
	v12 =	vld [tilespmem:s8+$0x188B0]  }
0xbc: {  	v13 =	vld [tilespmem:s7+$0x198A0]  }
0xbd: {  	[tilespmem:s8+$0x19AA0] =	vst v15;
	v15 =	vld.idx.msk [tilespmem:v23+s2+$0x0], $0xffff  }
0xbe: {  	[tilespmem:s7+$0x1C6B0] =	vst v10;
	v10 =	vld [tilespmem:s7+$0x193B0]  }
0xbf: {  	v16 =	vld.idx.msk [tilespmem:v16+s2+$0x0], $0xffff  }
0xc0: {  	v11 =	vld [tilespmem:s7+$0x194A0]  }
0xc1: {  	v7 =	vld.idx.msk [tilespmem:v7+s2+$0x0], $0xffff  }
0xc2: {  	[tilespmem:s8+$0x19EB0] =	vst v15;
	v15 =	vld [tilespmem:s8+$0x189B0]  }
0xc3: {  	v8 =	vld [tilespmem:s7+$0x197A0]  }
0xc4: {  	[tilespmem:s8+$0x19EA0] =	vst v16;
	v12 =	vld.idx.msk [tilespmem:v12+s2+$0x0], $0xffff  }
0xc5: {  	v16 =	vld.idx.msk [tilespmem:v20+s2+$0x0], $0xffff  }
0xc6: {  	[tilespmem:s7+$0x1CAB0] =	vst v7;
	v7 =	vld [tilespmem:s7+$0x194B0]  }
0xc7: {  	v10 =	vld.idx.msk [tilespmem:v10+s2+$0x0], $0xffff  }
0xc8: {  	v0 =	vld [tilespmem:s7+$0x199A0]  }
0xc9: {  	[tilespmem:s8+$0x1A2B0] =	vst v12;
	v12 =	vld [tilespmem:s8+$0x18AB0]  }
0xca: {  	[tilespmem:s8+$0x1A2A0] =	vst v16;
	v15 =	vld.idx.msk [tilespmem:v15+s2+$0x0], $0xffff  }
0xcb: {  	v16 =	vld.idx.msk [tilespmem:v43+s2+$0x0], $0xffff  }
0xcc: {  	[tilespmem:s7+$0x1CEB0] =	vst v10;
	v10 =	vld [tilespmem:s7+$0x195B0]  }
0xcd: {  	[tilespmem:s6+$0x1E6B0] =	vst v14;
	v14 =	vld [tilespmem:s9+$0x199A0]  }
0xce: {  	[tilespmem:s7+$0x1C2A0] =	vst v9;
	v7 =	vld.idx.msk [tilespmem:v7+s2+$0x0], $0xffff  }
0xcf: {  	[tilespmem:s8+$0x1A6B0] =	vst v15;
	v15 =	vld [tilespmem:s8+$0x18BB0]  }
0xd0: {  	[tilespmem:s8+$0x1A6A0] =	vst v16;
	v16 =	vld.idx.msk [tilespmem:v22+s2+$0x0], $0xffff  }
0xd1: {  	v12 =	vld.idx.msk [tilespmem:v12+s2+$0x0], $0xffff  }
0xd2: {  	v9 =	vld.idx.msk [tilespmem:v24+s2+$0x0], $0xffff  }
0xd3: {  	[tilespmem:s7+$0x1D2B0] =	vst v7;
	v7 =	vld [tilespmem:s7+$0x196B0]  }
0xd4: {  	v10 =	vld.idx.msk [tilespmem:v10+s2+$0x0], $0xffff  }
0xd5: {  	v20 =	vld [tilespmem:s8+$0x18EA0];
	[tilespmem:s7+$0x1C6A0] =	vst v16  }
0xd6: {  	[tilespmem:s8+$0x1AAB0] =	vst v12;
	v12 =	vld [tilespmem:s8+$0x18CB0]  }
0xd7: {  	[tilespmem:s8+$0x1AAA0] =	vst v9;
	v9 =	vld.idx.msk [tilespmem:v15+s2+$0x0], $0xffff  }
0xd8: {  	v16 =	vld.idx.msk [tilespmem:v18+s2+$0x0], $0xffff  }
0xd9: {  	[tilespmem:s7+$0x1D6B0] =	vst v10;
	v10 =	vld [tilespmem:s7+$0x197B0]  }
0xda: {  	v15 =	vld.idx.msk [tilespmem:v25+s2+$0x0], $0xffff  }
0xdb: {  	v7 =	vld.idx.msk [tilespmem:v7+s2+$0x0], $0xffff  }
0xdc: {  	[tilespmem:s8+$0x1AEB0] =	vst v9;
	v9 =	vld [tilespmem:s8+$0x18DB0]  }
0xdd: {  	v18 =	vld [tilespmem:s8+$0x193A0]  }
0xde: {  	[tilespmem:s7+$0x1CAA0] =	vst v16;
	v3 =	vld.idx.msk [tilespmem:v12+s2+$0x0], $0xffff  }
0xdf: {  	[tilespmem:s8+$0x1AEA0] =	vst v15;
	v15 =	vld.idx.msk [tilespmem:v19+s2+$0x0], $0xffff  }
0xe0: {  	v12 =	vld.idx.msk [tilespmem:v44+s2+$0x0], $0xffff  }
0xe1: {  	[tilespmem:s7+$0x1DAB0] =	vst v7;
	v7 =	vld [tilespmem:s7+$0x198B0]  }
0xe2: {  	v10 =	vld.idx.msk [tilespmem:v10+s2+$0x0], $0xffff  }
0xe3: {  	[tilespmem:s8+$0x1B2B0] =	vst v3;
	v3 =	vld [tilespmem:s8+$0x18EB0]  }
0xe4: {  	v9 =	vld.idx.msk [tilespmem:v9+s2+$0x0], $0xffff  }
0xe5: {  	v16 =	vld [tilespmem:s8+$0x196A0];
	[tilespmem:s8+$0x1B2A0] =	vst v12  }
0xe6: {  	[tilespmem:s7+$0x1CEA0] =	vst v15;
	v12 =	vld.idx.msk [tilespmem:v26+s2+$0x0], $0xffff  }
0xe7: {  	v11 =	vld.idx.msk [tilespmem:v11+s2+$0x0], $0xffff  }
0xe8: {  	[tilespmem:s7+$0x1DEB0] =	vst v10;
	v10 =	vld [tilespmem:s7+$0x199B0]  }
0xe9: {  	[tilespmem:s8+$0x1B6B0] =	vst v9;
	v9 =	vld [tilespmem:s8+$0x18FB0]  }
0xea: {  	v7 =	vld.idx.msk [tilespmem:v7+s2+$0x0], $0xffff  }
0xeb: {  	[tilespmem:s8+$0x1B6A0] =	vst v12;
	v12 =	vld.idx.msk [tilespmem:v3+s2+$0x0], $0xffff  }
0xec: {  	v15 =	vld.idx.msk [tilespmem:v20+s2+$0x0], $0xffff  }
0xed: {  	v19 =	vld [tilespmem:s8+$0x194A0];
	[tilespmem:s7+$0x1D2A0] =	vst v11  }
0xee: {  	v11 =	vld.idx.msk [tilespmem:v17+s2+$0x0], $0xffff  }
0xef: {  	v17 =	vld.idx.msk [tilespmem:v1+s2+$0x0], $0xffff;
	[tilespmem:s7+$0x1E2B0] =	vst v7  }
0xf0: {  	v20 =	vld.idx.msk [tilespmem:v10+s2+$0x0], $0xffff;
	[tilespmem:s8+$0x1BAB0] =	vst v12  }
0xf1: {  	[tilespmem:s8+$0x1BAA0] =	vst v15;
	v7 =	vld.idx.msk [tilespmem:v9+s2+$0x0], $0xffff  }
0xf2: {  	v9 =	vld.idx.msk [tilespmem:v27+s2+$0x0], $0xffff  }
0xf3: {  	v10 =	vld [tilespmem:s9+$0x186A0]  }
0xf4: {  	v1 =	vld [tilespmem:s8+$0x198A0]  }
0xf5: {  	v12 =	vld [tilespmem:s8+$0x190B0]  }
0xf6: {  	[tilespmem:s7+$0x1D6A0] =	vst v11;
	v11 =	vld [tilespmem:s9+$0x187A0]  }
0xf7: {  	[tilespmem:s8+$0x1BEA0] =	vst v9;
	v9 =	vld [tilespmem:s9+$0x186B0]  }
0xf8: {  	[tilespmem:s6+$0x1DEA0] =	vst v17;
	v17 =	vld [tilespmem:s9+$0x187B0]  }
0xf9: {  	v49 =	vld.idx.msk [tilespmem:v5+s2+$0x0], $0xffff  }
0xfa: {  	v5 =	vld [tilespmem:s8+$0x191B0]  }
0xfb: {  	v10 =	vld.idx.msk [tilespmem:v10+s2+$0x0], $0xffff  }
0xfc: {  	v48 =	vld.idx.msk [tilespmem:v6+s2+$0x0], $0xffff;
	[tilespmem:s8+$0x1BEB0] =	vst v7  }
0xfd: {  	v6 =	vld.idx.msk [tilespmem:v12+s2+$0x0], $0xffff  }
0xfe: {  	v12 =	vld [tilespmem:s9+$0x188A0]  }
0xff: {  	v9 =	vld.idx.msk [tilespmem:v9+s2+$0x0], $0xffff  }
0x100: {  	v3 =	vld [tilespmem:s8+$0x197A0];
	[tilespmem:s9+$0x19AA0] =	vst v10  }
0x101: {  	v11 =	vld.idx.msk [tilespmem:v11+s2+$0x0], $0xffff  }
0x102: {  	[tilespmem:s8+$0x1C2B0] =	vst v6;
	v6 =	vld [tilespmem:s8+$0x192B0]  }
0x103: {  	v5 =	vld.idx.msk [tilespmem:v5+s2+$0x0], $0xffff  }
0x104: {  	[tilespmem:s9+$0x19AB0] =	vst v9;
	v9 =	vld [tilespmem:s9+$0x188B0]  }
0x105: {  	v15 =	vld [tilespmem:s9+$0x189A0]  }
0x106: {  	[tilespmem:s9+$0x19EA0] =	vst v11;
	v10 =	vld.idx.msk [tilespmem:v17+s2+$0x0], $0xffff  }
0x107: {  	[tilespmem:s7+$0x1DAA0] =	vst v48;
	v11 =	vld.idx.msk [tilespmem:v12+s2+$0x0], $0xffff  }
0x108: {  	[tilespmem:s8+$0x1C6B0] =	vst v5;
	v5 =	vld [tilespmem:s8+$0x193B0]  }
0x109: {  	v60 =	vld.idx.msk [tilespmem:v8+s2+$0x0], $0xffff  }
0x10a: {  	v6 =	vld.idx.msk [tilespmem:v6+s2+$0x0], $0xffff  }
0x10b: {  	[tilespmem:s9+$0x19EB0] =	vst v10;
	v10 =	vld [tilespmem:s9+$0x189B0]  }
0x10c: {  	v9 =	vld.idx.msk [tilespmem:v9+s2+$0x0], $0xffff  }
0x10d: {  	v7 =	vld.idx.msk [tilespmem:v45+s2+$0x0], $0xffff;
	[tilespmem:s9+$0x1A2A0] =	vst v11  }
0x10e: {  	v11 =	vld.idx.msk [tilespmem:v15+s2+$0x0], $0xffff  }
0x10f: {  	[tilespmem:s8+$0x1CAB0] =	vst v6;
	v6 =	vld [tilespmem:s8+$0x194B0]  }
0x110: {  	v5 =	vld.idx.msk [tilespmem:v5+s2+$0x0], $0xffff  }
0x111: {  	[tilespmem:s9+$0x1A2B0] =	vst v9;
	v9 =	vld [tilespmem:s9+$0x18AB0]  }
0x112: {  	v8 =	vld [tilespmem:s9+$0x198A0]  }
0x113: {  	v10 =	vld.idx.msk [tilespmem:v10+s2+$0x0], $0xffff  }
0x114: {  	[tilespmem:s8+$0x1C2A0] =	vst v7;
	v12 =	vld [tilespmem:s9+$0x18EA0]  }
0x115: {  	[tilespmem:s8+$0x1CEB0] =	vst v5;
	v5 =	vld [tilespmem:s8+$0x195B0]  }
0x116: {  	[tilespmem:s9+$0x1A6A0] =	vst v11;
	v11 =	vld.idx.msk [tilespmem:v28+s2+$0x0], $0xffff  }
0x117: {  	v6 =	vld.idx.msk [tilespmem:v6+s2+$0x0], $0xffff  }
0x118: {  	[tilespmem:s9+$0x1A6B0] =	vst v10;
	v10 =	vld [tilespmem:s9+$0x18BB0]  }
0x119: {  	v9 =	vld.idx.msk [tilespmem:v9+s2+$0x0], $0xffff  }
0x11a: {  	v17 =	vld [tilespmem:s9+$0x18CA0]  }
0x11b: {  	v7 =	vld.idx.msk [tilespmem:v50+s2+$0x0], $0xffff  }
0x11c: {  	[tilespmem:s8+$0x1D2B0] =	vst v6;
	v6 =	vld [tilespmem:s8+$0x196B0]  }
0x11d: {  	[tilespmem:s8+$0x1C6A0] =	vst v11;
	v30 =	vld.idx.msk [tilespmem:v5+s2+$0x0], $0xffff  }
0x11e: {  	[tilespmem:s9+$0x1AAB0] =	vst v9;
	v9 =	vld [tilespmem:s9+$0x18CB0]  }
0x11f: {  	v11 =	vld.idx.msk [tilespmem:v46+s2+$0x0], $0xffff  }
0x120: {  	[tilespmem:s9+$0x1AAA0] =	vst v7;
	v10 =	vld.idx.msk [tilespmem:v10+s2+$0x0], $0xffff  }
0x121: {  	v26 =	vld.idx.msk [tilespmem:v51+s2+$0x0], $0xffff  }
0x122: {  	v15 =	vld [tilespmem:s9+$0x190A0]  }
0x123: {  	v7 =	vld [tilespmem:s9+$0x193A0];
	[tilespmem:s8+$0x1D6B0] =	vst v30  }
0x124: {  	[tilespmem:s8+$0x1CAA0] =	vst v11;
	v54 =	vld.idx.msk [tilespmem:v6+s2+$0x0], $0xffff  }
0x125: {  	v11 =	vld.idx.msk [tilespmem:v18+s2+$0x0], $0xffff;
	[tilespmem:s9+$0x1AEB0] =	vst v10  }
0x126: {  	[tilespmem:s9+$0x1AEA0] =	vst v26;
	v9 =	vld.idx.msk [tilespmem:v9+s2+$0x0], $0xffff  }
0x127: {  	v17 =	vld.idx.msk [tilespmem:v17+s2+$0x0], $0xffff  }
0x128: {  	v5 =	vld [tilespmem:s9+$0x191A0]  }
0x129: {  	v18 =	vld [tilespmem:s8+$0x199B0];
	[tilespmem:s8+$0x1DAB0] =	vst v54  }
0x12a: {  	[tilespmem:s8+$0x1CEA0] =	vst v11;
	v21 =	vld.idx.msk [tilespmem:v53+s2+$0x0], $0xffff  }
0x12b: {  	v11 =	vld [tilespmem:s9+$0x195A0];
	[tilespmem:s9+$0x1B2B0] =	vst v9  }
0x12c: {  	[tilespmem:s9+$0x1B2A0] =	vst v17;
	v17 =	vld.idx.msk [tilespmem:v56+s2+$0x0], $0xffff  }
0x12d: {  	v19 =	vld.idx.msk [tilespmem:v19+s2+$0x0], $0xffff  }
0x12e: {  	v26 =	vld.idx.msk [tilespmem:v52+s2+$0x0], $0xffff  }
0x12f: {  	v6 =	vld [tilespmem:s9+$0x192A0];
	[tilespmem:s8+$0x1DEB0] =	vst v21  }
0x130: {  	v21 =	vld.idx.msk [tilespmem:v55+s2+$0x0], $0xffff  }
0x131: {  	[tilespmem:s9+$0x1B6B0] =	vst v17;
	v17 =	vld [tilespmem:s9+$0x18FB0]  }
0x132: {  	v10 =	vld [tilespmem:s9+$0x194A0]  }
0x133: {  	[tilespmem:s9+$0x1B6A0] =	vst v26;
	v58 =	vld.idx.msk [tilespmem:v57+s2+$0x0], $0xffff  }
0x134: {  	[tilespmem:s8+$0x1D2A0] =	vst v19;
	v59 =	vld.idx.msk [tilespmem:v12+s2+$0x0], $0xffff  }
0x135: {  	v19 =	vld.idx.msk [tilespmem:v47+s2+$0x0], $0xffff  }
0x136: {  	v12 =	vld [tilespmem:s9+$0x197A0];
	[tilespmem:s8+$0x1E2B0] =	vst v21  }
0x137: {  	[tilespmem:s7+$0x1E6B0] =	vst v20;
	v18 =	vld.idx.msk [tilespmem:v18+s2+$0x0], $0xffff  }
0x138: {  	v9 =	vld [tilespmem:s9+$0x196A0];
	[tilespmem:s9+$0x1BAB0] =	vst v58  }
0x139: {  	[tilespmem:s9+$0x1BAA0] =	vst v59;
	v62 =	vld.idx.msk [tilespmem:v17+s2+$0x0], $0xffff  }
0x13a: {  	[tilespmem:s8+$0x1D6A0] =	vst v19;
	v63 =	vld.idx.msk [tilespmem:v29+s2+$0x0], $0xffff  }
0x13b: {  	[tilespmem:s7+$0x1DEA0] =	vst v60;
	v17 =	vld.idx.msk [tilespmem:v16+s2+$0x0], $0xffff  }
0x13c: {  	[tilespmem:s8+$0x1E6B0] =	vst v18;
	v18 =	vld [tilespmem:s9+$0x191B0]  }
0x13d: {  	[tilespmem:s6+$0x1E2A0] =	vst v49;
	v16 =	vld.idx.msk [tilespmem:v13+s2+$0x0], $0xffff  }
0x13e: {  	v13 =	vld.idx.msk [tilespmem:v4+s2+$0x0], $0xffff;
	[tilespmem:s9+$0x1BEB0] =	vst v62  }
0x13f: {  	s10 =	simm.s32 $0x6;
	s11 =	simm.s32 $0x200;
	[tilespmem:s9+$0x1BEA0] =	vst v63;
	v19 =	vld.idx.msk [tilespmem:v61+s2+$0x0], $0xffff  }
.LBB2_2:
0x140: {  	s12 =	sshra.s32 s11, $0x2;
	s10 =	sadd.s32 $0x2, s10;
	v15 =	vld.idx.msk [tilespmem:v15+s2+$0x0], $0xffff;
	[tilespmem:s8+$0x1DAA0] =	vst v17;
	v4 =	vmov v14  }
0x141: {  	v14 =	vld [tilespmem:s12+$0x186B0];
	p0 =	slt.u32 s10, $0xE  }
0x142: {  	v17 =	vld [tilespmem:s12+$0x186A0];
	[tilespmem:s7+$0x1E2A0] =	vst v16  }
0x143: {  	v16 =	vld [tilespmem:s12+$0x187A0];
	[tilespmem:s6+$0x1E6A0] =	vst v13;
	s6 =	smov.u32 s7;
	s7 =	smov.u32 s8;
	s8 =	smov.u32 s9  }
0x144: {  	s9 =	smov.u32 s12;
	v13 =	vld [tilespmem:s12+$0x188A0]  }
0x145: {  	[tilespmem:s8+$0x1C2B0] =	vst v19;
	v19 =	vld [tilespmem:s8+$0x192B0]  }
0x146: {  	[tilespmem:s8+$0x1C2A0] =	vst v15;
	v15 =	vld.idx.msk [tilespmem:v18+s2+$0x0], $0xffff  }
0x147: {  	v18 =	vld [tilespmem:s9+$0x189A0]  }
0x148: {  	v20 =	vld [tilespmem:s9+$0x187B0]  }
0x149: {  	v14 =	vld.idx.msk [tilespmem:v14+s2+$0x0], $0xffff  }
0x14a: {  	v17 =	vld.idx.msk [tilespmem:v17+s2+$0x0], $0xffff  }
0x14b: {  	v21 =	vld [tilespmem:s9+$0x18AA0]  }
0x14c: {  	[tilespmem:s8+$0x1C6B0] =	vst v15;
	v15 =	vld [tilespmem:s8+$0x193B0]  }
0x14d: {  	v19 =	vld.idx.msk [tilespmem:v19+s2+$0x0], $0xffff  }
0x14e: {  	v22 =	vld [tilespmem:s9+$0x18BA0]  }
0x14f: {  	[tilespmem:s9+$0x19AB0] =	vst v14;
	v14 =	vld [tilespmem:s9+$0x188B0]  }
0x150: {  	[tilespmem:s9+$0x19AA0] =	vst v17;
	v17 =	vld.idx.msk [tilespmem:v20+s2+$0x0], $0xffff  }
0x151: {  	v16 =	vld.idx.msk [tilespmem:v16+s2+$0x0], $0xffff  }
0x152: {  	v20 =	vld [tilespmem:s9+$0x18CA0]  }
0x153: {  	[tilespmem:s8+$0x1CAB0] =	vst v19;
	v19 =	vld [tilespmem:s8+$0x194B0]  }
0x154: {  	v15 =	vld.idx.msk [tilespmem:v15+s2+$0x0], $0xffff  }
0x155: {  	v23 =	vld [tilespmem:s9+$0x18DA0]  }
0x156: {  	[tilespmem:s9+$0x19EB0] =	vst v17;
	v17 =	vld [tilespmem:s9+$0x189B0]  }
0x157: {  	[tilespmem:s9+$0x19EA0] =	vst v16;
	v14 =	vld.idx.msk [tilespmem:v14+s2+$0x0], $0xffff  }
0x158: {  	v13 =	vld.idx.msk [tilespmem:v13+s2+$0x0], $0xffff  }
0x159: {  	v16 =	vld [tilespmem:s9+$0x18EA0]  }
0x15a: {  	[tilespmem:s8+$0x1CEB0] =	vst v15;
	v24 =	vld [tilespmem:s8+$0x195B0]  }
0x15b: {  	v19 =	vld.idx.msk [tilespmem:v19+s2+$0x0], $0xffff  }
0x15c: {  	v25 =	vld [tilespmem:s9+$0x18FA0]  }
0x15d: {  	[tilespmem:s9+$0x1A2B0] =	vst v14;
	v14 =	vld [tilespmem:s9+$0x18AB0]  }
0x15e: {  	[tilespmem:s9+$0x1A2A0] =	vst v13;
	v13 =	vld.idx.msk [tilespmem:v17+s2+$0x0], $0xffff  }
0x15f: {  	v17 =	vld.idx.msk [tilespmem:v18+s2+$0x0], $0xffff  }
0x160: {  	v15 =	vld [tilespmem:s9+$0x190A0]  }
0x161: {  	[tilespmem:s8+$0x1D2B0] =	vst v19;
	v18 =	vld [tilespmem:s8+$0x196B0]  }
0x162: {  	v19 =	vld.idx.msk [tilespmem:v24+s2+$0x0], $0xffff  }
0x163: {  	v24 =	vld [tilespmem:s9+$0x191A0]  }
0x164: {  	[tilespmem:s9+$0x1A6B0] =	vst v13;
	v13 =	vld [tilespmem:s9+$0x18BB0]  }
0x165: {  	[tilespmem:s9+$0x1A6A0] =	vst v17;
	v14 =	vld.idx.msk [tilespmem:v14+s2+$0x0], $0xffff  }
0x166: {  	v17 =	vld.idx.msk [tilespmem:v21+s2+$0x0], $0xffff  }
0x167: {  	v21 =	vld.idx.msk [tilespmem:v5+s2+$0x0], $0xffff  }
0x168: {  	[tilespmem:s8+$0x1D6B0] =	vst v19;
	v19 =	vld [tilespmem:s8+$0x197B0];
	v5 =	vmov v24  }
0x169: {  	v18 =	vld.idx.msk [tilespmem:v18+s2+$0x0], $0xffff  }
0x16a: {  	v24 =	vld [tilespmem:s9+$0x192A0]  }
0x16b: {  	[tilespmem:s9+$0x1AAB0] =	vst v14;
	v14 =	vld [tilespmem:s9+$0x18CB0]  }
0x16c: {  	[tilespmem:s9+$0x1AAA0] =	vst v17;
	v13 =	vld.idx.msk [tilespmem:v13+s2+$0x0], $0xffff  }
0x16d: {  	v17 =	vld.idx.msk [tilespmem:v22+s2+$0x0], $0xffff;
	[tilespmem:s8+$0x1C6A0] =	vst v21  }
0x16e: {  	v21 =	vld.idx.msk [tilespmem:v6+s2+$0x0], $0xffff  }
0x16f: {  	[tilespmem:s8+$0x1DAB0] =	vst v18;
	v18 =	vld [tilespmem:s8+$0x198B0];
	v6 =	vmov v24  }
0x170: {  	v19 =	vld.idx.msk [tilespmem:v19+s2+$0x0], $0xffff  }
0x171: {  	v22 =	vld [tilespmem:s9+$0x193A0]  }
0x172: {  	[tilespmem:s9+$0x1AEB0] =	vst v13;
	v13 =	vld [tilespmem:s9+$0x18DB0]  }
0x173: {  	[tilespmem:s9+$0x1AEA0] =	vst v17;
	v14 =	vld.idx.msk [tilespmem:v14+s2+$0x0], $0xffff  }
0x174: {  	v17 =	vld.idx.msk [tilespmem:v20+s2+$0x0], $0xffff;
	[tilespmem:s8+$0x1CAA0] =	vst v21  }
0x175: {  	v20 =	vld.idx.msk [tilespmem:v7+s2+$0x0], $0xffff  }
0x176: {  	[tilespmem:s8+$0x1DEB0] =	vst v19;
	v19 =	vld [tilespmem:s8+$0x199B0];
	v7 =	vmov v22  }
0x177: {  	v18 =	vld.idx.msk [tilespmem:v18+s2+$0x0], $0xffff  }
0x178: {  	v21 =	vld [tilespmem:s9+$0x194A0]  }
0x179: {  	[tilespmem:s9+$0x1B2B0] =	vst v14;
	v14 =	vld [tilespmem:s9+$0x18EB0]  }
0x17a: {  	[tilespmem:s9+$0x1B2A0] =	vst v17;
	v13 =	vld.idx.msk [tilespmem:v13+s2+$0x0], $0xffff  }
0x17b: {  	v17 =	vld.idx.msk [tilespmem:v23+s2+$0x0], $0xffff;
	[tilespmem:s8+$0x1CEA0] =	vst v20  }
0x17c: {  	v20 =	vld.idx.msk [tilespmem:v10+s2+$0x0], $0xffff  }
0x17d: {  	v22 =	vld [tilespmem:s9+$0x195A0];
	[tilespmem:s8+$0x1E2B0] =	vst v18;
	v10 =	vmov v21  }
0x17e: {  	v18 =	vld.idx.msk [tilespmem:v19+s2+$0x0], $0xffff  }
0x17f: {  	v19 =	vld [tilespmem:s9+$0x196A0]  }
0x180: {  	[tilespmem:s9+$0x1B6B0] =	vst v13;
	v13 =	vld [tilespmem:s9+$0x18FB0]  }
0x181: {  	[tilespmem:s9+$0x1B6A0] =	vst v17;
	v14 =	vld.idx.msk [tilespmem:v14+s2+$0x0], $0xffff  }
0x182: {  	v16 =	vld.idx.msk [tilespmem:v16+s2+$0x0], $0xffff;
	[tilespmem:s8+$0x1D2A0] =	vst v20  }
0x183: {  	v17 =	vld.idx.msk [tilespmem:v11+s2+$0x0], $0xffff;
	v11 =	vmov v22  }
0x184: {  	v20 =	vld [tilespmem:s9+$0x197A0];
	[tilespmem:s8+$0x1E6B0] =	vst v18  }
0x185: {  	v18 =	vld.idx.msk [tilespmem:v3+s2+$0x0], $0xffff;
	v3 =	vmov v12  }
0x186: {  	v21 =	vld [tilespmem:s9+$0x198A0]  }
0x187: {  	[tilespmem:s9+$0x1BAB0] =	vst v14;
	v22 =	vld [tilespmem:s9+$0x190B0]  }
0x188: {  	[tilespmem:s9+$0x1BAA0] =	vst v16;
	v23 =	vld.idx.msk [tilespmem:v13+s2+$0x0], $0xffff  }
0x189: {  	v24 =	vld.idx.msk [tilespmem:v25+s2+$0x0], $0xffff;
	[tilespmem:s8+$0x1D6A0] =	vst v17;
	v12 =	vmov v20  }
0x18a: {  	v17 =	vld.idx.msk [tilespmem:v9+s2+$0x0], $0xffff;
	v9 =	vmov v19  }
.Ltmp0:
0x18b: {  	v14 =	vld [tilespmem:s9+$0x199A0];
	[tilespmem:s7+$0x1DEA0] =	vst v18;
	(pc) =	sbr.rel @p0 .LBB2_2-.Ltmp0, $4  }
0x18c: {  	v16 =	vld.idx.msk [tilespmem:v1+s2+$0x0], $0xffff;
	v1 =	vmov v8;
	v8 =	vmov v21  }
0x18d: {  	v13 =	vld.idx.msk [tilespmem:v0+s2+$0x0], $0xffff;
	v0 =	vmov v2;
	v2 =	vmov v4  }
0x18e: {  	[tilespmem:s9+$0x1BEB0] =	vst v23;
	v18 =	vld [tilespmem:s9+$0x191B0]  }
0x18f: {  	s11 =	sadd.s32 $0x80, s11;
	[tilespmem:s9+$0x1BEA0] =	vst v24;
	v19 =	vld.idx.msk [tilespmem:v22+s2+$0x0], $0xffff  }
0x190: {  	_ =	sdelay $0x4  }
0x191: {  	v4 =	vld [tilespmem:s9+$0x192B0]  }
0x192: {  	[tilespmem:s9+$0x1C2B0] =	vst v19  }
0x193: {  	v18 =	vld.idx.msk [tilespmem:v18+s2+$0x0], $0xffff;
	_ =	sdelay $0x4  }
0x194: {  	v15 =	vld.idx.msk [tilespmem:v15+s2+$0x0], $0xffff;
	[tilespmem:s9+$0x1C6B0] =	vst v18  }
0x195: {  	v4 =	vld.idx.msk [tilespmem:v4+s2+$0x0], $0xffff;
	_ =	sdelay $0x3  }
0x196: {  	[tilespmem:s9+$0x1C2A0] =	vst v15  }
0x197: {  	[tilespmem:s9+$0x1CAB0] =	vst v4;
	v4 =	vld.idx.msk [tilespmem:v5+s2+$0x0], $0xffff  }
0x198: {  	v18 =	vld [tilespmem:s9+$0x193B0];
	_ =	sdelay $0x3  }
0x199: {  	[tilespmem:s9+$0x1C6A0] =	vst v4  }
0x19a: {  	v4 =	vld.idx.msk [tilespmem:v6+s2+$0x0], $0xffff  }
0x19b: {  	v5 =	vld [tilespmem:s9+$0x194B0];
	_ =	sdelay $0x1  }
0x19c: {  	v15 =	vld.idx.msk [tilespmem:v18+s2+$0x0], $0xffff;
	_ =	sdelay $0x1  }
0x19d: {  	[tilespmem:s9+$0x1CAA0] =	vst v4  }
0x19e: {  	v4 =	vld.idx.msk [tilespmem:v7+s2+$0x0], $0xffff  }
0x19f: {  	v6 =	vld [tilespmem:s9+$0x195B0]  }
0x1a0: {  	[tilespmem:s9+$0x1CEB0] =	vst v15  }
0x1a1: {  	v5 =	vld.idx.msk [tilespmem:v5+s2+$0x0], $0xffff;
	_ =	sdelay $0x1  }
0x1a2: {  	[tilespmem:s9+$0x1CEA0] =	vst v4  }
0x1a3: {  	v4 =	vld.idx.msk [tilespmem:v10+s2+$0x0], $0xffff;
	_ =	sdelay $0x1  }
0x1a4: {  	[tilespmem:s9+$0x1D2B0] =	vst v5;
	v5 =	vld [tilespmem:s9+$0x196B0]  }
0x1a5: {  	v6 =	vld.idx.msk [tilespmem:v6+s2+$0x0], $0xffff;
	_ =	sdelay $0x1  }
0x1a6: {  	[tilespmem:s9+$0x1D2A0] =	vst v4  }
0x1a7: {  	v4 =	vld.idx.msk [tilespmem:v11+s2+$0x0], $0xffff;
	_ =	sdelay $0x1  }
0x1a8: {  	[tilespmem:s9+$0x1D6B0] =	vst v6;
	v6 =	vld [tilespmem:s9+$0x197B0];
	_ =	sdelay $0x1  }
0x1a9: {  	v5 =	vld.idx.msk [tilespmem:v5+s2+$0x0], $0xffff  }
0x1aa: {  	[tilespmem:s9+$0x1D6A0] =	vst v4  }
0x1ab: {  	v4 =	vld.idx.msk [tilespmem:v9+s2+$0x0], $0xffff  }
0x1ac: {  	[tilespmem:s8+$0x1DAA0] =	vst v17  }
0x1ad: {  	v3 =	vld.idx.msk [tilespmem:v3+s2+$0x0], $0xffff  }
0x1ae: {  	[tilespmem:s9+$0x1DAB0] =	vst v5;
	v5 =	vld [tilespmem:s9+$0x198B0]  }
0x1af: {  	v6 =	vld.idx.msk [tilespmem:v6+s2+$0x0], $0xffff  }
0x1b0: {  	[tilespmem:s9+$0x1DAA0] =	vst v4  }
0x1b1: {  	v4 =	vld.idx.msk [tilespmem:v12+s2+$0x0], $0xffff;
	_ =	sdelay $0x1  }
0x1b2: {  	[tilespmem:s8+$0x1DEA0] =	vst v3  }
0x1b3: {  	[tilespmem:s9+$0x1DEB0] =	vst v6;
	v6 =	vld [tilespmem:s9+$0x199B0]  }
0x1b4: {  	v1 =	vld.idx.msk [tilespmem:v1+s2+$0x0], $0xffff  }
0x1b5: {  	v5 =	vld.idx.msk [tilespmem:v5+s2+$0x0], $0xffff;
	[tilespmem:s9+$0x1DEA0] =	vst v4  }
0x1b6: {  	v3 =	vld.idx.msk [tilespmem:v8+s2+$0x0], $0xffff;
	_ =	sdelay $0x1  }
0x1b7: {  	[tilespmem:s7+$0x1E2A0] =	vst v16  }
0x1b8: {  	v0 =	vld.idx.msk [tilespmem:v0+s2+$0x0], $0xffff;
	[tilespmem:s8+$0x1E2A0] =	vst v1  }
0x1b9: {  	v1 =	vld.idx.msk [tilespmem:v2+s2+$0x0], $0xffff;
	[tilespmem:s9+$0x1E2B0] =	vst v5  }
0x1ba: {  	v4 =	vld.idx.msk [tilespmem:v6+s2+$0x0], $0xffff;
	[tilespmem:s9+$0x1E2A0] =	vst v3  }
0x1bb: {  	v2 =	vld.idx.msk [tilespmem:v14+s2+$0x0], $0xffff  }
0x1bc: {  	[tilespmem:s6+$0x1E6A0] =	vst v13  }
0x1bd: {  	[tilespmem:s7+$0x1E6A0] =	vst v0  }
0x1be: {  	[tilespmem:s8+$0x1E6A0] =	vst v1  }
0x1bf: {  	[tilespmem:s9+$0x1E6B0] =	vst v4  }
0x1c0: {  	[tilespmem:s9+$0x1E6A0] =	vst v2  }
0x1c1: {  	s6 =	rddreg [dreg:$0x5]  }
0x1c2: {  	[tilespmem:s1], [sflag:$0x3] =	stream.strided.gather [hbm4b:s6+s31], $0x1400, s0, s31, $0x38;
	[tilespmem:$0x1EAA0] =	vst v63  }
0x1c3: {  	_ =	swait.ge [sflag:s3], $0x1400  }
0x1c4: {  	[sflag:s3] =	ssyncset.done $0x0  }
0x1c5: {  	s6 =	simm.s32 $0x0;
	[sflag:s3] =	ssyncadd.s32 $0xFFFFEC00  }
0x1c6: {  	v0 =	vld [tilespmem:s6+$0x186B0]  }
0x1c7: {  	v1 =	vld [tilespmem:s6+$0x186A0]  }
0x1c8: {  	v2 =	vld [tilespmem:s6+$0x187B0]  }
0x1c9: {  	v3 =	vld [tilespmem:s6+$0x187A0]  }
0x1ca: {  	v4 =	vld [tilespmem:s6+$0x188A0]  }
0x1cb: {  	v5 =	vld [tilespmem:s6+$0x189A0]  }
0x1cc: {  	v6 =	vld [tilespmem:s6+$0x18AA0]  }
0x1cd: {  	v7 =	vld [tilespmem:s6+$0x18BA0]  }
0x1ce: {  	v8 =	vld [tilespmem:s6+$0x18DA0]  }
0x1cf: {  	v9 =	vld [tilespmem:s6+$0x18FA0]  }
0x1d0: {  	v10 =	vld [tilespmem:s6+$0x190A0]  }
0x1d1: {  	v0 =	vld.idx.msk [tilespmem:v0+s2+$0x0], $0xffff  }
0x1d2: {  	v1 =	vld.idx.msk [tilespmem:v1+s2+$0x0], $0xffff  }
0x1d3: {  	v11 =	vld [tilespmem:s6+$0x191A0]  }
0x1d4: {  	s7 =	simm.s32 $0x20;
	v12 =	vld [tilespmem:s6+$0x195A0]  }
0x1d5: {  	v13 =	vld [tilespmem:s7+$0x186A0]  }
0x1d6: {  	[tilespmem:s6+$0x19BB0] =	vst v0;
	v0 =	vld [tilespmem:s6+$0x188B0]  }
0x1d7: {  	[tilespmem:s6+$0x19BA0] =	vst v1;
	v2 =	vld.idx.msk [tilespmem:v2+s2+$0x0], $0xffff  }
0x1d8: {  	v1 =	vld.idx.msk [tilespmem:v3+s2+$0x0], $0xffff  }
0x1d9: {  	v14 =	vld [tilespmem:s7+$0x187A0]  }
0x1da: {  	v15 =	vld [tilespmem:s7+$0x188A0]  }
0x1db: {  	v16 =	vld [tilespmem:s7+$0x189A0]  }
0x1dc: {  	v17 =	vld [tilespmem:s7+$0x187B0];
	[tilespmem:s6+$0x19FB0] =	vst v2  }
0x1dd: {  	v2 =	vld [tilespmem:s6+$0x189B0];
	[tilespmem:s6+$0x19FA0] =	vst v1  }
0x1de: {  	v1 =	vld.idx.msk [tilespmem:v4+s2+$0x0], $0xffff  }
0x1df: {  	v0 =	vld.idx.msk [tilespmem:v0+s2+$0x0], $0xffff  }
0x1e0: {  	v18 =	vld [tilespmem:s7+$0x18AA0]  }
0x1e1: {  	v19 =	vld [tilespmem:s7+$0x18BA0]  }
0x1e2: {  	v20 =	vld [tilespmem:s7+$0x18DA0]  }
0x1e3: {  	v21 =	vld [tilespmem:s7+$0x18FA0];
	[tilespmem:s6+$0x1A3A0] =	vst v1  }
0x1e4: {  	[tilespmem:s6+$0x1A3B0] =	vst v0;
	v0 =	vld [tilespmem:s6+$0x18AB0]  }
0x1e5: {  	v1 =	vld.idx.msk [tilespmem:v5+s2+$0x0], $0xffff  }
0x1e6: {  	v22 =	vld [tilespmem:s7+$0x191A0]  }
0x1e7: {  	s8 =	simm.s32 $0x40;
	v2 =	vld.idx.msk [tilespmem:v2+s2+$0x0], $0xffff  }
0x1e8: {  	v43 =	vld [tilespmem:s8+$0x189A0]  }
0x1e9: {  	v23 =	vld [tilespmem:s8+$0x187B0]  }
0x1ea: {  	v24 =	vld [tilespmem:s8+$0x18AA0];
	[tilespmem:s6+$0x1A7A0] =	vst v1  }
0x1eb: {  	v1 =	vld.idx.msk [tilespmem:v6+s2+$0x0], $0xffff  }
0x1ec: {  	[tilespmem:s6+$0x1A7B0] =	vst v2;
	v2 =	vld [tilespmem:s6+$0x18BB0]  }
0x1ed: {  	v0 =	vld.idx.msk [tilespmem:v0+s2+$0x0], $0xffff  }
0x1ee: {  	v25 =	vld [tilespmem:s8+$0x18BA0]  }
0x1ef: {  	v3 =	vld [tilespmem:s6+$0x18CA0]  }
0x1f0: {  	v44 =	vld [tilespmem:s8+$0x18CA0];
	[tilespmem:s6+$0x1ABA0] =	vst v1  }
0x1f1: {  	v1 =	vld.idx.msk [tilespmem:v7+s2+$0x0], $0xffff  }
0x1f2: {  	[tilespmem:s6+$0x1ABB0] =	vst v0;
	v0 =	vld [tilespmem:s6+$0x18CB0]  }
0x1f3: {  	v26 =	vld [tilespmem:s8+$0x18DA0]  }
0x1f4: {  	v2 =	vld.idx.msk [tilespmem:v2+s2+$0x0], $0xffff  }
0x1f5: {  	v27 =	vld [tilespmem:s8+$0x18FA0]  }
0x1f6: {  	v45 =	vld [tilespmem:s8+$0x190A0];
	[tilespmem:s6+$0x1AFA0] =	vst v1  }
0x1f7: {  	v1 =	vld.idx.msk [tilespmem:v3+s2+$0x0], $0xffff  }
0x1f8: {  	v28 =	vld [tilespmem:s8+$0x191A0]  }
0x1f9: {  	[tilespmem:s6+$0x1AFB0] =	vst v2;
	v2 =	vld [tilespmem:s6+$0x18DB0]  }
0x1fa: {  	v0 =	vld.idx.msk [tilespmem:v0+s2+$0x0], $0xffff  }
0x1fb: {  	v4 =	vld [tilespmem:s6+$0x18EA0]  }
0x1fc: {  	v46 =	vld [tilespmem:s8+$0x192A0];
	[tilespmem:s6+$0x1B3A0] =	vst v1  }
0x1fd: {  	v1 =	vld.idx.msk [tilespmem:v8+s2+$0x0], $0xffff  }
0x1fe: {  	v47 =	vld [tilespmem:s8+$0x195A0]  }
0x1ff: {  	s9 =	simm.s32 $0x60;
	[tilespmem:s6+$0x1B3B0] =	vst v0;
	v0 =	vld [tilespmem:s6+$0x18EB0]  }
0x200: {  	v50 =	vld [tilespmem:s9+$0x18AA0]  }
0x201: {  	v2 =	vld.idx.msk [tilespmem:v2+s2+$0x0], $0xffff  }
0x202: {  	v51 =	vld [tilespmem:s9+$0x18BA0];
	[tilespmem:s6+$0x1B7A0] =	vst v1  }
0x203: {  	v4 =	vld.idx.msk [tilespmem:v4+s2+$0x0], $0xffff  }
0x204: {  	v52 =	vld [tilespmem:s9+$0x18DA0]  }
0x205: {  	v8 =	vld [tilespmem:s6+$0x18FB0]  }
0x206: {  	v29 =	vld [tilespmem:s9+$0x18FA0];
	[tilespmem:s6+$0x1B7B0] =	vst v2  }
0x207: {  	v0 =	vld.idx.msk [tilespmem:v0+s2+$0x0], $0xffff  }
0x208: {  	v13 =	vld.idx.msk [tilespmem:v13+s2+$0x0], $0xffff;
	[tilespmem:s6+$0x1BBA0] =	vst v4  }
0x209: {  	v9 =	vld.idx.msk [tilespmem:v9+s2+$0x0], $0xffff  }
0x20a: {  	v53 =	vld [tilespmem:s8+$0x197B0]  }
0x20b: {  	v55 =	vld [tilespmem:s8+$0x198B0]  }
0x20c: {  	[tilespmem:s6+$0x1BBB0] =	vst v0;
	v0 =	vld [tilespmem:s6+$0x190B0]  }
0x20d: {  	[tilespmem:s7+$0x19BA0] =	vst v13;
	v8 =	vld.idx.msk [tilespmem:v8+s2+$0x0], $0xffff  }
0x20e: {  	v14 =	vld.idx.msk [tilespmem:v14+s2+$0x0], $0xffff;
	[tilespmem:s6+$0x1BFA0] =	vst v9  }
0x20f: {  	v9 =	vld.idx.msk [tilespmem:v10+s2+$0x0], $0xffff  }
0x210: {  	v10 =	vld [tilespmem:s7+$0x186B0]  }
0x211: {  	v56 =	vld [tilespmem:s9+$0x18DB0]  }
0x212: {  	[tilespmem:s6+$0x1BFB0] =	vst v8;
	v8 =	vld [tilespmem:s6+$0x191B0]  }
0x213: {  	v57 =	vld [tilespmem:s9+$0x18EB0]  }
0x214: {  	v0 =	vld.idx.msk [tilespmem:v0+s2+$0x0], $0xffff  }
0x215: {  	v61 =	vld [tilespmem:s9+$0x190B0];
	[tilespmem:s7+$0x19FA0] =	vst v14  }
0x216: {  	v14 =	vld.idx.msk [tilespmem:v15+s2+$0x0], $0xffff  }
0x217: {  	v15 =	vld [tilespmem:s7+$0x18EA0]  }
0x218: {  	v10 =	vld.idx.msk [tilespmem:v10+s2+$0x0], $0xffff  }
0x219: {  	[tilespmem:s6+$0x1C3B0] =	vst v0;
	v0 =	vld [tilespmem:s6+$0x192B0]  }
0x21a: {  	v8 =	vld.idx.msk [tilespmem:v8+s2+$0x0], $0xffff  }
0x21b: {  	[tilespmem:s7+$0x1A3A0] =	vst v14;
	v5 =	vld [tilespmem:s6+$0x198A0]  }
0x21c: {  	v14 =	vld.idx.msk [tilespmem:v16+s2+$0x0], $0xffff  }
0x21d: {  	[tilespmem:s7+$0x19BB0] =	vst v10;
	v10 =	vld [tilespmem:s7+$0x188B0]  }
0x21e: {  	v13 =	vld.idx.msk [tilespmem:v17+s2+$0x0], $0xffff  }
0x21f: {  	[tilespmem:s6+$0x1C7B0] =	vst v8;
	v8 =	vld [tilespmem:s6+$0x193B0]  }
0x220: {  	v16 =	vld [tilespmem:s7+$0x190A0]  }
0x221: {  	v0 =	vld.idx.msk [tilespmem:v0+s2+$0x0], $0xffff  }
0x222: {  	[tilespmem:s7+$0x1A7A0] =	vst v14;
	v14 =	vld [tilespmem:s7+$0x18FB0]  }
0x223: {  	[tilespmem:s7+$0x19FB0] =	vst v13;
	v13 =	vld [tilespmem:s7+$0x189B0]  }
0x224: {  	v6 =	vld [tilespmem:s6+$0x192A0]  }
0x225: {  	v10 =	vld.idx.msk [tilespmem:v10+s2+$0x0], $0xffff  }
0x226: {  	[tilespmem:s6+$0x1CBB0] =	vst v0;
	v0 =	vld [tilespmem:s6+$0x194B0]  }
0x227: {  	v8 =	vld.idx.msk [tilespmem:v8+s2+$0x0], $0xffff  }
0x228: {  	v7 =	vld [tilespmem:s6+$0x193A0]  }
0x229: {  	v3 =	vld [tilespmem:s6+$0x194A0]  }
0x22a: {  	[tilespmem:s7+$0x1A3B0] =	vst v10;
	v10 =	vld [tilespmem:s7+$0x18AB0]  }
0x22b: {  	v13 =	vld.idx.msk [tilespmem:v13+s2+$0x0], $0xffff  }
0x22c: {  	[tilespmem:s6+$0x1CFB0] =	vst v8;
	v8 =	vld [tilespmem:s6+$0x195B0]  }
0x22d: {  	v1 =	vld [tilespmem:s6+$0x197A0]  }
0x22e: {  	v0 =	vld.idx.msk [tilespmem:v0+s2+$0x0], $0xffff  }
0x22f: {  	v2 =	vld [tilespmem:s6+$0x196A0];
	[tilespmem:s6+$0x1C3A0] =	vst v9  }
0x230: {  	v11 =	vld.idx.msk [tilespmem:v11+s2+$0x0], $0xffff  }
0x231: {  	[tilespmem:s7+$0x1A7B0] =	vst v13;
	v13 =	vld [tilespmem:s7+$0x18BB0]  }
0x232: {  	v10 =	vld.idx.msk [tilespmem:v10+s2+$0x0], $0xffff  }
0x233: {  	[tilespmem:s6+$0x1D3B0] =	vst v0;
	v0 =	vld [tilespmem:s6+$0x196B0]  }
0x234: {  	v8 =	vld.idx.msk [tilespmem:v8+s2+$0x0], $0xffff  }
0x235: {  	v9 =	vld.idx.msk [tilespmem:v18+s2+$0x0], $0xffff;
	[tilespmem:s6+$0x1C7A0] =	vst v11  }
0x236: {  	v6 =	vld.idx.msk [tilespmem:v6+s2+$0x0], $0xffff  }
0x237: {  	v17 =	vld [tilespmem:s7+$0x18CA0]  }
0x238: {  	[tilespmem:s7+$0x1ABB0] =	vst v10;
	v10 =	vld [tilespmem:s7+$0x18CB0]  }
0x239: {  	[tilespmem:s6+$0x1D7B0] =	vst v8;
	v8 =	vld [tilespmem:s6+$0x197B0]  }
0x23a: {  	v13 =	vld.idx.msk [tilespmem:v13+s2+$0x0], $0xffff  }
0x23b: {  	v0 =	vld.idx.msk [tilespmem:v0+s2+$0x0], $0xffff  }
0x23c: {  	v4 =	vld [tilespmem:s6+$0x199A0];
	[tilespmem:s7+$0x1ABA0] =	vst v9  }
0x23d: {  	v9 =	vld.idx.msk [tilespmem:v19+s2+$0x0], $0xffff  }
0x23e: {  	v11 =	vld [tilespmem:s7+$0x18DB0];
	[tilespmem:s6+$0x1CBA0] =	vst v6  }
0x23f: {  	v6 =	vld.idx.msk [tilespmem:v7+s2+$0x0], $0xffff;
	[tilespmem:s7+$0x1AFB0] =	vst v13  }
0x240: {  	v10 =	vld.idx.msk [tilespmem:v10+s2+$0x0], $0xffff;
	[tilespmem:s6+$0x1DBB0] =	vst v0  }
0x241: {  	v8 =	vld.idx.msk [tilespmem:v8+s2+$0x0], $0xffff  }
0x242: {  	v18 =	vld [tilespmem:s7+$0x192A0];
	[tilespmem:s7+$0x1AFA0] =	vst v9  }
0x243: {  	v9 =	vld.idx.msk [tilespmem:v17+s2+$0x0], $0xffff  }
0x244: {  	v7 =	vld [tilespmem:s7+$0x18EB0];
	[tilespmem:s6+$0x1CFA0] =	vst v6  }
0x245: {  	v19 =	vld [tilespmem:s7+$0x193A0];
	[tilespmem:s7+$0x1B3B0] =	vst v10  }
0x246: {  	[tilespmem:s6+$0x1DFB0] =	vst v8;
	v8 =	vld.idx.msk [tilespmem:v11+s2+$0x0], $0xffff  }
0x247: {  	v3 =	vld.idx.msk [tilespmem:v3+s2+$0x0], $0xffff  }
0x248: {  	[tilespmem:s7+$0x1B3A0] =	vst v9;
	v0 =	vld [tilespmem:s6+$0x198B0]  }
0x249: {  	v9 =	vld.idx.msk [tilespmem:v20+s2+$0x0], $0xffff  }
0x24a: {  	v17 =	vld [tilespmem:s7+$0x195A0]  }
0x24b: {  	v6 =	vld [tilespmem:s7+$0x196A0];
	[tilespmem:s7+$0x1B7B0] =	vst v8  }
0x24c: {  	[tilespmem:s6+$0x1D3A0] =	vst v3;
	v7 =	vld.idx.msk [tilespmem:v7+s2+$0x0], $0xffff  }
0x24d: {  	v3 =	vld.idx.msk [tilespmem:v12+s2+$0x0], $0xffff  }
0x24e: {  	[tilespmem:s7+$0x1B7A0] =	vst v9;
	v10 =	vld [tilespmem:s6+$0x199B0]  }
0x24f: {  	v9 =	vld.idx.msk [tilespmem:v15+s2+$0x0], $0xffff  }
0x250: {  	v0 =	vld.idx.msk [tilespmem:v0+s2+$0x0], $0xffff  }
0x251: {  	[tilespmem:s7+$0x1BBB0] =	vst v7;
	v7 =	vld [tilespmem:s7+$0x190B0]  }
0x252: {  	v15 =	vld.idx.msk [tilespmem:v14+s2+$0x0], $0xffff  }
0x253: {  	v12 =	vld [tilespmem:s8+$0x186B0]  }
0x254: {  	v20 =	vld [tilespmem:s8+$0x188A0];
	[tilespmem:s7+$0x1BBA0] =	vst v9  }
0x255: {  	v9 =	vld.idx.msk [tilespmem:v21+s2+$0x0], $0xffff;
	[tilespmem:s6+$0x1E3B0] =	vst v0  }
0x256: {  	v14 =	vld.idx.msk [tilespmem:v10+s2+$0x0], $0xffff  }
0x257: {  	[tilespmem:s7+$0x1BFB0] =	vst v15;
	v15 =	vld [tilespmem:s8+$0x186A0]  }
0x258: {  	v10 =	vld [tilespmem:s7+$0x191B0]  }
0x259: {  	[tilespmem:s6+$0x1D7A0] =	vst v3;
	v7 =	vld.idx.msk [tilespmem:v7+s2+$0x0], $0xffff  }
0x25a: {  	v2 =	vld.idx.msk [tilespmem:v2+s2+$0x0], $0xffff  }
0x25b: {  	v12 =	vld.idx.msk [tilespmem:v12+s2+$0x0], $0xffff;
	[tilespmem:s7+$0x1BFA0] =	vst v9  }
0x25c: {  	v9 =	vld.idx.msk [tilespmem:v16+s2+$0x0], $0xffff  }
0x25d: {  	v16 =	vld [tilespmem:s8+$0x187A0]  }
0x25e: {  	[tilespmem:s7+$0x1C3B0] =	vst v7;
	v7 =	vld [tilespmem:s7+$0x192B0]  }
0x25f: {  	v15 =	vld.idx.msk [tilespmem:v15+s2+$0x0], $0xffff  }
0x260: {  	v10 =	vld.idx.msk [tilespmem:v10+s2+$0x0], $0xffff  }
0x261: {  	[tilespmem:s6+$0x1DBA0] =	vst v2;
	v2 =	vld [tilespmem:s8+$0x199A0]  }
0x262: {  	[tilespmem:s8+$0x19BB0] =	vst v12;
	v12 =	vld [tilespmem:s8+$0x188B0]  }
0x263: {  	v13 =	vld [tilespmem:s7+$0x198A0]  }
0x264: {  	[tilespmem:s8+$0x19BA0] =	vst v15;
	v15 =	vld.idx.msk [tilespmem:v23+s2+$0x0], $0xffff  }
0x265: {  	[tilespmem:s7+$0x1C7B0] =	vst v10;
	v10 =	vld [tilespmem:s7+$0x193B0]  }
0x266: {  	v16 =	vld.idx.msk [tilespmem:v16+s2+$0x0], $0xffff  }
0x267: {  	v11 =	vld [tilespmem:s7+$0x194A0]  }
0x268: {  	v7 =	vld.idx.msk [tilespmem:v7+s2+$0x0], $0xffff  }
0x269: {  	[tilespmem:s8+$0x19FB0] =	vst v15;
	v15 =	vld [tilespmem:s8+$0x189B0]  }
0x26a: {  	v8 =	vld [tilespmem:s7+$0x197A0]  }
0x26b: {  	[tilespmem:s8+$0x19FA0] =	vst v16;
	v12 =	vld.idx.msk [tilespmem:v12+s2+$0x0], $0xffff  }
0x26c: {  	v16 =	vld.idx.msk [tilespmem:v20+s2+$0x0], $0xffff  }
0x26d: {  	[tilespmem:s7+$0x1CBB0] =	vst v7;
	v7 =	vld [tilespmem:s7+$0x194B0]  }
0x26e: {  	v10 =	vld.idx.msk [tilespmem:v10+s2+$0x0], $0xffff  }
0x26f: {  	v0 =	vld [tilespmem:s7+$0x199A0]  }
0x270: {  	[tilespmem:s8+$0x1A3B0] =	vst v12;
	v12 =	vld [tilespmem:s8+$0x18AB0]  }
0x271: {  	[tilespmem:s8+$0x1A3A0] =	vst v16;
	v15 =	vld.idx.msk [tilespmem:v15+s2+$0x0], $0xffff  }
0x272: {  	v16 =	vld.idx.msk [tilespmem:v43+s2+$0x0], $0xffff  }
0x273: {  	[tilespmem:s7+$0x1CFB0] =	vst v10;
	v10 =	vld [tilespmem:s7+$0x195B0]  }
0x274: {  	[tilespmem:s6+$0x1E7B0] =	vst v14;
	v14 =	vld [tilespmem:s9+$0x199A0]  }
0x275: {  	[tilespmem:s7+$0x1C3A0] =	vst v9;
	v7 =	vld.idx.msk [tilespmem:v7+s2+$0x0], $0xffff  }
0x276: {  	[tilespmem:s8+$0x1A7B0] =	vst v15;
	v15 =	vld [tilespmem:s8+$0x18BB0]  }
0x277: {  	[tilespmem:s8+$0x1A7A0] =	vst v16;
	v16 =	vld.idx.msk [tilespmem:v22+s2+$0x0], $0xffff  }
0x278: {  	v12 =	vld.idx.msk [tilespmem:v12+s2+$0x0], $0xffff  }
0x279: {  	v9 =	vld.idx.msk [tilespmem:v24+s2+$0x0], $0xffff  }
0x27a: {  	[tilespmem:s7+$0x1D3B0] =	vst v7;
	v7 =	vld [tilespmem:s7+$0x196B0]  }
0x27b: {  	v10 =	vld.idx.msk [tilespmem:v10+s2+$0x0], $0xffff  }
0x27c: {  	v20 =	vld [tilespmem:s8+$0x18EA0];
	[tilespmem:s7+$0x1C7A0] =	vst v16  }
0x27d: {  	[tilespmem:s8+$0x1ABB0] =	vst v12;
	v12 =	vld [tilespmem:s8+$0x18CB0]  }
0x27e: {  	[tilespmem:s8+$0x1ABA0] =	vst v9;
	v9 =	vld.idx.msk [tilespmem:v15+s2+$0x0], $0xffff  }
0x27f: {  	v16 =	vld.idx.msk [tilespmem:v18+s2+$0x0], $0xffff  }
0x280: {  	[tilespmem:s7+$0x1D7B0] =	vst v10;
	v10 =	vld [tilespmem:s7+$0x197B0]  }
0x281: {  	v15 =	vld.idx.msk [tilespmem:v25+s2+$0x0], $0xffff  }
0x282: {  	v7 =	vld.idx.msk [tilespmem:v7+s2+$0x0], $0xffff  }
0x283: {  	[tilespmem:s8+$0x1AFB0] =	vst v9;
	v9 =	vld [tilespmem:s8+$0x18DB0]  }
0x284: {  	v18 =	vld [tilespmem:s8+$0x193A0]  }
0x285: {  	[tilespmem:s7+$0x1CBA0] =	vst v16;
	v3 =	vld.idx.msk [tilespmem:v12+s2+$0x0], $0xffff  }
0x286: {  	[tilespmem:s8+$0x1AFA0] =	vst v15;
	v15 =	vld.idx.msk [tilespmem:v19+s2+$0x0], $0xffff  }
0x287: {  	v12 =	vld.idx.msk [tilespmem:v44+s2+$0x0], $0xffff  }
0x288: {  	[tilespmem:s7+$0x1DBB0] =	vst v7;
	v7 =	vld [tilespmem:s7+$0x198B0]  }
0x289: {  	v10 =	vld.idx.msk [tilespmem:v10+s2+$0x0], $0xffff  }
0x28a: {  	[tilespmem:s8+$0x1B3B0] =	vst v3;
	v3 =	vld [tilespmem:s8+$0x18EB0]  }
0x28b: {  	v9 =	vld.idx.msk [tilespmem:v9+s2+$0x0], $0xffff  }
0x28c: {  	v16 =	vld [tilespmem:s8+$0x196A0];
	[tilespmem:s8+$0x1B3A0] =	vst v12  }
0x28d: {  	[tilespmem:s7+$0x1CFA0] =	vst v15;
	v12 =	vld.idx.msk [tilespmem:v26+s2+$0x0], $0xffff  }
0x28e: {  	v11 =	vld.idx.msk [tilespmem:v11+s2+$0x0], $0xffff  }
0x28f: {  	[tilespmem:s7+$0x1DFB0] =	vst v10;
	v10 =	vld [tilespmem:s7+$0x199B0]  }
0x290: {  	[tilespmem:s8+$0x1B7B0] =	vst v9;
	v9 =	vld [tilespmem:s8+$0x18FB0]  }
0x291: {  	v7 =	vld.idx.msk [tilespmem:v7+s2+$0x0], $0xffff  }
0x292: {  	[tilespmem:s8+$0x1B7A0] =	vst v12;
	v12 =	vld.idx.msk [tilespmem:v3+s2+$0x0], $0xffff  }
0x293: {  	v15 =	vld.idx.msk [tilespmem:v20+s2+$0x0], $0xffff  }
0x294: {  	v19 =	vld [tilespmem:s8+$0x194A0];
	[tilespmem:s7+$0x1D3A0] =	vst v11  }
0x295: {  	v11 =	vld.idx.msk [tilespmem:v17+s2+$0x0], $0xffff  }
0x296: {  	v17 =	vld.idx.msk [tilespmem:v1+s2+$0x0], $0xffff;
	[tilespmem:s7+$0x1E3B0] =	vst v7  }
0x297: {  	v20 =	vld.idx.msk [tilespmem:v10+s2+$0x0], $0xffff;
	[tilespmem:s8+$0x1BBB0] =	vst v12  }
0x298: {  	[tilespmem:s8+$0x1BBA0] =	vst v15;
	v7 =	vld.idx.msk [tilespmem:v9+s2+$0x0], $0xffff  }
0x299: {  	v9 =	vld.idx.msk [tilespmem:v27+s2+$0x0], $0xffff  }
0x29a: {  	v10 =	vld [tilespmem:s9+$0x186A0]  }
0x29b: {  	v1 =	vld [tilespmem:s8+$0x198A0]  }
0x29c: {  	v12 =	vld [tilespmem:s8+$0x190B0]  }
0x29d: {  	[tilespmem:s7+$0x1D7A0] =	vst v11;
	v11 =	vld [tilespmem:s9+$0x187A0]  }
0x29e: {  	[tilespmem:s8+$0x1BFA0] =	vst v9;
	v9 =	vld [tilespmem:s9+$0x186B0]  }
0x29f: {  	[tilespmem:s6+$0x1DFA0] =	vst v17;
	v17 =	vld [tilespmem:s9+$0x187B0]  }
0x2a0: {  	v49 =	vld.idx.msk [tilespmem:v5+s2+$0x0], $0xffff  }
0x2a1: {  	v5 =	vld [tilespmem:s8+$0x191B0]  }
0x2a2: {  	v10 =	vld.idx.msk [tilespmem:v10+s2+$0x0], $0xffff  }
0x2a3: {  	v48 =	vld.idx.msk [tilespmem:v6+s2+$0x0], $0xffff;
	[tilespmem:s8+$0x1BFB0] =	vst v7  }
0x2a4: {  	v6 =	vld.idx.msk [tilespmem:v12+s2+$0x0], $0xffff  }
0x2a5: {  	v12 =	vld [tilespmem:s9+$0x188A0]  }
0x2a6: {  	v9 =	vld.idx.msk [tilespmem:v9+s2+$0x0], $0xffff  }
0x2a7: {  	v3 =	vld [tilespmem:s8+$0x197A0];
	[tilespmem:s9+$0x19BA0] =	vst v10  }
0x2a8: {  	v11 =	vld.idx.msk [tilespmem:v11+s2+$0x0], $0xffff  }
0x2a9: {  	[tilespmem:s8+$0x1C3B0] =	vst v6;
	v6 =	vld [tilespmem:s8+$0x192B0]  }
0x2aa: {  	v5 =	vld.idx.msk [tilespmem:v5+s2+$0x0], $0xffff  }
0x2ab: {  	[tilespmem:s9+$0x19BB0] =	vst v9;
	v9 =	vld [tilespmem:s9+$0x188B0]  }
0x2ac: {  	v15 =	vld [tilespmem:s9+$0x189A0]  }
0x2ad: {  	[tilespmem:s9+$0x19FA0] =	vst v11;
	v10 =	vld.idx.msk [tilespmem:v17+s2+$0x0], $0xffff  }
0x2ae: {  	[tilespmem:s7+$0x1DBA0] =	vst v48;
	v11 =	vld.idx.msk [tilespmem:v12+s2+$0x0], $0xffff  }
0x2af: {  	[tilespmem:s8+$0x1C7B0] =	vst v5;
	v5 =	vld [tilespmem:s8+$0x193B0]  }
0x2b0: {  	v60 =	vld.idx.msk [tilespmem:v8+s2+$0x0], $0xffff  }
0x2b1: {  	v6 =	vld.idx.msk [tilespmem:v6+s2+$0x0], $0xffff  }
0x2b2: {  	[tilespmem:s9+$0x19FB0] =	vst v10;
	v10 =	vld [tilespmem:s9+$0x189B0]  }
0x2b3: {  	v9 =	vld.idx.msk [tilespmem:v9+s2+$0x0], $0xffff  }
0x2b4: {  	v7 =	vld.idx.msk [tilespmem:v45+s2+$0x0], $0xffff;
	[tilespmem:s9+$0x1A3A0] =	vst v11  }
0x2b5: {  	v11 =	vld.idx.msk [tilespmem:v15+s2+$0x0], $0xffff  }
0x2b6: {  	[tilespmem:s8+$0x1CBB0] =	vst v6;
	v6 =	vld [tilespmem:s8+$0x194B0]  }
0x2b7: {  	v5 =	vld.idx.msk [tilespmem:v5+s2+$0x0], $0xffff  }
0x2b8: {  	[tilespmem:s9+$0x1A3B0] =	vst v9;
	v9 =	vld [tilespmem:s9+$0x18AB0]  }
0x2b9: {  	v8 =	vld [tilespmem:s9+$0x198A0]  }
0x2ba: {  	v10 =	vld.idx.msk [tilespmem:v10+s2+$0x0], $0xffff  }
0x2bb: {  	[tilespmem:s8+$0x1C3A0] =	vst v7;
	v12 =	vld [tilespmem:s9+$0x18EA0]  }
0x2bc: {  	[tilespmem:s8+$0x1CFB0] =	vst v5;
	v5 =	vld [tilespmem:s8+$0x195B0]  }
0x2bd: {  	[tilespmem:s9+$0x1A7A0] =	vst v11;
	v11 =	vld.idx.msk [tilespmem:v28+s2+$0x0], $0xffff  }
0x2be: {  	v6 =	vld.idx.msk [tilespmem:v6+s2+$0x0], $0xffff  }
0x2bf: {  	[tilespmem:s9+$0x1A7B0] =	vst v10;
	v10 =	vld [tilespmem:s9+$0x18BB0]  }
0x2c0: {  	v9 =	vld.idx.msk [tilespmem:v9+s2+$0x0], $0xffff  }
0x2c1: {  	v17 =	vld [tilespmem:s9+$0x18CA0]  }
0x2c2: {  	v7 =	vld.idx.msk [tilespmem:v50+s2+$0x0], $0xffff  }
0x2c3: {  	[tilespmem:s8+$0x1D3B0] =	vst v6;
	v6 =	vld [tilespmem:s8+$0x196B0]  }
0x2c4: {  	[tilespmem:s8+$0x1C7A0] =	vst v11;
	v30 =	vld.idx.msk [tilespmem:v5+s2+$0x0], $0xffff  }
0x2c5: {  	[tilespmem:s9+$0x1ABB0] =	vst v9;
	v9 =	vld [tilespmem:s9+$0x18CB0]  }
0x2c6: {  	v11 =	vld.idx.msk [tilespmem:v46+s2+$0x0], $0xffff  }
0x2c7: {  	[tilespmem:s9+$0x1ABA0] =	vst v7;
	v10 =	vld.idx.msk [tilespmem:v10+s2+$0x0], $0xffff  }
0x2c8: {  	v26 =	vld.idx.msk [tilespmem:v51+s2+$0x0], $0xffff  }
0x2c9: {  	v15 =	vld [tilespmem:s9+$0x190A0]  }
0x2ca: {  	v7 =	vld [tilespmem:s9+$0x193A0];
	[tilespmem:s8+$0x1D7B0] =	vst v30  }
0x2cb: {  	[tilespmem:s8+$0x1CBA0] =	vst v11;
	v54 =	vld.idx.msk [tilespmem:v6+s2+$0x0], $0xffff  }
0x2cc: {  	v11 =	vld.idx.msk [tilespmem:v18+s2+$0x0], $0xffff;
	[tilespmem:s9+$0x1AFB0] =	vst v10  }
0x2cd: {  	[tilespmem:s9+$0x1AFA0] =	vst v26;
	v9 =	vld.idx.msk [tilespmem:v9+s2+$0x0], $0xffff  }
0x2ce: {  	v17 =	vld.idx.msk [tilespmem:v17+s2+$0x0], $0xffff  }
0x2cf: {  	v5 =	vld [tilespmem:s9+$0x191A0]  }
0x2d0: {  	v18 =	vld [tilespmem:s8+$0x199B0];
	[tilespmem:s8+$0x1DBB0] =	vst v54  }
0x2d1: {  	[tilespmem:s8+$0x1CFA0] =	vst v11;
	v21 =	vld.idx.msk [tilespmem:v53+s2+$0x0], $0xffff  }
0x2d2: {  	v11 =	vld [tilespmem:s9+$0x195A0];
	[tilespmem:s9+$0x1B3B0] =	vst v9  }
0x2d3: {  	[tilespmem:s9+$0x1B3A0] =	vst v17;
	v17 =	vld.idx.msk [tilespmem:v56+s2+$0x0], $0xffff  }
0x2d4: {  	v19 =	vld.idx.msk [tilespmem:v19+s2+$0x0], $0xffff  }
0x2d5: {  	v26 =	vld.idx.msk [tilespmem:v52+s2+$0x0], $0xffff  }
0x2d6: {  	v6 =	vld [tilespmem:s9+$0x192A0];
	[tilespmem:s8+$0x1DFB0] =	vst v21  }
0x2d7: {  	v21 =	vld.idx.msk [tilespmem:v55+s2+$0x0], $0xffff  }
0x2d8: {  	[tilespmem:s9+$0x1B7B0] =	vst v17;
	v17 =	vld [tilespmem:s9+$0x18FB0]  }
0x2d9: {  	v10 =	vld [tilespmem:s9+$0x194A0]  }
0x2da: {  	[tilespmem:s9+$0x1B7A0] =	vst v26;
	v58 =	vld.idx.msk [tilespmem:v57+s2+$0x0], $0xffff  }
0x2db: {  	[tilespmem:s8+$0x1D3A0] =	vst v19;
	v59 =	vld.idx.msk [tilespmem:v12+s2+$0x0], $0xffff  }
0x2dc: {  	v19 =	vld.idx.msk [tilespmem:v47+s2+$0x0], $0xffff  }
0x2dd: {  	v12 =	vld [tilespmem:s9+$0x197A0];
	[tilespmem:s8+$0x1E3B0] =	vst v21  }
0x2de: {  	[tilespmem:s7+$0x1E7B0] =	vst v20;
	v18 =	vld.idx.msk [tilespmem:v18+s2+$0x0], $0xffff  }
0x2df: {  	v9 =	vld [tilespmem:s9+$0x196A0];
	[tilespmem:s9+$0x1BBB0] =	vst v58  }
0x2e0: {  	[tilespmem:s9+$0x1BBA0] =	vst v59;
	v62 =	vld.idx.msk [tilespmem:v17+s2+$0x0], $0xffff  }
0x2e1: {  	[tilespmem:s8+$0x1D7A0] =	vst v19;
	v63 =	vld.idx.msk [tilespmem:v29+s2+$0x0], $0xffff  }
0x2e2: {  	[tilespmem:s7+$0x1DFA0] =	vst v60;
	v17 =	vld.idx.msk [tilespmem:v16+s2+$0x0], $0xffff  }
0x2e3: {  	[tilespmem:s8+$0x1E7B0] =	vst v18;
	v18 =	vld [tilespmem:s9+$0x191B0]  }
0x2e4: {  	[tilespmem:s6+$0x1E3A0] =	vst v49;
	v16 =	vld.idx.msk [tilespmem:v13+s2+$0x0], $0xffff  }
0x2e5: {  	v13 =	vld.idx.msk [tilespmem:v4+s2+$0x0], $0xffff;
	[tilespmem:s9+$0x1BFB0] =	vst v62  }
0x2e6: {  	s10 =	simm.s32 $0x6;
	s11 =	simm.s32 $0x200;
	[tilespmem:s9+$0x1BFA0] =	vst v63;
	v19 =	vld.idx.msk [tilespmem:v61+s2+$0x0], $0xffff  }
.LBB2_4:
0x2e7: {  	s12 =	sshra.s32 s11, $0x2;
	s10 =	sadd.s32 $0x2, s10;
	v15 =	vld.idx.msk [tilespmem:v15+s2+$0x0], $0xffff;
	[tilespmem:s8+$0x1DBA0] =	vst v17;
	v4 =	vmov v14  }
0x2e8: {  	v14 =	vld [tilespmem:s12+$0x186B0];
	p0 =	slt.u32 s10, $0xE  }
0x2e9: {  	v17 =	vld [tilespmem:s12+$0x186A0];
	[tilespmem:s7+$0x1E3A0] =	vst v16  }
0x2ea: {  	v16 =	vld [tilespmem:s12+$0x187A0];
	[tilespmem:s6+$0x1E7A0] =	vst v13;
	s6 =	smov.u32 s7;
	s7 =	smov.u32 s8;
	s8 =	smov.u32 s9  }
0x2eb: {  	s9 =	smov.u32 s12;
	v13 =	vld [tilespmem:s12+$0x188A0]  }
0x2ec: {  	[tilespmem:s8+$0x1C3B0] =	vst v19;
	v19 =	vld [tilespmem:s8+$0x192B0]  }
0x2ed: {  	[tilespmem:s8+$0x1C3A0] =	vst v15;
	v15 =	vld.idx.msk [tilespmem:v18+s2+$0x0], $0xffff  }
0x2ee: {  	v18 =	vld [tilespmem:s9+$0x189A0]  }
0x2ef: {  	v20 =	vld [tilespmem:s9+$0x187B0]  }
0x2f0: {  	v14 =	vld.idx.msk [tilespmem:v14+s2+$0x0], $0xffff  }
0x2f1: {  	v17 =	vld.idx.msk [tilespmem:v17+s2+$0x0], $0xffff  }
0x2f2: {  	v21 =	vld [tilespmem:s9+$0x18AA0]  }
0x2f3: {  	[tilespmem:s8+$0x1C7B0] =	vst v15;
	v15 =	vld [tilespmem:s8+$0x193B0]  }
0x2f4: {  	v19 =	vld.idx.msk [tilespmem:v19+s2+$0x0], $0xffff  }
0x2f5: {  	v22 =	vld [tilespmem:s9+$0x18BA0]  }
0x2f6: {  	[tilespmem:s9+$0x19BB0] =	vst v14;
	v14 =	vld [tilespmem:s9+$0x188B0]  }
0x2f7: {  	[tilespmem:s9+$0x19BA0] =	vst v17;
	v17 =	vld.idx.msk [tilespmem:v20+s2+$0x0], $0xffff  }
0x2f8: {  	v16 =	vld.idx.msk [tilespmem:v16+s2+$0x0], $0xffff  }
0x2f9: {  	v20 =	vld [tilespmem:s9+$0x18CA0]  }
0x2fa: {  	[tilespmem:s8+$0x1CBB0] =	vst v19;
	v19 =	vld [tilespmem:s8+$0x194B0]  }
0x2fb: {  	v15 =	vld.idx.msk [tilespmem:v15+s2+$0x0], $0xffff  }
0x2fc: {  	v23 =	vld [tilespmem:s9+$0x18DA0]  }
0x2fd: {  	[tilespmem:s9+$0x19FB0] =	vst v17;
	v17 =	vld [tilespmem:s9+$0x189B0]  }
0x2fe: {  	[tilespmem:s9+$0x19FA0] =	vst v16;
	v14 =	vld.idx.msk [tilespmem:v14+s2+$0x0], $0xffff  }
0x2ff: {  	v13 =	vld.idx.msk [tilespmem:v13+s2+$0x0], $0xffff  }
0x300: {  	v16 =	vld [tilespmem:s9+$0x18EA0]  }
0x301: {  	[tilespmem:s8+$0x1CFB0] =	vst v15;
	v24 =	vld [tilespmem:s8+$0x195B0]  }
0x302: {  	v19 =	vld.idx.msk [tilespmem:v19+s2+$0x0], $0xffff  }
0x303: {  	v25 =	vld [tilespmem:s9+$0x18FA0]  }
0x304: {  	[tilespmem:s9+$0x1A3B0] =	vst v14;
	v14 =	vld [tilespmem:s9+$0x18AB0]  }
0x305: {  	[tilespmem:s9+$0x1A3A0] =	vst v13;
	v13 =	vld.idx.msk [tilespmem:v17+s2+$0x0], $0xffff  }
0x306: {  	v17 =	vld.idx.msk [tilespmem:v18+s2+$0x0], $0xffff  }
0x307: {  	v15 =	vld [tilespmem:s9+$0x190A0]  }
0x308: {  	[tilespmem:s8+$0x1D3B0] =	vst v19;
	v18 =	vld [tilespmem:s8+$0x196B0]  }
0x309: {  	v19 =	vld.idx.msk [tilespmem:v24+s2+$0x0], $0xffff  }
0x30a: {  	v24 =	vld [tilespmem:s9+$0x191A0]  }
0x30b: {  	[tilespmem:s9+$0x1A7B0] =	vst v13;
	v13 =	vld [tilespmem:s9+$0x18BB0]  }
0x30c: {  	[tilespmem:s9+$0x1A7A0] =	vst v17;
	v14 =	vld.idx.msk [tilespmem:v14+s2+$0x0], $0xffff  }
0x30d: {  	v17 =	vld.idx.msk [tilespmem:v21+s2+$0x0], $0xffff  }
0x30e: {  	v21 =	vld.idx.msk [tilespmem:v5+s2+$0x0], $0xffff  }
0x30f: {  	[tilespmem:s8+$0x1D7B0] =	vst v19;
	v19 =	vld [tilespmem:s8+$0x197B0];
	v5 =	vmov v24  }
0x310: {  	v18 =	vld.idx.msk [tilespmem:v18+s2+$0x0], $0xffff  }
0x311: {  	v24 =	vld [tilespmem:s9+$0x192A0]  }
0x312: {  	[tilespmem:s9+$0x1ABB0] =	vst v14;
	v14 =	vld [tilespmem:s9+$0x18CB0]  }
0x313: {  	[tilespmem:s9+$0x1ABA0] =	vst v17;
	v13 =	vld.idx.msk [tilespmem:v13+s2+$0x0], $0xffff  }
0x314: {  	v17 =	vld.idx.msk [tilespmem:v22+s2+$0x0], $0xffff;
	[tilespmem:s8+$0x1C7A0] =	vst v21  }
0x315: {  	v21 =	vld.idx.msk [tilespmem:v6+s2+$0x0], $0xffff  }
0x316: {  	[tilespmem:s8+$0x1DBB0] =	vst v18;
	v18 =	vld [tilespmem:s8+$0x198B0];
	v6 =	vmov v24  }
0x317: {  	v19 =	vld.idx.msk [tilespmem:v19+s2+$0x0], $0xffff  }
0x318: {  	v22 =	vld [tilespmem:s9+$0x193A0]  }
0x319: {  	[tilespmem:s9+$0x1AFB0] =	vst v13;
	v13 =	vld [tilespmem:s9+$0x18DB0]  }
0x31a: {  	[tilespmem:s9+$0x1AFA0] =	vst v17;
	v14 =	vld.idx.msk [tilespmem:v14+s2+$0x0], $0xffff  }
0x31b: {  	v17 =	vld.idx.msk [tilespmem:v20+s2+$0x0], $0xffff;
	[tilespmem:s8+$0x1CBA0] =	vst v21  }
0x31c: {  	v20 =	vld.idx.msk [tilespmem:v7+s2+$0x0], $0xffff  }
0x31d: {  	[tilespmem:s8+$0x1DFB0] =	vst v19;
	v19 =	vld [tilespmem:s8+$0x199B0];
	v7 =	vmov v22  }
0x31e: {  	v18 =	vld.idx.msk [tilespmem:v18+s2+$0x0], $0xffff  }
0x31f: {  	v21 =	vld [tilespmem:s9+$0x194A0]  }
0x320: {  	[tilespmem:s9+$0x1B3B0] =	vst v14;
	v14 =	vld [tilespmem:s9+$0x18EB0]  }
0x321: {  	[tilespmem:s9+$0x1B3A0] =	vst v17;
	v13 =	vld.idx.msk [tilespmem:v13+s2+$0x0], $0xffff  }
0x322: {  	v17 =	vld.idx.msk [tilespmem:v23+s2+$0x0], $0xffff;
	[tilespmem:s8+$0x1CFA0] =	vst v20  }
0x323: {  	v20 =	vld.idx.msk [tilespmem:v10+s2+$0x0], $0xffff  }
0x324: {  	v22 =	vld [tilespmem:s9+$0x195A0];
	[tilespmem:s8+$0x1E3B0] =	vst v18;
	v10 =	vmov v21  }
0x325: {  	v18 =	vld.idx.msk [tilespmem:v19+s2+$0x0], $0xffff  }
0x326: {  	v19 =	vld [tilespmem:s9+$0x196A0]  }
0x327: {  	[tilespmem:s9+$0x1B7B0] =	vst v13;
	v13 =	vld [tilespmem:s9+$0x18FB0]  }
0x328: {  	[tilespmem:s9+$0x1B7A0] =	vst v17;
	v14 =	vld.idx.msk [tilespmem:v14+s2+$0x0], $0xffff  }
0x329: {  	v16 =	vld.idx.msk [tilespmem:v16+s2+$0x0], $0xffff;
	[tilespmem:s8+$0x1D3A0] =	vst v20  }
0x32a: {  	v17 =	vld.idx.msk [tilespmem:v11+s2+$0x0], $0xffff;
	v11 =	vmov v22  }
0x32b: {  	v20 =	vld [tilespmem:s9+$0x197A0];
	[tilespmem:s8+$0x1E7B0] =	vst v18  }
0x32c: {  	v18 =	vld.idx.msk [tilespmem:v3+s2+$0x0], $0xffff;
	v3 =	vmov v12  }
0x32d: {  	v21 =	vld [tilespmem:s9+$0x198A0]  }
0x32e: {  	[tilespmem:s9+$0x1BBB0] =	vst v14;
	v22 =	vld [tilespmem:s9+$0x190B0]  }
0x32f: {  	[tilespmem:s9+$0x1BBA0] =	vst v16;
	v23 =	vld.idx.msk [tilespmem:v13+s2+$0x0], $0xffff  }
0x330: {  	v24 =	vld.idx.msk [tilespmem:v25+s2+$0x0], $0xffff;
	[tilespmem:s8+$0x1D7A0] =	vst v17;
	v12 =	vmov v20  }
0x331: {  	v17 =	vld.idx.msk [tilespmem:v9+s2+$0x0], $0xffff;
	v9 =	vmov v19  }
.Ltmp1:
0x332: {  	v14 =	vld [tilespmem:s9+$0x199A0];
	[tilespmem:s7+$0x1DFA0] =	vst v18;
	(pc) =	sbr.rel @p0 .LBB2_4-.Ltmp1, $4  }
0x333: {  	v16 =	vld.idx.msk [tilespmem:v1+s2+$0x0], $0xffff;
	v1 =	vmov v8;
	v8 =	vmov v21  }
0x334: {  	v13 =	vld.idx.msk [tilespmem:v0+s2+$0x0], $0xffff;
	v0 =	vmov v2;
	v2 =	vmov v4  }
0x335: {  	[tilespmem:s9+$0x1BFB0] =	vst v23;
	v18 =	vld [tilespmem:s9+$0x191B0]  }
0x336: {  	s11 =	sadd.s32 $0x80, s11;
	[tilespmem:s9+$0x1BFA0] =	vst v24;
	v19 =	vld.idx.msk [tilespmem:v22+s2+$0x0], $0xffff  }
0x337: {  	_ =	sdelay $0x4  }
0x338: {  	v4 =	vld [tilespmem:s9+$0x192B0]  }
0x339: {  	[tilespmem:s9+$0x1C3B0] =	vst v19  }
0x33a: {  	v18 =	vld.idx.msk [tilespmem:v18+s2+$0x0], $0xffff;
	_ =	sdelay $0x4  }
0x33b: {  	v15 =	vld.idx.msk [tilespmem:v15+s2+$0x0], $0xffff;
	[tilespmem:s9+$0x1C7B0] =	vst v18  }
0x33c: {  	v4 =	vld.idx.msk [tilespmem:v4+s2+$0x0], $0xffff;
	_ =	sdelay $0x3  }
0x33d: {  	[tilespmem:s9+$0x1C3A0] =	vst v15  }
0x33e: {  	[tilespmem:s9+$0x1CBB0] =	vst v4;
	v4 =	vld.idx.msk [tilespmem:v5+s2+$0x0], $0xffff  }
0x33f: {  	v18 =	vld [tilespmem:s9+$0x193B0];
	_ =	sdelay $0x3  }
0x340: {  	[tilespmem:s9+$0x1C7A0] =	vst v4  }
0x341: {  	v4 =	vld.idx.msk [tilespmem:v6+s2+$0x0], $0xffff  }
0x342: {  	v5 =	vld [tilespmem:s9+$0x194B0];
	_ =	sdelay $0x1  }
0x343: {  	v15 =	vld.idx.msk [tilespmem:v18+s2+$0x0], $0xffff;
	_ =	sdelay $0x1  }
0x344: {  	[tilespmem:s9+$0x1CBA0] =	vst v4  }
0x345: {  	v4 =	vld.idx.msk [tilespmem:v7+s2+$0x0], $0xffff  }
0x346: {  	v6 =	vld [tilespmem:s9+$0x195B0]  }
0x347: {  	[tilespmem:s9+$0x1CFB0] =	vst v15  }
0x348: {  	v5 =	vld.idx.msk [tilespmem:v5+s2+$0x0], $0xffff;
	_ =	sdelay $0x1  }
0x349: {  	[tilespmem:s9+$0x1CFA0] =	vst v4  }
0x34a: {  	v4 =	vld.idx.msk [tilespmem:v10+s2+$0x0], $0xffff;
	_ =	sdelay $0x1  }
0x34b: {  	[tilespmem:s9+$0x1D3B0] =	vst v5;
	v5 =	vld [tilespmem:s9+$0x196B0]  }
0x34c: {  	v6 =	vld.idx.msk [tilespmem:v6+s2+$0x0], $0xffff;
	_ =	sdelay $0x1  }
0x34d: {  	[tilespmem:s9+$0x1D3A0] =	vst v4  }
0x34e: {  	v4 =	vld.idx.msk [tilespmem:v11+s2+$0x0], $0xffff;
	_ =	sdelay $0x1  }
0x34f: {  	[tilespmem:s9+$0x1D7B0] =	vst v6;
	v6 =	vld [tilespmem:s9+$0x197B0];
	_ =	sdelay $0x1  }
0x350: {  	v5 =	vld.idx.msk [tilespmem:v5+s2+$0x0], $0xffff  }
0x351: {  	[tilespmem:s9+$0x1D7A0] =	vst v4  }
0x352: {  	v4 =	vld.idx.msk [tilespmem:v9+s2+$0x0], $0xffff  }
0x353: {  	[tilespmem:s8+$0x1DBA0] =	vst v17  }
0x354: {  	v3 =	vld.idx.msk [tilespmem:v3+s2+$0x0], $0xffff  }
0x355: {  	[tilespmem:s9+$0x1DBB0] =	vst v5;
	v5 =	vld [tilespmem:s9+$0x198B0]  }
0x356: {  	v6 =	vld.idx.msk [tilespmem:v6+s2+$0x0], $0xffff  }
0x357: {  	[tilespmem:s9+$0x1DBA0] =	vst v4  }
0x358: {  	v4 =	vld.idx.msk [tilespmem:v12+s2+$0x0], $0xffff;
	_ =	sdelay $0x1  }
0x359: {  	[tilespmem:s8+$0x1DFA0] =	vst v3  }
0x35a: {  	[tilespmem:s9+$0x1DFB0] =	vst v6;
	v6 =	vld [tilespmem:s9+$0x199B0]  }
0x35b: {  	v1 =	vld.idx.msk [tilespmem:v1+s2+$0x0], $0xffff  }
0x35c: {  	v5 =	vld.idx.msk [tilespmem:v5+s2+$0x0], $0xffff;
	[tilespmem:s9+$0x1DFA0] =	vst v4  }
0x35d: {  	v3 =	vld.idx.msk [tilespmem:v8+s2+$0x0], $0xffff;
	_ =	sdelay $0x1  }
0x35e: {  	[tilespmem:s7+$0x1E3A0] =	vst v16  }
0x35f: {  	v0 =	vld.idx.msk [tilespmem:v0+s2+$0x0], $0xffff;
	[tilespmem:s8+$0x1E3A0] =	vst v1  }
0x360: {  	v1 =	vld.idx.msk [tilespmem:v2+s2+$0x0], $0xffff;
	[tilespmem:s9+$0x1E3B0] =	vst v5  }
0x361: {  	v4 =	vld.idx.msk [tilespmem:v6+s2+$0x0], $0xffff;
	[tilespmem:s9+$0x1E3A0] =	vst v3  }
0x362: {  	v2 =	vld.idx.msk [tilespmem:v14+s2+$0x0], $0xffff  }
0x363: {  	[tilespmem:s6+$0x1E7A0] =	vst v13  }
0x364: {  	[tilespmem:s7+$0x1E7A0] =	vst v0  }
0x365: {  	[tilespmem:s8+$0x1E7A0] =	vst v1  }
0x366: {  	[tilespmem:s9+$0x1E7B0] =	vst v4  }
0x367: {  	[tilespmem:s9+$0x1E7A0] =	vst v2  }
0x368: {  	s6 =	rddreg [dreg:$0x6]  }
0x369: {  	[tilespmem:s1], [sflag:$0x3] =	stream.strided.gather [hbm4b:s6+s31], $0x1400, s0, s31, $0x38;
	[tilespmem:$0x1EAA0] =	vst v63  }
0x36a: {  	_ =	swait.ge [sflag:s3], $0x1400  }
0x36b: {  	[sflag:s3] =	ssyncset.done $0x0  }
0x36c: {  	s6 =	simm.s32 $0x0;
	[sflag:s3] =	ssyncadd.s32 $0xFFFFEC00  }
0x36d: {  	v0 =	vld [tilespmem:s6+$0x186B0]  }
0x36e: {  	v1 =	vld [tilespmem:s6+$0x186A0]  }
0x36f: {  	v2 =	vld [tilespmem:s6+$0x187B0]  }
0x370: {  	v3 =	vld [tilespmem:s6+$0x187A0]  }
0x371: {  	v4 =	vld [tilespmem:s6+$0x188A0]  }
0x372: {  	v5 =	vld [tilespmem:s6+$0x189A0]  }
0x373: {  	v6 =	vld [tilespmem:s6+$0x18AA0]  }
0x374: {  	v7 =	vld [tilespmem:s6+$0x18BA0]  }
0x375: {  	v8 =	vld [tilespmem:s6+$0x18DA0]  }
0x376: {  	v9 =	vld [tilespmem:s6+$0x18FA0]  }
0x377: {  	v10 =	vld [tilespmem:s6+$0x190A0]  }
0x378: {  	v0 =	vld.idx.msk [tilespmem:v0+s2+$0x0], $0xffff  }
0x379: {  	v1 =	vld.idx.msk [tilespmem:v1+s2+$0x0], $0xffff  }
0x37a: {  	v11 =	vld [tilespmem:s6+$0x191A0]  }
0x37b: {  	s7 =	simm.s32 $0x20;
	v12 =	vld [tilespmem:s6+$0x195A0]  }
0x37c: {  	v13 =	vld [tilespmem:s7+$0x186A0]  }
0x37d: {  	[tilespmem:s6+$0x19CB0] =	vst v0;
	v0 =	vld [tilespmem:s6+$0x188B0]  }
0x37e: {  	[tilespmem:s6+$0x19CA0] =	vst v1;
	v2 =	vld.idx.msk [tilespmem:v2+s2+$0x0], $0xffff  }
0x37f: {  	v1 =	vld.idx.msk [tilespmem:v3+s2+$0x0], $0xffff  }
0x380: {  	v14 =	vld [tilespmem:s7+$0x187A0]  }
0x381: {  	v15 =	vld [tilespmem:s7+$0x188A0]  }
0x382: {  	v16 =	vld [tilespmem:s7+$0x189A0]  }
0x383: {  	v17 =	vld [tilespmem:s7+$0x187B0];
	[tilespmem:s6+$0x1A0B0] =	vst v2  }
0x384: {  	v2 =	vld [tilespmem:s6+$0x189B0];
	[tilespmem:s6+$0x1A0A0] =	vst v1  }
0x385: {  	v1 =	vld.idx.msk [tilespmem:v4+s2+$0x0], $0xffff  }
0x386: {  	v0 =	vld.idx.msk [tilespmem:v0+s2+$0x0], $0xffff  }
0x387: {  	v18 =	vld [tilespmem:s7+$0x18AA0]  }
0x388: {  	v19 =	vld [tilespmem:s7+$0x18BA0]  }
0x389: {  	v20 =	vld [tilespmem:s7+$0x18DA0]  }
0x38a: {  	v21 =	vld [tilespmem:s7+$0x18FA0];
	[tilespmem:s6+$0x1A4A0] =	vst v1  }
0x38b: {  	[tilespmem:s6+$0x1A4B0] =	vst v0;
	v0 =	vld [tilespmem:s6+$0x18AB0]  }
0x38c: {  	v1 =	vld.idx.msk [tilespmem:v5+s2+$0x0], $0xffff  }
0x38d: {  	v22 =	vld [tilespmem:s7+$0x191A0]  }
0x38e: {  	s8 =	simm.s32 $0x40;
	v2 =	vld.idx.msk [tilespmem:v2+s2+$0x0], $0xffff  }
0x38f: {  	v43 =	vld [tilespmem:s8+$0x189A0]  }
0x390: {  	v23 =	vld [tilespmem:s8+$0x187B0]  }
0x391: {  	v24 =	vld [tilespmem:s8+$0x18AA0];
	[tilespmem:s6+$0x1A8A0] =	vst v1  }
0x392: {  	v1 =	vld.idx.msk [tilespmem:v6+s2+$0x0], $0xffff  }
0x393: {  	[tilespmem:s6+$0x1A8B0] =	vst v2;
	v2 =	vld [tilespmem:s6+$0x18BB0]  }
0x394: {  	v0 =	vld.idx.msk [tilespmem:v0+s2+$0x0], $0xffff  }
0x395: {  	v25 =	vld [tilespmem:s8+$0x18BA0]  }
0x396: {  	v3 =	vld [tilespmem:s6+$0x18CA0]  }
0x397: {  	v44 =	vld [tilespmem:s8+$0x18CA0];
	[tilespmem:s6+$0x1ACA0] =	vst v1  }
0x398: {  	v1 =	vld.idx.msk [tilespmem:v7+s2+$0x0], $0xffff  }
0x399: {  	[tilespmem:s6+$0x1ACB0] =	vst v0;
	v0 =	vld [tilespmem:s6+$0x18CB0]  }
0x39a: {  	v26 =	vld [tilespmem:s8+$0x18DA0]  }
0x39b: {  	v2 =	vld.idx.msk [tilespmem:v2+s2+$0x0], $0xffff  }
0x39c: {  	v27 =	vld [tilespmem:s8+$0x18FA0]  }
0x39d: {  	v45 =	vld [tilespmem:s8+$0x190A0];
	[tilespmem:s6+$0x1B0A0] =	vst v1  }
0x39e: {  	v1 =	vld.idx.msk [tilespmem:v3+s2+$0x0], $0xffff  }
0x39f: {  	v28 =	vld [tilespmem:s8+$0x191A0]  }
0x3a0: {  	[tilespmem:s6+$0x1B0B0] =	vst v2;
	v2 =	vld [tilespmem:s6+$0x18DB0]  }
0x3a1: {  	v0 =	vld.idx.msk [tilespmem:v0+s2+$0x0], $0xffff  }
0x3a2: {  	v4 =	vld [tilespmem:s6+$0x18EA0]  }
0x3a3: {  	v46 =	vld [tilespmem:s8+$0x192A0];
	[tilespmem:s6+$0x1B4A0] =	vst v1  }
0x3a4: {  	v1 =	vld.idx.msk [tilespmem:v8+s2+$0x0], $0xffff  }
0x3a5: {  	v47 =	vld [tilespmem:s8+$0x195A0]  }
0x3a6: {  	s9 =	simm.s32 $0x60;
	[tilespmem:s6+$0x1B4B0] =	vst v0;
	v0 =	vld [tilespmem:s6+$0x18EB0]  }
0x3a7: {  	v50 =	vld [tilespmem:s9+$0x18AA0]  }
0x3a8: {  	v2 =	vld.idx.msk [tilespmem:v2+s2+$0x0], $0xffff  }
0x3a9: {  	v51 =	vld [tilespmem:s9+$0x18BA0];
	[tilespmem:s6+$0x1B8A0] =	vst v1  }
0x3aa: {  	v4 =	vld.idx.msk [tilespmem:v4+s2+$0x0], $0xffff  }
0x3ab: {  	v52 =	vld [tilespmem:s9+$0x18DA0]  }
0x3ac: {  	v8 =	vld [tilespmem:s6+$0x18FB0]  }
0x3ad: {  	v29 =	vld [tilespmem:s9+$0x18FA0];
	[tilespmem:s6+$0x1B8B0] =	vst v2  }
0x3ae: {  	v0 =	vld.idx.msk [tilespmem:v0+s2+$0x0], $0xffff  }
0x3af: {  	v13 =	vld.idx.msk [tilespmem:v13+s2+$0x0], $0xffff;
	[tilespmem:s6+$0x1BCA0] =	vst v4  }
0x3b0: {  	v9 =	vld.idx.msk [tilespmem:v9+s2+$0x0], $0xffff  }
0x3b1: {  	v53 =	vld [tilespmem:s8+$0x197B0]  }
0x3b2: {  	v55 =	vld [tilespmem:s8+$0x198B0]  }
0x3b3: {  	[tilespmem:s6+$0x1BCB0] =	vst v0;
	v0 =	vld [tilespmem:s6+$0x190B0]  }
0x3b4: {  	[tilespmem:s7+$0x19CA0] =	vst v13;
	v8 =	vld.idx.msk [tilespmem:v8+s2+$0x0], $0xffff  }
0x3b5: {  	v14 =	vld.idx.msk [tilespmem:v14+s2+$0x0], $0xffff;
	[tilespmem:s6+$0x1C0A0] =	vst v9  }
0x3b6: {  	v9 =	vld.idx.msk [tilespmem:v10+s2+$0x0], $0xffff  }
0x3b7: {  	v10 =	vld [tilespmem:s7+$0x186B0]  }
0x3b8: {  	v56 =	vld [tilespmem:s9+$0x18DB0]  }
0x3b9: {  	[tilespmem:s6+$0x1C0B0] =	vst v8;
	v8 =	vld [tilespmem:s6+$0x191B0]  }
0x3ba: {  	v57 =	vld [tilespmem:s9+$0x18EB0]  }
0x3bb: {  	v0 =	vld.idx.msk [tilespmem:v0+s2+$0x0], $0xffff  }
0x3bc: {  	v61 =	vld [tilespmem:s9+$0x190B0];
	[tilespmem:s7+$0x1A0A0] =	vst v14  }
0x3bd: {  	v14 =	vld.idx.msk [tilespmem:v15+s2+$0x0], $0xffff  }
0x3be: {  	v15 =	vld [tilespmem:s7+$0x18EA0]  }
0x3bf: {  	v10 =	vld.idx.msk [tilespmem:v10+s2+$0x0], $0xffff  }
0x3c0: {  	[tilespmem:s6+$0x1C4B0] =	vst v0;
	v0 =	vld [tilespmem:s6+$0x192B0]  }
0x3c1: {  	v8 =	vld.idx.msk [tilespmem:v8+s2+$0x0], $0xffff  }
0x3c2: {  	[tilespmem:s7+$0x1A4A0] =	vst v14;
	v5 =	vld [tilespmem:s6+$0x198A0]  }
0x3c3: {  	v14 =	vld.idx.msk [tilespmem:v16+s2+$0x0], $0xffff  }
0x3c4: {  	[tilespmem:s7+$0x19CB0] =	vst v10;
	v10 =	vld [tilespmem:s7+$0x188B0]  }
0x3c5: {  	v13 =	vld.idx.msk [tilespmem:v17+s2+$0x0], $0xffff  }
0x3c6: {  	[tilespmem:s6+$0x1C8B0] =	vst v8;
	v8 =	vld [tilespmem:s6+$0x193B0]  }
0x3c7: {  	v16 =	vld [tilespmem:s7+$0x190A0]  }
0x3c8: {  	v0 =	vld.idx.msk [tilespmem:v0+s2+$0x0], $0xffff  }
0x3c9: {  	[tilespmem:s7+$0x1A8A0] =	vst v14;
	v14 =	vld [tilespmem:s7+$0x18FB0]  }
0x3ca: {  	[tilespmem:s7+$0x1A0B0] =	vst v13;
	v13 =	vld [tilespmem:s7+$0x189B0]  }
0x3cb: {  	v6 =	vld [tilespmem:s6+$0x192A0]  }
0x3cc: {  	v10 =	vld.idx.msk [tilespmem:v10+s2+$0x0], $0xffff  }
0x3cd: {  	[tilespmem:s6+$0x1CCB0] =	vst v0;
	v0 =	vld [tilespmem:s6+$0x194B0]  }
0x3ce: {  	v8 =	vld.idx.msk [tilespmem:v8+s2+$0x0], $0xffff  }
0x3cf: {  	v7 =	vld [tilespmem:s6+$0x193A0]  }
0x3d0: {  	v3 =	vld [tilespmem:s6+$0x194A0]  }
0x3d1: {  	[tilespmem:s7+$0x1A4B0] =	vst v10;
	v10 =	vld [tilespmem:s7+$0x18AB0]  }
0x3d2: {  	v13 =	vld.idx.msk [tilespmem:v13+s2+$0x0], $0xffff  }
0x3d3: {  	[tilespmem:s6+$0x1D0B0] =	vst v8;
	v8 =	vld [tilespmem:s6+$0x195B0]  }
0x3d4: {  	v1 =	vld [tilespmem:s6+$0x197A0]  }
0x3d5: {  	v0 =	vld.idx.msk [tilespmem:v0+s2+$0x0], $0xffff  }
0x3d6: {  	v2 =	vld [tilespmem:s6+$0x196A0];
	[tilespmem:s6+$0x1C4A0] =	vst v9  }
0x3d7: {  	v11 =	vld.idx.msk [tilespmem:v11+s2+$0x0], $0xffff  }
0x3d8: {  	[tilespmem:s7+$0x1A8B0] =	vst v13;
	v13 =	vld [tilespmem:s7+$0x18BB0]  }
0x3d9: {  	v10 =	vld.idx.msk [tilespmem:v10+s2+$0x0], $0xffff  }
0x3da: {  	[tilespmem:s6+$0x1D4B0] =	vst v0;
	v0 =	vld [tilespmem:s6+$0x196B0]  }
0x3db: {  	v8 =	vld.idx.msk [tilespmem:v8+s2+$0x0], $0xffff  }
0x3dc: {  	v9 =	vld.idx.msk [tilespmem:v18+s2+$0x0], $0xffff;
	[tilespmem:s6+$0x1C8A0] =	vst v11  }
0x3dd: {  	v6 =	vld.idx.msk [tilespmem:v6+s2+$0x0], $0xffff  }
0x3de: {  	v17 =	vld [tilespmem:s7+$0x18CA0]  }
0x3df: {  	[tilespmem:s7+$0x1ACB0] =	vst v10;
	v10 =	vld [tilespmem:s7+$0x18CB0]  }
0x3e0: {  	[tilespmem:s6+$0x1D8B0] =	vst v8;
	v8 =	vld [tilespmem:s6+$0x197B0]  }
0x3e1: {  	v13 =	vld.idx.msk [tilespmem:v13+s2+$0x0], $0xffff  }
0x3e2: {  	v0 =	vld.idx.msk [tilespmem:v0+s2+$0x0], $0xffff  }
0x3e3: {  	v4 =	vld [tilespmem:s6+$0x199A0];
	[tilespmem:s7+$0x1ACA0] =	vst v9  }
0x3e4: {  	v9 =	vld.idx.msk [tilespmem:v19+s2+$0x0], $0xffff  }
0x3e5: {  	v11 =	vld [tilespmem:s7+$0x18DB0];
	[tilespmem:s6+$0x1CCA0] =	vst v6  }
0x3e6: {  	v6 =	vld.idx.msk [tilespmem:v7+s2+$0x0], $0xffff;
	[tilespmem:s7+$0x1B0B0] =	vst v13  }
0x3e7: {  	v10 =	vld.idx.msk [tilespmem:v10+s2+$0x0], $0xffff;
	[tilespmem:s6+$0x1DCB0] =	vst v0  }
0x3e8: {  	v8 =	vld.idx.msk [tilespmem:v8+s2+$0x0], $0xffff  }
0x3e9: {  	v18 =	vld [tilespmem:s7+$0x192A0];
	[tilespmem:s7+$0x1B0A0] =	vst v9  }
0x3ea: {  	v9 =	vld.idx.msk [tilespmem:v17+s2+$0x0], $0xffff  }
0x3eb: {  	v7 =	vld [tilespmem:s7+$0x18EB0];
	[tilespmem:s6+$0x1D0A0] =	vst v6  }
0x3ec: {  	v19 =	vld [tilespmem:s7+$0x193A0];
	[tilespmem:s7+$0x1B4B0] =	vst v10  }
0x3ed: {  	[tilespmem:s6+$0x1E0B0] =	vst v8;
	v8 =	vld.idx.msk [tilespmem:v11+s2+$0x0], $0xffff  }
0x3ee: {  	v3 =	vld.idx.msk [tilespmem:v3+s2+$0x0], $0xffff  }
0x3ef: {  	[tilespmem:s7+$0x1B4A0] =	vst v9;
	v0 =	vld [tilespmem:s6+$0x198B0]  }
0x3f0: {  	v9 =	vld.idx.msk [tilespmem:v20+s2+$0x0], $0xffff  }
0x3f1: {  	v17 =	vld [tilespmem:s7+$0x195A0]  }
0x3f2: {  	v6 =	vld [tilespmem:s7+$0x196A0];
	[tilespmem:s7+$0x1B8B0] =	vst v8  }
0x3f3: {  	[tilespmem:s6+$0x1D4A0] =	vst v3;
	v7 =	vld.idx.msk [tilespmem:v7+s2+$0x0], $0xffff  }
0x3f4: {  	v3 =	vld.idx.msk [tilespmem:v12+s2+$0x0], $0xffff  }
0x3f5: {  	[tilespmem:s7+$0x1B8A0] =	vst v9;
	v10 =	vld [tilespmem:s6+$0x199B0]  }
0x3f6: {  	v9 =	vld.idx.msk [tilespmem:v15+s2+$0x0], $0xffff  }
0x3f7: {  	v0 =	vld.idx.msk [tilespmem:v0+s2+$0x0], $0xffff  }
0x3f8: {  	[tilespmem:s7+$0x1BCB0] =	vst v7;
	v7 =	vld [tilespmem:s7+$0x190B0]  }
0x3f9: {  	v15 =	vld.idx.msk [tilespmem:v14+s2+$0x0], $0xffff  }
0x3fa: {  	v12 =	vld [tilespmem:s8+$0x186B0]  }
0x3fb: {  	v20 =	vld [tilespmem:s8+$0x188A0];
	[tilespmem:s7+$0x1BCA0] =	vst v9  }
0x3fc: {  	v9 =	vld.idx.msk [tilespmem:v21+s2+$0x0], $0xffff;
	[tilespmem:s6+$0x1E4B0] =	vst v0  }
0x3fd: {  	v14 =	vld.idx.msk [tilespmem:v10+s2+$0x0], $0xffff  }
0x3fe: {  	[tilespmem:s7+$0x1C0B0] =	vst v15;
	v15 =	vld [tilespmem:s8+$0x186A0]  }
0x3ff: {  	v10 =	vld [tilespmem:s7+$0x191B0]  }
0x400: {  	[tilespmem:s6+$0x1D8A0] =	vst v3;
	v7 =	vld.idx.msk [tilespmem:v7+s2+$0x0], $0xffff  }
0x401: {  	v2 =	vld.idx.msk [tilespmem:v2+s2+$0x0], $0xffff  }
0x402: {  	v12 =	vld.idx.msk [tilespmem:v12+s2+$0x0], $0xffff;
	[tilespmem:s7+$0x1C0A0] =	vst v9  }
0x403: {  	v9 =	vld.idx.msk [tilespmem:v16+s2+$0x0], $0xffff  }
0x404: {  	v16 =	vld [tilespmem:s8+$0x187A0]  }
0x405: {  	[tilespmem:s7+$0x1C4B0] =	vst v7;
	v7 =	vld [tilespmem:s7+$0x192B0]  }
0x406: {  	v15 =	vld.idx.msk [tilespmem:v15+s2+$0x0], $0xffff  }
0x407: {  	v10 =	vld.idx.msk [tilespmem:v10+s2+$0x0], $0xffff  }
0x408: {  	[tilespmem:s6+$0x1DCA0] =	vst v2;
	v2 =	vld [tilespmem:s8+$0x199A0]  }
0x409: {  	[tilespmem:s8+$0x19CB0] =	vst v12;
	v12 =	vld [tilespmem:s8+$0x188B0]  }
0x40a: {  	v13 =	vld [tilespmem:s7+$0x198A0]  }
0x40b: {  	[tilespmem:s8+$0x19CA0] =	vst v15;
	v15 =	vld.idx.msk [tilespmem:v23+s2+$0x0], $0xffff  }
0x40c: {  	[tilespmem:s7+$0x1C8B0] =	vst v10;
	v10 =	vld [tilespmem:s7+$0x193B0]  }
0x40d: {  	v16 =	vld.idx.msk [tilespmem:v16+s2+$0x0], $0xffff  }
0x40e: {  	v11 =	vld [tilespmem:s7+$0x194A0]  }
0x40f: {  	v7 =	vld.idx.msk [tilespmem:v7+s2+$0x0], $0xffff  }
0x410: {  	[tilespmem:s8+$0x1A0B0] =	vst v15;
	v15 =	vld [tilespmem:s8+$0x189B0]  }
0x411: {  	v8 =	vld [tilespmem:s7+$0x197A0]  }
0x412: {  	[tilespmem:s8+$0x1A0A0] =	vst v16;
	v12 =	vld.idx.msk [tilespmem:v12+s2+$0x0], $0xffff  }
0x413: {  	v16 =	vld.idx.msk [tilespmem:v20+s2+$0x0], $0xffff  }
0x414: {  	[tilespmem:s7+$0x1CCB0] =	vst v7;
	v7 =	vld [tilespmem:s7+$0x194B0]  }
0x415: {  	v10 =	vld.idx.msk [tilespmem:v10+s2+$0x0], $0xffff  }
0x416: {  	v0 =	vld [tilespmem:s7+$0x199A0]  }
0x417: {  	[tilespmem:s8+$0x1A4B0] =	vst v12;
	v12 =	vld [tilespmem:s8+$0x18AB0]  }
0x418: {  	[tilespmem:s8+$0x1A4A0] =	vst v16;
	v15 =	vld.idx.msk [tilespmem:v15+s2+$0x0], $0xffff  }
0x419: {  	v16 =	vld.idx.msk [tilespmem:v43+s2+$0x0], $0xffff  }
0x41a: {  	[tilespmem:s7+$0x1D0B0] =	vst v10;
	v10 =	vld [tilespmem:s7+$0x195B0]  }
0x41b: {  	[tilespmem:s6+$0x1E8B0] =	vst v14;
	v14 =	vld [tilespmem:s9+$0x199A0]  }
0x41c: {  	[tilespmem:s7+$0x1C4A0] =	vst v9;
	v7 =	vld.idx.msk [tilespmem:v7+s2+$0x0], $0xffff  }
0x41d: {  	[tilespmem:s8+$0x1A8B0] =	vst v15;
	v15 =	vld [tilespmem:s8+$0x18BB0]  }
0x41e: {  	[tilespmem:s8+$0x1A8A0] =	vst v16;
	v16 =	vld.idx.msk [tilespmem:v22+s2+$0x0], $0xffff  }
0x41f: {  	v12 =	vld.idx.msk [tilespmem:v12+s2+$0x0], $0xffff  }
0x420: {  	v9 =	vld.idx.msk [tilespmem:v24+s2+$0x0], $0xffff  }
0x421: {  	[tilespmem:s7+$0x1D4B0] =	vst v7;
	v7 =	vld [tilespmem:s7+$0x196B0]  }
0x422: {  	v10 =	vld.idx.msk [tilespmem:v10+s2+$0x0], $0xffff  }
0x423: {  	v20 =	vld [tilespmem:s8+$0x18EA0];
	[tilespmem:s7+$0x1C8A0] =	vst v16  }
0x424: {  	[tilespmem:s8+$0x1ACB0] =	vst v12;
	v12 =	vld [tilespmem:s8+$0x18CB0]  }
0x425: {  	[tilespmem:s8+$0x1ACA0] =	vst v9;
	v9 =	vld.idx.msk [tilespmem:v15+s2+$0x0], $0xffff  }
0x426: {  	v16 =	vld.idx.msk [tilespmem:v18+s2+$0x0], $0xffff  }
0x427: {  	[tilespmem:s7+$0x1D8B0] =	vst v10;
	v10 =	vld [tilespmem:s7+$0x197B0]  }
0x428: {  	v15 =	vld.idx.msk [tilespmem:v25+s2+$0x0], $0xffff  }
0x429: {  	v7 =	vld.idx.msk [tilespmem:v7+s2+$0x0], $0xffff  }
0x42a: {  	[tilespmem:s8+$0x1B0B0] =	vst v9;
	v9 =	vld [tilespmem:s8+$0x18DB0]  }
0x42b: {  	v18 =	vld [tilespmem:s8+$0x193A0]  }
0x42c: {  	[tilespmem:s7+$0x1CCA0] =	vst v16;
	v3 =	vld.idx.msk [tilespmem:v12+s2+$0x0], $0xffff  }
0x42d: {  	[tilespmem:s8+$0x1B0A0] =	vst v15;
	v15 =	vld.idx.msk [tilespmem:v19+s2+$0x0], $0xffff  }
0x42e: {  	v12 =	vld.idx.msk [tilespmem:v44+s2+$0x0], $0xffff  }
0x42f: {  	[tilespmem:s7+$0x1DCB0] =	vst v7;
	v7 =	vld [tilespmem:s7+$0x198B0]  }
0x430: {  	v10 =	vld.idx.msk [tilespmem:v10+s2+$0x0], $0xffff  }
0x431: {  	[tilespmem:s8+$0x1B4B0] =	vst v3;
	v3 =	vld [tilespmem:s8+$0x18EB0]  }
0x432: {  	v9 =	vld.idx.msk [tilespmem:v9+s2+$0x0], $0xffff  }
0x433: {  	v16 =	vld [tilespmem:s8+$0x196A0];
	[tilespmem:s8+$0x1B4A0] =	vst v12  }
0x434: {  	[tilespmem:s7+$0x1D0A0] =	vst v15;
	v12 =	vld.idx.msk [tilespmem:v26+s2+$0x0], $0xffff  }
0x435: {  	v11 =	vld.idx.msk [tilespmem:v11+s2+$0x0], $0xffff  }
0x436: {  	[tilespmem:s7+$0x1E0B0] =	vst v10;
	v10 =	vld [tilespmem:s7+$0x199B0]  }
0x437: {  	[tilespmem:s8+$0x1B8B0] =	vst v9;
	v9 =	vld [tilespmem:s8+$0x18FB0]  }
0x438: {  	v7 =	vld.idx.msk [tilespmem:v7+s2+$0x0], $0xffff  }
0x439: {  	[tilespmem:s8+$0x1B8A0] =	vst v12;
	v12 =	vld.idx.msk [tilespmem:v3+s2+$0x0], $0xffff  }
0x43a: {  	v15 =	vld.idx.msk [tilespmem:v20+s2+$0x0], $0xffff  }
0x43b: {  	v19 =	vld [tilespmem:s8+$0x194A0];
	[tilespmem:s7+$0x1D4A0] =	vst v11  }
0x43c: {  	v11 =	vld.idx.msk [tilespmem:v17+s2+$0x0], $0xffff  }
0x43d: {  	v17 =	vld.idx.msk [tilespmem:v1+s2+$0x0], $0xffff;
	[tilespmem:s7+$0x1E4B0] =	vst v7  }
0x43e: {  	v20 =	vld.idx.msk [tilespmem:v10+s2+$0x0], $0xffff;
	[tilespmem:s8+$0x1BCB0] =	vst v12  }
0x43f: {  	[tilespmem:s8+$0x1BCA0] =	vst v15;
	v7 =	vld.idx.msk [tilespmem:v9+s2+$0x0], $0xffff  }
0x440: {  	v9 =	vld.idx.msk [tilespmem:v27+s2+$0x0], $0xffff  }
0x441: {  	v10 =	vld [tilespmem:s9+$0x186A0]  }
0x442: {  	v1 =	vld [tilespmem:s8+$0x198A0]  }
0x443: {  	v12 =	vld [tilespmem:s8+$0x190B0]  }
0x444: {  	[tilespmem:s7+$0x1D8A0] =	vst v11;
	v11 =	vld [tilespmem:s9+$0x187A0]  }
0x445: {  	[tilespmem:s8+$0x1C0A0] =	vst v9;
	v9 =	vld [tilespmem:s9+$0x186B0]  }
0x446: {  	[tilespmem:s6+$0x1E0A0] =	vst v17;
	v17 =	vld [tilespmem:s9+$0x187B0]  }
0x447: {  	v49 =	vld.idx.msk [tilespmem:v5+s2+$0x0], $0xffff  }
0x448: {  	v5 =	vld [tilespmem:s8+$0x191B0]  }
0x449: {  	v10 =	vld.idx.msk [tilespmem:v10+s2+$0x0], $0xffff  }
0x44a: {  	v48 =	vld.idx.msk [tilespmem:v6+s2+$0x0], $0xffff;
	[tilespmem:s8+$0x1C0B0] =	vst v7  }
0x44b: {  	v6 =	vld.idx.msk [tilespmem:v12+s2+$0x0], $0xffff  }
0x44c: {  	v12 =	vld [tilespmem:s9+$0x188A0]  }
0x44d: {  	v9 =	vld.idx.msk [tilespmem:v9+s2+$0x0], $0xffff  }
0x44e: {  	v3 =	vld [tilespmem:s8+$0x197A0];
	[tilespmem:s9+$0x19CA0] =	vst v10  }
0x44f: {  	v11 =	vld.idx.msk [tilespmem:v11+s2+$0x0], $0xffff  }
0x450: {  	[tilespmem:s8+$0x1C4B0] =	vst v6;
	v6 =	vld [tilespmem:s8+$0x192B0]  }
0x451: {  	v5 =	vld.idx.msk [tilespmem:v5+s2+$0x0], $0xffff  }
0x452: {  	[tilespmem:s9+$0x19CB0] =	vst v9;
	v9 =	vld [tilespmem:s9+$0x188B0]  }
0x453: {  	v15 =	vld [tilespmem:s9+$0x189A0]  }
0x454: {  	[tilespmem:s9+$0x1A0A0] =	vst v11;
	v10 =	vld.idx.msk [tilespmem:v17+s2+$0x0], $0xffff  }
0x455: {  	[tilespmem:s7+$0x1DCA0] =	vst v48;
	v11 =	vld.idx.msk [tilespmem:v12+s2+$0x0], $0xffff  }
0x456: {  	[tilespmem:s8+$0x1C8B0] =	vst v5;
	v5 =	vld [tilespmem:s8+$0x193B0]  }
0x457: {  	v60 =	vld.idx.msk [tilespmem:v8+s2+$0x0], $0xffff  }
0x458: {  	v6 =	vld.idx.msk [tilespmem:v6+s2+$0x0], $0xffff  }
0x459: {  	[tilespmem:s9+$0x1A0B0] =	vst v10;
	v10 =	vld [tilespmem:s9+$0x189B0]  }
0x45a: {  	v9 =	vld.idx.msk [tilespmem:v9+s2+$0x0], $0xffff  }
0x45b: {  	v7 =	vld.idx.msk [tilespmem:v45+s2+$0x0], $0xffff;
	[tilespmem:s9+$0x1A4A0] =	vst v11  }
0x45c: {  	v11 =	vld.idx.msk [tilespmem:v15+s2+$0x0], $0xffff  }
0x45d: {  	[tilespmem:s8+$0x1CCB0] =	vst v6;
	v6 =	vld [tilespmem:s8+$0x194B0]  }
0x45e: {  	v5 =	vld.idx.msk [tilespmem:v5+s2+$0x0], $0xffff  }
0x45f: {  	[tilespmem:s9+$0x1A4B0] =	vst v9;
	v9 =	vld [tilespmem:s9+$0x18AB0]  }
0x460: {  	v8 =	vld [tilespmem:s9+$0x198A0]  }
0x461: {  	v10 =	vld.idx.msk [tilespmem:v10+s2+$0x0], $0xffff  }
0x462: {  	[tilespmem:s8+$0x1C4A0] =	vst v7;
	v12 =	vld [tilespmem:s9+$0x18EA0]  }
0x463: {  	[tilespmem:s8+$0x1D0B0] =	vst v5;
	v5 =	vld [tilespmem:s8+$0x195B0]  }
0x464: {  	[tilespmem:s9+$0x1A8A0] =	vst v11;
	v11 =	vld.idx.msk [tilespmem:v28+s2+$0x0], $0xffff  }
0x465: {  	v6 =	vld.idx.msk [tilespmem:v6+s2+$0x0], $0xffff  }
0x466: {  	[tilespmem:s9+$0x1A8B0] =	vst v10;
	v10 =	vld [tilespmem:s9+$0x18BB0]  }
0x467: {  	v9 =	vld.idx.msk [tilespmem:v9+s2+$0x0], $0xffff  }
0x468: {  	v17 =	vld [tilespmem:s9+$0x18CA0]  }
0x469: {  	v7 =	vld.idx.msk [tilespmem:v50+s2+$0x0], $0xffff  }
0x46a: {  	[tilespmem:s8+$0x1D4B0] =	vst v6;
	v6 =	vld [tilespmem:s8+$0x196B0]  }
0x46b: {  	[tilespmem:s8+$0x1C8A0] =	vst v11;
	v30 =	vld.idx.msk [tilespmem:v5+s2+$0x0], $0xffff  }
0x46c: {  	[tilespmem:s9+$0x1ACB0] =	vst v9;
	v9 =	vld [tilespmem:s9+$0x18CB0]  }
0x46d: {  	v11 =	vld.idx.msk [tilespmem:v46+s2+$0x0], $0xffff  }
0x46e: {  	[tilespmem:s9+$0x1ACA0] =	vst v7;
	v10 =	vld.idx.msk [tilespmem:v10+s2+$0x0], $0xffff  }
0x46f: {  	v26 =	vld.idx.msk [tilespmem:v51+s2+$0x0], $0xffff  }
0x470: {  	v15 =	vld [tilespmem:s9+$0x190A0]  }
0x471: {  	v7 =	vld [tilespmem:s9+$0x193A0];
	[tilespmem:s8+$0x1D8B0] =	vst v30  }
0x472: {  	[tilespmem:s8+$0x1CCA0] =	vst v11;
	v54 =	vld.idx.msk [tilespmem:v6+s2+$0x0], $0xffff  }
0x473: {  	v11 =	vld.idx.msk [tilespmem:v18+s2+$0x0], $0xffff;
	[tilespmem:s9+$0x1B0B0] =	vst v10  }
0x474: {  	[tilespmem:s9+$0x1B0A0] =	vst v26;
	v9 =	vld.idx.msk [tilespmem:v9+s2+$0x0], $0xffff  }
0x475: {  	v17 =	vld.idx.msk [tilespmem:v17+s2+$0x0], $0xffff  }
0x476: {  	v5 =	vld [tilespmem:s9+$0x191A0]  }
0x477: {  	v18 =	vld [tilespmem:s8+$0x199B0];
	[tilespmem:s8+$0x1DCB0] =	vst v54  }
0x478: {  	[tilespmem:s8+$0x1D0A0] =	vst v11;
	v21 =	vld.idx.msk [tilespmem:v53+s2+$0x0], $0xffff  }
0x479: {  	v11 =	vld [tilespmem:s9+$0x195A0];
	[tilespmem:s9+$0x1B4B0] =	vst v9  }
0x47a: {  	[tilespmem:s9+$0x1B4A0] =	vst v17;
	v17 =	vld.idx.msk [tilespmem:v56+s2+$0x0], $0xffff  }
0x47b: {  	v19 =	vld.idx.msk [tilespmem:v19+s2+$0x0], $0xffff  }
0x47c: {  	v26 =	vld.idx.msk [tilespmem:v52+s2+$0x0], $0xffff  }
0x47d: {  	v6 =	vld [tilespmem:s9+$0x192A0];
	[tilespmem:s8+$0x1E0B0] =	vst v21  }
0x47e: {  	v21 =	vld.idx.msk [tilespmem:v55+s2+$0x0], $0xffff  }
0x47f: {  	[tilespmem:s9+$0x1B8B0] =	vst v17;
	v17 =	vld [tilespmem:s9+$0x18FB0]  }
0x480: {  	v10 =	vld [tilespmem:s9+$0x194A0]  }
0x481: {  	[tilespmem:s9+$0x1B8A0] =	vst v26;
	v58 =	vld.idx.msk [tilespmem:v57+s2+$0x0], $0xffff  }
0x482: {  	[tilespmem:s8+$0x1D4A0] =	vst v19;
	v59 =	vld.idx.msk [tilespmem:v12+s2+$0x0], $0xffff  }
0x483: {  	v19 =	vld.idx.msk [tilespmem:v47+s2+$0x0], $0xffff  }
0x484: {  	v12 =	vld [tilespmem:s9+$0x197A0];
	[tilespmem:s8+$0x1E4B0] =	vst v21  }
0x485: {  	[tilespmem:s7+$0x1E8B0] =	vst v20;
	v18 =	vld.idx.msk [tilespmem:v18+s2+$0x0], $0xffff  }
0x486: {  	v9 =	vld [tilespmem:s9+$0x196A0];
	[tilespmem:s9+$0x1BCB0] =	vst v58  }
0x487: {  	[tilespmem:s9+$0x1BCA0] =	vst v59;
	v62 =	vld.idx.msk [tilespmem:v17+s2+$0x0], $0xffff  }
0x488: {  	[tilespmem:s8+$0x1D8A0] =	vst v19;
	v63 =	vld.idx.msk [tilespmem:v29+s2+$0x0], $0xffff  }
0x489: {  	[tilespmem:s7+$0x1E0A0] =	vst v60;
	v17 =	vld.idx.msk [tilespmem:v16+s2+$0x0], $0xffff  }
0x48a: {  	[tilespmem:s8+$0x1E8B0] =	vst v18;
	v18 =	vld [tilespmem:s9+$0x191B0]  }
0x48b: {  	[tilespmem:s6+$0x1E4A0] =	vst v49;
	v16 =	vld.idx.msk [tilespmem:v13+s2+$0x0], $0xffff  }
0x48c: {  	v13 =	vld.idx.msk [tilespmem:v4+s2+$0x0], $0xffff;
	[tilespmem:s9+$0x1C0B0] =	vst v62  }
0x48d: {  	s10 =	simm.s32 $0x6;
	s11 =	simm.s32 $0x200;
	[tilespmem:s9+$0x1C0A0] =	vst v63;
	v19 =	vld.idx.msk [tilespmem:v61+s2+$0x0], $0xffff  }
.LBB2_6:
0x48e: {  	s12 =	sshra.s32 s11, $0x2;
	s10 =	sadd.s32 $0x2, s10;
	v15 =	vld.idx.msk [tilespmem:v15+s2+$0x0], $0xffff;
	[tilespmem:s8+$0x1DCA0] =	vst v17;
	v4 =	vmov v14  }
0x48f: {  	v14 =	vld [tilespmem:s12+$0x186B0];
	p0 =	slt.u32 s10, $0xE  }
0x490: {  	v17 =	vld [tilespmem:s12+$0x186A0];
	[tilespmem:s7+$0x1E4A0] =	vst v16  }
0x491: {  	v16 =	vld [tilespmem:s12+$0x187A0];
	[tilespmem:s6+$0x1E8A0] =	vst v13;
	s6 =	smov.u32 s7;
	s7 =	smov.u32 s8;
	s8 =	smov.u32 s9  }
0x492: {  	s9 =	smov.u32 s12;
	v13 =	vld [tilespmem:s12+$0x188A0]  }
0x493: {  	[tilespmem:s8+$0x1C4B0] =	vst v19;
	v19 =	vld [tilespmem:s8+$0x192B0]  }
0x494: {  	[tilespmem:s8+$0x1C4A0] =	vst v15;
	v15 =	vld.idx.msk [tilespmem:v18+s2+$0x0], $0xffff  }
0x495: {  	v18 =	vld [tilespmem:s9+$0x189A0]  }
0x496: {  	v20 =	vld [tilespmem:s9+$0x187B0]  }
0x497: {  	v14 =	vld.idx.msk [tilespmem:v14+s2+$0x0], $0xffff  }
0x498: {  	v17 =	vld.idx.msk [tilespmem:v17+s2+$0x0], $0xffff  }
0x499: {  	v21 =	vld [tilespmem:s9+$0x18AA0]  }
0x49a: {  	[tilespmem:s8+$0x1C8B0] =	vst v15;
	v15 =	vld [tilespmem:s8+$0x193B0]  }
0x49b: {  	v19 =	vld.idx.msk [tilespmem:v19+s2+$0x0], $0xffff  }
0x49c: {  	v22 =	vld [tilespmem:s9+$0x18BA0]  }
0x49d: {  	[tilespmem:s9+$0x19CB0] =	vst v14;
	v14 =	vld [tilespmem:s9+$0x188B0]  }
0x49e: {  	[tilespmem:s9+$0x19CA0] =	vst v17;
	v17 =	vld.idx.msk [tilespmem:v20+s2+$0x0], $0xffff  }
0x49f: {  	v16 =	vld.idx.msk [tilespmem:v16+s2+$0x0], $0xffff  }
0x4a0: {  	v20 =	vld [tilespmem:s9+$0x18CA0]  }
0x4a1: {  	[tilespmem:s8+$0x1CCB0] =	vst v19;
	v19 =	vld [tilespmem:s8+$0x194B0]  }
0x4a2: {  	v15 =	vld.idx.msk [tilespmem:v15+s2+$0x0], $0xffff  }
0x4a3: {  	v23 =	vld [tilespmem:s9+$0x18DA0]  }
0x4a4: {  	[tilespmem:s9+$0x1A0B0] =	vst v17;
	v17 =	vld [tilespmem:s9+$0x189B0]  }
0x4a5: {  	[tilespmem:s9+$0x1A0A0] =	vst v16;
	v14 =	vld.idx.msk [tilespmem:v14+s2+$0x0], $0xffff  }
0x4a6: {  	v13 =	vld.idx.msk [tilespmem:v13+s2+$0x0], $0xffff  }
0x4a7: {  	v16 =	vld [tilespmem:s9+$0x18EA0]  }
0x4a8: {  	[tilespmem:s8+$0x1D0B0] =	vst v15;
	v24 =	vld [tilespmem:s8+$0x195B0]  }
0x4a9: {  	v19 =	vld.idx.msk [tilespmem:v19+s2+$0x0], $0xffff  }
0x4aa: {  	v25 =	vld [tilespmem:s9+$0x18FA0]  }
0x4ab: {  	[tilespmem:s9+$0x1A4B0] =	vst v14;
	v14 =	vld [tilespmem:s9+$0x18AB0]  }
0x4ac: {  	[tilespmem:s9+$0x1A4A0] =	vst v13;
	v13 =	vld.idx.msk [tilespmem:v17+s2+$0x0], $0xffff  }
0x4ad: {  	v17 =	vld.idx.msk [tilespmem:v18+s2+$0x0], $0xffff  }
0x4ae: {  	v15 =	vld [tilespmem:s9+$0x190A0]  }
0x4af: {  	[tilespmem:s8+$0x1D4B0] =	vst v19;
	v18 =	vld [tilespmem:s8+$0x196B0]  }
0x4b0: {  	v19 =	vld.idx.msk [tilespmem:v24+s2+$0x0], $0xffff  }
0x4b1: {  	v24 =	vld [tilespmem:s9+$0x191A0]  }
0x4b2: {  	[tilespmem:s9+$0x1A8B0] =	vst v13;
	v13 =	vld [tilespmem:s9+$0x18BB0]  }
0x4b3: {  	[tilespmem:s9+$0x1A8A0] =	vst v17;
	v14 =	vld.idx.msk [tilespmem:v14+s2+$0x0], $0xffff  }
0x4b4: {  	v17 =	vld.idx.msk [tilespmem:v21+s2+$0x0], $0xffff  }
0x4b5: {  	v21 =	vld.idx.msk [tilespmem:v5+s2+$0x0], $0xffff  }
0x4b6: {  	[tilespmem:s8+$0x1D8B0] =	vst v19;
	v19 =	vld [tilespmem:s8+$0x197B0];
	v5 =	vmov v24  }
0x4b7: {  	v18 =	vld.idx.msk [tilespmem:v18+s2+$0x0], $0xffff  }
0x4b8: {  	v24 =	vld [tilespmem:s9+$0x192A0]  }
0x4b9: {  	[tilespmem:s9+$0x1ACB0] =	vst v14;
	v14 =	vld [tilespmem:s9+$0x18CB0]  }
0x4ba: {  	[tilespmem:s9+$0x1ACA0] =	vst v17;
	v13 =	vld.idx.msk [tilespmem:v13+s2+$0x0], $0xffff  }
0x4bb: {  	v17 =	vld.idx.msk [tilespmem:v22+s2+$0x0], $0xffff;
	[tilespmem:s8+$0x1C8A0] =	vst v21  }
0x4bc: {  	v21 =	vld.idx.msk [tilespmem:v6+s2+$0x0], $0xffff  }
0x4bd: {  	[tilespmem:s8+$0x1DCB0] =	vst v18;
	v18 =	vld [tilespmem:s8+$0x198B0];
	v6 =	vmov v24  }
0x4be: {  	v19 =	vld.idx.msk [tilespmem:v19+s2+$0x0], $0xffff  }
0x4bf: {  	v22 =	vld [tilespmem:s9+$0x193A0]  }
0x4c0: {  	[tilespmem:s9+$0x1B0B0] =	vst v13;
	v13 =	vld [tilespmem:s9+$0x18DB0]  }
0x4c1: {  	[tilespmem:s9+$0x1B0A0] =	vst v17;
	v14 =	vld.idx.msk [tilespmem:v14+s2+$0x0], $0xffff  }
0x4c2: {  	v17 =	vld.idx.msk [tilespmem:v20+s2+$0x0], $0xffff;
	[tilespmem:s8+$0x1CCA0] =	vst v21  }
0x4c3: {  	v20 =	vld.idx.msk [tilespmem:v7+s2+$0x0], $0xffff  }
0x4c4: {  	[tilespmem:s8+$0x1E0B0] =	vst v19;
	v19 =	vld [tilespmem:s8+$0x199B0];
	v7 =	vmov v22  }
0x4c5: {  	v18 =	vld.idx.msk [tilespmem:v18+s2+$0x0], $0xffff  }
0x4c6: {  	v21 =	vld [tilespmem:s9+$0x194A0]  }
0x4c7: {  	[tilespmem:s9+$0x1B4B0] =	vst v14;
	v14 =	vld [tilespmem:s9+$0x18EB0]  }
0x4c8: {  	[tilespmem:s9+$0x1B4A0] =	vst v17;
	v13 =	vld.idx.msk [tilespmem:v13+s2+$0x0], $0xffff  }
0x4c9: {  	v17 =	vld.idx.msk [tilespmem:v23+s2+$0x0], $0xffff;
	[tilespmem:s8+$0x1D0A0] =	vst v20  }
0x4ca: {  	v20 =	vld.idx.msk [tilespmem:v10+s2+$0x0], $0xffff  }
0x4cb: {  	v22 =	vld [tilespmem:s9+$0x195A0];
	[tilespmem:s8+$0x1E4B0] =	vst v18;
	v10 =	vmov v21  }
0x4cc: {  	v18 =	vld.idx.msk [tilespmem:v19+s2+$0x0], $0xffff  }
0x4cd: {  	v19 =	vld [tilespmem:s9+$0x196A0]  }
0x4ce: {  	[tilespmem:s9+$0x1B8B0] =	vst v13;
	v13 =	vld [tilespmem:s9+$0x18FB0]  }
0x4cf: {  	[tilespmem:s9+$0x1B8A0] =	vst v17;
	v14 =	vld.idx.msk [tilespmem:v14+s2+$0x0], $0xffff  }
0x4d0: {  	v16 =	vld.idx.msk [tilespmem:v16+s2+$0x0], $0xffff;
	[tilespmem:s8+$0x1D4A0] =	vst v20  }
0x4d1: {  	v17 =	vld.idx.msk [tilespmem:v11+s2+$0x0], $0xffff;
	v11 =	vmov v22  }
0x4d2: {  	v20 =	vld [tilespmem:s9+$0x197A0];
	[tilespmem:s8+$0x1E8B0] =	vst v18  }
0x4d3: {  	v18 =	vld.idx.msk [tilespmem:v3+s2+$0x0], $0xffff;
	v3 =	vmov v12  }
0x4d4: {  	v21 =	vld [tilespmem:s9+$0x198A0]  }
0x4d5: {  	[tilespmem:s9+$0x1BCB0] =	vst v14;
	v22 =	vld [tilespmem:s9+$0x190B0]  }
0x4d6: {  	[tilespmem:s9+$0x1BCA0] =	vst v16;
	v23 =	vld.idx.msk [tilespmem:v13+s2+$0x0], $0xffff  }
0x4d7: {  	v24 =	vld.idx.msk [tilespmem:v25+s2+$0x0], $0xffff;
	[tilespmem:s8+$0x1D8A0] =	vst v17;
	v12 =	vmov v20  }
0x4d8: {  	v17 =	vld.idx.msk [tilespmem:v9+s2+$0x0], $0xffff;
	v9 =	vmov v19  }
.Ltmp2:
0x4d9: {  	v14 =	vld [tilespmem:s9+$0x199A0];
	[tilespmem:s7+$0x1E0A0] =	vst v18;
	(pc) =	sbr.rel @p0 .LBB2_6-.Ltmp2, $4  }
0x4da: {  	v16 =	vld.idx.msk [tilespmem:v1+s2+$0x0], $0xffff;
	v1 =	vmov v8;
	v8 =	vmov v21  }
0x4db: {  	v13 =	vld.idx.msk [tilespmem:v0+s2+$0x0], $0xffff;
	v0 =	vmov v2;
	v2 =	vmov v4  }
0x4dc: {  	[tilespmem:s9+$0x1C0B0] =	vst v23;
	v18 =	vld [tilespmem:s9+$0x191B0]  }
0x4dd: {  	s11 =	sadd.s32 $0x80, s11;
	[tilespmem:s9+$0x1C0A0] =	vst v24;
	v19 =	vld.idx.msk [tilespmem:v22+s2+$0x0], $0xffff  }
0x4de: {  	_ =	sdelay $0x4  }
0x4df: {  	v4 =	vld [tilespmem:s9+$0x192B0]  }
0x4e0: {  	[tilespmem:s9+$0x1C4B0] =	vst v19  }
0x4e1: {  	v18 =	vld.idx.msk [tilespmem:v18+s2+$0x0], $0xffff;
	_ =	sdelay $0x4  }
0x4e2: {  	v15 =	vld.idx.msk [tilespmem:v15+s2+$0x0], $0xffff;
	[tilespmem:s9+$0x1C8B0] =	vst v18  }
0x4e3: {  	v4 =	vld.idx.msk [tilespmem:v4+s2+$0x0], $0xffff;
	_ =	sdelay $0x3  }
0x4e4: {  	[tilespmem:s9+$0x1C4A0] =	vst v15  }
0x4e5: {  	[tilespmem:s9+$0x1CCB0] =	vst v4;
	v4 =	vld.idx.msk [tilespmem:v5+s2+$0x0], $0xffff  }
0x4e6: {  	v18 =	vld [tilespmem:s9+$0x193B0];
	_ =	sdelay $0x3  }
0x4e7: {  	[tilespmem:s9+$0x1C8A0] =	vst v4  }
0x4e8: {  	v4 =	vld.idx.msk [tilespmem:v6+s2+$0x0], $0xffff  }
0x4e9: {  	v5 =	vld [tilespmem:s9+$0x194B0];
	_ =	sdelay $0x1  }
0x4ea: {  	v15 =	vld.idx.msk [tilespmem:v18+s2+$0x0], $0xffff;
	_ =	sdelay $0x1  }
0x4eb: {  	[tilespmem:s9+$0x1CCA0] =	vst v4  }
0x4ec: {  	v4 =	vld.idx.msk [tilespmem:v7+s2+$0x0], $0xffff  }
0x4ed: {  	v6 =	vld [tilespmem:s9+$0x195B0]  }
0x4ee: {  	[tilespmem:s9+$0x1D0B0] =	vst v15  }
0x4ef: {  	v5 =	vld.idx.msk [tilespmem:v5+s2+$0x0], $0xffff;
	_ =	sdelay $0x1  }
0x4f0: {  	[tilespmem:s9+$0x1D0A0] =	vst v4  }
0x4f1: {  	v4 =	vld.idx.msk [tilespmem:v10+s2+$0x0], $0xffff;
	_ =	sdelay $0x1  }
0x4f2: {  	[tilespmem:s9+$0x1D4B0] =	vst v5;
	v5 =	vld [tilespmem:s9+$0x196B0]  }
0x4f3: {  	v6 =	vld.idx.msk [tilespmem:v6+s2+$0x0], $0xffff;
	_ =	sdelay $0x1  }
0x4f4: {  	[tilespmem:s9+$0x1D4A0] =	vst v4  }
0x4f5: {  	v4 =	vld.idx.msk [tilespmem:v11+s2+$0x0], $0xffff;
	_ =	sdelay $0x1  }
0x4f6: {  	[tilespmem:s9+$0x1D8B0] =	vst v6;
	v6 =	vld [tilespmem:s9+$0x197B0];
	_ =	sdelay $0x1  }
0x4f7: {  	v5 =	vld.idx.msk [tilespmem:v5+s2+$0x0], $0xffff  }
0x4f8: {  	[tilespmem:s9+$0x1D8A0] =	vst v4  }
0x4f9: {  	v4 =	vld.idx.msk [tilespmem:v9+s2+$0x0], $0xffff  }
0x4fa: {  	[tilespmem:s8+$0x1DCA0] =	vst v17  }
0x4fb: {  	v3 =	vld.idx.msk [tilespmem:v3+s2+$0x0], $0xffff  }
0x4fc: {  	[tilespmem:s9+$0x1DCB0] =	vst v5;
	v5 =	vld [tilespmem:s9+$0x198B0]  }
0x4fd: {  	v6 =	vld.idx.msk [tilespmem:v6+s2+$0x0], $0xffff  }
0x4fe: {  	[tilespmem:s9+$0x1DCA0] =	vst v4  }
0x4ff: {  	v4 =	vld.idx.msk [tilespmem:v12+s2+$0x0], $0xffff;
	_ =	sdelay $0x1  }
0x500: {  	[tilespmem:s8+$0x1E0A0] =	vst v3  }
0x501: {  	[tilespmem:s9+$0x1E0B0] =	vst v6;
	v6 =	vld [tilespmem:s9+$0x199B0]  }
0x502: {  	v1 =	vld.idx.msk [tilespmem:v1+s2+$0x0], $0xffff  }
0x503: {  	v5 =	vld.idx.msk [tilespmem:v5+s2+$0x0], $0xffff;
	[tilespmem:s9+$0x1E0A0] =	vst v4  }
0x504: {  	v3 =	vld.idx.msk [tilespmem:v8+s2+$0x0], $0xffff;
	_ =	sdelay $0x1  }
0x505: {  	[tilespmem:s7+$0x1E4A0] =	vst v16  }
0x506: {  	v0 =	vld.idx.msk [tilespmem:v0+s2+$0x0], $0xffff;
	[tilespmem:s8+$0x1E4A0] =	vst v1  }
0x507: {  	v1 =	vld.idx.msk [tilespmem:v2+s2+$0x0], $0xffff;
	[tilespmem:s9+$0x1E4B0] =	vst v5  }
0x508: {  	v4 =	vld.idx.msk [tilespmem:v6+s2+$0x0], $0xffff;
	[tilespmem:s9+$0x1E4A0] =	vst v3  }
0x509: {  	v2 =	vld.idx.msk [tilespmem:v14+s2+$0x0], $0xffff  }
0x50a: {  	[tilespmem:s6+$0x1E8A0] =	vst v13  }
0x50b: {  	[tilespmem:s7+$0x1E8A0] =	vst v0  }
0x50c: {  	[tilespmem:s8+$0x1E8A0] =	vst v1  }
0x50d: {  	[tilespmem:s9+$0x1E8B0] =	vst v4  }
0x50e: {  	[tilespmem:s9+$0x1E8A0] =	vst v2  }
0x50f: {  	s6 =	rddreg [dreg:$0x7]  }
0x510: {  	[tilespmem:s1], [sflag:$0x3] =	stream.strided.gather [hbm4b:s6+s31], $0x1400, s0, s31, $0x38;
	[tilespmem:$0x1EAA0] =	vst v63  }
0x511: {  	_ =	swait.ge [sflag:s3], $0x1400  }
0x512: {  	[sflag:s3] =	ssyncset.done $0x0  }
0x513: {  	s6 =	simm.s32 $0x0;
	[sflag:s3] =	ssyncadd.s32 $0xFFFFEC00  }
0x514: {  	v0 =	vld [tilespmem:s6+$0x186B0]  }
0x515: {  	v1 =	vld [tilespmem:s6+$0x186A0]  }
0x516: {  	v2 =	vld [tilespmem:s6+$0x187B0]  }
0x517: {  	v3 =	vld [tilespmem:s6+$0x187A0]  }
0x518: {  	v4 =	vld [tilespmem:s6+$0x188A0]  }
0x519: {  	v5 =	vld [tilespmem:s6+$0x189A0]  }
0x51a: {  	v6 =	vld [tilespmem:s6+$0x18AA0]  }
0x51b: {  	v7 =	vld [tilespmem:s6+$0x18BA0]  }
0x51c: {  	v8 =	vld [tilespmem:s6+$0x18DA0]  }
0x51d: {  	v9 =	vld [tilespmem:s6+$0x18FA0]  }
0x51e: {  	v0 =	vld.idx.msk [tilespmem:v0+s2+$0x0], $0xffff  }
0x51f: {  	v1 =	vld.idx.msk [tilespmem:v1+s2+$0x0], $0xffff  }
0x520: {  	v10 =	vld [tilespmem:s6+$0x190A0]  }
0x521: {  	v11 =	vld [tilespmem:s6+$0x191A0]  }
0x522: {  	v12 =	vld [tilespmem:s6+$0x195A0]  }
0x523: {  	[tilespmem:s6+$0x19DB0] =	vst v0;
	v0 =	vld [tilespmem:s6+$0x188B0]  }
0x524: {  	[tilespmem:s6+$0x19DA0] =	vst v1;
	v2 =	vld.idx.msk [tilespmem:v2+s2+$0x0], $0xffff  }
0x525: {  	s7 =	simm.s32 $0x20;
	v1 =	vld.idx.msk [tilespmem:v3+s2+$0x0], $0xffff  }
0x526: {  	v13 =	vld [tilespmem:s7+$0x186A0]  }
0x527: {  	v14 =	vld [tilespmem:s7+$0x187A0]  }
0x528: {  	v15 =	vld [tilespmem:s7+$0x188A0]  }
0x529: {  	v16 =	vld [tilespmem:s7+$0x189A0];
	[tilespmem:s6+$0x1A1B0] =	vst v2  }
0x52a: {  	v2 =	vld [tilespmem:s6+$0x189B0];
	[tilespmem:s6+$0x1A1A0] =	vst v1  }
0x52b: {  	v1 =	vld.idx.msk [tilespmem:v4+s2+$0x0], $0xffff  }
0x52c: {  	v0 =	vld.idx.msk [tilespmem:v0+s2+$0x0], $0xffff  }
0x52d: {  	v17 =	vld [tilespmem:s7+$0x187B0]  }
0x52e: {  	v18 =	vld [tilespmem:s7+$0x18AA0]  }
0x52f: {  	v19 =	vld [tilespmem:s7+$0x18BA0]  }
0x530: {  	v20 =	vld [tilespmem:s7+$0x18DA0];
	[tilespmem:s6+$0x1A5A0] =	vst v1  }
0x531: {  	[tilespmem:s6+$0x1A5B0] =	vst v0;
	v0 =	vld [tilespmem:s6+$0x18AB0]  }
0x532: {  	v1 =	vld.idx.msk [tilespmem:v5+s2+$0x0], $0xffff  }
0x533: {  	v21 =	vld [tilespmem:s7+$0x18FA0]  }
0x534: {  	v2 =	vld.idx.msk [tilespmem:v2+s2+$0x0], $0xffff  }
0x535: {  	s8 =	simm.s32 $0x40;
	v22 =	vld [tilespmem:s7+$0x191A0]  }
0x536: {  	v42 =	vld [tilespmem:s8+$0x189A0]  }
0x537: {  	v23 =	vld [tilespmem:s8+$0x187B0];
	[tilespmem:s6+$0x1A9A0] =	vst v1  }
0x538: {  	v1 =	vld.idx.msk [tilespmem:v6+s2+$0x0], $0xffff  }
0x539: {  	[tilespmem:s6+$0x1A9B0] =	vst v2;
	v2 =	vld [tilespmem:s6+$0x18BB0]  }
0x53a: {  	v0 =	vld.idx.msk [tilespmem:v0+s2+$0x0], $0xffff  }
0x53b: {  	v24 =	vld [tilespmem:s8+$0x18AA0]  }
0x53c: {  	v3 =	vld [tilespmem:s6+$0x18CA0]  }
0x53d: {  	v25 =	vld [tilespmem:s8+$0x18BA0];
	[tilespmem:s6+$0x1ADA0] =	vst v1  }
0x53e: {  	v1 =	vld.idx.msk [tilespmem:v7+s2+$0x0], $0xffff  }
0x53f: {  	[tilespmem:s6+$0x1ADB0] =	vst v0;
	v0 =	vld [tilespmem:s6+$0x18CB0]  }
0x540: {  	v43 =	vld [tilespmem:s8+$0x18CA0]  }
0x541: {  	v2 =	vld.idx.msk [tilespmem:v2+s2+$0x0], $0xffff  }
0x542: {  	v26 =	vld [tilespmem:s8+$0x18DA0]  }
0x543: {  	v27 =	vld [tilespmem:s8+$0x18FA0];
	[tilespmem:s6+$0x1B1A0] =	vst v1  }
0x544: {  	v1 =	vld.idx.msk [tilespmem:v3+s2+$0x0], $0xffff  }
0x545: {  	v44 =	vld [tilespmem:s8+$0x190A0]  }
0x546: {  	[tilespmem:s6+$0x1B1B0] =	vst v2;
	v2 =	vld [tilespmem:s6+$0x18DB0]  }
0x547: {  	v0 =	vld.idx.msk [tilespmem:v0+s2+$0x0], $0xffff  }
0x548: {  	v4 =	vld [tilespmem:s6+$0x18EA0]  }
0x549: {  	v28 =	vld [tilespmem:s8+$0x191A0];
	[tilespmem:s6+$0x1B5A0] =	vst v1  }
0x54a: {  	v1 =	vld.idx.msk [tilespmem:v8+s2+$0x0], $0xffff  }
0x54b: {  	v45 =	vld [tilespmem:s8+$0x192A0]  }
0x54c: {  	[tilespmem:s6+$0x1B5B0] =	vst v0;
	v0 =	vld [tilespmem:s6+$0x18EB0]  }
0x54d: {  	v46 =	vld [tilespmem:s8+$0x195A0]  }
0x54e: {  	s9 =	simm.s32 $0x60;
	v2 =	vld.idx.msk [tilespmem:v2+s2+$0x0], $0xffff  }
0x54f: {  	v49 =	vld [tilespmem:s9+$0x18AA0];
	[tilespmem:s6+$0x1B9A0] =	vst v1  }
0x550: {  	v4 =	vld.idx.msk [tilespmem:v4+s2+$0x0], $0xffff  }
0x551: {  	v50 =	vld [tilespmem:s9+$0x18BA0]  }
0x552: {  	v8 =	vld [tilespmem:s6+$0x18FB0]  }
0x553: {  	v51 =	vld [tilespmem:s9+$0x18DA0];
	[tilespmem:s6+$0x1B9B0] =	vst v2  }
0x554: {  	v0 =	vld.idx.msk [tilespmem:v0+s2+$0x0], $0xffff  }
0x555: {  	v13 =	vld.idx.msk [tilespmem:v13+s2+$0x0], $0xffff;
	[tilespmem:s6+$0x1BDA0] =	vst v4  }
0x556: {  	v9 =	vld.idx.msk [tilespmem:v9+s2+$0x0], $0xffff  }
0x557: {  	v29 =	vld [tilespmem:s9+$0x18FA0]  }
0x558: {  	v52 =	vld [tilespmem:s8+$0x197B0]  }
0x559: {  	[tilespmem:s6+$0x1BDB0] =	vst v0;
	v0 =	vld [tilespmem:s6+$0x190B0]  }
0x55a: {  	[tilespmem:s7+$0x19DA0] =	vst v13;
	v8 =	vld.idx.msk [tilespmem:v8+s2+$0x0], $0xffff  }
0x55b: {  	v14 =	vld.idx.msk [tilespmem:v14+s2+$0x0], $0xffff;
	[tilespmem:s6+$0x1C1A0] =	vst v9  }
0x55c: {  	v9 =	vld.idx.msk [tilespmem:v10+s2+$0x0], $0xffff  }
0x55d: {  	v10 =	vld [tilespmem:s7+$0x186B0]  }
0x55e: {  	v54 =	vld [tilespmem:s8+$0x198B0]  }
0x55f: {  	[tilespmem:s6+$0x1C1B0] =	vst v8;
	v8 =	vld [tilespmem:s6+$0x191B0]  }
0x560: {  	v56 =	vld [tilespmem:s9+$0x18EB0]  }
0x561: {  	v0 =	vld.idx.msk [tilespmem:v0+s2+$0x0], $0xffff  }
0x562: {  	v61 =	vld [tilespmem:s9+$0x190B0];
	[tilespmem:s7+$0x1A1A0] =	vst v14  }
0x563: {  	v14 =	vld.idx.msk [tilespmem:v15+s2+$0x0], $0xffff  }
0x564: {  	v15 =	vld [tilespmem:s7+$0x18EA0]  }
0x565: {  	v10 =	vld.idx.msk [tilespmem:v10+s2+$0x0], $0xffff  }
0x566: {  	[tilespmem:s6+$0x1C5B0] =	vst v0;
	v0 =	vld [tilespmem:s6+$0x192B0]  }
0x567: {  	v8 =	vld.idx.msk [tilespmem:v8+s2+$0x0], $0xffff  }
0x568: {  	[tilespmem:s7+$0x1A5A0] =	vst v14;
	v5 =	vld [tilespmem:s6+$0x198A0]  }
0x569: {  	v14 =	vld.idx.msk [tilespmem:v16+s2+$0x0], $0xffff  }
0x56a: {  	[tilespmem:s7+$0x19DB0] =	vst v10;
	v10 =	vld [tilespmem:s7+$0x188B0]  }
0x56b: {  	v13 =	vld.idx.msk [tilespmem:v17+s2+$0x0], $0xffff  }
0x56c: {  	[tilespmem:s6+$0x1C9B0] =	vst v8;
	v8 =	vld [tilespmem:s6+$0x193B0]  }
0x56d: {  	v16 =	vld [tilespmem:s7+$0x190A0]  }
0x56e: {  	v0 =	vld.idx.msk [tilespmem:v0+s2+$0x0], $0xffff  }
0x56f: {  	[tilespmem:s7+$0x1A9A0] =	vst v14;
	v14 =	vld [tilespmem:s7+$0x18FB0]  }
0x570: {  	[tilespmem:s7+$0x1A1B0] =	vst v13;
	v13 =	vld [tilespmem:s7+$0x189B0]  }
0x571: {  	v6 =	vld [tilespmem:s6+$0x192A0]  }
0x572: {  	v10 =	vld.idx.msk [tilespmem:v10+s2+$0x0], $0xffff  }
0x573: {  	[tilespmem:s6+$0x1CDB0] =	vst v0;
	v0 =	vld [tilespmem:s6+$0x194B0]  }
0x574: {  	v8 =	vld.idx.msk [tilespmem:v8+s2+$0x0], $0xffff  }
0x575: {  	v7 =	vld [tilespmem:s6+$0x193A0]  }
0x576: {  	v3 =	vld [tilespmem:s6+$0x194A0]  }
0x577: {  	[tilespmem:s7+$0x1A5B0] =	vst v10;
	v10 =	vld [tilespmem:s7+$0x18AB0]  }
0x578: {  	v13 =	vld.idx.msk [tilespmem:v13+s2+$0x0], $0xffff  }
0x579: {  	[tilespmem:s6+$0x1D1B0] =	vst v8;
	v8 =	vld [tilespmem:s6+$0x195B0]  }
0x57a: {  	v1 =	vld [tilespmem:s6+$0x197A0]  }
0x57b: {  	v0 =	vld.idx.msk [tilespmem:v0+s2+$0x0], $0xffff  }
0x57c: {  	v2 =	vld [tilespmem:s6+$0x196A0];
	[tilespmem:s6+$0x1C5A0] =	vst v9  }
0x57d: {  	v11 =	vld.idx.msk [tilespmem:v11+s2+$0x0], $0xffff  }
0x57e: {  	[tilespmem:s7+$0x1A9B0] =	vst v13;
	v13 =	vld [tilespmem:s7+$0x18BB0]  }
0x57f: {  	v10 =	vld.idx.msk [tilespmem:v10+s2+$0x0], $0xffff  }
0x580: {  	[tilespmem:s6+$0x1D5B0] =	vst v0;
	v0 =	vld [tilespmem:s6+$0x196B0]  }
0x581: {  	v8 =	vld.idx.msk [tilespmem:v8+s2+$0x0], $0xffff  }
0x582: {  	v9 =	vld.idx.msk [tilespmem:v18+s2+$0x0], $0xffff;
	[tilespmem:s6+$0x1C9A0] =	vst v11  }
0x583: {  	v6 =	vld.idx.msk [tilespmem:v6+s2+$0x0], $0xffff  }
0x584: {  	v17 =	vld [tilespmem:s7+$0x18CA0]  }
0x585: {  	[tilespmem:s7+$0x1ADB0] =	vst v10;
	v10 =	vld [tilespmem:s7+$0x18CB0]  }
0x586: {  	[tilespmem:s6+$0x1D9B0] =	vst v8;
	v8 =	vld [tilespmem:s6+$0x197B0]  }
0x587: {  	v13 =	vld.idx.msk [tilespmem:v13+s2+$0x0], $0xffff  }
0x588: {  	[tilespmem:s7+$0x1ADA0] =	vst v9;
	v0 =	vld.idx.msk [tilespmem:v0+s2+$0x0], $0xffff  }
0x589: {  	v9 =	vld.idx.msk [tilespmem:v19+s2+$0x0], $0xffff  }
0x58a: {  	v4 =	vld [tilespmem:s6+$0x199A0]  }
0x58b: {  	v11 =	vld [tilespmem:s7+$0x18DB0];
	[tilespmem:s6+$0x1CDA0] =	vst v6  }
0x58c: {  	v6 =	vld.idx.msk [tilespmem:v7+s2+$0x0], $0xffff;
	[tilespmem:s7+$0x1B1B0] =	vst v13  }
0x58d: {  	v10 =	vld.idx.msk [tilespmem:v10+s2+$0x0], $0xffff;
	[tilespmem:s6+$0x1DDB0] =	vst v0  }
0x58e: {  	[tilespmem:s7+$0x1B1A0] =	vst v9;
	v8 =	vld.idx.msk [tilespmem:v8+s2+$0x0], $0xffff  }
0x58f: {  	v9 =	vld.idx.msk [tilespmem:v17+s2+$0x0], $0xffff  }
0x590: {  	v18 =	vld [tilespmem:s7+$0x192A0]  }
0x591: {  	v7 =	vld [tilespmem:s7+$0x18EB0];
	[tilespmem:s6+$0x1D1A0] =	vst v6  }
0x592: {  	v19 =	vld [tilespmem:s7+$0x193A0];
	[tilespmem:s7+$0x1B5B0] =	vst v10  }
0x593: {  	[tilespmem:s6+$0x1E1B0] =	vst v8;
	v8 =	vld.idx.msk [tilespmem:v11+s2+$0x0], $0xffff  }
0x594: {  	v3 =	vld.idx.msk [tilespmem:v3+s2+$0x0], $0xffff;
	[tilespmem:s7+$0x1B5A0] =	vst v9  }
0x595: {  	v9 =	vld.idx.msk [tilespmem:v20+s2+$0x0], $0xffff  }
0x596: {  	v0 =	vld [tilespmem:s6+$0x198B0]  }
0x597: {  	v17 =	vld [tilespmem:s7+$0x195A0]  }
0x598: {  	v6 =	vld [tilespmem:s7+$0x196A0];
	[tilespmem:s7+$0x1B9B0] =	vst v8  }
0x599: {  	[tilespmem:s6+$0x1D5A0] =	vst v3;
	v7 =	vld.idx.msk [tilespmem:v7+s2+$0x0], $0xffff  }
0x59a: {  	v3 =	vld.idx.msk [tilespmem:v12+s2+$0x0], $0xffff  }
0x59b: {  	v12 =	vld [tilespmem:s8+$0x186B0];
	[tilespmem:s7+$0x1B9A0] =	vst v9  }
0x59c: {  	v9 =	vld.idx.msk [tilespmem:v15+s2+$0x0], $0xffff  }
0x59d: {  	v10 =	vld [tilespmem:s6+$0x199B0]  }
0x59e: {  	v0 =	vld.idx.msk [tilespmem:v0+s2+$0x0], $0xffff;
	[tilespmem:s7+$0x1BDB0] =	vst v7  }
0x59f: {  	v15 =	vld.idx.msk [tilespmem:v14+s2+$0x0], $0xffff  }
0x5a0: {  	v7 =	vld [tilespmem:s7+$0x190B0]  }
0x5a1: {  	v20 =	vld [tilespmem:s8+$0x188A0];
	[tilespmem:s6+$0x1D9A0] =	vst v3  }
0x5a2: {  	v2 =	vld.idx.msk [tilespmem:v2+s2+$0x0], $0xffff;
	[tilespmem:s7+$0x1BDA0] =	vst v9  }
0x5a3: {  	v9 =	vld.idx.msk [tilespmem:v21+s2+$0x0], $0xffff  }
0x5a4: {  	[tilespmem:s7+$0x1C1B0] =	vst v15;
	v15 =	vld [tilespmem:s8+$0x186A0]  }
0x5a5: {  	v12 =	vld.idx.msk [tilespmem:v12+s2+$0x0], $0xffff;
	[tilespmem:s6+$0x1E5B0] =	vst v0  }
0x5a6: {  	v14 =	vld.idx.msk [tilespmem:v10+s2+$0x0], $0xffff  }
0x5a7: {  	v10 =	vld [tilespmem:s7+$0x191B0]  }
0x5a8: {  	[tilespmem:s6+$0x1DDA0] =	vst v2;
	v7 =	vld.idx.msk [tilespmem:v7+s2+$0x0], $0xffff  }
0x5a9: {  	v2 =	vld [tilespmem:s8+$0x199A0];
	[tilespmem:s7+$0x1C1A0] =	vst v9  }
0x5aa: {  	v9 =	vld.idx.msk [tilespmem:v16+s2+$0x0], $0xffff  }
0x5ab: {  	v16 =	vld [tilespmem:s8+$0x187A0]  }
0x5ac: {  	v15 =	vld.idx.msk [tilespmem:v15+s2+$0x0], $0xffff  }
0x5ad: {  	[tilespmem:s7+$0x1C5B0] =	vst v7;
	v7 =	vld [tilespmem:s7+$0x192B0]  }
0x5ae: {  	[tilespmem:s8+$0x19DB0] =	vst v12;
	v12 =	vld [tilespmem:s8+$0x188B0]  }
0x5af: {  	v10 =	vld.idx.msk [tilespmem:v10+s2+$0x0], $0xffff  }
0x5b0: {  	v13 =	vld [tilespmem:s7+$0x198A0]  }
0x5b1: {  	[tilespmem:s8+$0x19DA0] =	vst v15;
	v15 =	vld.idx.msk [tilespmem:v23+s2+$0x0], $0xffff  }
0x5b2: {  	v11 =	vld [tilespmem:s7+$0x194A0]  }
0x5b3: {  	v16 =	vld.idx.msk [tilespmem:v16+s2+$0x0], $0xffff  }
0x5b4: {  	[tilespmem:s7+$0x1C9B0] =	vst v10;
	v10 =	vld [tilespmem:s7+$0x193B0]  }
0x5b5: {  	v7 =	vld.idx.msk [tilespmem:v7+s2+$0x0], $0xffff  }
0x5b6: {  	[tilespmem:s8+$0x1A1B0] =	vst v15;
	v15 =	vld [tilespmem:s8+$0x189B0]  }
0x5b7: {  	v8 =	vld [tilespmem:s7+$0x197A0]  }
0x5b8: {  	[tilespmem:s8+$0x1A1A0] =	vst v16;
	v12 =	vld.idx.msk [tilespmem:v12+s2+$0x0], $0xffff  }
0x5b9: {  	v16 =	vld.idx.msk [tilespmem:v20+s2+$0x0], $0xffff  }
0x5ba: {  	[tilespmem:s7+$0x1CDB0] =	vst v7;
	v7 =	vld [tilespmem:s7+$0x194B0]  }
0x5bb: {  	v0 =	vld [tilespmem:s7+$0x199A0]  }
0x5bc: {  	v10 =	vld.idx.msk [tilespmem:v10+s2+$0x0], $0xffff  }
0x5bd: {  	[tilespmem:s8+$0x1A5B0] =	vst v12;
	v12 =	vld [tilespmem:s8+$0x18AB0]  }
0x5be: {  	[tilespmem:s8+$0x1A5A0] =	vst v16;
	v15 =	vld.idx.msk [tilespmem:v15+s2+$0x0], $0xffff  }
0x5bf: {  	v16 =	vld.idx.msk [tilespmem:v42+s2+$0x0], $0xffff  }
0x5c0: {  	[tilespmem:s6+$0x1E9B0] =	vst v14;
	v14 =	vld [tilespmem:s9+$0x199A0]  }
0x5c1: {  	[tilespmem:s7+$0x1D1B0] =	vst v10;
	v10 =	vld [tilespmem:s7+$0x195B0]  }
0x5c2: {  	[tilespmem:s7+$0x1C5A0] =	vst v9;
	v7 =	vld.idx.msk [tilespmem:v7+s2+$0x0], $0xffff  }
0x5c3: {  	[tilespmem:s8+$0x1A9B0] =	vst v15;
	v15 =	vld [tilespmem:s8+$0x18BB0]  }
0x5c4: {  	[tilespmem:s8+$0x1A9A0] =	vst v16;
	v16 =	vld.idx.msk [tilespmem:v22+s2+$0x0], $0xffff  }
0x5c5: {  	v12 =	vld.idx.msk [tilespmem:v12+s2+$0x0], $0xffff  }
0x5c6: {  	v20 =	vld [tilespmem:s8+$0x18EA0]  }
0x5c7: {  	v9 =	vld.idx.msk [tilespmem:v24+s2+$0x0], $0xffff  }
0x5c8: {  	[tilespmem:s7+$0x1D5B0] =	vst v7;
	v7 =	vld [tilespmem:s7+$0x196B0]  }
0x5c9: {  	v10 =	vld.idx.msk [tilespmem:v10+s2+$0x0], $0xffff;
	[tilespmem:s7+$0x1C9A0] =	vst v16  }
0x5ca: {  	[tilespmem:s8+$0x1ADB0] =	vst v12;
	v12 =	vld [tilespmem:s8+$0x18CB0]  }
0x5cb: {  	v16 =	vld.idx.msk [tilespmem:v18+s2+$0x0], $0xffff  }
0x5cc: {  	[tilespmem:s8+$0x1ADA0] =	vst v9;
	v9 =	vld.idx.msk [tilespmem:v15+s2+$0x0], $0xffff  }
0x5cd: {  	v15 =	vld.idx.msk [tilespmem:v25+s2+$0x0], $0xffff  }
0x5ce: {  	v18 =	vld [tilespmem:s8+$0x193A0]  }
0x5cf: {  	[tilespmem:s7+$0x1D9B0] =	vst v10;
	v10 =	vld [tilespmem:s7+$0x197B0]  }
0x5d0: {  	v7 =	vld.idx.msk [tilespmem:v7+s2+$0x0], $0xffff;
	[tilespmem:s7+$0x1CDA0] =	vst v16  }
0x5d1: {  	[tilespmem:s8+$0x1B1B0] =	vst v9;
	v9 =	vld [tilespmem:s8+$0x18DB0]  }
0x5d2: {  	[tilespmem:s8+$0x1B1A0] =	vst v15;
	v15 =	vld.idx.msk [tilespmem:v19+s2+$0x0], $0xffff  }
0x5d3: {  	v3 =	vld.idx.msk [tilespmem:v12+s2+$0x0], $0xffff  }
0x5d4: {  	v12 =	vld.idx.msk [tilespmem:v43+s2+$0x0], $0xffff  }
0x5d5: {  	[tilespmem:s7+$0x1DDB0] =	vst v7;
	v7 =	vld [tilespmem:s7+$0x198B0]  }
0x5d6: {  	v16 =	vld [tilespmem:s8+$0x196A0]  }
0x5d7: {  	v10 =	vld.idx.msk [tilespmem:v10+s2+$0x0], $0xffff  }
0x5d8: {  	[tilespmem:s8+$0x1B5B0] =	vst v3;
	v3 =	vld [tilespmem:s8+$0x18EB0]  }
0x5d9: {  	[tilespmem:s7+$0x1D1A0] =	vst v15;
	v9 =	vld.idx.msk [tilespmem:v9+s2+$0x0], $0xffff  }
0x5da: {  	[tilespmem:s8+$0x1B5A0] =	vst v12;
	v11 =	vld.idx.msk [tilespmem:v11+s2+$0x0], $0xffff  }
0x5db: {  	v12 =	vld.idx.msk [tilespmem:v26+s2+$0x0], $0xffff  }
0x5dc: {  	[tilespmem:s7+$0x1E1B0] =	vst v10;
	v10 =	vld [tilespmem:s7+$0x199B0]  }
0x5dd: {  	v7 =	vld.idx.msk [tilespmem:v7+s2+$0x0], $0xffff  }
0x5de: {  	[tilespmem:s8+$0x1B9B0] =	vst v9;
	v9 =	vld [tilespmem:s8+$0x18FB0]  }
0x5df: {  	v19 =	vld [tilespmem:s8+$0x194A0]  }
0x5e0: {  	[tilespmem:s8+$0x1B9A0] =	vst v12;
	v12 =	vld.idx.msk [tilespmem:v3+s2+$0x0], $0xffff  }
0x5e1: {  	[tilespmem:s7+$0x1D5A0] =	vst v11;
	v15 =	vld.idx.msk [tilespmem:v20+s2+$0x0], $0xffff  }
0x5e2: {  	v11 =	vld.idx.msk [tilespmem:v17+s2+$0x0], $0xffff  }
0x5e3: {  	v17 =	vld.idx.msk [tilespmem:v1+s2+$0x0], $0xffff;
	[tilespmem:s7+$0x1E5B0] =	vst v7  }
0x5e4: {  	v20 =	vld.idx.msk [tilespmem:v10+s2+$0x0], $0xffff  }
0x5e5: {  	v10 =	vld [tilespmem:s9+$0x186A0];
	[tilespmem:s8+$0x1BDB0] =	vst v12  }
0x5e6: {  	[tilespmem:s8+$0x1BDA0] =	vst v15;
	v7 =	vld.idx.msk [tilespmem:v9+s2+$0x0], $0xffff  }
0x5e7: {  	v9 =	vld.idx.msk [tilespmem:v27+s2+$0x0], $0xffff  }
0x5e8: {  	v1 =	vld [tilespmem:s8+$0x198A0]  }
0x5e9: {  	v12 =	vld [tilespmem:s8+$0x190B0]  }
0x5ea: {  	v3 =	vld [tilespmem:s8+$0x197A0]  }
0x5eb: {  	[tilespmem:s7+$0x1D9A0] =	vst v11;
	v11 =	vld [tilespmem:s9+$0x187A0]  }
0x5ec: {  	[tilespmem:s8+$0x1C1A0] =	vst v9;
	v9 =	vld [tilespmem:s9+$0x186B0]  }
0x5ed: {  	[tilespmem:s6+$0x1E1A0] =	vst v17;
	v47 =	vld.idx.msk [tilespmem:v6+s2+$0x0], $0xffff  }
0x5ee: {  	v48 =	vld.idx.msk [tilespmem:v5+s2+$0x0], $0xffff  }
0x5ef: {  	v10 =	vld.idx.msk [tilespmem:v10+s2+$0x0], $0xffff  }
0x5f0: {  	v5 =	vld [tilespmem:s8+$0x191B0];
	[tilespmem:s8+$0x1C1B0] =	vst v7  }
0x5f1: {  	v6 =	vld.idx.msk [tilespmem:v12+s2+$0x0], $0xffff  }
0x5f2: {  	v17 =	vld [tilespmem:s9+$0x187B0]  }
0x5f3: {  	v12 =	vld [tilespmem:s9+$0x188A0]  }
0x5f4: {  	[tilespmem:s9+$0x19DA0] =	vst v10;
	v9 =	vld.idx.msk [tilespmem:v9+s2+$0x0], $0xffff  }
0x5f5: {  	v11 =	vld.idx.msk [tilespmem:v11+s2+$0x0], $0xffff  }
0x5f6: {  	[tilespmem:s8+$0x1C5B0] =	vst v6;
	v6 =	vld [tilespmem:s8+$0x192B0]  }
0x5f7: {  	v15 =	vld [tilespmem:s9+$0x189A0]  }
0x5f8: {  	v5 =	vld.idx.msk [tilespmem:v5+s2+$0x0], $0xffff  }
0x5f9: {  	[tilespmem:s9+$0x19DB0] =	vst v9;
	v9 =	vld [tilespmem:s9+$0x188B0]  }
0x5fa: {  	[tilespmem:s7+$0x1DDA0] =	vst v47;
	v10 =	vld.idx.msk [tilespmem:v17+s2+$0x0], $0xffff  }
0x5fb: {  	v60 =	vld.idx.msk [tilespmem:v8+s2+$0x0], $0xffff;
	[tilespmem:s9+$0x1A1A0] =	vst v11  }
0x5fc: {  	v11 =	vld.idx.msk [tilespmem:v12+s2+$0x0], $0xffff  }
0x5fd: {  	[tilespmem:s8+$0x1C9B0] =	vst v5;
	v5 =	vld [tilespmem:s8+$0x193B0]  }
0x5fe: {  	v6 =	vld.idx.msk [tilespmem:v6+s2+$0x0], $0xffff  }
0x5ff: {  	[tilespmem:s9+$0x1A1B0] =	vst v10;
	v10 =	vld [tilespmem:s9+$0x189B0]  }
0x600: {  	v8 =	vld [tilespmem:s9+$0x198A0]  }
0x601: {  	[tilespmem:s9+$0x1A5A0] =	vst v11;
	v9 =	vld.idx.msk [tilespmem:v9+s2+$0x0], $0xffff  }
0x602: {  	v11 =	vld.idx.msk [tilespmem:v15+s2+$0x0], $0xffff  }
0x603: {  	[tilespmem:s8+$0x1CDB0] =	vst v6;
	v6 =	vld [tilespmem:s8+$0x194B0]  }
0x604: {  	v7 =	vld.idx.msk [tilespmem:v44+s2+$0x0], $0xffff  }
0x605: {  	v5 =	vld.idx.msk [tilespmem:v5+s2+$0x0], $0xffff  }
0x606: {  	[tilespmem:s9+$0x1A5B0] =	vst v9;
	v9 =	vld [tilespmem:s9+$0x18AB0]  }
0x607: {  	v10 =	vld.idx.msk [tilespmem:v10+s2+$0x0], $0xffff  }
0x608: {  	v12 =	vld [tilespmem:s9+$0x18EA0];
	[tilespmem:s9+$0x1A9A0] =	vst v11  }
0x609: {  	[tilespmem:s8+$0x1C5A0] =	vst v7;
	v7 =	vld.idx.msk [tilespmem:v49+s2+$0x0], $0xffff  }
0x60a: {  	[tilespmem:s8+$0x1D1B0] =	vst v5;
	v5 =	vld [tilespmem:s8+$0x195B0]  }
0x60b: {  	v6 =	vld.idx.msk [tilespmem:v6+s2+$0x0], $0xffff  }
0x60c: {  	[tilespmem:s9+$0x1A9B0] =	vst v10;
	v10 =	vld [tilespmem:s9+$0x18BB0]  }
0x60d: {  	v17 =	vld [tilespmem:s9+$0x18CA0]  }
0x60e: {  	v9 =	vld.idx.msk [tilespmem:v9+s2+$0x0], $0xffff  }
0x60f: {  	v11 =	vld.idx.msk [tilespmem:v28+s2+$0x0], $0xffff;
	[tilespmem:s9+$0x1ADA0] =	vst v7  }
0x610: {  	[tilespmem:s8+$0x1D5B0] =	vst v6;
	v6 =	vld [tilespmem:s8+$0x196B0]  }
0x611: {  	v26 =	vld.idx.msk [tilespmem:v50+s2+$0x0], $0xffff  }
0x612: {  	v30 =	vld.idx.msk [tilespmem:v5+s2+$0x0], $0xffff  }
0x613: {  	[tilespmem:s9+$0x1ADB0] =	vst v9;
	v9 =	vld [tilespmem:s9+$0x18CB0]  }
0x614: {  	v10 =	vld.idx.msk [tilespmem:v10+s2+$0x0], $0xffff  }
0x615: {  	v15 =	vld [tilespmem:s9+$0x190A0];
	[tilespmem:s8+$0x1C9A0] =	vst v11  }
0x616: {  	v11 =	vld.idx.msk [tilespmem:v45+s2+$0x0], $0xffff  }
0x617: {  	v7 =	vld [tilespmem:s9+$0x193A0];
	[tilespmem:s8+$0x1D9B0] =	vst v30  }
0x618: {  	[tilespmem:s9+$0x1B1A0] =	vst v26;
	v53 =	vld.idx.msk [tilespmem:v6+s2+$0x0], $0xffff  }
0x619: {  	[tilespmem:s9+$0x1B1B0] =	vst v10;
	v10 =	vld [tilespmem:s9+$0x18DB0]  }
0x61a: {  	v17 =	vld.idx.msk [tilespmem:v17+s2+$0x0], $0xffff  }
0x61b: {  	v55 =	vld.idx.msk [tilespmem:v9+s2+$0x0], $0xffff  }
0x61c: {  	[tilespmem:s8+$0x1CDA0] =	vst v11;
	v5 =	vld [tilespmem:s9+$0x191A0]  }
0x61d: {  	v11 =	vld.idx.msk [tilespmem:v18+s2+$0x0], $0xffff  }
0x61e: {  	v18 =	vld [tilespmem:s8+$0x199B0];
	[tilespmem:s8+$0x1DDB0] =	vst v53  }
0x61f: {  	[tilespmem:s9+$0x1B5A0] =	vst v17;
	v21 =	vld.idx.msk [tilespmem:v52+s2+$0x0], $0xffff  }
0x620: {  	v57 =	vld.idx.msk [tilespmem:v51+s2+$0x0], $0xffff;
	[tilespmem:s9+$0x1B5B0] =	vst v55  }
0x621: {  	v17 =	vld.idx.msk [tilespmem:v10+s2+$0x0], $0xffff  }
0x622: {  	[tilespmem:s8+$0x1D1A0] =	vst v11;
	v11 =	vld [tilespmem:s9+$0x195A0]  }
0x623: {  	v19 =	vld.idx.msk [tilespmem:v19+s2+$0x0], $0xffff  }
0x624: {  	v6 =	vld [tilespmem:s9+$0x192A0];
	[tilespmem:s8+$0x1E1B0] =	vst v21  }
0x625: {  	[tilespmem:s9+$0x1B9A0] =	vst v57;
	v21 =	vld.idx.msk [tilespmem:v54+s2+$0x0], $0xffff  }
0x626: {  	[tilespmem:s9+$0x1B9B0] =	vst v17;
	v17 =	vld [tilespmem:s9+$0x18FB0]  }
0x627: {  	v59 =	vld.idx.msk [tilespmem:v12+s2+$0x0], $0xffff  }
0x628: {  	[tilespmem:s8+$0x1D5A0] =	vst v19;
	v58 =	vld.idx.msk [tilespmem:v56+s2+$0x0], $0xffff  }
0x629: {  	v19 =	vld.idx.msk [tilespmem:v46+s2+$0x0], $0xffff  }
0x62a: {  	v12 =	vld [tilespmem:s9+$0x197A0]  }
0x62b: {  	v9 =	vld [tilespmem:s9+$0x194A0];
	[tilespmem:s8+$0x1E5B0] =	vst v21  }
0x62c: {  	[tilespmem:s9+$0x1BDA0] =	vst v59;
	v18 =	vld.idx.msk [tilespmem:v18+s2+$0x0], $0xffff  }
0x62d: {  	v63 =	vld.idx.msk [tilespmem:v29+s2+$0x0], $0xffff;
	[tilespmem:s9+$0x1BDB0] =	vst v58  }
0x62e: {  	[tilespmem:s7+$0x1E9B0] =	vst v20;
	v62 =	vld.idx.msk [tilespmem:v17+s2+$0x0], $0xffff  }
0x62f: {  	[tilespmem:s8+$0x1D9A0] =	vst v19;
	v10 =	vld [tilespmem:s9+$0x196A0]  }
0x630: {  	[tilespmem:s7+$0x1E1A0] =	vst v60;
	v17 =	vld.idx.msk [tilespmem:v16+s2+$0x0], $0xffff  }
0x631: {  	[tilespmem:s8+$0x1E9B0] =	vst v18;
	v18 =	vld [tilespmem:s9+$0x191B0]  }
0x632: {  	[tilespmem:s6+$0x1E5A0] =	vst v48;
	v16 =	vld.idx.msk [tilespmem:v13+s2+$0x0], $0xffff  }
0x633: {  	v13 =	vld.idx.msk [tilespmem:v4+s2+$0x0], $0xffff;
	[tilespmem:s9+$0x1C1B0] =	vst v62  }
0x634: {  	s10 =	simm.s32 $0x6;
	s11 =	simm.s32 $0x200;
	[tilespmem:s9+$0x1C1A0] =	vst v63;
	v19 =	vld.idx.msk [tilespmem:v61+s2+$0x0], $0xffff  }
.LBB2_8:
0x635: {  	s12 =	sshra.s32 s11, $0x2;
	s10 =	sadd.s32 $0x2, s10;
	v15 =	vld.idx.msk [tilespmem:v15+s2+$0x0], $0xffff;
	[tilespmem:s8+$0x1DDA0] =	vst v17;
	v4 =	vmov v14  }
0x636: {  	v14 =	vld [tilespmem:s12+$0x186B0];
	p0 =	slt.u32 s10, $0xE  }
0x637: {  	v17 =	vld [tilespmem:s12+$0x186A0];
	[tilespmem:s7+$0x1E5A0] =	vst v16  }
0x638: {  	v16 =	vld [tilespmem:s12+$0x187A0];
	[tilespmem:s6+$0x1E9A0] =	vst v13;
	s6 =	smov.u32 s7;
	s7 =	smov.u32 s8;
	s8 =	smov.u32 s9  }
0x639: {  	s9 =	smov.u32 s12;
	v13 =	vld [tilespmem:s12+$0x188A0]  }
0x63a: {  	[tilespmem:s8+$0x1C5B0] =	vst v19;
	v19 =	vld [tilespmem:s8+$0x192B0]  }
0x63b: {  	[tilespmem:s8+$0x1C5A0] =	vst v15;
	v15 =	vld.idx.msk [tilespmem:v18+s2+$0x0], $0xffff  }
0x63c: {  	v18 =	vld [tilespmem:s9+$0x189A0]  }
0x63d: {  	v20 =	vld [tilespmem:s9+$0x187B0]  }
0x63e: {  	v14 =	vld.idx.msk [tilespmem:v14+s2+$0x0], $0xffff  }
0x63f: {  	v17 =	vld.idx.msk [tilespmem:v17+s2+$0x0], $0xffff  }
0x640: {  	v21 =	vld [tilespmem:s9+$0x18AA0]  }
0x641: {  	[tilespmem:s8+$0x1C9B0] =	vst v15;
	v15 =	vld [tilespmem:s8+$0x193B0]  }
0x642: {  	v19 =	vld.idx.msk [tilespmem:v19+s2+$0x0], $0xffff  }
0x643: {  	v22 =	vld [tilespmem:s9+$0x18BA0]  }
0x644: {  	[tilespmem:s9+$0x19DB0] =	vst v14;
	v14 =	vld [tilespmem:s9+$0x188B0]  }
0x645: {  	[tilespmem:s9+$0x19DA0] =	vst v17;
	v17 =	vld.idx.msk [tilespmem:v20+s2+$0x0], $0xffff  }
0x646: {  	v16 =	vld.idx.msk [tilespmem:v16+s2+$0x0], $0xffff  }
0x647: {  	v20 =	vld [tilespmem:s9+$0x18CA0]  }
0x648: {  	[tilespmem:s8+$0x1CDB0] =	vst v19;
	v19 =	vld [tilespmem:s8+$0x194B0]  }
0x649: {  	v15 =	vld.idx.msk [tilespmem:v15+s2+$0x0], $0xffff  }
0x64a: {  	v23 =	vld [tilespmem:s9+$0x18DA0]  }
0x64b: {  	[tilespmem:s9+$0x1A1B0] =	vst v17;
	v17 =	vld [tilespmem:s9+$0x189B0]  }
0x64c: {  	[tilespmem:s9+$0x1A1A0] =	vst v16;
	v14 =	vld.idx.msk [tilespmem:v14+s2+$0x0], $0xffff  }
0x64d: {  	v13 =	vld.idx.msk [tilespmem:v13+s2+$0x0], $0xffff  }
0x64e: {  	v16 =	vld [tilespmem:s9+$0x18EA0]  }
0x64f: {  	[tilespmem:s8+$0x1D1B0] =	vst v15;
	v24 =	vld [tilespmem:s8+$0x195B0]  }
0x650: {  	v19 =	vld.idx.msk [tilespmem:v19+s2+$0x0], $0xffff  }
0x651: {  	v25 =	vld [tilespmem:s9+$0x18FA0]  }
0x652: {  	[tilespmem:s9+$0x1A5B0] =	vst v14;
	v14 =	vld [tilespmem:s9+$0x18AB0]  }
0x653: {  	[tilespmem:s9+$0x1A5A0] =	vst v13;
	v13 =	vld.idx.msk [tilespmem:v17+s2+$0x0], $0xffff  }
0x654: {  	v17 =	vld.idx.msk [tilespmem:v18+s2+$0x0], $0xffff  }
0x655: {  	v15 =	vld [tilespmem:s9+$0x190A0]  }
0x656: {  	[tilespmem:s8+$0x1D5B0] =	vst v19;
	v18 =	vld [tilespmem:s8+$0x196B0]  }
0x657: {  	v19 =	vld.idx.msk [tilespmem:v24+s2+$0x0], $0xffff  }
0x658: {  	v24 =	vld [tilespmem:s9+$0x191A0]  }
0x659: {  	[tilespmem:s9+$0x1A9B0] =	vst v13;
	v13 =	vld [tilespmem:s9+$0x18BB0]  }
0x65a: {  	[tilespmem:s9+$0x1A9A0] =	vst v17;
	v14 =	vld.idx.msk [tilespmem:v14+s2+$0x0], $0xffff  }
0x65b: {  	v17 =	vld.idx.msk [tilespmem:v21+s2+$0x0], $0xffff  }
0x65c: {  	v21 =	vld.idx.msk [tilespmem:v5+s2+$0x0], $0xffff  }
0x65d: {  	[tilespmem:s8+$0x1D9B0] =	vst v19;
	v19 =	vld [tilespmem:s8+$0x197B0];
	v5 =	vmov v24  }
0x65e: {  	v18 =	vld.idx.msk [tilespmem:v18+s2+$0x0], $0xffff  }
0x65f: {  	v24 =	vld [tilespmem:s9+$0x192A0]  }
0x660: {  	[tilespmem:s9+$0x1ADB0] =	vst v14;
	v14 =	vld [tilespmem:s9+$0x18CB0]  }
0x661: {  	[tilespmem:s9+$0x1ADA0] =	vst v17;
	v13 =	vld.idx.msk [tilespmem:v13+s2+$0x0], $0xffff  }
0x662: {  	v17 =	vld.idx.msk [tilespmem:v22+s2+$0x0], $0xffff;
	[tilespmem:s8+$0x1C9A0] =	vst v21  }
0x663: {  	v21 =	vld.idx.msk [tilespmem:v6+s2+$0x0], $0xffff  }
0x664: {  	[tilespmem:s8+$0x1DDB0] =	vst v18;
	v18 =	vld [tilespmem:s8+$0x198B0];
	v6 =	vmov v24  }
0x665: {  	v19 =	vld.idx.msk [tilespmem:v19+s2+$0x0], $0xffff  }
0x666: {  	v22 =	vld [tilespmem:s9+$0x193A0]  }
0x667: {  	[tilespmem:s9+$0x1B1B0] =	vst v13;
	v13 =	vld [tilespmem:s9+$0x18DB0]  }
0x668: {  	[tilespmem:s9+$0x1B1A0] =	vst v17;
	v14 =	vld.idx.msk [tilespmem:v14+s2+$0x0], $0xffff  }
0x669: {  	v17 =	vld.idx.msk [tilespmem:v20+s2+$0x0], $0xffff;
	[tilespmem:s8+$0x1CDA0] =	vst v21  }
0x66a: {  	v20 =	vld.idx.msk [tilespmem:v7+s2+$0x0], $0xffff  }
0x66b: {  	[tilespmem:s8+$0x1E1B0] =	vst v19;
	v19 =	vld [tilespmem:s8+$0x199B0];
	v7 =	vmov v22  }
0x66c: {  	v18 =	vld.idx.msk [tilespmem:v18+s2+$0x0], $0xffff  }
0x66d: {  	v21 =	vld [tilespmem:s9+$0x194A0]  }
0x66e: {  	[tilespmem:s9+$0x1B5B0] =	vst v14;
	v14 =	vld [tilespmem:s9+$0x18EB0]  }
0x66f: {  	[tilespmem:s9+$0x1B5A0] =	vst v17;
	v13 =	vld.idx.msk [tilespmem:v13+s2+$0x0], $0xffff  }
0x670: {  	v17 =	vld.idx.msk [tilespmem:v23+s2+$0x0], $0xffff;
	[tilespmem:s8+$0x1D1A0] =	vst v20  }
0x671: {  	v20 =	vld.idx.msk [tilespmem:v9+s2+$0x0], $0xffff  }
0x672: {  	v22 =	vld [tilespmem:s9+$0x195A0];
	[tilespmem:s8+$0x1E5B0] =	vst v18;
	v9 =	vmov v21  }
0x673: {  	v18 =	vld.idx.msk [tilespmem:v19+s2+$0x0], $0xffff  }
0x674: {  	v19 =	vld [tilespmem:s9+$0x196A0]  }
0x675: {  	[tilespmem:s9+$0x1B9B0] =	vst v13;
	v13 =	vld [tilespmem:s9+$0x18FB0]  }
0x676: {  	[tilespmem:s9+$0x1B9A0] =	vst v17;
	v14 =	vld.idx.msk [tilespmem:v14+s2+$0x0], $0xffff  }
0x677: {  	v16 =	vld.idx.msk [tilespmem:v16+s2+$0x0], $0xffff;
	[tilespmem:s8+$0x1D5A0] =	vst v20  }
0x678: {  	v17 =	vld.idx.msk [tilespmem:v11+s2+$0x0], $0xffff;
	v11 =	vmov v22  }
0x679: {  	v20 =	vld [tilespmem:s9+$0x197A0];
	[tilespmem:s8+$0x1E9B0] =	vst v18  }
0x67a: {  	v18 =	vld.idx.msk [tilespmem:v3+s2+$0x0], $0xffff;
	v3 =	vmov v12  }
0x67b: {  	v21 =	vld [tilespmem:s9+$0x198A0]  }
0x67c: {  	[tilespmem:s9+$0x1BDB0] =	vst v14;
	v22 =	vld [tilespmem:s9+$0x190B0]  }
0x67d: {  	[tilespmem:s9+$0x1BDA0] =	vst v16;
	v23 =	vld.idx.msk [tilespmem:v13+s2+$0x0], $0xffff  }
0x67e: {  	v24 =	vld.idx.msk [tilespmem:v25+s2+$0x0], $0xffff;
	[tilespmem:s8+$0x1D9A0] =	vst v17;
	v12 =	vmov v20  }
0x67f: {  	v17 =	vld.idx.msk [tilespmem:v10+s2+$0x0], $0xffff;
	v10 =	vmov v19  }
.Ltmp3:
0x680: {  	v14 =	vld [tilespmem:s9+$0x199A0];
	[tilespmem:s7+$0x1E1A0] =	vst v18;
	(pc) =	sbr.rel @p0 .LBB2_8-.Ltmp3, $4  }
0x681: {  	v16 =	vld.idx.msk [tilespmem:v1+s2+$0x0], $0xffff;
	v1 =	vmov v8;
	v8 =	vmov v21  }
0x682: {  	v13 =	vld.idx.msk [tilespmem:v0+s2+$0x0], $0xffff;
	v0 =	vmov v2;
	v2 =	vmov v4  }
0x683: {  	[tilespmem:s9+$0x1C1B0] =	vst v23;
	v18 =	vld [tilespmem:s9+$0x191B0]  }
0x684: {  	s11 =	sadd.s32 $0x80, s11;
	[tilespmem:s9+$0x1C1A0] =	vst v24;
	v19 =	vld.idx.msk [tilespmem:v22+s2+$0x0], $0xffff  }
0x685: {  	_ =	sdelay $0x3  }
0x686: {  	v15 =	vld.idx.msk [tilespmem:v15+s2+$0x0], $0xffff;
	_ =	sdelay $0x2  }
0x687: {  	v4 =	vld [tilespmem:s9+$0x192B0]  }
0x688: {  	[tilespmem:s9+$0x1C5B0] =	vst v19  }
0x689: {  	v18 =	vld.idx.msk [tilespmem:v18+s2+$0x0], $0xffff;
	[tilespmem:s9+$0x1C5A0] =	vst v15  }
0x68a: {  	v5 =	vld.idx.msk [tilespmem:v5+s2+$0x0], $0xffff;
	_ =	sdelay $0x2  }
0x68b: {  	v52 =	vld [tilespmem:s9+$0x193B0]  }
0x68c: {  	[tilespmem:s9+$0x1C9B0] =	vst v18  }
0x68d: {  	v4 =	vld.idx.msk [tilespmem:v4+s2+$0x0], $0xffff;
	[tilespmem:s9+$0x1C9A0] =	vst v5  }
0x68e: {  	v5 =	vld.idx.msk [tilespmem:v6+s2+$0x0], $0xffff;
	_ =	sdelay $0x2  }
0x68f: {  	v53 =	vld [tilespmem:s9+$0x194B0]  }
0x690: {  	[tilespmem:s9+$0x1CDB0] =	vst v4  }
0x691: {  	v54 =	vld.idx.msk [tilespmem:v52+s2+$0x0], $0xffff;
	[tilespmem:s9+$0x1CDA0] =	vst v5  }
0x692: {  	v5 =	vld.idx.msk [tilespmem:v7+s2+$0x0], $0xffff;
	_ =	sdelay $0x2  }
0x693: {  	v55 =	vld [tilespmem:s9+$0x195B0]  }
0x694: {  	[tilespmem:s9+$0x1D1B0] =	vst v54  }
0x695: {  	v4 =	vld.idx.msk [tilespmem:v53+s2+$0x0], $0xffff;
	[tilespmem:s9+$0x1D1A0] =	vst v5  }
0x696: {  	v5 =	vld.idx.msk [tilespmem:v9+s2+$0x0], $0xffff;
	_ =	sdelay $0x2  }
0x697: {  	v56 =	vld [tilespmem:s9+$0x196B0]  }
0x698: {  	[tilespmem:s9+$0x1D5B0] =	vst v4  }
0x699: {  	v6 =	vld.idx.msk [tilespmem:v55+s2+$0x0], $0xffff;
	[tilespmem:s9+$0x1D5A0] =	vst v5  }
0x69a: {  	v5 =	vld.idx.msk [tilespmem:v11+s2+$0x0], $0xffff;
	_ =	sdelay $0x2  }
0x69b: {  	v57 =	vld [tilespmem:s9+$0x197B0]  }
0x69c: {  	[tilespmem:s9+$0x1D9B0] =	vst v6  }
0x69d: {  	v4 =	vld.idx.msk [tilespmem:v56+s2+$0x0], $0xffff;
	[tilespmem:s9+$0x1D9A0] =	vst v5  }
0x69e: {  	v5 =	vld.idx.msk [tilespmem:v10+s2+$0x0], $0xffff;
	_ =	sdelay $0x2  }
0x69f: {  	v58 =	vld [tilespmem:s9+$0x198B0];
	[tilespmem:s8+$0x1DDA0] =	vst v17  }
0x6a0: {  	v3 =	vld.idx.msk [tilespmem:v3+s2+$0x0], $0xffff;
	[tilespmem:s9+$0x1DDB0] =	vst v4  }
0x6a1: {  	v6 =	vld.idx.msk [tilespmem:v57+s2+$0x0], $0xffff;
	[tilespmem:s9+$0x1DDA0] =	vst v5  }
0x6a2: {  	v5 =	vld.idx.msk [tilespmem:v12+s2+$0x0], $0xffff;
	_ =	sdelay $0x2  }
0x6a3: {  	v59 =	vld [tilespmem:s9+$0x199B0];
	[tilespmem:s8+$0x1E1A0] =	vst v3  }
0x6a4: {  	v1 =	vld.idx.msk [tilespmem:v1+s2+$0x0], $0xffff;
	[tilespmem:s9+$0x1E1B0] =	vst v6  }
0x6a5: {  	v60 =	vld.idx.msk [tilespmem:v58+s2+$0x0], $0xffff;
	[tilespmem:s9+$0x1E1A0] =	vst v5  }
0x6a6: {  	v61 =	vld.idx.msk [tilespmem:v8+s2+$0x0], $0xffff;
	_ =	sdelay $0x1  }
0x6a7: {  	[tilespmem:s7+$0x1E5A0] =	vst v16  }
0x6a8: {  	v0 =	vld.idx.msk [tilespmem:v0+s2+$0x0], $0xffff;
	[tilespmem:s8+$0x1E5A0] =	vst v1  }
0x6a9: {  	v1 =	vld.idx.msk [tilespmem:v2+s2+$0x0], $0xffff;
	[tilespmem:s9+$0x1E5B0] =	vst v60  }
0x6aa: {  	v62 =	vld.idx.msk [tilespmem:v59+s2+$0x0], $0xffff;
	[tilespmem:s9+$0x1E5A0] =	vst v61  }
0x6ab: {  	v63 =	vld.idx.msk [tilespmem:v14+s2+$0x0], $0xffff  }
0x6ac: {  	[tilespmem:s6+$0x1E9A0] =	vst v13  }
0x6ad: {  	[tilespmem:s7+$0x1E9A0] =	vst v0  }
0x6ae: {  	[tilespmem:s8+$0x1E9A0] =	vst v1  }
0x6af: {  	[tilespmem:s9+$0x1E9B0] =	vst v62  }
0x6b0: {  	[tilespmem:s9+$0x1E9A0] =	vst v63  }
0x6b1: {  	s12 =	simm.s32 $0x19AA0;
	s6 =	rddreg [dreg:$0x8]  }
0x6b2: {  	[hbm4b:s6+s2] =	stream.linear.scatter [tilespmem:s12], [sflag:$0x2], $0x400, $0x38;
	[tilespmem:$0x1EAA0] =	vst v63  }
0x6b3: {  	s8 =	simm.s32 $0x19EA0;
	s7 =	rddreg [dreg:$0x9]  }
0x6b4: {  	[hbm4b:s7+s2] =	stream.linear.scatter [tilespmem:s8], [sflag:$0x2], $0x400, $0x38;
	[tilespmem:$0x1EAA0] =	vst v63  }
0x6b5: {  	s10 =	simm.s32 $0x1A2A0;
	s9 =	rddreg [dreg:$0xa]  }
0x6b6: {  	[hbm4b:s9+s2] =	stream.linear.scatter [tilespmem:s10], [sflag:$0x2], $0x400, $0x38;
	[tilespmem:$0x1EAA0] =	vst v63  }
0x6b7: {  	s11 =	rddreg [dreg:$0xb];
	s12 =	simm.s32 $0x1A6A0  }
0x6b8: {  	[hbm4b:s11+s2] =	stream.linear.scatter [tilespmem:s12], [sflag:$0x2], $0x400, $0x38;
	[tilespmem:$0x1EAA0] =	vst v63  }
0x6b9: {  	s8 =	rddreg [dreg:$0xc];
	s9 =	simm.s32 $0x1AAA0  }
0x6ba: {  	[hbm4b:s8+s2] =	stream.linear.scatter [tilespmem:s9], [sflag:$0x2], $0x400, $0x38;
	[tilespmem:$0x1EAA0] =	vst v63  }
0x6bb: {  	s10 =	simm.s32 $0x1AEA0  }
0x6bc: {  	[hbm4b:s13+s2] =	stream.linear.scatter [tilespmem:s10], [sflag:$0x2], $0x400, $0x38;
	[tilespmem:$0x1EAA0] =	vst v63  }
0x6bd: {  	s11 =	simm.s32 $0x1B2A0  }
0x6be: {  	[hbm4b:s14+s2] =	stream.linear.scatter [tilespmem:s11], [sflag:$0x2], $0x400, $0x38;
	[tilespmem:$0x1EAA0] =	vst v63  }
0x6bf: {  	s12 =	simm.s32 $0x1B6A0  }
0x6c0: {  	[hbm4b:s15+s2] =	stream.linear.scatter [tilespmem:s12], [sflag:$0x2], $0x400, $0x38;
	[tilespmem:$0x1EAA0] =	vst v63  }
0x6c1: {  	s7 =	simm.s32 $0x1BAA0  }
0x6c2: {  	[hbm4b:s16+s2] =	stream.linear.scatter [tilespmem:s7], [sflag:$0x2], $0x400, $0x38;
	[tilespmem:$0x1EAA0] =	vst v63  }
0x6c3: {  	s8 =	simm.s32 $0x1BEA0  }
0x6c4: {  	[hbm4b:s17+s2] =	stream.linear.scatter [tilespmem:s8], [sflag:$0x2], $0x400, $0x38;
	[tilespmem:$0x1EAA0] =	vst v63  }
0x6c5: {  	s9 =	simm.s32 $0x1C2A0  }
0x6c6: {  	[hbm4b:s18+s2] =	stream.linear.scatter [tilespmem:s9], [sflag:$0x2], $0x400, $0x38;
	[tilespmem:$0x1EAA0] =	vst v63  }
0x6c7: {  	s10 =	simm.s32 $0x1C6A0  }
0x6c8: {  	[hbm4b:s19+s2] =	stream.linear.scatter [tilespmem:s10], [sflag:$0x2], $0x400, $0x38;
	[tilespmem:$0x1EAA0] =	vst v63  }
0x6c9: {  	s11 =	simm.s32 $0x1CAA0  }
0x6ca: {  	[hbm4b:s20+s2] =	stream.linear.scatter [tilespmem:s11], [sflag:$0x2], $0x400, $0x38;
	[tilespmem:$0x1EAA0] =	vst v63  }
0x6cb: {  	s12 =	simm.s32 $0x1CEA0  }
0x6cc: {  	[hbm4b:s21+s2] =	stream.linear.scatter [tilespmem:s12], [sflag:$0x2], $0x400, $0x38;
	[tilespmem:$0x1EAA0] =	vst v63  }
0x6cd: {  	s7 =	simm.s32 $0x1D2A0  }
0x6ce: {  	[hbm4b:s22+s2] =	stream.linear.scatter [tilespmem:s7], [sflag:$0x2], $0x400, $0x38;
	[tilespmem:$0x1EAA0] =	vst v63  }
0x6cf: {  	s8 =	simm.s32 $0x1D6A0  }
0x6d0: {  	[hbm4b:s23+s2] =	stream.linear.scatter [tilespmem:s8], [sflag:$0x2], $0x400, $0x38;
	[tilespmem:$0x1EAA0] =	vst v63  }
0x6d1: {  	s9 =	simm.s32 $0x1DAA0  }
0x6d2: {  	[hbm4b:s24+s2] =	stream.linear.scatter [tilespmem:s9], [sflag:$0x2], $0x400, $0x38;
	[tilespmem:$0x1EAA0] =	vst v63  }
0x6d3: {  	s10 =	simm.s32 $0x1DEA0  }
0x6d4: {  	[hbm4b:s25+s2] =	stream.linear.scatter [tilespmem:s10], [sflag:$0x2], $0x400, $0x38;
	[tilespmem:$0x1EAA0] =	vst v63  }
0x6d5: {  	s11 =	simm.s32 $0x1E2A0  }
0x6d6: {  	[hbm4b:s26+s2] =	stream.linear.scatter [tilespmem:s11], [sflag:$0x2], $0x400, $0x38;
	[tilespmem:$0x1EAA0] =	vst v63  }
0x6d7: {  	s12 =	simm.s32 $0x1E6A0  }
0x6d8: {  	[hbm4b:s28+s2] =	stream.linear.scatter [tilespmem:s12], [sflag:$0x2], $0x400, $0x38;
	[tilespmem:$0x1EAA0] =	vst v63  }
0x6d9: {  	_ =	swait.ge [sflag:s4], $0x400  }
0x6da: {  	[sflag:s4] =	ssyncset.done $0x0  }
0x6db: {  	[sflag:s4] =	ssyncadd.s32 $0xFFFFFC00  }
0x6dc: {  	_ =	swait.ge [sflag:s4], $0x400  }
0x6dd: {  	[sflag:s4] =	ssyncset.done $0x0  }
0x6de: {  	[sflag:s4] =	ssyncadd.s32 $0xFFFFFC00  }
0x6df: {  	_ =	swait.ge [sflag:s4], $0x400  }
0x6e0: {  	[sflag:s4] =	ssyncset.done $0x0  }
0x6e1: {  	[sflag:s4] =	ssyncadd.s32 $0xFFFFFC00  }
0x6e2: {  	_ =	swait.ge [sflag:s4], $0x400  }
0x6e3: {  	[sflag:s4] =	ssyncset.done $0x0  }
0x6e4: {  	[sflag:s4] =	ssyncadd.s32 $0xFFFFFC00  }
0x6e5: {  	_ =	swait.ge [sflag:s4], $0x400  }
0x6e6: {  	[sflag:s4] =	ssyncset.done $0x0  }
0x6e7: {  	[sflag:s4] =	ssyncadd.s32 $0xFFFFFC00  }
0x6e8: {  	_ =	swait.ge [sflag:s4], $0x400  }
0x6e9: {  	[sflag:s4] =	ssyncset.done $0x0  }
0x6ea: {  	[sflag:s4] =	ssyncadd.s32 $0xFFFFFC00  }
0x6eb: {  	_ =	swait.ge [sflag:s4], $0x400  }
0x6ec: {  	[sflag:s4] =	ssyncset.done $0x0  }
0x6ed: {  	[sflag:s4] =	ssyncadd.s32 $0xFFFFFC00  }
0x6ee: {  	_ =	swait.ge [sflag:s4], $0x400  }
0x6ef: {  	[sflag:s4] =	ssyncset.done $0x0  }
0x6f0: {  	[sflag:s4] =	ssyncadd.s32 $0xFFFFFC00  }
0x6f1: {  	_ =	swait.ge [sflag:s4], $0x400  }
0x6f2: {  	[sflag:s4] =	ssyncset.done $0x0  }
0x6f3: {  	[sflag:s4] =	ssyncadd.s32 $0xFFFFFC00  }
0x6f4: {  	_ =	swait.ge [sflag:s4], $0x400  }
0x6f5: {  	[sflag:s4] =	ssyncset.done $0x0  }
0x6f6: {  	[sflag:s4] =	ssyncadd.s32 $0xFFFFFC00  }
0x6f7: {  	_ =	swait.ge [sflag:s4], $0x400  }
0x6f8: {  	[sflag:s4] =	ssyncset.done $0x0  }
0x6f9: {  	[sflag:s4] =	ssyncadd.s32 $0xFFFFFC00  }
0x6fa: {  	_ =	swait.ge [sflag:s4], $0x400  }
0x6fb: {  	[sflag:s4] =	ssyncset.done $0x0  }
0x6fc: {  	[sflag:s4] =	ssyncadd.s32 $0xFFFFFC00  }
0x6fd: {  	_ =	swait.ge [sflag:s4], $0x400  }
0x6fe: {  	[sflag:s4] =	ssyncset.done $0x0  }
0x6ff: {  	[sflag:s4] =	ssyncadd.s32 $0xFFFFFC00  }
0x700: {  	_ =	swait.ge [sflag:s4], $0x400  }
0x701: {  	[sflag:s4] =	ssyncset.done $0x0  }
0x702: {  	[sflag:s4] =	ssyncadd.s32 $0xFFFFFC00  }
0x703: {  	_ =	swait.ge [sflag:s4], $0x400  }
0x704: {  	[sflag:s4] =	ssyncset.done $0x0  }
0x705: {  	[sflag:s4] =	ssyncadd.s32 $0xFFFFFC00  }
0x706: {  	_ =	swait.ge [sflag:s4], $0x400  }
0x707: {  	[sflag:s4] =	ssyncset.done $0x0  }
0x708: {  	[sflag:s4] =	ssyncadd.s32 $0xFFFFFC00  }
0x709: {  	_ =	swait.ge [sflag:s4], $0x400  }
0x70a: {  	[sflag:s4] =	ssyncset.done $0x0  }
0x70b: {  	[sflag:s4] =	ssyncadd.s32 $0xFFFFFC00  }
0x70c: {  	_ =	swait.ge [sflag:s4], $0x400  }
0x70d: {  	[sflag:s4] =	ssyncset.done $0x0  }
0x70e: {  	s5 =	sadd.s32 $0x1, s5;
	[sflag:s4] =	ssyncadd.s32 $0xFFFFFC00  }
0x70f: {  	p0 =	sne.s32 s5, s29;
	_ =	swait.ge [sflag:s4], $0x400  }
.Ltmp4:
0x710: {  	[sflag:s4] =	ssyncset.done $0x0;
	(pc) =	sbr.rel @p0 .LBB2_1-.Ltmp4, $4  }
0x711: {  	[sflag:s4] =	ssyncadd.s32 $0xFFFFFC00  }
0x712: {  	_ =	swait.ge [sflag:s4], $0x400  }
0x713: {  	[sflag:s4] =	ssyncset.done $0x0  }
0x714: {  	[sflag:s4] =	ssyncadd.s32 $0xFFFFFC00  }
0x715: {  	_ =	sfence.sel $0x180000  }
0x716: {  	[bflag:$0x0] =	sbarrier.arrive $0xFFFF  }
0x717: {  	_ =	strace $0x90000047  }
0x718: {  	s0 =	stileid.u32;
	[bflag:$0x2] =	sbarrier.arrive $0xFFFF  }
0x719: {  	p0 =	sne.s32 s0, $0x0;
	s0 =	rddreg [dreg:$0x2]  }
0x71a: {  	s0 =	sadd.s32 @!p0 $0x100000, s0  }
0x71b: {  	[sflag:s0] =	ssyncadd.tile.s32 @!p0 $0x1;
	_ =	shalt  }
.Lfunc_end2:
_tile_overlayer_lowered:
.L_overlay_start_2:
0x71c: {  	(tag) =	ssettag $0x2  }
0x71d: {  	s0 =	rddreg [dreg:$0x0];
	s2 =	stileid.u32  }
0x71e: {  	s1 =	rddreg [dreg:$0x1];
	p0 =	sne.s32 s2, $0x0  }
0x71f: {  	s3 =	rddreg [dreg:$0x2];
	[bflag:$0x3] =	sbarrier.arrive $0xFFFF;
	s2 =	simm.s32 @!p0 $0x1C03  }
0x720: {  	[timem:s3], [sflag:s2] =	dma.local @!p0 [hbm:s0], s1  }
0x721: {  	s0 =	simm.s32 @!p0 $0x3  }
0x722: {  	_ =	swait.ge @!p0 [sflag:s0], s1  }
0x723: {  	s1 =	ssub.s32 @!p0 $0x0, s1;
	[sflag:s0] =	ssyncset.done @!p0 $0x0  }
0x724: {  	[sflag:s0] =	ssyncadd.s32 @!p0 s1  }
0x725: {  	[bflag:$0x3] =	sbarrier.arrive $0xFFFF  }
0x726: {  	_ =	shalt  }

</sc_bundles>
